<compile_context>
chip_gen: v7x
topology: tpu7x:2x2x1
jax: 0.10.2.dev20260603
libtpu: 0.0.44.dev20260713+nightly
codegen_flags: <defaults>
</compile_context>

<pallas_src>
import functools

import jax
import jax.numpy as jnp
from jax import lax
from jax.experimental import pallas as pl
from jax.experimental.pallas import tpu as pltpu
from jax.experimental.pallas import tpu_sc as plsc

N = 10000
E = 320000
NP = 10240
NW = 32
NS = 16
CH = 128
NCH = 79
EC = NCH * CH
EPAD = NW * EC
F0CH = 118
F1CH = 2 * NCH - F0CH
P0CH = 100
P1CH = 2 * NCH - P0CH
EC0 = P0CH * CH
EC1 = P1CH * CH
STRIPE = NP // NS
BR = 2048
BRD = 4096

_mesh = plsc.VectorSubcoreMesh(core_axis_name="c", subcore_axis_name="s")
_sc_params = pltpu.CompilerParams(needs_layout_passes=False)
_sc_params_untiled = pltpu.CompilerParams(needs_layout_passes=False,
                                          use_tc_tiling_on_sc=False)



@functools.partial(
    pl.kernel,
    out_type=jax.ShapeDtypeStruct((NW, NP), jnp.float32),
    mesh=_mesh,
    compiler_params=_sc_params,
    scratch_types=[
        pltpu.VMEM((EC,), jnp.int32),
        pltpu.VMEM((NP,), jnp.float32),
    ],
)
def _sc_degree(dst_hbm, out_hbm, idx_v, hist_v):
    wid = lax.axis_index("c") * NS + lax.axis_index("s")
    pltpu.sync_copy(dst_hbm.at[wid], idx_v)
    zeros16 = jnp.zeros((16,), jnp.float32)
    ones16 = jnp.ones((16,), jnp.float32)

    def zbody(i, c):
        hist_v[pl.ds(i * 16, 16)] = zeros16
        return c

    lax.fori_loop(0, NP // 16, zbody, 0)

    def body(i, c):
        idx = idx_v[pl.ds(i * 16, 16)]
        plsc.addupdate_scatter(hist_v, [idx], ones16)
        return c

    lax.fori_loop(0, EC // 16, body, 0)
    pltpu.sync_copy(hist_v, out_hbm.at[wid])


DEPTH = 4
SDEPTH = 2
HCH = 40


@functools.partial(
    pl.kernel,
    out_type=jax.ShapeDtypeStruct((2 * NP, 128), jnp.float32),
    mesh=_mesh,
    scratch_types=[
        pltpu.VMEM((HCH, CH), jnp.int32),
        pltpu.VMEM((HCH, CH), jnp.int32),
        [pltpu.VMEM((CH, 128), jnp.float32) for _ in range(SDEPTH)],
        pltpu.VMEM_SHARED((NP, 128), jnp.float32),
        [pltpu.SemaphoreType.DMA for _ in range(SDEPTH)],
    ],
)
def _sc_scatter(g_hbm, srca_hbm, dsta_hbm, srcb_hbm, dstb_hbm, zero_hbm,
                out_hbm, src_v, dst_v, rows_v, accum, sem):
    c = lax.axis_index("c")
    s = lax.axis_index("s")
    pltpu.sync_copy(zero_hbm.at[pl.ds(s * STRIPE, STRIPE)],
                    accum.at[pl.ds(s * STRIPE, STRIPE)])
    plsc.subcore_barrier()

    def phase(src_hbm, dst_hbm, lo, n):
        pltpu.sync_copy(src_hbm.at[s, pl.ds(lo, n)], src_v.at[pl.ds(0, n)])
        pltpu.sync_copy(dst_hbm.at[s, pl.ds(lo, n)], dst_v.at[pl.ds(0, n)])
        for b in range(SDEPTH):
            pltpu.async_copy(g_hbm.at[src_v.at[b]], rows_v[b], sem[b])

        def outer(o, carry):
            j = o * SDEPTH
            for b in range(SDEPTH):
                tt = j + b

                @pl.when(tt < n)
                def _drain():
                    pltpu.make_async_copy(g_hbm.at[src_v.at[tt]], rows_v[b],
                                          sem[b]).wait()
                    pltpu.sync_copy(rows_v[b], accum.at[dst_v.at[tt]],
                                    add=True)

                nt = tt + SDEPTH

                @pl.when(nt < n)
                def _refill():
                    pltpu.async_copy(g_hbm.at[src_v.at[nt]], rows_v[b],
                                     sem[b])
            return carry

        lax.fori_loop(0, (n + SDEPTH - 1) // SDEPTH, outer, 0)

    @pl.when(c == 0)
    def _core0():
        lo = 0
        while lo < F0CH:
            n = min(HCH, F0CH - lo)
            phase(srca_hbm, dsta_hbm, lo, n)
            lo += n

    @pl.when(c == 1)
    def _core1():
        lo = 0
        while lo < F1CH:
            n = min(HCH, F1CH - lo)
            phase(srcb_hbm, dstb_hbm, lo, n)
            lo += n

    plsc.subcore_barrier()
    pltpu.sync_copy(accum.at[pl.ds(s * STRIPE, STRIPE)],
                    out_hbm.at[pl.ds(c * NP + s * STRIPE, STRIPE)])


@functools.partial(
    pl.kernel,
    out_type=jax.ShapeDtypeStruct((EPAD, 128), jnp.float32),
    mesh=_mesh,
    compiler_params=_sc_params_untiled,
    scratch_types=[
        pltpu.VMEM((P0CH, CH), jnp.int32),
        pltpu.VMEM((P0CH, CH), jnp.int32),
        [pltpu.VMEM((CH, 64), jnp.float32) for _ in range(DEPTH)],
        [pltpu.VMEM((CH, 64), jnp.float32) for _ in range(DEPTH)],
        [pltpu.SemaphoreType.DMA for _ in range(DEPTH)],
        [pltpu.SemaphoreType.DMA for _ in range(DEPTH)],
    ],
)
def _sc_gather_pairs(z_hbm, e0a_hbm, e1a_hbm, e0b_hbm, e1b_hbm,
                     out_hbm,
                     e0_v, e1_v, bufa, bufb, sema, semb):
    c = lax.axis_index("c")
    s = lax.axis_index("s")

    def run(e0_hbm, e1_hbm, base, n):
        pltpu.sync_copy(e0_hbm.at[s], e0_v.at[pl.ds(0, n)])
        pltpu.sync_copy(e1_hbm.at[s], e1_v.at[pl.ds(0, n)])

        for b in range(DEPTH):
            pltpu.async_copy(z_hbm.at[e0_v.at[b]], bufa[b], sema[b])
            pltpu.async_copy(z_hbm.at[e1_v.at[b]], bufb[b], semb[b])

        def outer(o, carry):
            j = o * DEPTH
            for b in range(DEPTH):
                t = j + b

                @pl.when(t < n)
                def _drain():
                    pltpu.make_async_copy(z_hbm.at[e0_v.at[t]], bufa[b],
                                          sema[b]).wait()
                    pltpu.make_async_copy(z_hbm.at[e1_v.at[t]], bufb[b],
                                          semb[b]).wait()
                    pltpu.sync_copy(
                        bufa[b],
                        out_hbm.at[pl.ds(base + t * CH, CH), pl.ds(0, 64)])
                    pltpu.sync_copy(
                        bufb[b],
                        out_hbm.at[pl.ds(base + t * CH, CH), pl.ds(64, 64)])

                nt = t + DEPTH

                @pl.when(nt < n)
                def _refill():
                    pltpu.async_copy(z_hbm.at[e0_v.at[nt]], bufa[b],
                                     sema[b])
                    pltpu.async_copy(z_hbm.at[e1_v.at[nt]], bufb[b],
                                     semb[b])
            return carry

        lax.fori_loop(0, (n + DEPTH - 1) // DEPTH, outer, 0)

    @pl.when(c == 0)
    def _core0():
        run(e0a_hbm, e1a_hbm, s * EC0, P0CH)

    @pl.when(c == 1)
    def _core1():
        run(e0b_hbm, e1b_hbm, NS * EC0 + s * EC1, P1CH)



def _dinv_of(pt_block):
    deg = 1.0 + jnp.sum(pt_block, axis=1, keepdims=True)
    return lax.rsqrt(deg)


def _tc_encode1(pt, x, w1):
    def body(pt_ref, x_ref, w_ref, g1_ref):
        dinv = _dinv_of(pt_ref[...])
        h = lax.dot_general(x_ref[...], w_ref[...], (((1,), (1,)), ((), ())),
                            preferred_element_type=jnp.float32)
        g1_ref[...] = h * dinv

    return pl.pallas_call(
        body,
        grid=(NP // BR,),
        in_specs=[pl.BlockSpec((BR, NW), lambda i: (i, 0)),
                  pl.BlockSpec((BR, 128), lambda i: (i, 0)),
                  pl.BlockSpec((128, 128), lambda i: (0, 0))],
        out_specs=pl.BlockSpec((BR, 128), lambda i: (i, 0)),
        out_shape=jax.ShapeDtypeStruct((NP, 128), jnp.float32),
    )(pt, x, w1)


def _tc_encode2(pt, p0, p1, g1, b1, wcat):
    def body(pt_ref, p0_ref, p1_ref, g1_ref, b1_ref, w_ref, g2_ref):
        dinv = _dinv_of(pt_ref[...])
        h = jnp.maximum(dinv * (p0_ref[...] + p1_ref[...] + g1_ref[...])
                        + b1_ref[...], 0.0)
        g2 = lax.dot_general(h, w_ref[...], (((1,), (1,)), ((), ())),
                             preferred_element_type=jnp.float32)
        g2_ref[...] = g2 * dinv

    return pl.pallas_call(
        body,
        grid=(NP // BR,),
        in_specs=[pl.BlockSpec((BR, NW), lambda i: (i, 0)),
                  pl.BlockSpec((BR, 128), lambda i: (i, 0)),
                  pl.BlockSpec((BR, 128), lambda i: (i, 0)),
                  pl.BlockSpec((BR, 128), lambda i: (i, 0)),
                  pl.BlockSpec((1, 128), lambda i: (0, 0)),
                  pl.BlockSpec((128, 128), lambda i: (0, 0))],
        out_specs=pl.BlockSpec((BR, 128), lambda i: (i, 0)),
        out_shape=jax.ShapeDtypeStruct((NP, 128), jnp.float32),
    )(pt, p0, p1, g1, b1, wcat)


def _tc_reparam(pt, q0, q1, g2, bcat, eps):
    def body(pt_ref, q0_ref, q1_ref, g2_ref, b_ref, eps_ref,
             mu_ref, lv_ref, z_ref):
        dinv = _dinv_of(pt_ref[...])
        pre = dinv * (q0_ref[...] + q1_ref[...] + g2_ref[...]) + b_ref[...]
        mu = pre[:, :64]
        lv = pre[:, 64:]
        mu_ref[...] = mu
        lv_ref[...] = lv
        z_ref[...] = mu + eps_ref[...] * jnp.exp(0.5 * lv)

    o64 = pl.BlockSpec((BR, 64), lambda i: (i, 0))
    return pl.pallas_call(
        body,
        grid=(NP // BR,),
        in_specs=[pl.BlockSpec((BR, NW), lambda i: (i, 0)),
                  pl.BlockSpec((BR, 128), lambda i: (i, 0)),
                  pl.BlockSpec((BR, 128), lambda i: (i, 0)),
                  pl.BlockSpec((BR, 128), lambda i: (i, 0)),
                  pl.BlockSpec((1, 128), lambda i: (0, 0)),
                  pl.BlockSpec((BR, 64), lambda i: (i, 0))],
        out_specs=[o64, o64, o64],
        out_shape=[jax.ShapeDtypeStruct((NP, 64), jnp.float32)] * 3,
    )(pt, q0, q1, g2, bcat, eps)


def _tc_decode(feat, w1d, db1, dw2, db2):
    def body(f_ref, w_ref, db1_ref, w2_ref, db2_ref, o_ref):
        hd = lax.dot_general(f_ref[...], w_ref[...], (((1,), (1,)), ((), ())),
                             preferred_element_type=jnp.float32) + db1_ref[...]
        hd = jnp.maximum(hd, 0.0)
        t = jnp.sum(hd * w2_ref[...], axis=1, keepdims=True)
        o_ref[...] = jax.nn.sigmoid(t + db2_ref[0, 0])

    return pl.pallas_call(
        body,
        grid=(EPAD // BRD,),
        in_specs=[pl.BlockSpec((BRD, 128), lambda i: (i, 0)),
                  pl.BlockSpec((128, 128), lambda i: (0, 0)),
                  pl.BlockSpec((1, 128), lambda i: (0, 0)),
                  pl.BlockSpec((1, 128), lambda i: (0, 0)),
                  pl.BlockSpec((1, 1), lambda i: (0, 0))],
        out_specs=pl.BlockSpec((BRD, 1), lambda i: (i, 0)),
        out_shape=jax.ShapeDtypeStruct((EPAD, 1), jnp.float32),
    )(feat, w1d, db1, dw2, db2)



def kernel(x, edge_index, edge_label_index, W1, b1, Wmu, bmu, Wlv, blv,
           dW1, db1, dW2, db2):
    src = edge_index[0].astype(jnp.int32)
    dst = edge_index[1].astype(jnp.int32)
    e0 = edge_label_index[0].astype(jnp.int32)
    e1 = edge_label_index[1].astype(jnp.int32)

    pad = EPAD - E
    src_p = jnp.concatenate([src, jnp.zeros((pad,), jnp.int32)])
    dst_p = jnp.concatenate([dst, jnp.full((pad,), N, jnp.int32)])
    e0_p = jnp.concatenate([e0, jnp.zeros((pad,), jnp.int32)])
    e1_p = jnp.concatenate([e1, jnp.zeros((pad,), jnp.int32)])
    scut = NS * F0CH * CH
    srcA = src_p[:scut].reshape(NS, F0CH, CH)
    srcB = src_p[scut:].reshape(NS, F1CH, CH)
    dstA = dst_p[:scut].reshape(NS, F0CH, CH)
    dstB = dst_p[scut:].reshape(NS, F1CH, CH)
    cut = NS * EC0
    e0A = e0_p[:cut].reshape(NS, P0CH, CH)
    e0B = e0_p[cut:].reshape(NS, P1CH, CH)
    e1A = e1_p[:cut].reshape(NS, P0CH, CH)
    e1B = e1_p[cut:].reshape(NS, P1CH, CH)
    dst2 = dst_p.reshape(NW, EC)

    x_p = jnp.zeros((NP, 128), jnp.float32).at[:N].set(x)
    zero_rows = jnp.zeros((NP, 128), jnp.float32)
    wcat = jnp.concatenate([Wmu, Wlv], axis=0)
    bcat = jnp.concatenate([bmu, blv]).reshape(1, 128)
    eps = jax.random.normal(jax.random.key(42), (N, 64), dtype=jnp.float32)
    eps_p = jnp.zeros((NP, 64), jnp.float32).at[:N].set(eps)

    deg_parts = _sc_degree(dst2)
    pt = deg_parts.T

    g1 = _tc_encode1(pt, x_p, W1)
    parts1 = _sc_scatter(g1, srcA, dstA, srcB, dstB, zero_rows)
    g2 = _tc_encode2(pt, parts1[:NP], parts1[NP:], g1,
                     b1.reshape(1, 128), wcat)
    parts2 = _sc_scatter(g2, srcA, dstA, srcB, dstB, zero_rows)
    mu_p, lv_p, z_p = _tc_reparam(pt, parts2[:NP], parts2[NP:], g2,
                                  bcat, eps_p)

    feat = _sc_gather_pairs(z_p, e0A, e1A, e0B, e1B)
    xc_p = _tc_decode(feat, dW1, db1.reshape(1, 128), dW2,
                      db2.reshape(1, 1))

    return (mu_p[:N], lv_p[:N], z_p[:N], xc_p[:E, 0])

# --- scband reference (transcript-rebuilt; emitter-appended) ---
"""Pipeline reference for scband-link-pred-30932354466400 (READ-ONLY COPY).

The authoritative reference and input builder live on the scoring server;
editing this copy changes nothing except your own understanding.
"""

import jax, jax.numpy as jnp
import numpy as np

N = 10000
E = 320000
IN_DIM = 128
HID = 128
OUT = 64


def setup_inputs(seed: int = 0) -> dict:
    key = jax.random.key(seed)
    ks = jax.random.split(key, 16)
    x = jax.random.normal(ks[0], (N, IN_DIM), dtype=jnp.float32)
    edge_index = jax.random.randint(ks[1], (2, E), 0, N, dtype=jnp.int64)
    edge_label_index = jax.random.randint(ks[2], (2, E), 0, N, dtype=jnp.int64)
    W1 = jax.random.normal(ks[3], (HID, IN_DIM), dtype=jnp.float32) * 0.05
    b1 = jnp.zeros((HID,), dtype=jnp.float32)
    Wmu = jax.random.normal(ks[4], (OUT, HID), dtype=jnp.float32) * 0.05
    bmu = jnp.zeros((OUT,), dtype=jnp.float32)
    Wlv = jax.random.normal(ks[5], (OUT, HID), dtype=jnp.float32) * 0.05
    blv = jnp.zeros((OUT,), dtype=jnp.float32)
    dW1 = jax.random.normal(ks[6], (IN_DIM, HID), dtype=jnp.float32) * 0.05
    db1 = jnp.zeros((IN_DIM,), dtype=jnp.float32)
    dW2 = jax.random.normal(ks[7], (1, IN_DIM), dtype=jnp.float32) * 0.05
    db2 = jnp.zeros((1,), dtype=jnp.float32)
    return {"x": x, "edge_index": edge_index, "edge_label_index": edge_label_index,
            "W1": W1, "b1": b1, "Wmu": Wmu, "bmu": bmu, "Wlv": Wlv, "blv": blv,
            "dW1": dW1, "db1": db1, "dW2": dW2, "db2": db2}


def gcn_conv(x, edge_index, W, b):
    # GCNConv with normalize=True and add_self_loops=True (PyG defaults)
    loop = jnp.arange(N)
    src = jnp.concatenate([edge_index[0], loop])
    dst = jnp.concatenate([edge_index[1], loop])
    deg = jnp.zeros((N,), dtype=x.dtype).at[dst].add(1.0)
    dinv = jnp.where(deg > 0, 1.0 / jnp.sqrt(deg), 0.0)
    norm = dinv[src] * dinv[dst]
    h = x @ W.T
    msg = h[src] * norm[:, None]
    out = jnp.zeros((N, h.shape[1]), dtype=x.dtype).at[dst].add(msg)
    return out + b


def reference(x, edge_index, edge_label_index, W1, b1, Wmu, bmu, Wlv, blv, dW1, db1, dW2, db2):
    # encoding
    h = jax.nn.relu(gcn_conv(x, edge_index, W1, b1))
    mu = gcn_conv(h, edge_index, Wmu, bmu)
    logvar = gcn_conv(h, edge_index, Wlv, blv)
    # reparameterize (deterministic eps for reproducibility)
    std = jnp.exp(0.5 * logvar)
    eps = jax.random.normal(jax.random.key(42), std.shape, dtype=std.dtype)
    z = mu + eps * std
    # decoding on edge_label_index
    e0 = z[edge_label_index[0]]
    e1 = z[edge_label_index[1]]
    feat = jnp.concatenate([e0, e1], axis=-1)
    hd = jax.nn.relu(feat @ dW1.T + db1)
    x_cons = jax.nn.sigmoid(hd @ dW2.T + db2).squeeze()
    return (mu, logvar, z, x_cons)

if __name__ == "__main__":
    import jax
    _d = setup_inputs()
    print(jax.jit(kernel)(*tuple(_d.values())))

</pallas_src>

<mosaic_0001>
#map = affine_map<(d0, d1) -> (0, 0)>
#map1 = affine_map<(d0, d1) -> (0, 0, 0)>
module attributes {stable_mosaic.version = 14 : i64} {
  func.func @_sc_gather_pairs(%arg0: i32, %arg1: i32, %arg2: memref<10240x64xf32, #tpu.memory_space<hbm>>, %arg3: memref<16x100x128xi32, #tpu.memory_space<hbm>>, %arg4: memref<16x100x128xi32, #tpu.memory_space<hbm>>, %arg5: memref<16x58x128xi32, #tpu.memory_space<hbm>>, %arg6: memref<16x58x128xi32, #tpu.memory_space<hbm>>, %arg7: memref<323584x128xf32, #tpu.memory_space<hbm>>, %arg8: memref<100x128xi32, #tpu.memory_space<vmem>>, %arg9: memref<100x128xi32, #tpu.memory_space<vmem>>, %arg10: memref<128x64xf32, #tpu.memory_space<vmem>>, %arg11: memref<128x64xf32, #tpu.memory_space<vmem>>, %arg12: memref<128x64xf32, #tpu.memory_space<vmem>>, %arg13: memref<128x64xf32, #tpu.memory_space<vmem>>, %arg14: memref<128x64xf32, #tpu.memory_space<vmem>>, %arg15: memref<128x64xf32, #tpu.memory_space<vmem>>, %arg16: memref<128x64xf32, #tpu.memory_space<vmem>>, %arg17: memref<128x64xf32, #tpu.memory_space<vmem>>, %arg18: memref<!tpu.dma_semaphore, #tpu.memory_space<semaphore_mem>>, %arg19: memref<!tpu.dma_semaphore, #tpu.memory_space<semaphore_mem>>, %arg20: memref<!tpu.dma_semaphore, #tpu.memory_space<semaphore_mem>>, %arg21: memref<!tpu.dma_semaphore, #tpu.memory_space<semaphore_mem>>, %arg22: memref<!tpu.dma_semaphore, #tpu.memory_space<semaphore_mem>>, %arg23: memref<!tpu.dma_semaphore, #tpu.memory_space<semaphore_mem>>, %arg24: memref<!tpu.dma_semaphore, #tpu.memory_space<semaphore_mem>>, %arg25: memref<!tpu.dma_semaphore, #tpu.memory_space<semaphore_mem>>) attributes {dimension_semantics = [#tpu.dimension_semantics<core_parallel>, #tpu.dimension_semantics<subcore_parallel>], iteration_bounds = array<i64: 2, 16>, scalar_prefetch = 0 : i64, scratch_operands = 18 : i64, tpu.core_type = #tpu.core_type<sc_vector_subcore>, window_params = [{transform_indices = #map}, {transform_indices = #map1}, {transform_indices = #map1}, {transform_indices = #map1}, {transform_indices = #map1}, {transform_indices = #map}]} {
    %eq3A = arith.constant 0 : i32
    %eq3A_0 = arith.cmpi eq, %arg0, %eq3A : i32
    %convert_element_type3A = arith.extui %eq3A_0 : i1 to i32
    %cond3A = arith.constant 0 : i32
    %cond3A_1 = arith.cmpi ne, %convert_element_type3A, %cond3A : i32
    scf.if %cond3A_1 {
      %mul3A = arith.constant 12800 : i32
      %mul3A_7 = arith.muli %arg1, %mul3A : i32
      "tpu.region"() ({
        %run_scoped3A = tpu.sem_alloc : memref<!tpu.dma_semaphore, #tpu.memory_space<semaphore_mem>>
        %dma_start3A_68 = arith.constant 0 : i32
        %dma_start3A_69 = arith.constant 0 : i32
        %dma_start3A_70 = tpu.memref_slice %arg8[%dma_start3A_68, %dma_start3A_69] : memref<100x128xi32, #tpu.memory_space<vmem>> -> memref<100x128xi32, #tpu.memory_space<vmem>>
        %dma_start3A_71 = arith.constant 0 : i32
        %dma_start3A_72 = arith.constant 0 : i32
        %dma_start3A_73 = tpu.memref_slice %arg3[%arg1, %dma_start3A_71, %dma_start3A_72] : memref<16x100x128xi32, #tpu.memory_space<hbm>> -> memref<1x100x128xi32, #tpu.memory_space<hbm>>
        %dma_start3A_74 = tpu.memref_squeeze %dma_start3A_73 : memref<1x100x128xi32, #tpu.memory_space<hbm>> -> memref<100x128xi32, #tpu.memory_space<hbm>>
        %dma_start3A_75 = arith.constant 0 : i32
        %dma_start3A_76 = arith.constant 0 : i32
        %dma_start3A_77 = tpu.memref_slice %arg8[%dma_start3A_75, %dma_start3A_76] : memref<100x128xi32, #tpu.memory_space<vmem>> -> memref<100x128xi32, #tpu.memory_space<vmem>>
        %dma_start3A_78 = arith.constant 0 : i32
        %dma_start3A_79 = arith.constant 0 : i32
        %dma_start3A_80 = tpu.memref_slice %arg3[%arg1, %dma_start3A_78, %dma_start3A_79] : memref<16x100x128xi32, #tpu.memory_space<hbm>> -> memref<1x100x128xi32, #tpu.memory_space<hbm>>
        %dma_start3A_81 = tpu.memref_squeeze %dma_start3A_80 : memref<1x100x128xi32, #tpu.memory_space<hbm>> -> memref<100x128xi32, #tpu.memory_space<hbm>>
        tpu.enqueue_dma source(%dma_start3A_81 : memref<100x128xi32, #tpu.memory_space<hbm>>) target(%dma_start3A_77 : memref<100x128xi32, #tpu.memory_space<vmem>>) target_semaphore(%run_scoped3A : memref<!tpu.dma_semaphore, #tpu.memory_space<semaphore_mem>>)
        %dma_wait3A = arith.constant 0 : i32
        %dma_wait3A_82 = arith.constant 0 : i32
        %dma_wait3A_83 = tpu.memref_slice %arg8[%dma_wait3A, %dma_wait3A_82] : memref<100x128xi32, #tpu.memory_space<vmem>> -> memref<100x128xi32, #tpu.memory_space<vmem>>
        %dma_wait3A_84 = arith.constant 0 : i32
        %dma_wait3A_85 = arith.constant 0 : i32
        %dma_wait3A_86 = tpu.memref_slice %arg3[%arg1, %dma_wait3A_84, %dma_wait3A_85] : memref<16x100x128xi32, #tpu.memory_space<hbm>> -> memref<1x100x128xi32, #tpu.memory_space<hbm>>
        %dma_wait3A_87 = tpu.memref_squeeze %dma_wait3A_86 : memref<1x100x128xi32, #tpu.memory_space<hbm>> -> memref<100x128xi32, #tpu.memory_space<hbm>>
        %dma_wait3A_88 = arith.constant 0 : i32
        %dma_wait3A_89 = arith.constant 0 : i32
        %dma_wait3A_90 = tpu.memref_slice %arg8[%dma_wait3A_88, %dma_wait3A_89] : memref<100x128xi32, #tpu.memory_space<vmem>> -> memref<100x128xi32, #tpu.memory_space<vmem>>
        %dma_wait3A_91 = arith.constant 0 : i32
        %dma_wait3A_92 = arith.constant 0 : i32
        %dma_wait3A_93 = tpu.memref_slice %arg3[%arg1, %dma_wait3A_91, %dma_wait3A_92] : memref<16x100x128xi32, #tpu.memory_space<hbm>> -> memref<1x100x128xi32, #tpu.memory_space<hbm>>
        %dma_wait3A_94 = tpu.memref_squeeze %dma_wait3A_93 : memref<1x100x128xi32, #tpu.memory_space<hbm>> -> memref<100x128xi32, #tpu.memory_space<hbm>>
        tpu.wait_dma2 semaphore(%run_scoped3A : memref<!tpu.dma_semaphore, #tpu.memory_space<semaphore_mem>>) src(%dma_wait3A_94 : memref<100x128xi32, #tpu.memory_space<hbm>>) dst(%dma_wait3A_90 : memref<100x128xi32, #tpu.memory_space<vmem>>)
        tpu.yield
      }) : () -> ()
      "tpu.region"() ({
        %run_scoped3A = tpu.sem_alloc : memref<!tpu.dma_semaphore, #tpu.memory_space<semaphore_mem>>
        %dma_start3A_68 = arith.constant 0 : i32
        %dma_start3A_69 = arith.constant 0 : i32
        %dma_start3A_70 = tpu.memref_slice %arg9[%dma_start3A_68, %dma_start3A_69] : memref<100x128xi32, #tpu.memory_space<vmem>> -> memref<100x128xi32, #tpu.memory_space<vmem>>
        %dma_start3A_71 = arith.constant 0 : i32
        %dma_start3A_72 = arith.constant 0 : i32
        %dma_start3A_73 = tpu.memref_slice %arg4[%arg1, %dma_start3A_71, %dma_start3A_72] : memref<16x100x128xi32, #tpu.memory_space<hbm>> -> memref<1x100x128xi32, #tpu.memory_space<hbm>>
        %dma_start3A_74 = tpu.memref_squeeze %dma_start3A_73 : memref<1x100x128xi32, #tpu.memory_space<hbm>> -> memref<100x128xi32, #tpu.memory_space<hbm>>
        %dma_start3A_75 = arith.constant 0 : i32
        %dma_start3A_76 = arith.constant 0 : i32
        %dma_start3A_77 = tpu.memref_slice %arg9[%dma_start3A_75, %dma_start3A_76] : memref<100x128xi32, #tpu.memory_space<vmem>> -> memref<100x128xi32, #tpu.memory_space<vmem>>
        %dma_start3A_78 = arith.constant 0 : i32
        %dma_start3A_79 = arith.constant 0 : i32
        %dma_start3A_80 = tpu.memref_slice %arg4[%arg1, %dma_start3A_78, %dma_start3A_79] : memref<16x100x128xi32, #tpu.memory_space<hbm>> -> memref<1x100x128xi32, #tpu.memory_space<hbm>>
        %dma_start3A_81 = tpu.memref_squeeze %dma_start3A_80 : memref<1x100x128xi32, #tpu.memory_space<hbm>> -> memref<100x128xi32, #tpu.memory_space<hbm>>
        tpu.enqueue_dma source(%dma_start3A_81 : memref<100x128xi32, #tpu.memory_space<hbm>>) target(%dma_start3A_77 : memref<100x128xi32, #tpu.memory_space<vmem>>) target_semaphore(%run_scoped3A : memref<!tpu.dma_semaphore, #tpu.memory_space<semaphore_mem>>)
        %dma_wait3A = arith.constant 0 : i32
        %dma_wait3A_82 = arith.constant 0 : i32
        %dma_wait3A_83 = tpu.memref_slice %arg9[%dma_wait3A, %dma_wait3A_82] : memref<100x128xi32, #tpu.memory_space<vmem>> -> memref<100x128xi32, #tpu.memory_space<vmem>>
        %dma_wait3A_84 = arith.constant 0 : i32
        %dma_wait3A_85 = arith.constant 0 : i32
        %dma_wait3A_86 = tpu.memref_slice %arg4[%arg1, %dma_wait3A_84, %dma_wait3A_85] : memref<16x100x128xi32, #tpu.memory_space<hbm>> -> memref<1x100x128xi32, #tpu.memory_space<hbm>>
        %dma_wait3A_87 = tpu.memref_squeeze %dma_wait3A_86 : memref<1x100x128xi32, #tpu.memory_space<hbm>> -> memref<100x128xi32, #tpu.memory_space<hbm>>
        %dma_wait3A_88 = arith.constant 0 : i32
        %dma_wait3A_89 = arith.constant 0 : i32
        %dma_wait3A_90 = tpu.memref_slice %arg9[%dma_wait3A_88, %dma_wait3A_89] : memref<100x128xi32, #tpu.memory_space<vmem>> -> memref<100x128xi32, #tpu.memory_space<vmem>>
        %dma_wait3A_91 = arith.constant 0 : i32
        %dma_wait3A_92 = arith.constant 0 : i32
        %dma_wait3A_93 = tpu.memref_slice %arg4[%arg1, %dma_wait3A_91, %dma_wait3A_92] : memref<16x100x128xi32, #tpu.memory_space<hbm>> -> memref<1x100x128xi32, #tpu.memory_space<hbm>>
        %dma_wait3A_94 = tpu.memref_squeeze %dma_wait3A_93 : memref<1x100x128xi32, #tpu.memory_space<hbm>> -> memref<100x128xi32, #tpu.memory_space<hbm>>
        tpu.wait_dma2 semaphore(%run_scoped3A : memref<!tpu.dma_semaphore, #tpu.memory_space<semaphore_mem>>) src(%dma_wait3A_94 : memref<100x128xi32, #tpu.memory_space<hbm>>) dst(%dma_wait3A_90 : memref<100x128xi32, #tpu.memory_space<vmem>>)
        tpu.yield
      }) : () -> ()
      %dma_start3A = arith.constant 0 : i32
      %dma_start3A_8 = arith.constant 0 : i32
      %dma_start3A_9 = tpu.memref_slice %arg8[%dma_start3A, %dma_start3A_8] : memref<100x128xi32, #tpu.memory_space<vmem>> -> memref<1x128xi32, #tpu.memory_space<vmem>>
      %dma_start3A_10 = tpu.memref_squeeze %dma_start3A_9 : memref<1x128xi32, #tpu.memory_space<vmem>> -> memref<128xi32, #tpu.memory_space<vmem>>
      %dma_start3A_11 = arith.constant 0 : i32
      %dma_start3A_12 = arith.constant 0 : i32
      %dma_start3A_13 = tpu.memref_slice %arg2[%dma_start3A_11, %dma_start3A_12] : memref<10240x64xf32, #tpu.memory_space<hbm>> -> memref<10240x64xf32, #tpu.memory_space<hbm>>
      tpu.enqueue_indirect_dma source(%dma_start3A_13 : memref<10240x64xf32, #tpu.memory_space<hbm>>) target(%arg10 : memref<128x64xf32, #tpu.memory_space<vmem>>) offsets(%dma_start3A_10 : memref<128xi32, #tpu.memory_space<vmem>>) semaphore(%arg18 : memref<!tpu.dma_semaphore, #tpu.memory_space<semaphore_mem>>)
      %dma_start3A_14 = arith.constant 0 : i32
      %dma_start3A_15 = arith.constant 0 : i32
      %dma_start3A_16 = tpu.memref_slice %arg9[%dma_start3A_14, %dma_start3A_15] : memref<100x128xi32, #tpu.memory_space<vmem>> -> memref<1x128xi32, #tpu.memory_space<vmem>>
      %dma_start3A_17 = tpu.memref_squeeze %dma_start3A_16 : memref<1x128xi32, #tpu.memory_space<vmem>> -> memref<128xi32, #tpu.memory_space<vmem>>
      %dma_start3A_18 = arith.constant 0 : i32
      %dma_start3A_19 = arith.constant 0 : i32
      %dma_start3A_20 = tpu.memref_slice %arg2[%dma_start3A_18, %dma_start3A_19] : memref<10240x64xf32, #tpu.memory_space<hbm>> -> memref<10240x64xf32, #tpu.memory_space<hbm>>
      tpu.enqueue_indirect_dma source(%dma_start3A_20 : memref<10240x64xf32, #tpu.memory_space<hbm>>) target(%arg14 : memref<128x64xf32, #tpu.memory_space<vmem>>) offsets(%dma_start3A_17 : memref<128xi32, #tpu.memory_space<vmem>>) semaphore(%arg22 : memref<!tpu.dma_semaphore, #tpu.memory_space<semaphore_mem>>)
      %dma_start3A_21 = arith.constant 1 : i32
      %dma_start3A_22 = arith.constant 0 : i32
      %dma_start3A_23 = tpu.memref_slice %arg8[%dma_start3A_21, %dma_start3A_22] : memref<100x128xi32, #tpu.memory_space<vmem>> -> memref<1x128xi32, #tpu.memory_space<vmem>>
      %dma_start3A_24 = tpu.memref_squeeze %dma_start3A_23 : memref<1x128xi32, #tpu.memory_space<vmem>> -> memref<128xi32, #tpu.memory_space<vmem>>
      %dma_start3A_25 = arith.constant 0 : i32
      %dma_start3A_26 = arith.constant 0 : i32
      %dma_start3A_27 = tpu.memref_slice %arg2[%dma_start3A_25, %dma_start3A_26] : memref<10240x64xf32, #tpu.memory_space<hbm>> -> memref<10240x64xf32, #tpu.memory_space<hbm>>
      tpu.enqueue_indirect_dma source(%dma_start3A_27 : memref<10240x64xf32, #tpu.memory_space<hbm>>) target(%arg11 : memref<128x64xf32, #tpu.memory_space<vmem>>) offsets(%dma_start3A_24 : memref<128xi32, #tpu.memory_space<vmem>>) semaphore(%arg19 : memref<!tpu.dma_semaphore, #tpu.memory_space<semaphore_mem>>)
      %dma_start3A_28 = arith.constant 1 : i32
      %dma_start3A_29 = arith.constant 0 : i32
      %dma_start3A_30 = tpu.memref_slice %arg9[%dma_start3A_28, %dma_start3A_29] : memref<100x128xi32, #tpu.memory_space<vmem>> -> memref<1x128xi32, #tpu.memory_space<vmem>>
      %dma_start3A_31 = tpu.memref_squeeze %dma_start3A_30 : memref<1x128xi32, #tpu.memory_space<vmem>> -> memref<128xi32, #tpu.memory_space<vmem>>
      %dma_start3A_32 = arith.constant 0 : i32
      %dma_start3A_33 = arith.constant 0 : i32
      %dma_start3A_34 = tpu.memref_slice %arg2[%dma_start3A_32, %dma_start3A_33] : memref<10240x64xf32, #tpu.memory_space<hbm>> -> memref<10240x64xf32, #tpu.memory_space<hbm>>
      tpu.enqueue_indirect_dma source(%dma_start3A_34 : memref<10240x64xf32, #tpu.memory_space<hbm>>) target(%arg15 : memref<128x64xf32, #tpu.memory_space<vmem>>) offsets(%dma_start3A_31 : memref<128xi32, #tpu.memory_space<vmem>>) semaphore(%arg23 : memref<!tpu.dma_semaphore, #tpu.memory_space<semaphore_mem>>)
      %dma_start3A_35 = arith.constant 2 : i32
      %dma_start3A_36 = arith.constant 0 : i32
      %dma_start3A_37 = tpu.memref_slice %arg8[%dma_start3A_35, %dma_start3A_36] : memref<100x128xi32, #tpu.memory_space<vmem>> -> memref<1x128xi32, #tpu.memory_space<vmem>>
      %dma_start3A_38 = tpu.memref_squeeze %dma_start3A_37 : memref<1x128xi32, #tpu.memory_space<vmem>> -> memref<128xi32, #tpu.memory_space<vmem>>
      %dma_start3A_39 = arith.constant 0 : i32
      %dma_start3A_40 = arith.constant 0 : i32
      %dma_start3A_41 = tpu.memref_slice %arg2[%dma_start3A_39, %dma_start3A_40] : memref<10240x64xf32, #tpu.memory_space<hbm>> -> memref<10240x64xf32, #tpu.memory_space<hbm>>
      tpu.enqueue_indirect_dma source(%dma_start3A_41 : memref<10240x64xf32, #tpu.memory_space<hbm>>) target(%arg12 : memref<128x64xf32, #tpu.memory_space<vmem>>) offsets(%dma_start3A_38 : memref<128xi32, #tpu.memory_space<vmem>>) semaphore(%arg20 : memref<!tpu.dma_semaphore, #tpu.memory_space<semaphore_mem>>)
      %dma_start3A_42 = arith.constant 2 : i32
      %dma_start3A_43 = arith.constant 0 : i32
      %dma_start3A_44 = tpu.memref_slice %arg9[%dma_start3A_42, %dma_start3A_43] : memref<100x128xi32, #tpu.memory_space<vmem>> -> memref<1x128xi32, #tpu.memory_space<vmem>>
      %dma_start3A_45 = tpu.memref_squeeze %dma_start3A_44 : memref<1x128xi32, #tpu.memory_space<vmem>> -> memref<128xi32, #tpu.memory_space<vmem>>
      %dma_start3A_46 = arith.constant 0 : i32
      %dma_start3A_47 = arith.constant 0 : i32
      %dma_start3A_48 = tpu.memref_slice %arg2[%dma_start3A_46, %dma_start3A_47] : memref<10240x64xf32, #tpu.memory_space<hbm>> -> memref<10240x64xf32, #tpu.memory_space<hbm>>
      tpu.enqueue_indirect_dma source(%dma_start3A_48 : memref<10240x64xf32, #tpu.memory_space<hbm>>) target(%arg16 : memref<128x64xf32, #tpu.memory_space<vmem>>) offsets(%dma_start3A_45 : memref<128xi32, #tpu.memory_space<vmem>>) semaphore(%arg24 : memref<!tpu.dma_semaphore, #tpu.memory_space<semaphore_mem>>)
      %dma_start3A_49 = arith.constant 3 : i32
      %dma_start3A_50 = arith.constant 0 : i32
      %dma_start3A_51 = tpu.memref_slice %arg8[%dma_start3A_49, %dma_start3A_50] : memref<100x128xi32, #tpu.memory_space<vmem>> -> memref<1x128xi32, #tpu.memory_space<vmem>>
      %dma_start3A_52 = tpu.memref_squeeze %dma_start3A_51 : memref<1x128xi32, #tpu.memory_space<vmem>> -> memref<128xi32, #tpu.memory_space<vmem>>
      %dma_start3A_53 = arith.constant 0 : i32
      %dma_start3A_54 = arith.constant 0 : i32
      %dma_start3A_55 = tpu.memref_slice %arg2[%dma_start3A_53, %dma_start3A_54] : memref<10240x64xf32, #tpu.memory_space<hbm>> -> memref<10240x64xf32, #tpu.memory_space<hbm>>
      tpu.enqueue_indirect_dma source(%dma_start3A_55 : memref<10240x64xf32, #tpu.memory_space<hbm>>) target(%arg13 : memref<128x64xf32, #tpu.memory_space<vmem>>) offsets(%dma_start3A_52 : memref<128xi32, #tpu.memory_space<vmem>>) semaphore(%arg21 : memref<!tpu.dma_semaphore, #tpu.memory_space<semaphore_mem>>)
      %dma_start3A_56 = arith.constant 3 : i32
      %dma_start3A_57 = arith.constant 0 : i32
      %dma_start3A_58 = tpu.memref_slice %arg9[%dma_start3A_56, %dma_start3A_57] : memref<100x128xi32, #tpu.memory_space<vmem>> -> memref<1x128xi32, #tpu.memory_space<vmem>>
      %dma_start3A_59 = tpu.memref_squeeze %dma_start3A_58 : memref<1x128xi32, #tpu.memory_space<vmem>> -> memref<128xi32, #tpu.memory_space<vmem>>
      %dma_start3A_60 = arith.constant 0 : i32
      %dma_start3A_61 = arith.constant 0 : i32
      %dma_start3A_62 = tpu.memref_slice %arg2[%dma_start3A_60, %dma_start3A_61] : memref<10240x64xf32, #tpu.memory_space<hbm>> -> memref<10240x64xf32, #tpu.memory_space<hbm>>
      tpu.enqueue_indirect_dma source(%dma_start3A_62 : memref<10240x64xf32, #tpu.memory_space<hbm>>) target(%arg17 : memref<128x64xf32, #tpu.memory_space<vmem>>) offsets(%dma_start3A_59 : memref<128xi32, #tpu.memory_space<vmem>>) semaphore(%arg25 : memref<!tpu.dma_semaphore, #tpu.memory_space<semaphore_mem>>)
      %scan3A = arith.constant 0 : i32
      %scan3A_63 = arith.constant 0 : i32
      %scan3A_64 = arith.constant 25 : i32
      %scan3A_65 = arith.addi %scan3A_63, %scan3A_64 : i32
      %scan3A_66 = arith.constant 1 : i32
      scf.for %scan3A_68 = %scan3A_63 to %scan3A_65 step %scan3A_66  : i32 {
        %mul3A_69 = arith.constant 4 : i32
        %mul3A_70 = arith.muli %scan3A_68, %mul3A_69 : i32
        %add3A = arith.constant 0 : i32
        %add3A_71 = arith.addi %mul3A_70, %add3A : i32
        %lt3A = arith.constant 100 : i32
        %lt3A_72 = arith.cmpi slt, %add3A_71, %lt3A : i32
        %convert_element_type3A_73 = arith.extui %lt3A_72 : i1 to i32
        %cond3A_74 = arith.constant 0 : i32
        %cond3A_75 = arith.cmpi ne, %convert_element_type3A_73, %cond3A_74 : i32
        scf.if %cond3A_75 {
          %dma_wait3A = arith.constant 0 : i32
          %dma_wait3A_125 = tpu.memref_slice %arg8[%add3A_71, %dma_wait3A] : memref<100x128xi32, #tpu.memory_space<vmem>> -> memref<1x128xi32, #tpu.memory_space<vmem>>
          %dma_wait3A_126 = tpu.memref_squeeze %dma_wait3A_125 : memref<1x128xi32, #tpu.memory_space<vmem>> -> memref<128xi32, #tpu.memory_space<vmem>>
          %dma_wait3A_127 = arith.constant 0 : i32
          %dma_wait3A_128 = arith.constant 0 : i32
          %dma_wait3A_129 = tpu.memref_slice %arg2[%dma_wait3A_127, %dma_wait3A_128] : memref<10240x64xf32, #tpu.memory_space<hbm>> -> memref<10240x64xf32, #tpu.memory_space<hbm>>
          tpu.wait_indirect_dma semaphore(%arg18 : memref<!tpu.dma_semaphore, #tpu.memory_space<semaphore_mem>>) src(%dma_wait3A_129 : memref<10240x64xf32, #tpu.memory_space<hbm>>) dst(%arg10 : memref<128x64xf32, #tpu.memory_space<vmem>>)
          %dma_wait3A_130 = arith.constant 0 : i32
          %dma_wait3A_131 = tpu.memref_slice %arg9[%add3A_71, %dma_wait3A_130] : memref<100x128xi32, #tpu.memory_space<vmem>> -> memref<1x128xi32, #tpu.memory_space<vmem>>
          %dma_wait3A_132 = tpu.memref_squeeze %dma_wait3A_131 : memref<1x128xi32, #tpu.memory_space<vmem>> -> memref<128xi32, #tpu.memory_space<vmem>>
          %dma_wait3A_133 = arith.constant 0 : i32
          %dma_wait3A_134 = arith.constant 0 : i32
          %dma_wait3A_135 = tpu.memref_slice %arg2[%dma_wait3A_133, %dma_wait3A_134] : memref<10240x64xf32, #tpu.memory_space<hbm>> -> memref<10240x64xf32, #tpu.memory_space<hbm>>
          tpu.wait_indirect_dma semaphore(%arg22 : memref<!tpu.dma_semaphore, #tpu.memory_space<semaphore_mem>>) src(%dma_wait3A_135 : memref<10240x64xf32, #tpu.memory_space<hbm>>) dst(%arg14 : memref<128x64xf32, #tpu.memory_space<vmem>>)
          %mul3A_136 = arith.constant 128 : i32
          %mul3A_137 = arith.muli %add3A_71, %mul3A_136 : i32
          %add3A_138 = arith.addi %mul3A_7, %mul3A_137 : i32
          "tpu.region"() ({
            %run_scoped3A = tpu.sem_alloc : memref<!tpu.dma_semaphore, #tpu.memory_space<semaphore_mem>>
            %dma_start3A_142 = arith.constant 0 : i32
            %dma_start3A_143 = tpu.memref_slice %arg7[%add3A_138, %dma_start3A_142] : memref<323584x128xf32, #tpu.memory_space<hbm>> -> memref<128x64xf32, #tpu.memory_space<hbm>>
            %dma_start3A_144 = arith.constant 0 : i32
            %dma_start3A_145 = tpu.memref_slice %arg7[%add3A_138, %dma_start3A_144] : memref<323584x128xf32, #tpu.memory_space<hbm>> -> memref<128x64xf32, #tpu.memory_space<hbm>>
            tpu.enqueue_dma source(%arg10 : memref<128x64xf32, #tpu.memory_space<vmem>>) target(%dma_start3A_145 : memref<128x64xf32, #tpu.memory_space<hbm>>) target_semaphore(%run_scoped3A : memref<!tpu.dma_semaphore, #tpu.memory_space<semaphore_mem>>)
            %dma_wait3A_146 = arith.constant 0 : i32
            %dma_wait3A_147 = tpu.memref_slice %arg7[%add3A_138, %dma_wait3A_146] : memref<323584x128xf32, #tpu.memory_space<hbm>> -> memref<128x64xf32, #tpu.memory_space<hbm>>
            %dma_wait3A_148 = arith.constant 0 : i32
            %dma_wait3A_149 = tpu.memref_slice %arg7[%add3A_138, %dma_wait3A_148] : memref<323584x128xf32, #tpu.memory_space<hbm>> -> memref<128x64xf32, #tpu.memory_space<hbm>>
            tpu.wait_dma2 semaphore(%run_scoped3A : memref<!tpu.dma_semaphore, #tpu.memory_space<semaphore_mem>>) src(%arg10 : memref<128x64xf32, #tpu.memory_space<vmem>>) dst(%dma_wait3A_149 : memref<128x64xf32, #tpu.memory_space<hbm>>)
            tpu.yield
          }) : () -> ()
          %mul3A_139 = arith.constant 128 : i32
          %mul3A_140 = arith.muli %add3A_71, %mul3A_139 : i32
          %add3A_141 = arith.addi %mul3A_7, %mul3A_140 : i32
          "tpu.region"() ({
            %run_scoped3A = tpu.sem_alloc : memref<!tpu.dma_semaphore, #tpu.memory_space<semaphore_mem>>
            %dma_start3A_142 = arith.constant 64 : i32
            %dma_start3A_143 = tpu.memref_slice %arg7[%add3A_141, %dma_start3A_142] : memref<323584x128xf32, #tpu.memory_space<hbm>> -> memref<128x64xf32, #tpu.memory_space<hbm>>
            %dma_start3A_144 = arith.constant 64 : i32
            %dma_start3A_145 = tpu.memref_slice %arg7[%add3A_141, %dma_start3A_144] : memref<323584x128xf32, #tpu.memory_space<hbm>> -> memref<128x64xf32, #tpu.memory_space<hbm>>
            tpu.enqueue_dma source(%arg14 : memref<128x64xf32, #tpu.memory_space<vmem>>) target(%dma_start3A_145 : memref<128x64xf32, #tpu.memory_space<hbm>>) target_semaphore(%run_scoped3A : memref<!tpu.dma_semaphore, #tpu.memory_space<semaphore_mem>>)
            %dma_wait3A_146 = arith.constant 64 : i32
            %dma_wait3A_147 = tpu.memref_slice %arg7[%add3A_141, %dma_wait3A_146] : memref<323584x128xf32, #tpu.memory_space<hbm>> -> memref<128x64xf32, #tpu.memory_space<hbm>>
            %dma_wait3A_148 = arith.constant 64 : i32
            %dma_wait3A_149 = tpu.memref_slice %arg7[%add3A_141, %dma_wait3A_148] : memref<323584x128xf32, #tpu.memory_space<hbm>> -> memref<128x64xf32, #tpu.memory_space<hbm>>
            tpu.wait_dma2 semaphore(%run_scoped3A : memref<!tpu.dma_semaphore, #tpu.memory_space<semaphore_mem>>) src(%arg14 : memref<128x64xf32, #tpu.memory_space<vmem>>) dst(%dma_wait3A_149 : memref<128x64xf32, #tpu.memory_space<hbm>>)
            tpu.yield
          }) : () -> ()
        } else {
        }
        %add3A_76 = arith.constant 4 : i32
        %add3A_77 = arith.addi %add3A_71, %add3A_76 : i32
        %lt3A_78 = arith.constant 100 : i32
        %lt3A_79 = arith.cmpi slt, %add3A_77, %lt3A_78 : i32
        %convert_element_type3A_80 = arith.extui %lt3A_79 : i1 to i32
        %cond3A_81 = arith.constant 0 : i32
        %cond3A_82 = arith.cmpi ne, %convert_element_type3A_80, %cond3A_81 : i32
        scf.if %cond3A_82 {
          %dma_start3A_125 = arith.constant 0 : i32
          %dma_start3A_126 = tpu.memref_slice %arg8[%add3A_77, %dma_start3A_125] : memref<100x128xi32, #tpu.memory_space<vmem>> -> memref<1x128xi32, #tpu.memory_space<vmem>>
          %dma_start3A_127 = tpu.memref_squeeze %dma_start3A_126 : memref<1x128xi32, #tpu.memory_space<vmem>> -> memref<128xi32, #tpu.memory_space<vmem>>
          %dma_start3A_128 = arith.constant 0 : i32
          %dma_start3A_129 = arith.constant 0 : i32
          %dma_start3A_130 = tpu.memref_slice %arg2[%dma_start3A_128, %dma_start3A_129] : memref<10240x64xf32, #tpu.memory_space<hbm>> -> memref<10240x64xf32, #tpu.memory_space<hbm>>
          tpu.enqueue_indirect_dma source(%dma_start3A_130 : memref<10240x64xf32, #tpu.memory_space<hbm>>) target(%arg10 : memref<128x64xf32, #tpu.memory_space<vmem>>) offsets(%dma_start3A_127 : memref<128xi32, #tpu.memory_space<vmem>>) semaphore(%arg18 : memref<!tpu.dma_semaphore, #tpu.memory_space<semaphore_mem>>)
          %dma_start3A_131 = arith.constant 0 : i32
          %dma_start3A_132 = tpu.memref_slice %arg9[%add3A_77, %dma_start3A_131] : memref<100x128xi32, #tpu.memory_space<vmem>> -> memref<1x128xi32, #tpu.memory_space<vmem>>
          %dma_start3A_133 = tpu.memref_squeeze %dma_start3A_132 : memref<1x128xi32, #tpu.memory_space<vmem>> -> memref<128xi32, #tpu.memory_space<vmem>>
          %dma_start3A_134 = arith.constant 0 : i32
          %dma_start3A_135 = arith.constant 0 : i32
          %dma_start3A_136 = tpu.memref_slice %arg2[%dma_start3A_134, %dma_start3A_135] : memref<10240x64xf32, #tpu.memory_space<hbm>> -> memref<10240x64xf32, #tpu.memory_space<hbm>>
          tpu.enqueue_indirect_dma source(%dma_start3A_136 : memref<10240x64xf32, #tpu.memory_space<hbm>>) target(%arg14 : memref<128x64xf32, #tpu.memory_space<vmem>>) offsets(%dma_start3A_133 : memref<128xi32, #tpu.memory_space<vmem>>) semaphore(%arg22 : memref<!tpu.dma_semaphore, #tpu.memory_space<semaphore_mem>>)
        } else {
        }
        %add3A_83 = arith.constant 1 : i32
        %add3A_84 = arith.addi %mul3A_70, %add3A_83 : i32
        %lt3A_85 = arith.constant 100 : i32
        %lt3A_86 = arith.cmpi slt, %add3A_84, %lt3A_85 : i32
        %convert_element_type3A_87 = arith.extui %lt3A_86 : i1 to i32
        %cond3A_88 = arith.constant 0 : i32
        %cond3A_89 = arith.cmpi ne, %convert_element_type3A_87, %cond3A_88 : i32
        scf.if %cond3A_89 {
          %dma_wait3A = arith.constant 0 : i32
          %dma_wait3A_125 = tpu.memref_slice %arg8[%add3A_84, %dma_wait3A] : memref<100x128xi32, #tpu.memory_space<vmem>> -> memref<1x128xi32, #tpu.memory_space<vmem>>
          %dma_wait3A_126 = tpu.memref_squeeze %dma_wait3A_125 : memref<1x128xi32, #tpu.memory_space<vmem>> -> memref<128xi32, #tpu.memory_space<vmem>>
          %dma_wait3A_127 = arith.constant 0 : i32
          %dma_wait3A_128 = arith.constant 0 : i32
          %dma_wait3A_129 = tpu.memref_slice %arg2[%dma_wait3A_127, %dma_wait3A_128] : memref<10240x64xf32, #tpu.memory_space<hbm>> -> memref<10240x64xf32, #tpu.memory_space<hbm>>
          tpu.wait_indirect_dma semaphore(%arg19 : memref<!tpu.dma_semaphore, #tpu.memory_space<semaphore_mem>>) src(%dma_wait3A_129 : memref<10240x64xf32, #tpu.memory_space<hbm>>) dst(%arg11 : memref<128x64xf32, #tpu.memory_space<vmem>>)
          %dma_wait3A_130 = arith.constant 0 : i32
          %dma_wait3A_131 = tpu.memref_slice %arg9[%add3A_84, %dma_wait3A_130] : memref<100x128xi32, #tpu.memory_space<vmem>> -> memref<1x128xi32, #tpu.memory_space<vmem>>
          %dma_wait3A_132 = tpu.memref_squeeze %dma_wait3A_131 : memref<1x128xi32, #tpu.memory_space<vmem>> -> memref<128xi32, #tpu.memory_space<vmem>>
          %dma_wait3A_133 = arith.constant 0 : i32
          %dma_wait3A_134 = arith.constant 0 : i32
          %dma_wait3A_135 = tpu.memref_slice %arg2[%dma_wait3A_133, %dma_wait3A_134] : memref<10240x64xf32, #tpu.memory_space<hbm>> -> memref<10240x64xf32, #tpu.memory_space<hbm>>
          tpu.wait_indirect_dma semaphore(%arg23 : memref<!tpu.dma_semaphore, #tpu.memory_space<semaphore_mem>>) src(%dma_wait3A_135 : memref<10240x64xf32, #tpu.memory_space<hbm>>) dst(%arg15 : memref<128x64xf32, #tpu.memory_space<vmem>>)
          %mul3A_136 = arith.constant 128 : i32
          %mul3A_137 = arith.muli %add3A_84, %mul3A_136 : i32
          %add3A_138 = arith.addi %mul3A_7, %mul3A_137 : i32
          "tpu.region"() ({
            %run_scoped3A = tpu.sem_alloc : memref<!tpu.dma_semaphore, #tpu.memory_space<semaphore_mem>>
            %dma_start3A_142 = arith.constant 0 : i32
            %dma_start3A_143 = tpu.memref_slice %arg7[%add3A_138, %dma_start3A_142] : memref<323584x128xf32, #tpu.memory_space<hbm>> -> memref<128x64xf32, #tpu.memory_space<hbm>>
            %dma_start3A_144 = arith.constant 0 : i32
            %dma_start3A_145 = tpu.memref_slice %arg7[%add3A_138, %dma_start3A_144] : memref<323584x128xf32, #tpu.memory_space<hbm>> -> memref<128x64xf32, #tpu.memory_space<hbm>>
            tpu.enqueue_dma source(%arg11 : memref<128x64xf32, #tpu.memory_space<vmem>>) target(%dma_start3A_145 : memref<128x64xf32, #tpu.memory_space<hbm>>) target_semaphore(%run_scoped3A : memref<!tpu.dma_semaphore, #tpu.memory_space<semaphore_mem>>)
            %dma_wait3A_146 = arith.constant 0 : i32
            %dma_wait3A_147 = tpu.memref_slice %arg7[%add3A_138, %dma_wait3A_146] : memref<323584x128xf32, #tpu.memory_space<hbm>> -> memref<128x64xf32, #tpu.memory_space<hbm>>
            %dma_wait3A_148 = arith.constant 0 : i32
            %dma_wait3A_149 = tpu.memref_slice %arg7[%add3A_138, %dma_wait3A_148] : memref<323584x128xf32, #tpu.memory_space<hbm>> -> memref<128x64xf32, #tpu.memory_space<hbm>>
            tpu.wait_dma2 semaphore(%run_scoped3A : memref<!tpu.dma_semaphore, #tpu.memory_space<semaphore_mem>>) src(%arg11 : memref<128x64xf32, #tpu.memory_space<vmem>>) dst(%dma_wait3A_149 : memref<128x64xf32, #tpu.memory_space<hbm>>)
            tpu.yield
          }) : () -> ()
          %mul3A_139 = arith.constant 128 : i32
          %mul3A_140 = arith.muli %add3A_84, %mul3A_139 : i32
          %add3A_141 = arith.addi %mul3A_7, %mul3A_140 : i32
          "tpu.region"() ({
            %run_scoped3A = tpu.sem_alloc : memref<!tpu.dma_semaphore, #tpu.memory_space<semaphore_mem>>
            %dma_start3A_142 = arith.constant 64 : i32
            %dma_start3A_143 = tpu.memref_slice %arg7[%add3A_141, %dma_start3A_142] : memref<323584x128xf32, #tpu.memory_space<hbm>> -> memref<128x64xf32, #tpu.memory_space<hbm>>
            %dma_start3A_144 = arith.constant 64 : i32
            %dma_start3A_145 = tpu.memref_slice %arg7[%add3A_141, %dma_start3A_144] : memref<323584x128xf32, #tpu.memory_space<hbm>> -> memref<128x64xf32, #tpu.memory_space<hbm>>
            tpu.enqueue_dma source(%arg15 : memref<128x64xf32, #tpu.memory_space<vmem>>) target(%dma_start3A_145 : memref<128x64xf32, #tpu.memory_space<hbm>>) target_semaphore(%run_scoped3A : memref<!tpu.dma_semaphore, #tpu.memory_space<semaphore_mem>>)
            %dma_wait3A_146 = arith.constant 64 : i32
            %dma_wait3A_147 = tpu.memref_slice %arg7[%add3A_141, %dma_wait3A_146] : memref<323584x128xf32, #tpu.memory_space<hbm>> -> memref<128x64xf32, #tpu.memory_space<hbm>>
            %dma_wait3A_148 = arith.constant 64 : i32
            %dma_wait3A_149 = tpu.memref_slice %arg7[%add3A_141, %dma_wait3A_148] : memref<323584x128xf32, #tpu.memory_space<hbm>> -> memref<128x64xf32, #tpu.memory_space<hbm>>
            tpu.wait_dma2 semaphore(%run_scoped3A : memref<!tpu.dma_semaphore, #tpu.memory_space<semaphore_mem>>) src(%arg15 : memref<128x64xf32, #tpu.memory_space<vmem>>) dst(%dma_wait3A_149 : memref<128x64xf32, #tpu.memory_space<hbm>>)
            tpu.yield
          }) : () -> ()
        } else {
        }
        %add3A_90 = arith.constant 4 : i32
        %add3A_91 = arith.addi %add3A_84, %add3A_90 : i32
        %lt3A_92 = arith.constant 100 : i32
        %lt3A_93 = arith.cmpi slt, %add3A_91, %lt3A_92 : i32
        %convert_element_type3A_94 = arith.extui %lt3A_93 : i1 to i32
        %cond3A_95 = arith.constant 0 : i32
        %cond3A_96 = arith.cmpi ne, %convert_element_type3A_94, %cond3A_95 : i32
        scf.if %cond3A_96 {
          %dma_start3A_125 = arith.constant 0 : i32
          %dma_start3A_126 = tpu.memref_slice %arg8[%add3A_91, %dma_start3A_125] : memref<100x128xi32, #tpu.memory_space<vmem>> -> memref<1x128xi32, #tpu.memory_space<vmem>>
          %dma_start3A_127 = tpu.memref_squeeze %dma_start3A_126 : memref<1x128xi32, #tpu.memory_space<vmem>> -> memref<128xi32, #tpu.memory_space<vmem>>
          %dma_start3A_128 = arith.constant 0 : i32
          %dma_start3A_129 = arith.constant 0 : i32
          %dma_start3A_130 = tpu.memref_slice %arg2[%dma_start3A_128, %dma_start3A_129] : memref<10240x64xf32, #tpu.memory_space<hbm>> -> memref<10240x64xf32, #tpu.memory_space<hbm>>
          tpu.enqueue_indirect_dma source(%dma_start3A_130 : memref<10240x64xf32, #tpu.memory_space<hbm>>) target(%arg11 : memref<128x64xf32, #tpu.memory_space<vmem>>) offsets(%dma_start3A_127 : memref<128xi32, #tpu.memory_space<vmem>>) semaphore(%arg19 : memref<!tpu.dma_semaphore, #tpu.memory_space<semaphore_mem>>)
          %dma_start3A_131 = arith.constant 0 : i32
          %dma_start3A_132 = tpu.memref_slice %arg9[%add3A_91, %dma_start3A_131] : memref<100x128xi32, #tpu.memory_space<vmem>> -> memref<1x128xi32, #tpu.memory_space<vmem>>
          %dma_start3A_133 = tpu.memref_squeeze %dma_start3A_132 : memref<1x128xi32, #tpu.memory_space<vmem>> -> memref<128xi32, #tpu.memory_space<vmem>>
          %dma_start3A_134 = arith.constant 0 : i32
          %dma_start3A_135 = arith.constant 0 : i32
          %dma_start3A_136 = tpu.memref_slice %arg2[%dma_start3A_134, %dma_start3A_135] : memref<10240x64xf32, #tpu.memory_space<hbm>> -> memref<10240x64xf32, #tpu.memory_space<hbm>>
          tpu.enqueue_indirect_dma source(%dma_start3A_136 : memref<10240x64xf32, #tpu.memory_space<hbm>>) target(%arg15 : memref<128x64xf32, #tpu.memory_space<vmem>>) offsets(%dma_start3A_133 : memref<128xi32, #tpu.memory_space<vmem>>) semaphore(%arg23 : memref<!tpu.dma_semaphore, #tpu.memory_space<semaphore_mem>>)
        } else {
        }
        %add3A_97 = arith.constant 2 : i32
        %add3A_98 = arith.addi %mul3A_70, %add3A_97 : i32
        %lt3A_99 = arith.constant 100 : i32
        %lt3A_100 = arith.cmpi slt, %add3A_98, %lt3A_99 : i32
        %convert_element_type3A_101 = arith.extui %lt3A_100 : i1 to i32
        %cond3A_102 = arith.constant 0 : i32
        %cond3A_103 = arith.cmpi ne, %convert_element_type3A_101, %cond3A_102 : i32
        scf.if %cond3A_103 {
          %dma_wait3A = arith.constant 0 : i32
          %dma_wait3A_125 = tpu.memref_slice %arg8[%add3A_98, %dma_wait3A] : memref<100x128xi32, #tpu.memory_space<vmem>> -> memref<1x128xi32, #tpu.memory_space<vmem>>
          %dma_wait3A_126 = tpu.memref_squeeze %dma_wait3A_125 : memref<1x128xi32, #tpu.memory_space<vmem>> -> memref<128xi32, #tpu.memory_space<vmem>>
          %dma_wait3A_127 = arith.constant 0 : i32
          %dma_wait3A_128 = arith.constant 0 : i32
          %dma_wait3A_129 = tpu.memref_slice %arg2[%dma_wait3A_127, %dma_wait3A_128] : memref<10240x64xf32, #tpu.memory_space<hbm>> -> memref<10240x64xf32, #tpu.memory_space<hbm>>
          tpu.wait_indirect_dma semaphore(%arg20 : memref<!tpu.dma_semaphore, #tpu.memory_space<semaphore_mem>>) src(%dma_wait3A_129 : memref<10240x64xf32, #tpu.memory_space<hbm>>) dst(%arg12 : memref<128x64xf32, #tpu.memory_space<vmem>>)
          %dma_wait3A_130 = arith.constant 0 : i32
          %dma_wait3A_131 = tpu.memref_slice %arg9[%add3A_98, %dma_wait3A_130] : memref<100x128xi32, #tpu.memory_space<vmem>> -> memref<1x128xi32, #tpu.memory_space<vmem>>
          %dma_wait3A_132 = tpu.memref_squeeze %dma_wait3A_131 : memref<1x128xi32, #tpu.memory_space<vmem>> -> memref<128xi32, #tpu.memory_space<vmem>>
          %dma_wait3A_133 = arith.constant 0 : i32
          %dma_wait3A_134 = arith.constant 0 : i32
          %dma_wait3A_135 = tpu.memref_slice %arg2[%dma_wait3A_133, %dma_wait3A_134] : memref<10240x64xf32, #tpu.memory_space<hbm>> -> memref<10240x64xf32, #tpu.memory_space<hbm>>
          tpu.wait_indirect_dma semaphore(%arg24 : memref<!tpu.dma_semaphore, #tpu.memory_space<semaphore_mem>>) src(%dma_wait3A_135 : memref<10240x64xf32, #tpu.memory_space<hbm>>) dst(%arg16 : memref<128x64xf32, #tpu.memory_space<vmem>>)
          %mul3A_136 = arith.constant 128 : i32
          %mul3A_137 = arith.muli %add3A_98, %mul3A_136 : i32
          %add3A_138 = arith.addi %mul3A_7, %mul3A_137 : i32
          "tpu.region"() ({
            %run_scoped3A = tpu.sem_alloc : memref<!tpu.dma_semaphore, #tpu.memory_space<semaphore_mem>>
            %dma_start3A_142 = arith.constant 0 : i32
            %dma_start3A_143 = tpu.memref_slice %arg7[%add3A_138, %dma_start3A_142] : memref<323584x128xf32, #tpu.memory_space<hbm>> -> memref<128x64xf32, #tpu.memory_space<hbm>>
            %dma_start3A_144 = arith.constant 0 : i32
            %dma_start3A_145 = tpu.memref_slice %arg7[%add3A_138, %dma_start3A_144] : memref<323584x128xf32, #tpu.memory_space<hbm>> -> memref<128x64xf32, #tpu.memory_space<hbm>>
            tpu.enqueue_dma source(%arg12 : memref<128x64xf32, #tpu.memory_space<vmem>>) target(%dma_start3A_145 : memref<128x64xf32, #tpu.memory_space<hbm>>) target_semaphore(%run_scoped3A : memref<!tpu.dma_semaphore, #tpu.memory_space<semaphore_mem>>)
            %dma_wait3A_146 = arith.constant 0 : i32
            %dma_wait3A_147 = tpu.memref_slice %arg7[%add3A_138, %dma_wait3A_146] : memref<323584x128xf32, #tpu.memory_space<hbm>> -> memref<128x64xf32, #tpu.memory_space<hbm>>
            %dma_wait3A_148 = arith.constant 0 : i32
            %dma_wait3A_149 = tpu.memref_slice %arg7[%add3A_138, %dma_wait3A_148] : memref<323584x128xf32, #tpu.memory_space<hbm>> -> memref<128x64xf32, #tpu.memory_space<hbm>>
            tpu.wait_dma2 semaphore(%run_scoped3A : memref<!tpu.dma_semaphore, #tpu.memory_space<semaphore_mem>>) src(%arg12 : memref<128x64xf32, #tpu.memory_space<vmem>>) dst(%dma_wait3A_149 : memref<128x64xf32, #tpu.memory_space<hbm>>)
            tpu.yield
          }) : () -> ()
          %mul3A_139 = arith.constant 128 : i32
          %mul3A_140 = arith.muli %add3A_98, %mul3A_139 : i32
          %add3A_141 = arith.addi %mul3A_7, %mul3A_140 : i32
          "tpu.region"() ({
            %run_scoped3A = tpu.sem_alloc : memref<!tpu.dma_semaphore, #tpu.memory_space<semaphore_mem>>
            %dma_start3A_142 = arith.constant 64 : i32
            %dma_start3A_143 = tpu.memref_slice %arg7[%add3A_141, %dma_start3A_142] : memref<323584x128xf32, #tpu.memory_space<hbm>> -> memref<128x64xf32, #tpu.memory_space<hbm>>
            %dma_start3A_144 = arith.constant 64 : i32
            %dma_start3A_145 = tpu.memref_slice %arg7[%add3A_141, %dma_start3A_144] : memref<323584x128xf32, #tpu.memory_space<hbm>> -> memref<128x64xf32, #tpu.memory_space<hbm>>
            tpu.enqueue_dma source(%arg16 : memref<128x64xf32, #tpu.memory_space<vmem>>) target(%dma_start3A_145 : memref<128x64xf32, #tpu.memory_space<hbm>>) target_semaphore(%run_scoped3A : memref<!tpu.dma_semaphore, #tpu.memory_space<semaphore_mem>>)
            %dma_wait3A_146 = arith.constant 64 : i32
            %dma_wait3A_147 = tpu.memref_slice %arg7[%add3A_141, %dma_wait3A_146] : memref<323584x128xf32, #tpu.memory_space<hbm>> -> memref<128x64xf32, #tpu.memory_space<hbm>>
            %dma_wait3A_148 = arith.constant 64 : i32
            %dma_wait3A_149 = tpu.memref_slice %arg7[%add3A_141, %dma_wait3A_148] : memref<323584x128xf32, #tpu.memory_space<hbm>> -> memref<128x64xf32, #tpu.memory_space<hbm>>
            tpu.wait_dma2 semaphore(%run_scoped3A : memref<!tpu.dma_semaphore, #tpu.memory_space<semaphore_mem>>) src(%arg16 : memref<128x64xf32, #tpu.memory_space<vmem>>) dst(%dma_wait3A_149 : memref<128x64xf32, #tpu.memory_space<hbm>>)
            tpu.yield
          }) : () -> ()
        } else {
        }
        %add3A_104 = arith.constant 4 : i32
        %add3A_105 = arith.addi %add3A_98, %add3A_104 : i32
        %lt3A_106 = arith.constant 100 : i32
        %lt3A_107 = arith.cmpi slt, %add3A_105, %lt3A_106 : i32
        %convert_element_type3A_108 = arith.extui %lt3A_107 : i1 to i32
        %cond3A_109 = arith.constant 0 : i32
        %cond3A_110 = arith.cmpi ne, %convert_element_type3A_108, %cond3A_109 : i32
        scf.if %cond3A_110 {
          %dma_start3A_125 = arith.constant 0 : i32
          %dma_start3A_126 = tpu.memref_slice %arg8[%add3A_105, %dma_start3A_125] : memref<100x128xi32, #tpu.memory_space<vmem>> -> memref<1x128xi32, #tpu.memory_space<vmem>>
          %dma_start3A_127 = tpu.memref_squeeze %dma_start3A_126 : memref<1x128xi32, #tpu.memory_space<vmem>> -> memref<128xi32, #tpu.memory_space<vmem>>
          %dma_start3A_128 = arith.constant 0 : i32
          %dma_start3A_129 = arith.constant 0 : i32
          %dma_start3A_130 = tpu.memref_slice %arg2[%dma_start3A_128, %dma_start3A_129] : memref<10240x64xf32, #tpu.memory_space<hbm>> -> memref<10240x64xf32, #tpu.memory_space<hbm>>
          tpu.enqueue_indirect_dma source(%dma_start3A_130 : memref<10240x64xf32, #tpu.memory_space<hbm>>) target(%arg12 : memref<128x64xf32, #tpu.memory_space<vmem>>) offsets(%dma_start3A_127 : memref<128xi32, #tpu.memory_space<vmem>>) semaphore(%arg20 : memref<!tpu.dma_semaphore, #tpu.memory_space<semaphore_mem>>)
          %dma_start3A_131 = arith.constant 0 : i32
          %dma_start3A_132 = tpu.memref_slice %arg9[%add3A_105, %dma_start3A_131] : memref<100x128xi32, #tpu.memory_space<vmem>> -> memref<1x128xi32, #tpu.memory_space<vmem>>
          %dma_start3A_133 = tpu.memref_squeeze %dma_start3A_132 : memref<1x128xi32, #tpu.memory_space<vmem>> -> memref<128xi32, #tpu.memory_space<vmem>>
          %dma_start3A_134 = arith.constant 0 : i32
          %dma_start3A_135 = arith.constant 0 : i32
          %dma_start3A_136 = tpu.memref_slice %arg2[%dma_start3A_134, %dma_start3A_135] : memref<10240x64xf32, #tpu.memory_space<hbm>> -> memref<10240x64xf32, #tpu.memory_space<hbm>>
          tpu.enqueue_indirect_dma source(%dma_start3A_136 : memref<10240x64xf32, #tpu.memory_space<hbm>>) target(%arg16 : memref<128x64xf32, #tpu.memory_space<vmem>>) offsets(%dma_start3A_133 : memref<128xi32, #tpu.memory_space<vmem>>) semaphore(%arg24 : memref<!tpu.dma_semaphore, #tpu.memory_space<semaphore_mem>>)
        } else {
        }
        %add3A_111 = arith.constant 3 : i32
        %add3A_112 = arith.addi %mul3A_70, %add3A_111 : i32
        %lt3A_113 = arith.constant 100 : i32
        %lt3A_114 = arith.cmpi slt, %add3A_112, %lt3A_113 : i32
        %convert_element_type3A_115 = arith.extui %lt3A_114 : i1 to i32
        %cond3A_116 = arith.constant 0 : i32
        %cond3A_117 = arith.cmpi ne, %convert_element_type3A_115, %cond3A_116 : i32
        scf.if %cond3A_117 {
          %dma_wait3A = arith.constant 0 : i32
          %dma_wait3A_125 = tpu.memref_slice %arg8[%add3A_112, %dma_wait3A] : memref<100x128xi32, #tpu.memory_space<vmem>> -> memref<1x128xi32, #tpu.memory_space<vmem>>
          %dma_wait3A_126 = tpu.memref_squeeze %dma_wait3A_125 : memref<1x128xi32, #tpu.memory_space<vmem>> -> memref<128xi32, #tpu.memory_space<vmem>>
          %dma_wait3A_127 = arith.constant 0 : i32
          %dma_wait3A_128 = arith.constant 0 : i32
          %dma_wait3A_129 = tpu.memref_slice %arg2[%dma_wait3A_127, %dma_wait3A_128] : memref<10240x64xf32, #tpu.memory_space<hbm>> -> memref<10240x64xf32, #tpu.memory_space<hbm>>
          tpu.wait_indirect_dma semaphore(%arg21 : memref<!tpu.dma_semaphore, #tpu.memory_space<semaphore_mem>>) src(%dma_wait3A_129 : memref<10240x64xf32, #tpu.memory_space<hbm>>) dst(%arg13 : memref<128x64xf32, #tpu.memory_space<vmem>>)
          %dma_wait3A_130 = arith.constant 0 : i32
          %dma_wait3A_131 = tpu.memref_slice %arg9[%add3A_112, %dma_wait3A_130] : memref<100x128xi32, #tpu.memory_space<vmem>> -> memref<1x128xi32, #tpu.memory_space<vmem>>
          %dma_wait3A_132 = tpu.memref_squeeze %dma_wait3A_131 : memref<1x128xi32, #tpu.memory_space<vmem>> -> memref<128xi32, #tpu.memory_space<vmem>>
          %dma_wait3A_133 = arith.constant 0 : i32
          %dma_wait3A_134 = arith.constant 0 : i32
          %dma_wait3A_135 = tpu.memref_slice %arg2[%dma_wait3A_133, %dma_wait3A_134] : memref<10240x64xf32, #tpu.memory_space<hbm>> -> memref<10240x64xf32, #tpu.memory_space<hbm>>
          tpu.wait_indirect_dma semaphore(%arg25 : memref<!tpu.dma_semaphore, #tpu.memory_space<semaphore_mem>>) src(%dma_wait3A_135 : memref<10240x64xf32, #tpu.memory_space<hbm>>) dst(%arg17 : memref<128x64xf32, #tpu.memory_space<vmem>>)
          %mul3A_136 = arith.constant 128 : i32
          %mul3A_137 = arith.muli %add3A_112, %mul3A_136 : i32
          %add3A_138 = arith.addi %mul3A_7, %mul3A_137 : i32
          "tpu.region"() ({
            %run_scoped3A = tpu.sem_alloc : memref<!tpu.dma_semaphore, #tpu.memory_space<semaphore_mem>>
            %dma_start3A_142 = arith.constant 0 : i32
            %dma_start3A_143 = tpu.memref_slice %arg7[%add3A_138, %dma_start3A_142] : memref<323584x128xf32, #tpu.memory_space<hbm>> -> memref<128x64xf32, #tpu.memory_space<hbm>>
            %dma_start3A_144 = arith.constant 0 : i32
            %dma_start3A_145 = tpu.memref_slice %arg7[%add3A_138, %dma_start3A_144] : memref<323584x128xf32, #tpu.memory_space<hbm>> -> memref<128x64xf32, #tpu.memory_space<hbm>>
            tpu.enqueue_dma source(%arg13 : memref<128x64xf32, #tpu.memory_space<vmem>>) target(%dma_start3A_145 : memref<128x64xf32, #tpu.memory_space<hbm>>) target_semaphore(%run_scoped3A : memref<!tpu.dma_semaphore, #tpu.memory_space<semaphore_mem>>)
            %dma_wait3A_146 = arith.constant 0 : i32
            %dma_wait3A_147 = tpu.memref_slice %arg7[%add3A_138, %dma_wait3A_146] : memref<323584x128xf32, #tpu.memory_space<hbm>> -> memref<128x64xf32, #tpu.memory_space<hbm>>
            %dma_wait3A_148 = arith.constant 0 : i32
            %dma_wait3A_149 = tpu.memref_slice %arg7[%add3A_138, %dma_wait3A_148] : memref<323584x128xf32, #tpu.memory_space<hbm>> -> memref<128x64xf32, #tpu.memory_space<hbm>>
            tpu.wait_dma2 semaphore(%run_scoped3A : memref<!tpu.dma_semaphore, #tpu.memory_space<semaphore_mem>>) src(%arg13 : memref<128x64xf32, #tpu.memory_space<vmem>>) dst(%dma_wait3A_149 : memref<128x64xf32, #tpu.memory_space<hbm>>)
            tpu.yield
          }) : () -> ()
          %mul3A_139 = arith.constant 128 : i32
          %mul3A_140 = arith.muli %add3A_112, %mul3A_139 : i32
          %add3A_141 = arith.addi %mul3A_7, %mul3A_140 : i32
          "tpu.region"() ({
            %run_scoped3A = tpu.sem_alloc : memref<!tpu.dma_semaphore, #tpu.memory_space<semaphore_mem>>
            %dma_start3A_142 = arith.constant 64 : i32
            %dma_start3A_143 = tpu.memref_slice %arg7[%add3A_141, %dma_start3A_142] : memref<323584x128xf32, #tpu.memory_space<hbm>> -> memref<128x64xf32, #tpu.memory_space<hbm>>
            %dma_start3A_144 = arith.constant 64 : i32
            %dma_start3A_145 = tpu.memref_slice %arg7[%add3A_141, %dma_start3A_144] : memref<323584x128xf32, #tpu.memory_space<hbm>> -> memref<128x64xf32, #tpu.memory_space<hbm>>
            tpu.enqueue_dma source(%arg17 : memref<128x64xf32, #tpu.memory_space<vmem>>) target(%dma_start3A_145 : memref<128x64xf32, #tpu.memory_space<hbm>>) target_semaphore(%run_scoped3A : memref<!tpu.dma_semaphore, #tpu.memory_space<semaphore_mem>>)
            %dma_wait3A_146 = arith.constant 64 : i32
            %dma_wait3A_147 = tpu.memref_slice %arg7[%add3A_141, %dma_wait3A_146] : memref<323584x128xf32, #tpu.memory_space<hbm>> -> memref<128x64xf32, #tpu.memory_space<hbm>>
            %dma_wait3A_148 = arith.constant 64 : i32
            %dma_wait3A_149 = tpu.memref_slice %arg7[%add3A_141, %dma_wait3A_148] : memref<323584x128xf32, #tpu.memory_space<hbm>> -> memref<128x64xf32, #tpu.memory_space<hbm>>
            tpu.wait_dma2 semaphore(%run_scoped3A : memref<!tpu.dma_semaphore, #tpu.memory_space<semaphore_mem>>) src(%arg17 : memref<128x64xf32, #tpu.memory_space<vmem>>) dst(%dma_wait3A_149 : memref<128x64xf32, #tpu.memory_space<hbm>>)
            tpu.yield
          }) : () -> ()
        } else {
        }
        %add3A_118 = arith.constant 4 : i32
        %add3A_119 = arith.addi %add3A_112, %add3A_118 : i32
        %lt3A_120 = arith.constant 100 : i32
        %lt3A_121 = arith.cmpi slt, %add3A_119, %lt3A_120 : i32
        %convert_element_type3A_122 = arith.extui %lt3A_121 : i1 to i32
        %cond3A_123 = arith.constant 0 : i32
        %cond3A_124 = arith.cmpi ne, %convert_element_type3A_122, %cond3A_123 : i32
        scf.if %cond3A_124 {
          %dma_start3A_125 = arith.constant 0 : i32
          %dma_start3A_126 = tpu.memref_slice %arg8[%add3A_119, %dma_start3A_125] : memref<100x128xi32, #tpu.memory_space<vmem>> -> memref<1x128xi32, #tpu.memory_space<vmem>>
          %dma_start3A_127 = tpu.memref_squeeze %dma_start3A_126 : memref<1x128xi32, #tpu.memory_space<vmem>> -> memref<128xi32, #tpu.memory_space<vmem>>
          %dma_start3A_128 = arith.constant 0 : i32
          %dma_start3A_129 = arith.constant 0 : i32
          %dma_start3A_130 = tpu.memref_slice %arg2[%dma_start3A_128, %dma_start3A_129] : memref<10240x64xf32, #tpu.memory_space<hbm>> -> memref<10240x64xf32, #tpu.memory_space<hbm>>
          tpu.enqueue_indirect_dma source(%dma_start3A_130 : memref<10240x64xf32, #tpu.memory_space<hbm>>) target(%arg13 : memref<128x64xf32, #tpu.memory_space<vmem>>) offsets(%dma_start3A_127 : memref<128xi32, #tpu.memory_space<vmem>>) semaphore(%arg21 : memref<!tpu.dma_semaphore, #tpu.memory_space<semaphore_mem>>)
          %dma_start3A_131 = arith.constant 0 : i32
          %dma_start3A_132 = tpu.memref_slice %arg9[%add3A_119, %dma_start3A_131] : memref<100x128xi32, #tpu.memory_space<vmem>> -> memref<1x128xi32, #tpu.memory_space<vmem>>
          %dma_start3A_133 = tpu.memref_squeeze %dma_start3A_132 : memref<1x128xi32, #tpu.memory_space<vmem>> -> memref<128xi32, #tpu.memory_space<vmem>>
          %dma_start3A_134 = arith.constant 0 : i32
          %dma_start3A_135 = arith.constant 0 : i32
          %dma_start3A_136 = tpu.memref_slice %arg2[%dma_start3A_134, %dma_start3A_135] : memref<10240x64xf32, #tpu.memory_space<hbm>> -> memref<10240x64xf32, #tpu.memory_space<hbm>>
          tpu.enqueue_indirect_dma source(%dma_start3A_136 : memref<10240x64xf32, #tpu.memory_space<hbm>>) target(%arg17 : memref<128x64xf32, #tpu.memory_space<vmem>>) offsets(%dma_start3A_133 : memref<128xi32, #tpu.memory_space<vmem>>) semaphore(%arg25 : memref<!tpu.dma_semaphore, #tpu.memory_space<semaphore_mem>>)
        } else {
        }
      }
      %scan3A_67 = arith.constant 25 : i32
    } else {
    }
    %eq3A_2 = arith.constant 1 : i32
    %eq3A_3 = arith.cmpi eq, %arg0, %eq3A_2 : i32
    %convert_element_type3A_4 = arith.extui %eq3A_3 : i1 to i32
    %cond3A_5 = arith.constant 0 : i32
    %cond3A_6 = arith.cmpi ne, %convert_element_type3A_4, %cond3A_5 : i32
    scf.if %cond3A_6 {
      %mul3A = arith.constant 7424 : i32
      %mul3A_7 = arith.muli %arg1, %mul3A : i32
      %add3A = arith.constant 204800 : i32
      %add3A_8 = arith.addi %add3A, %mul3A_7 : i32
      "tpu.region"() ({
        %run_scoped3A = tpu.sem_alloc : memref<!tpu.dma_semaphore, #tpu.memory_space<semaphore_mem>>
        %dma_start3A_69 = arith.constant 0 : i32
        %dma_start3A_70 = arith.constant 0 : i32
        %dma_start3A_71 = tpu.memref_slice %arg8[%dma_start3A_69, %dma_start3A_70] : memref<100x128xi32, #tpu.memory_space<vmem>> -> memref<58x128xi32, #tpu.memory_space<vmem>>
        %dma_start3A_72 = arith.constant 0 : i32
        %dma_start3A_73 = arith.constant 0 : i32
        %dma_start3A_74 = tpu.memref_slice %arg5[%arg1, %dma_start3A_72, %dma_start3A_73] : memref<16x58x128xi32, #tpu.memory_space<hbm>> -> memref<1x58x128xi32, #tpu.memory_space<hbm>>
        %dma_start3A_75 = tpu.memref_squeeze %dma_start3A_74 : memref<1x58x128xi32, #tpu.memory_space<hbm>> -> memref<58x128xi32, #tpu.memory_space<hbm>>
        %dma_start3A_76 = arith.constant 0 : i32
        %dma_start3A_77 = arith.constant 0 : i32
        %dma_start3A_78 = tpu.memref_slice %arg8[%dma_start3A_76, %dma_start3A_77] : memref<100x128xi32, #tpu.memory_space<vmem>> -> memref<58x128xi32, #tpu.memory_space<vmem>>
        %dma_start3A_79 = arith.constant 0 : i32
        %dma_start3A_80 = arith.constant 0 : i32
        %dma_start3A_81 = tpu.memref_slice %arg5[%arg1, %dma_start3A_79, %dma_start3A_80] : memref<16x58x128xi32, #tpu.memory_space<hbm>> -> memref<1x58x128xi32, #tpu.memory_space<hbm>>
        %dma_start3A_82 = tpu.memref_squeeze %dma_start3A_81 : memref<1x58x128xi32, #tpu.memory_space<hbm>> -> memref<58x128xi32, #tpu.memory_space<hbm>>
        tpu.enqueue_dma source(%dma_start3A_82 : memref<58x128xi32, #tpu.memory_space<hbm>>) target(%dma_start3A_78 : memref<58x128xi32, #tpu.memory_space<vmem>>) target_semaphore(%run_scoped3A : memref<!tpu.dma_semaphore, #tpu.memory_space<semaphore_mem>>)
        %dma_wait3A = arith.constant 0 : i32
        %dma_wait3A_83 = arith.constant 0 : i32
        %dma_wait3A_84 = tpu.memref_slice %arg8[%dma_wait3A, %dma_wait3A_83] : memref<100x128xi32, #tpu.memory_space<vmem>> -> memref<58x128xi32, #tpu.memory_space<vmem>>
        %dma_wait3A_85 = arith.constant 0 : i32
        %dma_wait3A_86 = arith.constant 0 : i32
        %dma_wait3A_87 = tpu.memref_slice %arg5[%arg1, %dma_wait3A_85, %dma_wait3A_86] : memref<16x58x128xi32, #tpu.memory_space<hbm>> -> memref<1x58x128xi32, #tpu.memory_space<hbm>>
        %dma_wait3A_88 = tpu.memref_squeeze %dma_wait3A_87 : memref<1x58x128xi32, #tpu.memory_space<hbm>> -> memref<58x128xi32, #tpu.memory_space<hbm>>
        %dma_wait3A_89 = arith.constant 0 : i32
        %dma_wait3A_90 = arith.constant 0 : i32
        %dma_wait3A_91 = tpu.memref_slice %arg8[%dma_wait3A_89, %dma_wait3A_90] : memref<100x128xi32, #tpu.memory_space<vmem>> -> memref<58x128xi32, #tpu.memory_space<vmem>>
        %dma_wait3A_92 = arith.constant 0 : i32
        %dma_wait3A_93 = arith.constant 0 : i32
        %dma_wait3A_94 = tpu.memref_slice %arg5[%arg1, %dma_wait3A_92, %dma_wait3A_93] : memref<16x58x128xi32, #tpu.memory_space<hbm>> -> memref<1x58x128xi32, #tpu.memory_space<hbm>>
        %dma_wait3A_95 = tpu.memref_squeeze %dma_wait3A_94 : memref<1x58x128xi32, #tpu.memory_space<hbm>> -> memref<58x128xi32, #tpu.memory_space<hbm>>
        tpu.wait_dma2 semaphore(%run_scoped3A : memref<!tpu.dma_semaphore, #tpu.memory_space<semaphore_mem>>) src(%dma_wait3A_95 : memref<58x128xi32, #tpu.memory_space<hbm>>) dst(%dma_wait3A_91 : memref<58x128xi32, #tpu.memory_space<vmem>>)
        tpu.yield
      }) : () -> ()
      "tpu.region"() ({
        %run_scoped3A = tpu.sem_alloc : memref<!tpu.dma_semaphore, #tpu.memory_space<semaphore_mem>>
        %dma_start3A_69 = arith.constant 0 : i32
        %dma_start3A_70 = arith.constant 0 : i32
        %dma_start3A_71 = tpu.memref_slice %arg9[%dma_start3A_69, %dma_start3A_70] : memref<100x128xi32, #tpu.memory_space<vmem>> -> memref<58x128xi32, #tpu.memory_space<vmem>>
        %dma_start3A_72 = arith.constant 0 : i32
        %dma_start3A_73 = arith.constant 0 : i32
        %dma_start3A_74 = tpu.memref_slice %arg6[%arg1, %dma_start3A_72, %dma_start3A_73] : memref<16x58x128xi32, #tpu.memory_space<hbm>> -> memref<1x58x128xi32, #tpu.memory_space<hbm>>
        %dma_start3A_75 = tpu.memref_squeeze %dma_start3A_74 : memref<1x58x128xi32, #tpu.memory_space<hbm>> -> memref<58x128xi32, #tpu.memory_space<hbm>>
        %dma_start3A_76 = arith.constant 0 : i32
        %dma_start3A_77 = arith.constant 0 : i32
        %dma_start3A_78 = tpu.memref_slice %arg9[%dma_start3A_76, %dma_start3A_77] : memref<100x128xi32, #tpu.memory_space<vmem>> -> memref<58x128xi32, #tpu.memory_space<vmem>>
        %dma_start3A_79 = arith.constant 0 : i32
        %dma_start3A_80 = arith.constant 0 : i32
        %dma_start3A_81 = tpu.memref_slice %arg6[%arg1, %dma_start3A_79, %dma_start3A_80] : memref<16x58x128xi32, #tpu.memory_space<hbm>> -> memref<1x58x128xi32, #tpu.memory_space<hbm>>
        %dma_start3A_82 = tpu.memref_squeeze %dma_start3A_81 : memref<1x58x128xi32, #tpu.memory_space<hbm>> -> memref<58x128xi32, #tpu.memory_space<hbm>>
        tpu.enqueue_dma source(%dma_start3A_82 : memref<58x128xi32, #tpu.memory_space<hbm>>) target(%dma_start3A_78 : memref<58x128xi32, #tpu.memory_space<vmem>>) target_semaphore(%run_scoped3A : memref<!tpu.dma_semaphore, #tpu.memory_space<semaphore_mem>>)
        %dma_wait3A = arith.constant 0 : i32
        %dma_wait3A_83 = arith.constant 0 : i32
        %dma_wait3A_84 = tpu.memref_slice %arg9[%dma_wait3A, %dma_wait3A_83] : memref<100x128xi32, #tpu.memory_space<vmem>> -> memref<58x128xi32, #tpu.memory_space<vmem>>
        %dma_wait3A_85 = arith.constant 0 : i32
        %dma_wait3A_86 = arith.constant 0 : i32
        %dma_wait3A_87 = tpu.memref_slice %arg6[%arg1, %dma_wait3A_85, %dma_wait3A_86] : memref<16x58x128xi32, #tpu.memory_space<hbm>> -> memref<1x58x128xi32, #tpu.memory_space<hbm>>
        %dma_wait3A_88 = tpu.memref_squeeze %dma_wait3A_87 : memref<1x58x128xi32, #tpu.memory_space<hbm>> -> memref<58x128xi32, #tpu.memory_space<hbm>>
        %dma_wait3A_89 = arith.constant 0 : i32
        %dma_wait3A_90 = arith.constant 0 : i32
        %dma_wait3A_91 = tpu.memref_slice %arg9[%dma_wait3A_89, %dma_wait3A_90] : memref<100x128xi32, #tpu.memory_space<vmem>> -> memref<58x128xi32, #tpu.memory_space<vmem>>
        %dma_wait3A_92 = arith.constant 0 : i32
        %dma_wait3A_93 = arith.constant 0 : i32
        %dma_wait3A_94 = tpu.memref_slice %arg6[%arg1, %dma_wait3A_92, %dma_wait3A_93] : memref<16x58x128xi32, #tpu.memory_space<hbm>> -> memref<1x58x128xi32, #tpu.memory_space<hbm>>
        %dma_wait3A_95 = tpu.memref_squeeze %dma_wait3A_94 : memref<1x58x128xi32, #tpu.memory_space<hbm>> -> memref<58x128xi32, #tpu.memory_space<hbm>>
        tpu.wait_dma2 semaphore(%run_scoped3A : memref<!tpu.dma_semaphore, #tpu.memory_space<semaphore_mem>>) src(%dma_wait3A_95 : memref<58x128xi32, #tpu.memory_space<hbm>>) dst(%dma_wait3A_91 : memref<58x128xi32, #tpu.memory_space<vmem>>)
        tpu.yield
      }) : () -> ()
      %dma_start3A = arith.constant 0 : i32
      %dma_start3A_9 = arith.constant 0 : i32
      %dma_start3A_10 = tpu.memref_slice %arg8[%dma_start3A, %dma_start3A_9] : memref<100x128xi32, #tpu.memory_space<vmem>> -> memref<1x128xi32, #tpu.memory_space<vmem>>
      %dma_start3A_11 = tpu.memref_squeeze %dma_start3A_10 : memref<1x128xi32, #tpu.memory_space<vmem>> -> memref<128xi32, #tpu.memory_space<vmem>>
      %dma_start3A_12 = arith.constant 0 : i32
      %dma_start3A_13 = arith.constant 0 : i32
      %dma_start3A_14 = tpu.memref_slice %arg2[%dma_start3A_12, %dma_start3A_13] : memref<10240x64xf32, #tpu.memory_space<hbm>> -> memref<10240x64xf32, #tpu.memory_space<hbm>>
      tpu.enqueue_indirect_dma source(%dma_start3A_14 : memref<10240x64xf32, #tpu.memory_space<hbm>>) target(%arg10 : memref<128x64xf32, #tpu.memory_space<vmem>>) offsets(%dma_start3A_11 : memref<128xi32, #tpu.memory_space<vmem>>) semaphore(%arg18 : memref<!tpu.dma_semaphore, #tpu.memory_space<semaphore_mem>>)
      %dma_start3A_15 = arith.constant 0 : i32
      %dma_start3A_16 = arith.constant 0 : i32
      %dma_start3A_17 = tpu.memref_slice %arg9[%dma_start3A_15, %dma_start3A_16] : memref<100x128xi32, #tpu.memory_space<vmem>> -> memref<1x128xi32, #tpu.memory_space<vmem>>
      %dma_start3A_18 = tpu.memref_squeeze %dma_start3A_17 : memref<1x128xi32, #tpu.memory_space<vmem>> -> memref<128xi32, #tpu.memory_space<vmem>>
      %dma_start3A_19 = arith.constant 0 : i32
      %dma_start3A_20 = arith.constant 0 : i32
      %dma_start3A_21 = tpu.memref_slice %arg2[%dma_start3A_19, %dma_start3A_20] : memref<10240x64xf32, #tpu.memory_space<hbm>> -> memref<10240x64xf32, #tpu.memory_space<hbm>>
      tpu.enqueue_indirect_dma source(%dma_start3A_21 : memref<10240x64xf32, #tpu.memory_space<hbm>>) target(%arg14 : memref<128x64xf32, #tpu.memory_space<vmem>>) offsets(%dma_start3A_18 : memref<128xi32, #tpu.memory_space<vmem>>) semaphore(%arg22 : memref<!tpu.dma_semaphore, #tpu.memory_space<semaphore_mem>>)
      %dma_start3A_22 = arith.constant 1 : i32
      %dma_start3A_23 = arith.constant 0 : i32
      %dma_start3A_24 = tpu.memref_slice %arg8[%dma_start3A_22, %dma_start3A_23] : memref<100x128xi32, #tpu.memory_space<vmem>> -> memref<1x128xi32, #tpu.memory_space<vmem>>
      %dma_start3A_25 = tpu.memref_squeeze %dma_start3A_24 : memref<1x128xi32, #tpu.memory_space<vmem>> -> memref<128xi32, #tpu.memory_space<vmem>>
      %dma_start3A_26 = arith.constant 0 : i32
      %dma_start3A_27 = arith.constant 0 : i32
      %dma_start3A_28 = tpu.memref_slice %arg2[%dma_start3A_26, %dma_start3A_27] : memref<10240x64xf32, #tpu.memory_space<hbm>> -> memref<10240x64xf32, #tpu.memory_space<hbm>>
      tpu.enqueue_indirect_dma source(%dma_start3A_28 : memref<10240x64xf32, #tpu.memory_space<hbm>>) target(%arg11 : memref<128x64xf32, #tpu.memory_space<vmem>>) offsets(%dma_start3A_25 : memref<128xi32, #tpu.memory_space<vmem>>) semaphore(%arg19 : memref<!tpu.dma_semaphore, #tpu.memory_space<semaphore_mem>>)
      %dma_start3A_29 = arith.constant 1 : i32
      %dma_start3A_30 = arith.constant 0 : i32
      %dma_start3A_31 = tpu.memref_slice %arg9[%dma_start3A_29, %dma_start3A_30] : memref<100x128xi32, #tpu.memory_space<vmem>> -> memref<1x128xi32, #tpu.memory_space<vmem>>
      %dma_start3A_32 = tpu.memref_squeeze %dma_start3A_31 : memref<1x128xi32, #tpu.memory_space<vmem>> -> memref<128xi32, #tpu.memory_space<vmem>>
      %dma_start3A_33 = arith.constant 0 : i32
      %dma_start3A_34 = arith.constant 0 : i32
      %dma_start3A_35 = tpu.memref_slice %arg2[%dma_start3A_33, %dma_start3A_34] : memref<10240x64xf32, #tpu.memory_space<hbm>> -> memref<10240x64xf32, #tpu.memory_space<hbm>>
      tpu.enqueue_indirect_dma source(%dma_start3A_35 : memref<10240x64xf32, #tpu.memory_space<hbm>>) target(%arg15 : memref<128x64xf32, #tpu.memory_space<vmem>>) offsets(%dma_start3A_32 : memref<128xi32, #tpu.memory_space<vmem>>) semaphore(%arg23 : memref<!tpu.dma_semaphore, #tpu.memory_space<semaphore_mem>>)
      %dma_start3A_36 = arith.constant 2 : i32
      %dma_start3A_37 = arith.constant 0 : i32
      %dma_start3A_38 = tpu.memref_slice %arg8[%dma_start3A_36, %dma_start3A_37] : memref<100x128xi32, #tpu.memory_space<vmem>> -> memref<1x128xi32, #tpu.memory_space<vmem>>
      %dma_start3A_39 = tpu.memref_squeeze %dma_start3A_38 : memref<1x128xi32, #tpu.memory_space<vmem>> -> memref<128xi32, #tpu.memory_space<vmem>>
      %dma_start3A_40 = arith.constant 0 : i32
      %dma_start3A_41 = arith.constant 0 : i32
      %dma_start3A_42 = tpu.memref_slice %arg2[%dma_start3A_40, %dma_start3A_41] : memref<10240x64xf32, #tpu.memory_space<hbm>> -> memref<10240x64xf32, #tpu.memory_space<hbm>>
      tpu.enqueue_indirect_dma source(%dma_start3A_42 : memref<10240x64xf32, #tpu.memory_space<hbm>>) target(%arg12 : memref<128x64xf32, #tpu.memory_space<vmem>>) offsets(%dma_start3A_39 : memref<128xi32, #tpu.memory_space<vmem>>) semaphore(%arg20 : memref<!tpu.dma_semaphore, #tpu.memory_space<semaphore_mem>>)
      %dma_start3A_43 = arith.constant 2 : i32
      %dma_start3A_44 = arith.constant 0 : i32
      %dma_start3A_45 = tpu.memref_slice %arg9[%dma_start3A_43, %dma_start3A_44] : memref<100x128xi32, #tpu.memory_space<vmem>> -> memref<1x128xi32, #tpu.memory_space<vmem>>
      %dma_start3A_46 = tpu.memref_squeeze %dma_start3A_45 : memref<1x128xi32, #tpu.memory_space<vmem>> -> memref<128xi32, #tpu.memory_space<vmem>>
      %dma_start3A_47 = arith.constant 0 : i32
      %dma_start3A_48 = arith.constant 0 : i32
      %dma_start3A_49 = tpu.memref_slice %arg2[%dma_start3A_47, %dma_start3A_48] : memref<10240x64xf32, #tpu.memory_space<hbm>> -> memref<10240x64xf32, #tpu.memory_space<hbm>>
      tpu.enqueue_indirect_dma source(%dma_start3A_49 : memref<10240x64xf32, #tpu.memory_space<hbm>>) target(%arg16 : memref<128x64xf32, #tpu.memory_space<vmem>>) offsets(%dma_start3A_46 : memref<128xi32, #tpu.memory_space<vmem>>) semaphore(%arg24 : memref<!tpu.dma_semaphore, #tpu.memory_space<semaphore_mem>>)
      %dma_start3A_50 = arith.constant 3 : i32
      %dma_start3A_51 = arith.constant 0 : i32
      %dma_start3A_52 = tpu.memref_slice %arg8[%dma_start3A_50, %dma_start3A_51] : memref<100x128xi32, #tpu.memory_space<vmem>> -> memref<1x128xi32, #tpu.memory_space<vmem>>
      %dma_start3A_53 = tpu.memref_squeeze %dma_start3A_52 : memref<1x128xi32, #tpu.memory_space<vmem>> -> memref<128xi32, #tpu.memory_space<vmem>>
      %dma_start3A_54 = arith.constant 0 : i32
      %dma_start3A_55 = arith.constant 0 : i32
      %dma_start3A_56 = tpu.memref_slice %arg2[%dma_start3A_54, %dma_start3A_55] : memref<10240x64xf32, #tpu.memory_space<hbm>> -> memref<10240x64xf32, #tpu.memory_space<hbm>>
      tpu.enqueue_indirect_dma source(%dma_start3A_56 : memref<10240x64xf32, #tpu.memory_space<hbm>>) target(%arg13 : memref<128x64xf32, #tpu.memory_space<vmem>>) offsets(%dma_start3A_53 : memref<128xi32, #tpu.memory_space<vmem>>) semaphore(%arg21 : memref<!tpu.dma_semaphore, #tpu.memory_space<semaphore_mem>>)
      %dma_start3A_57 = arith.constant 3 : i32
      %dma_start3A_58 = arith.constant 0 : i32
      %dma_start3A_59 = tpu.memref_slice %arg9[%dma_start3A_57, %dma_start3A_58] : memref<100x128xi32, #tpu.memory_space<vmem>> -> memref<1x128xi32, #tpu.memory_space<vmem>>
      %dma_start3A_60 = tpu.memref_squeeze %dma_start3A_59 : memref<1x128xi32, #tpu.memory_space<vmem>> -> memref<128xi32, #tpu.memory_space<vmem>>
      %dma_start3A_61 = arith.constant 0 : i32
      %dma_start3A_62 = arith.constant 0 : i32
      %dma_start3A_63 = tpu.memref_slice %arg2[%dma_start3A_61, %dma_start3A_62] : memref<10240x64xf32, #tpu.memory_space<hbm>> -> memref<10240x64xf32, #tpu.memory_space<hbm>>
      tpu.enqueue_indirect_dma source(%dma_start3A_63 : memref<10240x64xf32, #tpu.memory_space<hbm>>) target(%arg17 : memref<128x64xf32, #tpu.memory_space<vmem>>) offsets(%dma_start3A_60 : memref<128xi32, #tpu.memory_space<vmem>>) semaphore(%arg25 : memref<!tpu.dma_semaphore, #tpu.memory_space<semaphore_mem>>)
      %scan3A = arith.constant 0 : i32
      %scan3A_64 = arith.constant 0 : i32
      %scan3A_65 = arith.constant 15 : i32
      %scan3A_66 = arith.addi %scan3A_64, %scan3A_65 : i32
      %scan3A_67 = arith.constant 1 : i32
      scf.for %scan3A_69 = %scan3A_64 to %scan3A_66 step %scan3A_67  : i32 {
        %mul3A_70 = arith.constant 4 : i32
        %mul3A_71 = arith.muli %scan3A_69, %mul3A_70 : i32
        %add3A_72 = arith.constant 0 : i32
        %add3A_73 = arith.addi %mul3A_71, %add3A_72 : i32
        %lt3A = arith.constant 58 : i32
        %lt3A_74 = arith.cmpi slt, %add3A_73, %lt3A : i32
        %convert_element_type3A_75 = arith.extui %lt3A_74 : i1 to i32
        %cond3A_76 = arith.constant 0 : i32
        %cond3A_77 = arith.cmpi ne, %convert_element_type3A_75, %cond3A_76 : i32
        scf.if %cond3A_77 {
          %dma_wait3A = arith.constant 0 : i32
          %dma_wait3A_127 = tpu.memref_slice %arg8[%add3A_73, %dma_wait3A] : memref<100x128xi32, #tpu.memory_space<vmem>> -> memref<1x128xi32, #tpu.memory_space<vmem>>
          %dma_wait3A_128 = tpu.memref_squeeze %dma_wait3A_127 : memref<1x128xi32, #tpu.memory_space<vmem>> -> memref<128xi32, #tpu.memory_space<vmem>>
          %dma_wait3A_129 = arith.constant 0 : i32
          %dma_wait3A_130 = arith.constant 0 : i32
          %dma_wait3A_131 = tpu.memref_slice %arg2[%dma_wait3A_129, %dma_wait3A_130] : memref<10240x64xf32, #tpu.memory_space<hbm>> -> memref<10240x64xf32, #tpu.memory_space<hbm>>
          tpu.wait_indirect_dma semaphore(%arg18 : memref<!tpu.dma_semaphore, #tpu.memory_space<semaphore_mem>>) src(%dma_wait3A_131 : memref<10240x64xf32, #tpu.memory_space<hbm>>) dst(%arg10 : memref<128x64xf32, #tpu.memory_space<vmem>>)
          %dma_wait3A_132 = arith.constant 0 : i32
          %dma_wait3A_133 = tpu.memref_slice %arg9[%add3A_73, %dma_wait3A_132] : memref<100x128xi32, #tpu.memory_space<vmem>> -> memref<1x128xi32, #tpu.memory_space<vmem>>
          %dma_wait3A_134 = tpu.memref_squeeze %dma_wait3A_133 : memref<1x128xi32, #tpu.memory_space<vmem>> -> memref<128xi32, #tpu.memory_space<vmem>>
          %dma_wait3A_135 = arith.constant 0 : i32
          %dma_wait3A_136 = arith.constant 0 : i32
          %dma_wait3A_137 = tpu.memref_slice %arg2[%dma_wait3A_135, %dma_wait3A_136] : memref<10240x64xf32, #tpu.memory_space<hbm>> -> memref<10240x64xf32, #tpu.memory_space<hbm>>
          tpu.wait_indirect_dma semaphore(%arg22 : memref<!tpu.dma_semaphore, #tpu.memory_space<semaphore_mem>>) src(%dma_wait3A_137 : memref<10240x64xf32, #tpu.memory_space<hbm>>) dst(%arg14 : memref<128x64xf32, #tpu.memory_space<vmem>>)
          %mul3A_138 = arith.constant 128 : i32
          %mul3A_139 = arith.muli %add3A_73, %mul3A_138 : i32
          %add3A_140 = arith.addi %add3A_8, %mul3A_139 : i32
          "tpu.region"() ({
            %run_scoped3A = tpu.sem_alloc : memref<!tpu.dma_semaphore, #tpu.memory_space<semaphore_mem>>
            %dma_start3A_144 = arith.constant 0 : i32
            %dma_start3A_145 = tpu.memref_slice %arg7[%add3A_140, %dma_start3A_144] : memref<323584x128xf32, #tpu.memory_space<hbm>> -> memref<128x64xf32, #tpu.memory_space<hbm>>
            %dma_start3A_146 = arith.constant 0 : i32
            %dma_start3A_147 = tpu.memref_slice %arg7[%add3A_140, %dma_start3A_146] : memref<323584x128xf32, #tpu.memory_space<hbm>> -> memref<128x64xf32, #tpu.memory_space<hbm>>
            tpu.enqueue_dma source(%arg10 : memref<128x64xf32, #tpu.memory_space<vmem>>) target(%dma_start3A_147 : memref<128x64xf32, #tpu.memory_space<hbm>>) target_semaphore(%run_scoped3A : memref<!tpu.dma_semaphore, #tpu.memory_space<semaphore_mem>>)
            %dma_wait3A_148 = arith.constant 0 : i32
            %dma_wait3A_149 = tpu.memref_slice %arg7[%add3A_140, %dma_wait3A_148] : memref<323584x128xf32, #tpu.memory_space<hbm>> -> memref<128x64xf32, #tpu.memory_space<hbm>>
            %dma_wait3A_150 = arith.constant 0 : i32
            %dma_wait3A_151 = tpu.memref_slice %arg7[%add3A_140, %dma_wait3A_150] : memref<323584x128xf32, #tpu.memory_space<hbm>> -> memref<128x64xf32, #tpu.memory_space<hbm>>
            tpu.wait_dma2 semaphore(%run_scoped3A : memref<!tpu.dma_semaphore, #tpu.memory_space<semaphore_mem>>) src(%arg10 : memref<128x64xf32, #tpu.memory_space<vmem>>) dst(%dma_wait3A_151 : memref<128x64xf32, #tpu.memory_space<hbm>>)
            tpu.yield
          }) : () -> ()
          %mul3A_141 = arith.constant 128 : i32
          %mul3A_142 = arith.muli %add3A_73, %mul3A_141 : i32
          %add3A_143 = arith.addi %add3A_8, %mul3A_142 : i32
          "tpu.region"() ({
            %run_scoped3A = tpu.sem_alloc : memref<!tpu.dma_semaphore, #tpu.memory_space<semaphore_mem>>
            %dma_start3A_144 = arith.constant 64 : i32
            %dma_start3A_145 = tpu.memref_slice %arg7[%add3A_143, %dma_start3A_144] : memref<323584x128xf32, #tpu.memory_space<hbm>> -> memref<128x64xf32, #tpu.memory_space<hbm>>
            %dma_start3A_146 = arith.constant 64 : i32
            %dma_start3A_147 = tpu.memref_slice %arg7[%add3A_143, %dma_start3A_146] : memref<323584x128xf32, #tpu.memory_space<hbm>> -> memref<128x64xf32, #tpu.memory_space<hbm>>
            tpu.enqueue_dma source(%arg14 : memref<128x64xf32, #tpu.memory_space<vmem>>) target(%dma_start3A_147 : memref<128x64xf32, #tpu.memory_space<hbm>>) target_semaphore(%run_scoped3A : memref<!tpu.dma_semaphore, #tpu.memory_space<semaphore_mem>>)
            %dma_wait3A_148 = arith.constant 64 : i32
            %dma_wait3A_149 = tpu.memref_slice %arg7[%add3A_143, %dma_wait3A_148] : memref<323584x128xf32, #tpu.memory_space<hbm>> -> memref<128x64xf32, #tpu.memory_space<hbm>>
            %dma_wait3A_150 = arith.constant 64 : i32
            %dma_wait3A_151 = tpu.memref_slice %arg7[%add3A_143, %dma_wait3A_150] : memref<323584x128xf32, #tpu.memory_space<hbm>> -> memref<128x64xf32, #tpu.memory_space<hbm>>
            tpu.wait_dma2 semaphore(%run_scoped3A : memref<!tpu.dma_semaphore, #tpu.memory_space<semaphore_mem>>) src(%arg14 : memref<128x64xf32, #tpu.memory_space<vmem>>) dst(%dma_wait3A_151 : memref<128x64xf32, #tpu.memory_space<hbm>>)
            tpu.yield
          }) : () -> ()
        } else {
        }
        %add3A_78 = arith.constant 4 : i32
        %add3A_79 = arith.addi %add3A_73, %add3A_78 : i32
        %lt3A_80 = arith.constant 58 : i32
        %lt3A_81 = arith.cmpi slt, %add3A_79, %lt3A_80 : i32
        %convert_element_type3A_82 = arith.extui %lt3A_81 : i1 to i32
        %cond3A_83 = arith.constant 0 : i32
        %cond3A_84 = arith.cmpi ne, %convert_element_type3A_82, %cond3A_83 : i32
        scf.if %cond3A_84 {
          %dma_start3A_127 = arith.constant 0 : i32
          %dma_start3A_128 = tpu.memref_slice %arg8[%add3A_79, %dma_start3A_127] : memref<100x128xi32, #tpu.memory_space<vmem>> -> memref<1x128xi32, #tpu.memory_space<vmem>>
          %dma_start3A_129 = tpu.memref_squeeze %dma_start3A_128 : memref<1x128xi32, #tpu.memory_space<vmem>> -> memref<128xi32, #tpu.memory_space<vmem>>
          %dma_start3A_130 = arith.constant 0 : i32
          %dma_start3A_131 = arith.constant 0 : i32
          %dma_start3A_132 = tpu.memref_slice %arg2[%dma_start3A_130, %dma_start3A_131] : memref<10240x64xf32, #tpu.memory_space<hbm>> -> memref<10240x64xf32, #tpu.memory_space<hbm>>
          tpu.enqueue_indirect_dma source(%dma_start3A_132 : memref<10240x64xf32, #tpu.memory_space<hbm>>) target(%arg10 : memref<128x64xf32, #tpu.memory_space<vmem>>) offsets(%dma_start3A_129 : memref<128xi32, #tpu.memory_space<vmem>>) semaphore(%arg18 : memref<!tpu.dma_semaphore, #tpu.memory_space<semaphore_mem>>)
          %dma_start3A_133 = arith.constant 0 : i32
          %dma_start3A_134 = tpu.memref_slice %arg9[%add3A_79, %dma_start3A_133] : memref<100x128xi32, #tpu.memory_space<vmem>> -> memref<1x128xi32, #tpu.memory_space<vmem>>
          %dma_start3A_135 = tpu.memref_squeeze %dma_start3A_134 : memref<1x128xi32, #tpu.memory_space<vmem>> -> memref<128xi32, #tpu.memory_space<vmem>>
          %dma_start3A_136 = arith.constant 0 : i32
          %dma_start3A_137 = arith.constant 0 : i32
          %dma_start3A_138 = tpu.memref_slice %arg2[%dma_start3A_136, %dma_start3A_137] : memref<10240x64xf32, #tpu.memory_space<hbm>> -> memref<10240x64xf32, #tpu.memory_space<hbm>>
          tpu.enqueue_indirect_dma source(%dma_start3A_138 : memref<10240x64xf32, #tpu.memory_space<hbm>>) target(%arg14 : memref<128x64xf32, #tpu.memory_space<vmem>>) offsets(%dma_start3A_135 : memref<128xi32, #tpu.memory_space<vmem>>) semaphore(%arg22 : memref<!tpu.dma_semaphore, #tpu.memory_space<semaphore_mem>>)
        } else {
        }
        %add3A_85 = arith.constant 1 : i32
        %add3A_86 = arith.addi %mul3A_71, %add3A_85 : i32
        %lt3A_87 = arith.constant 58 : i32
        %lt3A_88 = arith.cmpi slt, %add3A_86, %lt3A_87 : i32
        %convert_element_type3A_89 = arith.extui %lt3A_88 : i1 to i32
        %cond3A_90 = arith.constant 0 : i32
        %cond3A_91 = arith.cmpi ne, %convert_element_type3A_89, %cond3A_90 : i32
        scf.if %cond3A_91 {
          %dma_wait3A = arith.constant 0 : i32
          %dma_wait3A_127 = tpu.memref_slice %arg8[%add3A_86, %dma_wait3A] : memref<100x128xi32, #tpu.memory_space<vmem>> -> memref<1x128xi32, #tpu.memory_space<vmem>>
          %dma_wait3A_128 = tpu.memref_squeeze %dma_wait3A_127 : memref<1x128xi32, #tpu.memory_space<vmem>> -> memref<128xi32, #tpu.memory_space<vmem>>
          %dma_wait3A_129 = arith.constant 0 : i32
          %dma_wait3A_130 = arith.constant 0 : i32
          %dma_wait3A_131 = tpu.memref_slice %arg2[%dma_wait3A_129, %dma_wait3A_130] : memref<10240x64xf32, #tpu.memory_space<hbm>> -> memref<10240x64xf32, #tpu.memory_space<hbm>>
          tpu.wait_indirect_dma semaphore(%arg19 : memref<!tpu.dma_semaphore, #tpu.memory_space<semaphore_mem>>) src(%dma_wait3A_131 : memref<10240x64xf32, #tpu.memory_space<hbm>>) dst(%arg11 : memref<128x64xf32, #tpu.memory_space<vmem>>)
          %dma_wait3A_132 = arith.constant 0 : i32
          %dma_wait3A_133 = tpu.memref_slice %arg9[%add3A_86, %dma_wait3A_132] : memref<100x128xi32, #tpu.memory_space<vmem>> -> memref<1x128xi32, #tpu.memory_space<vmem>>
          %dma_wait3A_134 = tpu.memref_squeeze %dma_wait3A_133 : memref<1x128xi32, #tpu.memory_space<vmem>> -> memref<128xi32, #tpu.memory_space<vmem>>
          %dma_wait3A_135 = arith.constant 0 : i32
          %dma_wait3A_136 = arith.constant 0 : i32
          %dma_wait3A_137 = tpu.memref_slice %arg2[%dma_wait3A_135, %dma_wait3A_136] : memref<10240x64xf32, #tpu.memory_space<hbm>> -> memref<10240x64xf32, #tpu.memory_space<hbm>>
          tpu.wait_indirect_dma semaphore(%arg23 : memref<!tpu.dma_semaphore, #tpu.memory_space<semaphore_mem>>) src(%dma_wait3A_137 : memref<10240x64xf32, #tpu.memory_space<hbm>>) dst(%arg15 : memref<128x64xf32, #tpu.memory_space<vmem>>)
          %mul3A_138 = arith.constant 128 : i32
          %mul3A_139 = arith.muli %add3A_86, %mul3A_138 : i32
          %add3A_140 = arith.addi %add3A_8, %mul3A_139 : i32
          "tpu.region"() ({
            %run_scoped3A = tpu.sem_alloc : memref<!tpu.dma_semaphore, #tpu.memory_space<semaphore_mem>>
            %dma_start3A_144 = arith.constant 0 : i32
            %dma_start3A_145 = tpu.memref_slice %arg7[%add3A_140, %dma_start3A_144] : memref<323584x128xf32, #tpu.memory_space<hbm>> -> memref<128x64xf32, #tpu.memory_space<hbm>>
            %dma_start3A_146 = arith.constant 0 : i32
            %dma_start3A_147 = tpu.memref_slice %arg7[%add3A_140, %dma_start3A_146] : memref<323584x128xf32, #tpu.memory_space<hbm>> -> memref<128x64xf32, #tpu.memory_space<hbm>>
            tpu.enqueue_dma source(%arg11 : memref<128x64xf32, #tpu.memory_space<vmem>>) target(%dma_start3A_147 : memref<128x64xf32, #tpu.memory_space<hbm>>) target_semaphore(%run_scoped3A : memref<!tpu.dma_semaphore, #tpu.memory_space<semaphore_mem>>)
            %dma_wait3A_148 = arith.constant 0 : i32
            %dma_wait3A_149 = tpu.memref_slice %arg7[%add3A_140, %dma_wait3A_148] : memref<323584x128xf32, #tpu.memory_space<hbm>> -> memref<128x64xf32, #tpu.memory_space<hbm>>
            %dma_wait3A_150 = arith.constant 0 : i32
            %dma_wait3A_151 = tpu.memref_slice %arg7[%add3A_140, %dma_wait3A_150] : memref<323584x128xf32, #tpu.memory_space<hbm>> -> memref<128x64xf32, #tpu.memory_space<hbm>>
            tpu.wait_dma2 semaphore(%run_scoped3A : memref<!tpu.dma_semaphore, #tpu.memory_space<semaphore_mem>>) src(%arg11 : memref<128x64xf32, #tpu.memory_space<vmem>>) dst(%dma_wait3A_151 : memref<128x64xf32, #tpu.memory_space<hbm>>)
            tpu.yield
          }) : () -> ()
          %mul3A_141 = arith.constant 128 : i32
          %mul3A_142 = arith.muli %add3A_86, %mul3A_141 : i32
          %add3A_143 = arith.addi %add3A_8, %mul3A_142 : i32
          "tpu.region"() ({
            %run_scoped3A = tpu.sem_alloc : memref<!tpu.dma_semaphore, #tpu.memory_space<semaphore_mem>>
            %dma_start3A_144 = arith.constant 64 : i32
            %dma_start3A_145 = tpu.memref_slice %arg7[%add3A_143, %dma_start3A_144] : memref<323584x128xf32, #tpu.memory_space<hbm>> -> memref<128x64xf32, #tpu.memory_space<hbm>>
            %dma_start3A_146 = arith.constant 64 : i32
            %dma_start3A_147 = tpu.memref_slice %arg7[%add3A_143, %dma_start3A_146] : memref<323584x128xf32, #tpu.memory_space<hbm>> -> memref<128x64xf32, #tpu.memory_space<hbm>>
            tpu.enqueue_dma source(%arg15 : memref<128x64xf32, #tpu.memory_space<vmem>>) target(%dma_start3A_147 : memref<128x64xf32, #tpu.memory_space<hbm>>) target_semaphore(%run_scoped3A : memref<!tpu.dma_semaphore, #tpu.memory_space<semaphore_mem>>)
            %dma_wait3A_148 = arith.constant 64 : i32
            %dma_wait3A_149 = tpu.memref_slice %arg7[%add3A_143, %dma_wait3A_148] : memref<323584x128xf32, #tpu.memory_space<hbm>> -> memref<128x64xf32, #tpu.memory_space<hbm>>
            %dma_wait3A_150 = arith.constant 64 : i32
            %dma_wait3A_151 = tpu.memref_slice %arg7[%add3A_143, %dma_wait3A_150] : memref<323584x128xf32, #tpu.memory_space<hbm>> -> memref<128x64xf32, #tpu.memory_space<hbm>>
            tpu.wait_dma2 semaphore(%run_scoped3A : memref<!tpu.dma_semaphore, #tpu.memory_space<semaphore_mem>>) src(%arg15 : memref<128x64xf32, #tpu.memory_space<vmem>>) dst(%dma_wait3A_151 : memref<128x64xf32, #tpu.memory_space<hbm>>)
            tpu.yield
          }) : () -> ()
        } else {
        }
        %add3A_92 = arith.constant 4 : i32
        %add3A_93 = arith.addi %add3A_86, %add3A_92 : i32
        %lt3A_94 = arith.constant 58 : i32
        %lt3A_95 = arith.cmpi slt, %add3A_93, %lt3A_94 : i32
        %convert_element_type3A_96 = arith.extui %lt3A_95 : i1 to i32
        %cond3A_97 = arith.constant 0 : i32
        %cond3A_98 = arith.cmpi ne, %convert_element_type3A_96, %cond3A_97 : i32
        scf.if %cond3A_98 {
          %dma_start3A_127 = arith.constant 0 : i32
          %dma_start3A_128 = tpu.memref_slice %arg8[%add3A_93, %dma_start3A_127] : memref<100x128xi32, #tpu.memory_space<vmem>> -> memref<1x128xi32, #tpu.memory_space<vmem>>
          %dma_start3A_129 = tpu.memref_squeeze %dma_start3A_128 : memref<1x128xi32, #tpu.memory_space<vmem>> -> memref<128xi32, #tpu.memory_space<vmem>>
          %dma_start3A_130 = arith.constant 0 : i32
          %dma_start3A_131 = arith.constant 0 : i32
          %dma_start3A_132 = tpu.memref_slice %arg2[%dma_start3A_130, %dma_start3A_131] : memref<10240x64xf32, #tpu.memory_space<hbm>> -> memref<10240x64xf32, #tpu.memory_space<hbm>>
          tpu.enqueue_indirect_dma source(%dma_start3A_132 : memref<10240x64xf32, #tpu.memory_space<hbm>>) target(%arg11 : memref<128x64xf32, #tpu.memory_space<vmem>>) offsets(%dma_start3A_129 : memref<128xi32, #tpu.memory_space<vmem>>) semaphore(%arg19 : memref<!tpu.dma_semaphore, #tpu.memory_space<semaphore_mem>>)
          %dma_start3A_133 = arith.constant 0 : i32
          %dma_start3A_134 = tpu.memref_slice %arg9[%add3A_93, %dma_start3A_133] : memref<100x128xi32, #tpu.memory_space<vmem>> -> memref<1x128xi32, #tpu.memory_space<vmem>>
          %dma_start3A_135 = tpu.memref_squeeze %dma_start3A_134 : memref<1x128xi32, #tpu.memory_space<vmem>> -> memref<128xi32, #tpu.memory_space<vmem>>
          %dma_start3A_136 = arith.constant 0 : i32
          %dma_start3A_137 = arith.constant 0 : i32
          %dma_start3A_138 = tpu.memref_slice %arg2[%dma_start3A_136, %dma_start3A_137] : memref<10240x64xf32, #tpu.memory_space<hbm>> -> memref<10240x64xf32, #tpu.memory_space<hbm>>
          tpu.enqueue_indirect_dma source(%dma_start3A_138 : memref<10240x64xf32, #tpu.memory_space<hbm>>) target(%arg15 : memref<128x64xf32, #tpu.memory_space<vmem>>) offsets(%dma_start3A_135 : memref<128xi32, #tpu.memory_space<vmem>>) semaphore(%arg23 : memref<!tpu.dma_semaphore, #tpu.memory_space<semaphore_mem>>)
        } else {
        }
        %add3A_99 = arith.constant 2 : i32
        %add3A_100 = arith.addi %mul3A_71, %add3A_99 : i32
        %lt3A_101 = arith.constant 58 : i32
        %lt3A_102 = arith.cmpi slt, %add3A_100, %lt3A_101 : i32
        %convert_element_type3A_103 = arith.extui %lt3A_102 : i1 to i32
        %cond3A_104 = arith.constant 0 : i32
        %cond3A_105 = arith.cmpi ne, %convert_element_type3A_103, %cond3A_104 : i32
        scf.if %cond3A_105 {
          %dma_wait3A = arith.constant 0 : i32
          %dma_wait3A_127 = tpu.memref_slice %arg8[%add3A_100, %dma_wait3A] : memref<100x128xi32, #tpu.memory_space<vmem>> -> memref<1x128xi32, #tpu.memory_space<vmem>>
          %dma_wait3A_128 = tpu.memref_squeeze %dma_wait3A_127 : memref<1x128xi32, #tpu.memory_space<vmem>> -> memref<128xi32, #tpu.memory_space<vmem>>
          %dma_wait3A_129 = arith.constant 0 : i32
          %dma_wait3A_130 = arith.constant 0 : i32
          %dma_wait3A_131 = tpu.memref_slice %arg2[%dma_wait3A_129, %dma_wait3A_130] : memref<10240x64xf32, #tpu.memory_space<hbm>> -> memref<10240x64xf32, #tpu.memory_space<hbm>>
          tpu.wait_indirect_dma semaphore(%arg20 : memref<!tpu.dma_semaphore, #tpu.memory_space<semaphore_mem>>) src(%dma_wait3A_131 : memref<10240x64xf32, #tpu.memory_space<hbm>>) dst(%arg12 : memref<128x64xf32, #tpu.memory_space<vmem>>)
          %dma_wait3A_132 = arith.constant 0 : i32
          %dma_wait3A_133 = tpu.memref_slice %arg9[%add3A_100, %dma_wait3A_132] : memref<100x128xi32, #tpu.memory_space<vmem>> -> memref<1x128xi32, #tpu.memory_space<vmem>>
          %dma_wait3A_134 = tpu.memref_squeeze %dma_wait3A_133 : memref<1x128xi32, #tpu.memory_space<vmem>> -> memref<128xi32, #tpu.memory_space<vmem>>
          %dma_wait3A_135 = arith.constant 0 : i32
          %dma_wait3A_136 = arith.constant 0 : i32
          %dma_wait3A_137 = tpu.memref_slice %arg2[%dma_wait3A_135, %dma_wait3A_136] : memref<10240x64xf32, #tpu.memory_space<hbm>> -> memref<10240x64xf32, #tpu.memory_space<hbm>>
          tpu.wait_indirect_dma semaphore(%arg24 : memref<!tpu.dma_semaphore, #tpu.memory_space<semaphore_mem>>) src(%dma_wait3A_137 : memref<10240x64xf32, #tpu.memory_space<hbm>>) dst(%arg16 : memref<128x64xf32, #tpu.memory_space<vmem>>)
          %mul3A_138 = arith.constant 128 : i32
          %mul3A_139 = arith.muli %add3A_100, %mul3A_138 : i32
          %add3A_140 = arith.addi %add3A_8, %mul3A_139 : i32
          "tpu.region"() ({
            %run_scoped3A = tpu.sem_alloc : memref<!tpu.dma_semaphore, #tpu.memory_space<semaphore_mem>>
            %dma_start3A_144 = arith.constant 0 : i32
            %dma_start3A_145 = tpu.memref_slice %arg7[%add3A_140, %dma_start3A_144] : memref<323584x128xf32, #tpu.memory_space<hbm>> -> memref<128x64xf32, #tpu.memory_space<hbm>>
            %dma_start3A_146 = arith.constant 0 : i32
            %dma_start3A_147 = tpu.memref_slice %arg7[%add3A_140, %dma_start3A_146] : memref<323584x128xf32, #tpu.memory_space<hbm>> -> memref<128x64xf32, #tpu.memory_space<hbm>>
            tpu.enqueue_dma source(%arg12 : memref<128x64xf32, #tpu.memory_space<vmem>>) target(%dma_start3A_147 : memref<128x64xf32, #tpu.memory_space<hbm>>) target_semaphore(%run_scoped3A : memref<!tpu.dma_semaphore, #tpu.memory_space<semaphore_mem>>)
            %dma_wait3A_148 = arith.constant 0 : i32
            %dma_wait3A_149 = tpu.memref_slice %arg7[%add3A_140, %dma_wait3A_148] : memref<323584x128xf32, #tpu.memory_space<hbm>> -> memref<128x64xf32, #tpu.memory_space<hbm>>
            %dma_wait3A_150 = arith.constant 0 : i32
            %dma_wait3A_151 = tpu.memref_slice %arg7[%add3A_140, %dma_wait3A_150] : memref<323584x128xf32, #tpu.memory_space<hbm>> -> memref<128x64xf32, #tpu.memory_space<hbm>>
            tpu.wait_dma2 semaphore(%run_scoped3A : memref<!tpu.dma_semaphore, #tpu.memory_space<semaphore_mem>>) src(%arg12 : memref<128x64xf32, #tpu.memory_space<vmem>>) dst(%dma_wait3A_151 : memref<128x64xf32, #tpu.memory_space<hbm>>)
            tpu.yield
          }) : () -> ()
          %mul3A_141 = arith.constant 128 : i32
          %mul3A_142 = arith.muli %add3A_100, %mul3A_141 : i32
          %add3A_143 = arith.addi %add3A_8, %mul3A_142 : i32
          "tpu.region"() ({
            %run_scoped3A = tpu.sem_alloc : memref<!tpu.dma_semaphore, #tpu.memory_space<semaphore_mem>>
            %dma_start3A_144 = arith.constant 64 : i32
            %dma_start3A_145 = tpu.memref_slice %arg7[%add3A_143, %dma_start3A_144] : memref<323584x128xf32, #tpu.memory_space<hbm>> -> memref<128x64xf32, #tpu.memory_space<hbm>>
            %dma_start3A_146 = arith.constant 64 : i32
            %dma_start3A_147 = tpu.memref_slice %arg7[%add3A_143, %dma_start3A_146] : memref<323584x128xf32, #tpu.memory_space<hbm>> -> memref<128x64xf32, #tpu.memory_space<hbm>>
            tpu.enqueue_dma source(%arg16 : memref<128x64xf32, #tpu.memory_space<vmem>>) target(%dma_start3A_147 : memref<128x64xf32, #tpu.memory_space<hbm>>) target_semaphore(%run_scoped3A : memref<!tpu.dma_semaphore, #tpu.memory_space<semaphore_mem>>)
            %dma_wait3A_148 = arith.constant 64 : i32
            %dma_wait3A_149 = tpu.memref_slice %arg7[%add3A_143, %dma_wait3A_148] : memref<323584x128xf32, #tpu.memory_space<hbm>> -> memref<128x64xf32, #tpu.memory_space<hbm>>
            %dma_wait3A_150 = arith.constant 64 : i32
            %dma_wait3A_151 = tpu.memref_slice %arg7[%add3A_143, %dma_wait3A_150] : memref<323584x128xf32, #tpu.memory_space<hbm>> -> memref<128x64xf32, #tpu.memory_space<hbm>>
            tpu.wait_dma2 semaphore(%run_scoped3A : memref<!tpu.dma_semaphore, #tpu.memory_space<semaphore_mem>>) src(%arg16 : memref<128x64xf32, #tpu.memory_space<vmem>>) dst(%dma_wait3A_151 : memref<128x64xf32, #tpu.memory_space<hbm>>)
            tpu.yield
          }) : () -> ()
        } else {
        }
        %add3A_106 = arith.constant 4 : i32
        %add3A_107 = arith.addi %add3A_100, %add3A_106 : i32
        %lt3A_108 = arith.constant 58 : i32
        %lt3A_109 = arith.cmpi slt, %add3A_107, %lt3A_108 : i32
        %convert_element_type3A_110 = arith.extui %lt3A_109 : i1 to i32
        %cond3A_111 = arith.constant 0 : i32
        %cond3A_112 = arith.cmpi ne, %convert_element_type3A_110, %cond3A_111 : i32
        scf.if %cond3A_112 {
          %dma_start3A_127 = arith.constant 0 : i32
          %dma_start3A_128 = tpu.memref_slice %arg8[%add3A_107, %dma_start3A_127] : memref<100x128xi32, #tpu.memory_space<vmem>> -> memref<1x128xi32, #tpu.memory_space<vmem>>
          %dma_start3A_129 = tpu.memref_squeeze %dma_start3A_128 : memref<1x128xi32, #tpu.memory_space<vmem>> -> memref<128xi32, #tpu.memory_space<vmem>>
          %dma_start3A_130 = arith.constant 0 : i32
          %dma_start3A_131 = arith.constant 0 : i32
          %dma_start3A_132 = tpu.memref_slice %arg2[%dma_start3A_130, %dma_start3A_131] : memref<10240x64xf32, #tpu.memory_space<hbm>> -> memref<10240x64xf32, #tpu.memory_space<hbm>>
          tpu.enqueue_indirect_dma source(%dma_start3A_132 : memref<10240x64xf32, #tpu.memory_space<hbm>>) target(%arg12 : memref<128x64xf32, #tpu.memory_space<vmem>>) offsets(%dma_start3A_129 : memref<128xi32, #tpu.memory_space<vmem>>) semaphore(%arg20 : memref<!tpu.dma_semaphore, #tpu.memory_space<semaphore_mem>>)
          %dma_start3A_133 = arith.constant 0 : i32
          %dma_start3A_134 = tpu.memref_slice %arg9[%add3A_107, %dma_start3A_133] : memref<100x128xi32, #tpu.memory_space<vmem>> -> memref<1x128xi32, #tpu.memory_space<vmem>>
          %dma_start3A_135 = tpu.memref_squeeze %dma_start3A_134 : memref<1x128xi32, #tpu.memory_space<vmem>> -> memref<128xi32, #tpu.memory_space<vmem>>
          %dma_start3A_136 = arith.constant 0 : i32
          %dma_start3A_137 = arith.constant 0 : i32
          %dma_start3A_138 = tpu.memref_slice %arg2[%dma_start3A_136, %dma_start3A_137] : memref<10240x64xf32, #tpu.memory_space<hbm>> -> memref<10240x64xf32, #tpu.memory_space<hbm>>
          tpu.enqueue_indirect_dma source(%dma_start3A_138 : memref<10240x64xf32, #tpu.memory_space<hbm>>) target(%arg16 : memref<128x64xf32, #tpu.memory_space<vmem>>) offsets(%dma_start3A_135 : memref<128xi32, #tpu.memory_space<vmem>>) semaphore(%arg24 : memref<!tpu.dma_semaphore, #tpu.memory_space<semaphore_mem>>)
        } else {
        }
        %add3A_113 = arith.constant 3 : i32
        %add3A_114 = arith.addi %mul3A_71, %add3A_113 : i32
        %lt3A_115 = arith.constant 58 : i32
        %lt3A_116 = arith.cmpi slt, %add3A_114, %lt3A_115 : i32
        %convert_element_type3A_117 = arith.extui %lt3A_116 : i1 to i32
        %cond3A_118 = arith.constant 0 : i32
        %cond3A_119 = arith.cmpi ne, %convert_element_type3A_117, %cond3A_118 : i32
        scf.if %cond3A_119 {
          %dma_wait3A = arith.constant 0 : i32
          %dma_wait3A_127 = tpu.memref_slice %arg8[%add3A_114, %dma_wait3A] : memref<100x128xi32, #tpu.memory_space<vmem>> -> memref<1x128xi32, #tpu.memory_space<vmem>>
          %dma_wait3A_128 = tpu.memref_squeeze %dma_wait3A_127 : memref<1x128xi32, #tpu.memory_space<vmem>> -> memref<128xi32, #tpu.memory_space<vmem>>
          %dma_wait3A_129 = arith.constant 0 : i32
          %dma_wait3A_130 = arith.constant 0 : i32
          %dma_wait3A_131 = tpu.memref_slice %arg2[%dma_wait3A_129, %dma_wait3A_130] : memref<10240x64xf32, #tpu.memory_space<hbm>> -> memref<10240x64xf32, #tpu.memory_space<hbm>>
          tpu.wait_indirect_dma semaphore(%arg21 : memref<!tpu.dma_semaphore, #tpu.memory_space<semaphore_mem>>) src(%dma_wait3A_131 : memref<10240x64xf32, #tpu.memory_space<hbm>>) dst(%arg13 : memref<128x64xf32, #tpu.memory_space<vmem>>)
          %dma_wait3A_132 = arith.constant 0 : i32
          %dma_wait3A_133 = tpu.memref_slice %arg9[%add3A_114, %dma_wait3A_132] : memref<100x128xi32, #tpu.memory_space<vmem>> -> memref<1x128xi32, #tpu.memory_space<vmem>>
          %dma_wait3A_134 = tpu.memref_squeeze %dma_wait3A_133 : memref<1x128xi32, #tpu.memory_space<vmem>> -> memref<128xi32, #tpu.memory_space<vmem>>
          %dma_wait3A_135 = arith.constant 0 : i32
          %dma_wait3A_136 = arith.constant 0 : i32
          %dma_wait3A_137 = tpu.memref_slice %arg2[%dma_wait3A_135, %dma_wait3A_136] : memref<10240x64xf32, #tpu.memory_space<hbm>> -> memref<10240x64xf32, #tpu.memory_space<hbm>>
          tpu.wait_indirect_dma semaphore(%arg25 : memref<!tpu.dma_semaphore, #tpu.memory_space<semaphore_mem>>) src(%dma_wait3A_137 : memref<10240x64xf32, #tpu.memory_space<hbm>>) dst(%arg17 : memref<128x64xf32, #tpu.memory_space<vmem>>)
          %mul3A_138 = arith.constant 128 : i32
          %mul3A_139 = arith.muli %add3A_114, %mul3A_138 : i32
          %add3A_140 = arith.addi %add3A_8, %mul3A_139 : i32
          "tpu.region"() ({
            %run_scoped3A = tpu.sem_alloc : memref<!tpu.dma_semaphore, #tpu.memory_space<semaphore_mem>>
            %dma_start3A_144 = arith.constant 0 : i32
            %dma_start3A_145 = tpu.memref_slice %arg7[%add3A_140, %dma_start3A_144] : memref<323584x128xf32, #tpu.memory_space<hbm>> -> memref<128x64xf32, #tpu.memory_space<hbm>>
            %dma_start3A_146 = arith.constant 0 : i32
            %dma_start3A_147 = tpu.memref_slice %arg7[%add3A_140, %dma_start3A_146] : memref<323584x128xf32, #tpu.memory_space<hbm>> -> memref<128x64xf32, #tpu.memory_space<hbm>>
            tpu.enqueue_dma source(%arg13 : memref<128x64xf32, #tpu.memory_space<vmem>>) target(%dma_start3A_147 : memref<128x64xf32, #tpu.memory_space<hbm>>) target_semaphore(%run_scoped3A : memref<!tpu.dma_semaphore, #tpu.memory_space<semaphore_mem>>)
            %dma_wait3A_148 = arith.constant 0 : i32
            %dma_wait3A_149 = tpu.memref_slice %arg7[%add3A_140, %dma_wait3A_148] : memref<323584x128xf32, #tpu.memory_space<hbm>> -> memref<128x64xf32, #tpu.memory_space<hbm>>
            %dma_wait3A_150 = arith.constant 0 : i32
            %dma_wait3A_151 = tpu.memref_slice %arg7[%add3A_140, %dma_wait3A_150] : memref<323584x128xf32, #tpu.memory_space<hbm>> -> memref<128x64xf32, #tpu.memory_space<hbm>>
            tpu.wait_dma2 semaphore(%run_scoped3A : memref<!tpu.dma_semaphore, #tpu.memory_space<semaphore_mem>>) src(%arg13 : memref<128x64xf32, #tpu.memory_space<vmem>>) dst(%dma_wait3A_151 : memref<128x64xf32, #tpu.memory_space<hbm>>)
            tpu.yield
          }) : () -> ()
          %mul3A_141 = arith.constant 128 : i32
          %mul3A_142 = arith.muli %add3A_114, %mul3A_141 : i32
          %add3A_143 = arith.addi %add3A_8, %mul3A_142 : i32
          "tpu.region"() ({
            %run_scoped3A = tpu.sem_alloc : memref<!tpu.dma_semaphore, #tpu.memory_space<semaphore_mem>>
            %dma_start3A_144 = arith.constant 64 : i32
            %dma_start3A_145 = tpu.memref_slice %arg7[%add3A_143, %dma_start3A_144] : memref<323584x128xf32, #tpu.memory_space<hbm>> -> memref<128x64xf32, #tpu.memory_space<hbm>>
            %dma_start3A_146 = arith.constant 64 : i32
            %dma_start3A_147 = tpu.memref_slice %arg7[%add3A_143, %dma_start3A_146] : memref<323584x128xf32, #tpu.memory_space<hbm>> -> memref<128x64xf32, #tpu.memory_space<hbm>>
            tpu.enqueue_dma source(%arg17 : memref<128x64xf32, #tpu.memory_space<vmem>>) target(%dma_start3A_147 : memref<128x64xf32, #tpu.memory_space<hbm>>) target_semaphore(%run_scoped3A : memref<!tpu.dma_semaphore, #tpu.memory_space<semaphore_mem>>)
            %dma_wait3A_148 = arith.constant 64 : i32
            %dma_wait3A_149 = tpu.memref_slice %arg7[%add3A_143, %dma_wait3A_148] : memref<323584x128xf32, #tpu.memory_space<hbm>> -> memref<128x64xf32, #tpu.memory_space<hbm>>
            %dma_wait3A_150 = arith.constant 64 : i32
            %dma_wait3A_151 = tpu.memref_slice %arg7[%add3A_143, %dma_wait3A_150] : memref<323584x128xf32, #tpu.memory_space<hbm>> -> memref<128x64xf32, #tpu.memory_space<hbm>>
            tpu.wait_dma2 semaphore(%run_scoped3A : memref<!tpu.dma_semaphore, #tpu.memory_space<semaphore_mem>>) src(%arg17 : memref<128x64xf32, #tpu.memory_space<vmem>>) dst(%dma_wait3A_151 : memref<128x64xf32, #tpu.memory_space<hbm>>)
            tpu.yield
          }) : () -> ()
        } else {
        }
        %add3A_120 = arith.constant 4 : i32
        %add3A_121 = arith.addi %add3A_114, %add3A_120 : i32
        %lt3A_122 = arith.constant 58 : i32
        %lt3A_123 = arith.cmpi slt, %add3A_121, %lt3A_122 : i32
        %convert_element_type3A_124 = arith.extui %lt3A_123 : i1 to i32
        %cond3A_125 = arith.constant 0 : i32
        %cond3A_126 = arith.cmpi ne, %convert_element_type3A_124, %cond3A_125 : i32
        scf.if %cond3A_126 {
          %dma_start3A_127 = arith.constant 0 : i32
          %dma_start3A_128 = tpu.memref_slice %arg8[%add3A_121, %dma_start3A_127] : memref<100x128xi32, #tpu.memory_space<vmem>> -> memref<1x128xi32, #tpu.memory_space<vmem>>
          %dma_start3A_129 = tpu.memref_squeeze %dma_start3A_128 : memref<1x128xi32, #tpu.memory_space<vmem>> -> memref<128xi32, #tpu.memory_space<vmem>>
          %dma_start3A_130 = arith.constant 0 : i32
          %dma_start3A_131 = arith.constant 0 : i32
          %dma_start3A_132 = tpu.memref_slice %arg2[%dma_start3A_130, %dma_start3A_131] : memref<10240x64xf32, #tpu.memory_space<hbm>> -> memref<10240x64xf32, #tpu.memory_space<hbm>>
          tpu.enqueue_indirect_dma source(%dma_start3A_132 : memref<10240x64xf32, #tpu.memory_space<hbm>>) target(%arg13 : memref<128x64xf32, #tpu.memory_space<vmem>>) offsets(%dma_start3A_129 : memref<128xi32, #tpu.memory_space<vmem>>) semaphore(%arg21 : memref<!tpu.dma_semaphore, #tpu.memory_space<semaphore_mem>>)
          %dma_start3A_133 = arith.constant 0 : i32
          %dma_start3A_134 = tpu.memref_slice %arg9[%add3A_121, %dma_start3A_133] : memref<100x128xi32, #tpu.memory_space<vmem>> -> memref<1x128xi32, #tpu.memory_space<vmem>>
          %dma_start3A_135 = tpu.memref_squeeze %dma_start3A_134 : memref<1x128xi32, #tpu.memory_space<vmem>> -> memref<128xi32, #tpu.memory_space<vmem>>
          %dma_start3A_136 = arith.constant 0 : i32
          %dma_start3A_137 = arith.constant 0 : i32
          %dma_start3A_138 = tpu.memref_slice %arg2[%dma_start3A_136, %dma_start3A_137] : memref<10240x64xf32, #tpu.memory_space<hbm>> -> memref<10240x64xf32, #tpu.memory_space<hbm>>
          tpu.enqueue_indirect_dma source(%dma_start3A_138 : memref<10240x64xf32, #tpu.memory_space<hbm>>) target(%arg17 : memref<128x64xf32, #tpu.memory_space<vmem>>) offsets(%dma_start3A_135 : memref<128xi32, #tpu.memory_space<vmem>>) semaphore(%arg25 : memref<!tpu.dma_semaphore, #tpu.memory_space<semaphore_mem>>)
        } else {
        }
      }
      %scan3A_68 = arith.constant 15 : i32
    } else {
    }
    return
  }
}

#map = affine_map<(d0, d1) -> (0, 0)>
module attributes {stable_mosaic.version = 14 : i64} {
  func.func @_sc_degree(%arg0: i32, %arg1: i32, %arg2: memref<32x10112xi32, #tpu.memory_space<hbm>>, %arg3: memref<32x10240xf32, #tpu.memory_space<hbm>>, %arg4: memref<10112xi32, #tpu.memory_space<vmem>>, %arg5: memref<10240xf32, #tpu.memory_space<vmem>>) attributes {dimension_semantics = [#tpu.dimension_semantics<core_parallel>, #tpu.dimension_semantics<subcore_parallel>], iteration_bounds = array<i64: 2, 16>, scalar_prefetch = 0 : i64, scratch_operands = 2 : i64, tpu.core_type = #tpu.core_type<sc_vector_subcore>, window_params = [{transform_indices = #map}, {transform_indices = #map}]} {
    %mul3A = arith.constant 16 : i32
    %mul3A_0 = arith.muli %arg0, %mul3A : i32
    %add3A = arith.addi %mul3A_0, %arg1 : i32
    "tpu.region"() ({
      %run_scoped3A = tpu.sem_alloc : memref<!tpu.dma_semaphore, #tpu.memory_space<semaphore_mem>>
      %dma_start3A = arith.constant 0 : i32
      %dma_start3A_15 = tpu.memref_slice %arg2[%add3A, %dma_start3A] : memref<32x10112xi32, #tpu.memory_space<hbm>> -> memref<1x10112xi32, #tpu.memory_space<hbm>>
      %dma_start3A_16 = tpu.memref_squeeze %dma_start3A_15 : memref<1x10112xi32, #tpu.memory_space<hbm>> -> memref<10112xi32, #tpu.memory_space<hbm>>
      %dma_start3A_17 = arith.constant 0 : i32
      %dma_start3A_18 = tpu.memref_slice %arg2[%add3A, %dma_start3A_17] : memref<32x10112xi32, #tpu.memory_space<hbm>> -> memref<1x10112xi32, #tpu.memory_space<hbm>>
      %dma_start3A_19 = tpu.memref_squeeze %dma_start3A_18 : memref<1x10112xi32, #tpu.memory_space<hbm>> -> memref<10112xi32, #tpu.memory_space<hbm>>
      tpu.enqueue_dma source(%dma_start3A_19 : memref<10112xi32, #tpu.memory_space<hbm>>) target(%arg4 : memref<10112xi32, #tpu.memory_space<vmem>>) target_semaphore(%run_scoped3A : memref<!tpu.dma_semaphore, #tpu.memory_space<semaphore_mem>>)
      %dma_wait3A = arith.constant 0 : i32
      %dma_wait3A_20 = tpu.memref_slice %arg2[%add3A, %dma_wait3A] : memref<32x10112xi32, #tpu.memory_space<hbm>> -> memref<1x10112xi32, #tpu.memory_space<hbm>>
      %dma_wait3A_21 = tpu.memref_squeeze %dma_wait3A_20 : memref<1x10112xi32, #tpu.memory_space<hbm>> -> memref<10112xi32, #tpu.memory_space<hbm>>
      %dma_wait3A_22 = arith.constant 0 : i32
      %dma_wait3A_23 = tpu.memref_slice %arg2[%add3A, %dma_wait3A_22] : memref<32x10112xi32, #tpu.memory_space<hbm>> -> memref<1x10112xi32, #tpu.memory_space<hbm>>
      %dma_wait3A_24 = tpu.memref_squeeze %dma_wait3A_23 : memref<1x10112xi32, #tpu.memory_space<hbm>> -> memref<10112xi32, #tpu.memory_space<hbm>>
      tpu.wait_dma2 semaphore(%run_scoped3A : memref<!tpu.dma_semaphore, #tpu.memory_space<semaphore_mem>>) src(%dma_wait3A_24 : memref<10112xi32, #tpu.memory_space<hbm>>) dst(%arg4 : memref<10112xi32, #tpu.memory_space<vmem>>)
      tpu.yield
    }) : () -> ()
    %broadcast_in_dim3A = arith.constant 0.000000e+00 : f32
    %broadcast_in_dim3A_1 = vector.broadcast %broadcast_in_dim3A : f32 to vector<16xf32>
    %broadcast_in_dim3A_2 = arith.constant 1.000000e+00 : f32
    %broadcast_in_dim3A_3 = vector.broadcast %broadcast_in_dim3A_2 : f32 to vector<16xf32>
    %scan3A = arith.constant 0 : i32
    %scan3A_4 = arith.constant 0 : i32
    %scan3A_5 = arith.constant 640 : i32
    %scan3A_6 = arith.addi %scan3A_4, %scan3A_5 : i32
    %scan3A_7 = arith.constant 1 : i32
    scf.for %scan3A_15 = %scan3A_4 to %scan3A_6 step %scan3A_7  : i32 {
      %mul3A_16 = arith.constant 16 : i32
      %mul3A_17 = arith.muli %scan3A_15, %mul3A_16 : i32
      %swap3A = arith.index_cast %mul3A_17 : i32 to index
      %swap3A_18 = tpu.vector_load %arg5[%swap3A] {strides = array<i32>} : memref<10240xf32, #tpu.memory_space<vmem>>, vector<16xf32>,
      tpu.vector_store %arg5[%swap3A], %broadcast_in_dim3A_1 {strides = array<i32>} : memref<10240xf32, #tpu.memory_space<vmem>>, vector<16xf32>,
    }
    %scan3A_8 = arith.constant 640 : i32
    %scan3A_9 = arith.constant 0 : i32
    %scan3A_10 = arith.constant 0 : i32
    %scan3A_11 = arith.constant 632 : i32
    %scan3A_12 = arith.addi %scan3A_10, %scan3A_11 : i32
    %scan3A_13 = arith.constant 1 : i32
    scf.for %scan3A_15 = %scan3A_10 to %scan3A_12 step %scan3A_13  : i32 {
      %mul3A_16 = arith.constant 16 : i32
      %mul3A_17 = arith.muli %scan3A_15, %mul3A_16 : i32
      %get3A = arith.index_cast %mul3A_17 : i32 to index
      %get3A_18 = tpu.vector_load %arg4[%get3A] {strides = array<i32>} : memref<10112xi32, #tpu.memory_space<vmem>>, vector<16xi32>,
      tpu.vector_store_idx %arg5[%get3A_18], %broadcast_in_dim3A_3 {add = true} : memref<10240xf32, #tpu.memory_space<vmem>>[vector<16xi32>], vector<16xf32>,
    }
    %scan3A_14 = arith.constant 632 : i32
    "tpu.region"() ({
      %run_scoped3A = tpu.sem_alloc : memref<!tpu.dma_semaphore, #tpu.memory_space<semaphore_mem>>
      %dma_start3A = arith.constant 0 : i32
      %dma_start3A_15 = tpu.memref_slice %arg3[%add3A, %dma_start3A] : memref<32x10240xf32, #tpu.memory_space<hbm>> -> memref<1x10240xf32, #tpu.memory_space<hbm>>
      %dma_start3A_16 = tpu.memref_squeeze %dma_start3A_15 : memref<1x10240xf32, #tpu.memory_space<hbm>> -> memref<10240xf32, #tpu.memory_space<hbm>>
      %dma_start3A_17 = arith.constant 0 : i32
      %dma_start3A_18 = tpu.memref_slice %arg3[%add3A, %dma_start3A_17] : memref<32x10240xf32, #tpu.memory_space<hbm>> -> memref<1x10240xf32, #tpu.memory_space<hbm>>
      %dma_start3A_19 = tpu.memref_squeeze %dma_start3A_18 : memref<1x10240xf32, #tpu.memory_space<hbm>> -> memref<10240xf32, #tpu.memory_space<hbm>>
      tpu.enqueue_dma source(%arg5 : memref<10240xf32, #tpu.memory_space<vmem>>) target(%dma_start3A_19 : memref<10240xf32, #tpu.memory_space<hbm>>) target_semaphore(%run_scoped3A : memref<!tpu.dma_semaphore, #tpu.memory_space<semaphore_mem>>)
      %dma_wait3A = arith.constant 0 : i32
      %dma_wait3A_20 = tpu.memref_slice %arg3[%add3A, %dma_wait3A] : memref<32x10240xf32, #tpu.memory_space<hbm>> -> memref<1x10240xf32, #tpu.memory_space<hbm>>
      %dma_wait3A_21 = tpu.memref_squeeze %dma_wait3A_20 : memref<1x10240xf32, #tpu.memory_space<hbm>> -> memref<10240xf32, #tpu.memory_space<hbm>>
      %dma_wait3A_22 = arith.constant 0 : i32
      %dma_wait3A_23 = tpu.memref_slice %arg3[%add3A, %dma_wait3A_22] : memref<32x10240xf32, #tpu.memory_space<hbm>> -> memref<1x10240xf32, #tpu.memory_space<hbm>>
      %dma_wait3A_24 = tpu.memref_squeeze %dma_wait3A_23 : memref<1x10240xf32, #tpu.memory_space<hbm>> -> memref<10240xf32, #tpu.memory_space<hbm>>
      tpu.wait_dma2 semaphore(%run_scoped3A : memref<!tpu.dma_semaphore, #tpu.memory_space<semaphore_mem>>) src(%arg5 : memref<10240xf32, #tpu.memory_space<vmem>>) dst(%dma_wait3A_24 : memref<10240xf32, #tpu.memory_space<hbm>>)
      tpu.yield
    }) : () -> ()
    return
  }
}

#map = affine_map<(d0, d1) -> (0, 0)>
#map1 = affine_map<(d0, d1) -> (0, 0, 0)>
module attributes {stable_mosaic.version = 14 : i64} {
  func.func @_sc_scatter(%arg0: i32, %arg1: i32, %arg2: memref<10240x128xf32, #tpu.memory_space<hbm>>, %arg3: memref<16x118x128xi32, #tpu.memory_space<hbm>>, %arg4: memref<16x118x128xi32, #tpu.memory_space<hbm>>, %arg5: memref<16x40x128xi32, #tpu.memory_space<hbm>>, %arg6: memref<16x40x128xi32, #tpu.memory_space<hbm>>, %arg7: memref<10240x128xf32, #tpu.memory_space<hbm>>, %arg8: memref<20480x128xf32, #tpu.memory_space<hbm>>, %arg9: memref<40x128xi32, #tpu.memory_space<vmem>>, %arg10: memref<40x128xi32, #tpu.memory_space<vmem>>, %arg11: memref<128x128xf32, #tpu.memory_space<vmem>>, %arg12: memref<128x128xf32, #tpu.memory_space<vmem>>, %arg13: memref<10240x128xf32, #tpu.memory_space<vmem_shared>>, %arg14: memref<!tpu.dma_semaphore, #tpu.memory_space<semaphore_mem>>, %arg15: memref<!tpu.dma_semaphore, #tpu.memory_space<semaphore_mem>>) attributes {dimension_semantics = [#tpu.dimension_semantics<core_parallel>, #tpu.dimension_semantics<subcore_parallel>], iteration_bounds = array<i64: 2, 16>, scalar_prefetch = 0 : i64, scratch_operands = 7 : i64, tpu.core_type = #tpu.core_type<sc_vector_subcore>, window_params = [{transform_indices = #map}, {transform_indices = #map1}, {transform_indices = #map1}, {transform_indices = #map1}, {transform_indices = #map1}, {transform_indices = #map}, {transform_indices = #map}]} {
    %mul3A = arith.constant 640 : i32
    %mul3A_0 = arith.muli %arg1, %mul3A : i32
    %mul3A_1 = arith.constant 640 : i32
    %mul3A_2 = arith.muli %arg1, %mul3A_1 : i32
    "tpu.region"() ({
      %run_scoped3A = tpu.sem_alloc : memref<!tpu.dma_semaphore, #tpu.memory_space<semaphore_mem>>
      %dma_start3A = arith.constant 0 : i32
      %dma_start3A_17 = tpu.memref_slice %arg13[%mul3A_2, %dma_start3A] : memref<10240x128xf32, #tpu.memory_space<vmem_shared>> -> memref<640x128xf32, #tpu.memory_space<vmem_shared>>
      %dma_start3A_18 = arith.constant 0 : i32
      %dma_start3A_19 = tpu.memref_slice %arg7[%mul3A_0, %dma_start3A_18] : memref<10240x128xf32, #tpu.memory_space<hbm>> -> memref<640x128xf32, #tpu.memory_space<hbm>>
      tpu.enqueue_dma source(%dma_start3A_19 : memref<640x128xf32, #tpu.memory_space<hbm>>) target(%dma_start3A_17 : memref<640x128xf32, #tpu.memory_space<vmem_shared>>) target_semaphore(%run_scoped3A : memref<!tpu.dma_semaphore, #tpu.memory_space<semaphore_mem>>)
      %dma_wait3A = arith.constant 0 : i32
      %dma_wait3A_20 = tpu.memref_slice %arg13[%mul3A_2, %dma_wait3A] : memref<10240x128xf32, #tpu.memory_space<vmem_shared>> -> memref<640x128xf32, #tpu.memory_space<vmem_shared>>
      %dma_wait3A_21 = arith.constant 0 : i32
      %dma_wait3A_22 = tpu.memref_slice %arg7[%mul3A_0, %dma_wait3A_21] : memref<10240x128xf32, #tpu.memory_space<hbm>> -> memref<640x128xf32, #tpu.memory_space<hbm>>
      tpu.wait_dma2 semaphore(%run_scoped3A : memref<!tpu.dma_semaphore, #tpu.memory_space<semaphore_mem>>) src(%dma_wait3A_22 : memref<640x128xf32, #tpu.memory_space<hbm>>) dst(%dma_wait3A_20 : memref<640x128xf32, #tpu.memory_space<vmem_shared>>)
      tpu.yield
    }) : () -> ()
    %barrier3A = arith.constant 0 : index
    tpu.barrier barrier_id(%barrier3A)
    %eq3A = arith.constant 0 : i32
    %eq3A_3 = arith.cmpi eq, %arg0, %eq3A : i32
    %convert_element_type3A = arith.extui %eq3A_3 : i1 to i32
    %cond3A = arith.constant 0 : i32
    %cond3A_4 = arith.cmpi ne, %convert_element_type3A, %cond3A : i32
    scf.if %cond3A_4 {
      "tpu.region"() ({
        %run_scoped3A = tpu.sem_alloc : memref<!tpu.dma_semaphore, #tpu.memory_space<semaphore_mem>>
        %dma_start3A_75 = arith.constant 0 : i32
        %dma_start3A_76 = arith.constant 0 : i32
        %dma_start3A_77 = tpu.memref_slice %arg9[%dma_start3A_75, %dma_start3A_76] : memref<40x128xi32, #tpu.memory_space<vmem>> -> memref<40x128xi32, #tpu.memory_space<vmem>>
        %dma_start3A_78 = arith.constant 0 : i32
        %dma_start3A_79 = arith.constant 0 : i32
        %dma_start3A_80 = tpu.memref_slice %arg3[%arg1, %dma_start3A_78, %dma_start3A_79] : memref<16x118x128xi32, #tpu.memory_space<hbm>> -> memref<1x40x128xi32, #tpu.memory_space<hbm>>
        %dma_start3A_81 = tpu.memref_squeeze %dma_start3A_80 : memref<1x40x128xi32, #tpu.memory_space<hbm>> -> memref<40x128xi32, #tpu.memory_space<hbm>>
        %dma_start3A_82 = arith.constant 0 : i32
        %dma_start3A_83 = arith.constant 0 : i32
        %dma_start3A_84 = tpu.memref_slice %arg9[%dma_start3A_82, %dma_start3A_83] : memref<40x128xi32, #tpu.memory_space<vmem>> -> memref<40x128xi32, #tpu.memory_space<vmem>>
        %dma_start3A_85 = arith.constant 0 : i32
        %dma_start3A_86 = arith.constant 0 : i32
        %dma_start3A_87 = tpu.memref_slice %arg3[%arg1, %dma_start3A_85, %dma_start3A_86] : memref<16x118x128xi32, #tpu.memory_space<hbm>> -> memref<1x40x128xi32, #tpu.memory_space<hbm>>
        %dma_start3A_88 = tpu.memref_squeeze %dma_start3A_87 : memref<1x40x128xi32, #tpu.memory_space<hbm>> -> memref<40x128xi32, #tpu.memory_space<hbm>>
        tpu.enqueue_dma source(%dma_start3A_88 : memref<40x128xi32, #tpu.memory_space<hbm>>) target(%dma_start3A_84 : memref<40x128xi32, #tpu.memory_space<vmem>>) target_semaphore(%run_scoped3A : memref<!tpu.dma_semaphore, #tpu.memory_space<semaphore_mem>>)
        %dma_wait3A = arith.constant 0 : i32
        %dma_wait3A_89 = arith.constant 0 : i32
        %dma_wait3A_90 = tpu.memref_slice %arg9[%dma_wait3A, %dma_wait3A_89] : memref<40x128xi32, #tpu.memory_space<vmem>> -> memref<40x128xi32, #tpu.memory_space<vmem>>
        %dma_wait3A_91 = arith.constant 0 : i32
        %dma_wait3A_92 = arith.constant 0 : i32
        %dma_wait3A_93 = tpu.memref_slice %arg3[%arg1, %dma_wait3A_91, %dma_wait3A_92] : memref<16x118x128xi32, #tpu.memory_space<hbm>> -> memref<1x40x128xi32, #tpu.memory_space<hbm>>
        %dma_wait3A_94 = tpu.memref_squeeze %dma_wait3A_93 : memref<1x40x128xi32, #tpu.memory_space<hbm>> -> memref<40x128xi32, #tpu.memory_space<hbm>>
        %dma_wait3A_95 = arith.constant 0 : i32
        %dma_wait3A_96 = arith.constant 0 : i32
        %dma_wait3A_97 = tpu.memref_slice %arg9[%dma_wait3A_95, %dma_wait3A_96] : memref<40x128xi32, #tpu.memory_space<vmem>> -> memref<40x128xi32, #tpu.memory_space<vmem>>
        %dma_wait3A_98 = arith.constant 0 : i32
        %dma_wait3A_99 = arith.constant 0 : i32
        %dma_wait3A_100 = tpu.memref_slice %arg3[%arg1, %dma_wait3A_98, %dma_wait3A_99] : memref<16x118x128xi32, #tpu.memory_space<hbm>> -> memref<1x40x128xi32, #tpu.memory_space<hbm>>
        %dma_wait3A_101 = tpu.memref_squeeze %dma_wait3A_100 : memref<1x40x128xi32, #tpu.memory_space<hbm>> -> memref<40x128xi32, #tpu.memory_space<hbm>>
        tpu.wait_dma2 semaphore(%run_scoped3A : memref<!tpu.dma_semaphore, #tpu.memory_space<semaphore_mem>>) src(%dma_wait3A_101 : memref<40x128xi32, #tpu.memory_space<hbm>>) dst(%dma_wait3A_97 : memref<40x128xi32, #tpu.memory_space<vmem>>)
        tpu.yield
      }) : () -> ()
      "tpu.region"() ({
        %run_scoped3A = tpu.sem_alloc : memref<!tpu.dma_semaphore, #tpu.memory_space<semaphore_mem>>
        %dma_start3A_75 = arith.constant 0 : i32
        %dma_start3A_76 = arith.constant 0 : i32
        %dma_start3A_77 = tpu.memref_slice %arg10[%dma_start3A_75, %dma_start3A_76] : memref<40x128xi32, #tpu.memory_space<vmem>> -> memref<40x128xi32, #tpu.memory_space<vmem>>
        %dma_start3A_78 = arith.constant 0 : i32
        %dma_start3A_79 = arith.constant 0 : i32
        %dma_start3A_80 = tpu.memref_slice %arg4[%arg1, %dma_start3A_78, %dma_start3A_79] : memref<16x118x128xi32, #tpu.memory_space<hbm>> -> memref<1x40x128xi32, #tpu.memory_space<hbm>>
        %dma_start3A_81 = tpu.memref_squeeze %dma_start3A_80 : memref<1x40x128xi32, #tpu.memory_space<hbm>> -> memref<40x128xi32, #tpu.memory_space<hbm>>
        %dma_start3A_82 = arith.constant 0 : i32
        %dma_start3A_83 = arith.constant 0 : i32
        %dma_start3A_84 = tpu.memref_slice %arg10[%dma_start3A_82, %dma_start3A_83] : memref<40x128xi32, #tpu.memory_space<vmem>> -> memref<40x128xi32, #tpu.memory_space<vmem>>
        %dma_start3A_85 = arith.constant 0 : i32
        %dma_start3A_86 = arith.constant 0 : i32
        %dma_start3A_87 = tpu.memref_slice %arg4[%arg1, %dma_start3A_85, %dma_start3A_86] : memref<16x118x128xi32, #tpu.memory_space<hbm>> -> memref<1x40x128xi32, #tpu.memory_space<hbm>>
        %dma_start3A_88 = tpu.memref_squeeze %dma_start3A_87 : memref<1x40x128xi32, #tpu.memory_space<hbm>> -> memref<40x128xi32, #tpu.memory_space<hbm>>
        tpu.enqueue_dma source(%dma_start3A_88 : memref<40x128xi32, #tpu.memory_space<hbm>>) target(%dma_start3A_84 : memref<40x128xi32, #tpu.memory_space<vmem>>) target_semaphore(%run_scoped3A : memref<!tpu.dma_semaphore, #tpu.memory_space<semaphore_mem>>)
        %dma_wait3A = arith.constant 0 : i32
        %dma_wait3A_89 = arith.constant 0 : i32
        %dma_wait3A_90 = tpu.memref_slice %arg10[%dma_wait3A, %dma_wait3A_89] : memref<40x128xi32, #tpu.memory_space<vmem>> -> memref<40x128xi32, #tpu.memory_space<vmem>>
        %dma_wait3A_91 = arith.constant 0 : i32
        %dma_wait3A_92 = arith.constant 0 : i32
        %dma_wait3A_93 = tpu.memref_slice %arg4[%arg1, %dma_wait3A_91, %dma_wait3A_92] : memref<16x118x128xi32, #tpu.memory_space<hbm>> -> memref<1x40x128xi32, #tpu.memory_space<hbm>>
        %dma_wait3A_94 = tpu.memref_squeeze %dma_wait3A_93 : memref<1x40x128xi32, #tpu.memory_space<hbm>> -> memref<40x128xi32, #tpu.memory_space<hbm>>
        %dma_wait3A_95 = arith.constant 0 : i32
        %dma_wait3A_96 = arith.constant 0 : i32
        %dma_wait3A_97 = tpu.memref_slice %arg10[%dma_wait3A_95, %dma_wait3A_96] : memref<40x128xi32, #tpu.memory_space<vmem>> -> memref<40x128xi32, #tpu.memory_space<vmem>>
        %dma_wait3A_98 = arith.constant 0 : i32
        %dma_wait3A_99 = arith.constant 0 : i32
        %dma_wait3A_100 = tpu.memref_slice %arg4[%arg1, %dma_wait3A_98, %dma_wait3A_99] : memref<16x118x128xi32, #tpu.memory_space<hbm>> -> memref<1x40x128xi32, #tpu.memory_space<hbm>>
        %dma_wait3A_101 = tpu.memref_squeeze %dma_wait3A_100 : memref<1x40x128xi32, #tpu.memory_space<hbm>> -> memref<40x128xi32, #tpu.memory_space<hbm>>
        tpu.wait_dma2 semaphore(%run_scoped3A : memref<!tpu.dma_semaphore, #tpu.memory_space<semaphore_mem>>) src(%dma_wait3A_101 : memref<40x128xi32, #tpu.memory_space<hbm>>) dst(%dma_wait3A_97 : memref<40x128xi32, #tpu.memory_space<vmem>>)
        tpu.yield
      }) : () -> ()
      %dma_start3A = arith.constant 0 : i32
      %dma_start3A_17 = arith.constant 0 : i32
      %dma_start3A_18 = tpu.memref_slice %arg9[%dma_start3A, %dma_start3A_17] : memref<40x128xi32, #tpu.memory_space<vmem>> -> memref<1x128xi32, #tpu.memory_space<vmem>>
      %dma_start3A_19 = tpu.memref_squeeze %dma_start3A_18 : memref<1x128xi32, #tpu.memory_space<vmem>> -> memref<128xi32, #tpu.memory_space<vmem>>
      %dma_start3A_20 = arith.constant 0 : i32
      %dma_start3A_21 = arith.constant 0 : i32
      %dma_start3A_22 = tpu.memref_slice %arg2[%dma_start3A_20, %dma_start3A_21] : memref<10240x128xf32, #tpu.memory_space<hbm>> -> memref<10240x128xf32, #tpu.memory_space<hbm>>
      tpu.enqueue_indirect_dma source(%dma_start3A_22 : memref<10240x128xf32, #tpu.memory_space<hbm>>) target(%arg11 : memref<128x128xf32, #tpu.memory_space<vmem>>) offsets(%dma_start3A_19 : memref<128xi32, #tpu.memory_space<vmem>>) semaphore(%arg14 : memref<!tpu.dma_semaphore, #tpu.memory_space<semaphore_mem>>)
      %dma_start3A_23 = arith.constant 1 : i32
      %dma_start3A_24 = arith.constant 0 : i32
      %dma_start3A_25 = tpu.memref_slice %arg9[%dma_start3A_23, %dma_start3A_24] : memref<40x128xi32, #tpu.memory_space<vmem>> -> memref<1x128xi32, #tpu.memory_space<vmem>>
      %dma_start3A_26 = tpu.memref_squeeze %dma_start3A_25 : memref<1x128xi32, #tpu.memory_space<vmem>> -> memref<128xi32, #tpu.memory_space<vmem>>
      %dma_start3A_27 = arith.constant 0 : i32
      %dma_start3A_28 = arith.constant 0 : i32
      %dma_start3A_29 = tpu.memref_slice %arg2[%dma_start3A_27, %dma_start3A_28] : memref<10240x128xf32, #tpu.memory_space<hbm>> -> memref<10240x128xf32, #tpu.memory_space<hbm>>
      tpu.enqueue_indirect_dma source(%dma_start3A_29 : memref<10240x128xf32, #tpu.memory_space<hbm>>) target(%arg12 : memref<128x128xf32, #tpu.memory_space<vmem>>) offsets(%dma_start3A_26 : memref<128xi32, #tpu.memory_space<vmem>>) semaphore(%arg15 : memref<!tpu.dma_semaphore, #tpu.memory_space<semaphore_mem>>)
      %scan3A = arith.constant 0 : i32
      %scan3A_30 = arith.constant 0 : i32
      %scan3A_31 = arith.constant 20 : i32
      %scan3A_32 = arith.addi %scan3A_30, %scan3A_31 : i32
      %scan3A_33 = arith.constant 1 : i32
      scf.for %scan3A_75 = %scan3A_30 to %scan3A_32 step %scan3A_33  : i32 {
        %mul3A_76 = arith.constant 2 : i32
        %mul3A_77 = arith.muli %scan3A_75, %mul3A_76 : i32
        %add3A_78 = arith.constant 0 : i32
        %add3A_79 = arith.addi %mul3A_77, %add3A_78 : i32
        %lt3A = arith.constant 40 : i32
        %lt3A_80 = arith.cmpi slt, %add3A_79, %lt3A : i32
        %convert_element_type3A_81 = arith.extui %lt3A_80 : i1 to i32
        %cond3A_82 = arith.constant 0 : i32
        %cond3A_83 = arith.cmpi ne, %convert_element_type3A_81, %cond3A_82 : i32
        scf.if %cond3A_83 {
          %dma_wait3A = arith.constant 0 : i32
          %dma_wait3A_105 = tpu.memref_slice %arg9[%add3A_79, %dma_wait3A] : memref<40x128xi32, #tpu.memory_space<vmem>> -> memref<1x128xi32, #tpu.memory_space<vmem>>
          %dma_wait3A_106 = tpu.memref_squeeze %dma_wait3A_105 : memref<1x128xi32, #tpu.memory_space<vmem>> -> memref<128xi32, #tpu.memory_space<vmem>>
          %dma_wait3A_107 = arith.constant 0 : i32
          %dma_wait3A_108 = arith.constant 0 : i32
          %dma_wait3A_109 = tpu.memref_slice %arg2[%dma_wait3A_107, %dma_wait3A_108] : memref<10240x128xf32, #tpu.memory_space<hbm>> -> memref<10240x128xf32, #tpu.memory_space<hbm>>
          tpu.wait_indirect_dma semaphore(%arg14 : memref<!tpu.dma_semaphore, #tpu.memory_space<semaphore_mem>>) src(%dma_wait3A_109 : memref<10240x128xf32, #tpu.memory_space<hbm>>) dst(%arg11 : memref<128x128xf32, #tpu.memory_space<vmem>>)
          "tpu.region"() ({
            %run_scoped3A = tpu.sem_alloc : memref<!tpu.dma_semaphore, #tpu.memory_space<semaphore_mem>>
            %dma_start3A_110 = arith.constant 0 : i32
            %dma_start3A_111 = tpu.memref_slice %arg10[%add3A_79, %dma_start3A_110] : memref<40x128xi32, #tpu.memory_space<vmem>> -> memref<1x128xi32, #tpu.memory_space<vmem>>
            %dma_start3A_112 = tpu.memref_squeeze %dma_start3A_111 : memref<1x128xi32, #tpu.memory_space<vmem>> -> memref<128xi32, #tpu.memory_space<vmem>>
            %dma_start3A_113 = arith.constant 0 : i32
            %dma_start3A_114 = arith.constant 0 : i32
            %dma_start3A_115 = tpu.memref_slice %arg13[%dma_start3A_113, %dma_start3A_114] : memref<10240x128xf32, #tpu.memory_space<vmem_shared>> -> memref<10240x128xf32, #tpu.memory_space<vmem_shared>>
            tpu.enqueue_indirect_dma source(%arg11 : memref<128x128xf32, #tpu.memory_space<vmem>>) target(%dma_start3A_115 : memref<10240x128xf32, #tpu.memory_space<vmem_shared>>) offsets(%dma_start3A_112 : memref<128xi32, #tpu.memory_space<vmem>>) semaphore(%run_scoped3A : memref<!tpu.dma_semaphore, #tpu.memory_space<semaphore_mem>>) {add = true}
            %dma_wait3A_116 = arith.constant 0 : i32
            %dma_wait3A_117 = tpu.memref_slice %arg10[%add3A_79, %dma_wait3A_116] : memref<40x128xi32, #tpu.memory_space<vmem>> -> memref<1x128xi32, #tpu.memory_space<vmem>>
            %dma_wait3A_118 = tpu.memref_squeeze %dma_wait3A_117 : memref<1x128xi32, #tpu.memory_space<vmem>> -> memref<128xi32, #tpu.memory_space<vmem>>
            %dma_wait3A_119 = arith.constant 0 : i32
            %dma_wait3A_120 = arith.constant 0 : i32
            %dma_wait3A_121 = tpu.memref_slice %arg13[%dma_wait3A_119, %dma_wait3A_120] : memref<10240x128xf32, #tpu.memory_space<vmem_shared>> -> memref<10240x128xf32, #tpu.memory_space<vmem_shared>>
            tpu.wait_indirect_dma semaphore(%run_scoped3A : memref<!tpu.dma_semaphore, #tpu.memory_space<semaphore_mem>>) src(%arg11 : memref<128x128xf32, #tpu.memory_space<vmem>>) dst(%dma_wait3A_121 : memref<10240x128xf32, #tpu.memory_space<vmem_shared>>)
            tpu.yield
          }) : () -> ()
        } else {
        }
        %add3A_84 = arith.constant 2 : i32
        %add3A_85 = arith.addi %add3A_79, %add3A_84 : i32
        %lt3A_86 = arith.constant 40 : i32
        %lt3A_87 = arith.cmpi slt, %add3A_85, %lt3A_86 : i32
        %convert_element_type3A_88 = arith.extui %lt3A_87 : i1 to i32
        %cond3A_89 = arith.constant 0 : i32
        %cond3A_90 = arith.cmpi ne, %convert_element_type3A_88, %cond3A_89 : i32
        scf.if %cond3A_90 {
          %dma_start3A_105 = arith.constant 0 : i32
          %dma_start3A_106 = tpu.memref_slice %arg9[%add3A_85, %dma_start3A_105] : memref<40x128xi32, #tpu.memory_space<vmem>> -> memref<1x128xi32, #tpu.memory_space<vmem>>
          %dma_start3A_107 = tpu.memref_squeeze %dma_start3A_106 : memref<1x128xi32, #tpu.memory_space<vmem>> -> memref<128xi32, #tpu.memory_space<vmem>>
          %dma_start3A_108 = arith.constant 0 : i32
          %dma_start3A_109 = arith.constant 0 : i32
          %dma_start3A_110 = tpu.memref_slice %arg2[%dma_start3A_108, %dma_start3A_109] : memref<10240x128xf32, #tpu.memory_space<hbm>> -> memref<10240x128xf32, #tpu.memory_space<hbm>>
          tpu.enqueue_indirect_dma source(%dma_start3A_110 : memref<10240x128xf32, #tpu.memory_space<hbm>>) target(%arg11 : memref<128x128xf32, #tpu.memory_space<vmem>>) offsets(%dma_start3A_107 : memref<128xi32, #tpu.memory_space<vmem>>) semaphore(%arg14 : memref<!tpu.dma_semaphore, #tpu.memory_space<semaphore_mem>>)
        } else {
        }
        %add3A_91 = arith.constant 1 : i32
        %add3A_92 = arith.addi %mul3A_77, %add3A_91 : i32
        %lt3A_93 = arith.constant 40 : i32
        %lt3A_94 = arith.cmpi slt, %add3A_92, %lt3A_93 : i32
        %convert_element_type3A_95 = arith.extui %lt3A_94 : i1 to i32
        %cond3A_96 = arith.constant 0 : i32
        %cond3A_97 = arith.cmpi ne, %convert_element_type3A_95, %cond3A_96 : i32
        scf.if %cond3A_97 {
          %dma_wait3A = arith.constant 0 : i32
          %dma_wait3A_105 = tpu.memref_slice %arg9[%add3A_92, %dma_wait3A] : memref<40x128xi32, #tpu.memory_space<vmem>> -> memref<1x128xi32, #tpu.memory_space<vmem>>
          %dma_wait3A_106 = tpu.memref_squeeze %dma_wait3A_105 : memref<1x128xi32, #tpu.memory_space<vmem>> -> memref<128xi32, #tpu.memory_space<vmem>>
          %dma_wait3A_107 = arith.constant 0 : i32
          %dma_wait3A_108 = arith.constant 0 : i32
          %dma_wait3A_109 = tpu.memref_slice %arg2[%dma_wait3A_107, %dma_wait3A_108] : memref<10240x128xf32, #tpu.memory_space<hbm>> -> memref<10240x128xf32, #tpu.memory_space<hbm>>
          tpu.wait_indirect_dma semaphore(%arg15 : memref<!tpu.dma_semaphore, #tpu.memory_space<semaphore_mem>>) src(%dma_wait3A_109 : memref<10240x128xf32, #tpu.memory_space<hbm>>) dst(%arg12 : memref<128x128xf32, #tpu.memory_space<vmem>>)
          "tpu.region"() ({
            %run_scoped3A = tpu.sem_alloc : memref<!tpu.dma_semaphore, #tpu.memory_space<semaphore_mem>>
            %dma_start3A_110 = arith.constant 0 : i32
            %dma_start3A_111 = tpu.memref_slice %arg10[%add3A_92, %dma_start3A_110] : memref<40x128xi32, #tpu.memory_space<vmem>> -> memref<1x128xi32, #tpu.memory_space<vmem>>
            %dma_start3A_112 = tpu.memref_squeeze %dma_start3A_111 : memref<1x128xi32, #tpu.memory_space<vmem>> -> memref<128xi32, #tpu.memory_space<vmem>>
            %dma_start3A_113 = arith.constant 0 : i32
            %dma_start3A_114 = arith.constant 0 : i32
            %dma_start3A_115 = tpu.memref_slice %arg13[%dma_start3A_113, %dma_start3A_114] : memref<10240x128xf32, #tpu.memory_space<vmem_shared>> -> memref<10240x128xf32, #tpu.memory_space<vmem_shared>>
            tpu.enqueue_indirect_dma source(%arg12 : memref<128x128xf32, #tpu.memory_space<vmem>>) target(%dma_start3A_115 : memref<10240x128xf32, #tpu.memory_space<vmem_shared>>) offsets(%dma_start3A_112 : memref<128xi32, #tpu.memory_space<vmem>>) semaphore(%run_scoped3A : memref<!tpu.dma_semaphore, #tpu.memory_space<semaphore_mem>>) {add = true}
            %dma_wait3A_116 = arith.constant 0 : i32
            %dma_wait3A_117 = tpu.memref_slice %arg10[%add3A_92, %dma_wait3A_116] : memref<40x128xi32, #tpu.memory_space<vmem>> -> memref<1x128xi32, #tpu.memory_space<vmem>>
            %dma_wait3A_118 = tpu.memref_squeeze %dma_wait3A_117 : memref<1x128xi32, #tpu.memory_space<vmem>> -> memref<128xi32, #tpu.memory_space<vmem>>
            %dma_wait3A_119 = arith.constant 0 : i32
            %dma_wait3A_120 = arith.constant 0 : i32
            %dma_wait3A_121 = tpu.memref_slice %arg13[%dma_wait3A_119, %dma_wait3A_120] : memref<10240x128xf32, #tpu.memory_space<vmem_shared>> -> memref<10240x128xf32, #tpu.memory_space<vmem_shared>>
            tpu.wait_indirect_dma semaphore(%run_scoped3A : memref<!tpu.dma_semaphore, #tpu.memory_space<semaphore_mem>>) src(%arg12 : memref<128x128xf32, #tpu.memory_space<vmem>>) dst(%dma_wait3A_121 : memref<10240x128xf32, #tpu.memory_space<vmem_shared>>)
            tpu.yield
          }) : () -> ()
        } else {
        }
        %add3A_98 = arith.constant 2 : i32
        %add3A_99 = arith.addi %add3A_92, %add3A_98 : i32
        %lt3A_100 = arith.constant 40 : i32
        %lt3A_101 = arith.cmpi slt, %add3A_99, %lt3A_100 : i32
        %convert_element_type3A_102 = arith.extui %lt3A_101 : i1 to i32
        %cond3A_103 = arith.constant 0 : i32
        %cond3A_104 = arith.cmpi ne, %convert_element_type3A_102, %cond3A_103 : i32
        scf.if %cond3A_104 {
          %dma_start3A_105 = arith.constant 0 : i32
          %dma_start3A_106 = tpu.memref_slice %arg9[%add3A_99, %dma_start3A_105] : memref<40x128xi32, #tpu.memory_space<vmem>> -> memref<1x128xi32, #tpu.memory_space<vmem>>
          %dma_start3A_107 = tpu.memref_squeeze %dma_start3A_106 : memref<1x128xi32, #tpu.memory_space<vmem>> -> memref<128xi32, #tpu.memory_space<vmem>>
          %dma_start3A_108 = arith.constant 0 : i32
          %dma_start3A_109 = arith.constant 0 : i32
          %dma_start3A_110 = tpu.memref_slice %arg2[%dma_start3A_108, %dma_start3A_109] : memref<10240x128xf32, #tpu.memory_space<hbm>> -> memref<10240x128xf32, #tpu.memory_space<hbm>>
          tpu.enqueue_indirect_dma source(%dma_start3A_110 : memref<10240x128xf32, #tpu.memory_space<hbm>>) target(%arg12 : memref<128x128xf32, #tpu.memory_space<vmem>>) offsets(%dma_start3A_107 : memref<128xi32, #tpu.memory_space<vmem>>) semaphore(%arg15 : memref<!tpu.dma_semaphore, #tpu.memory_space<semaphore_mem>>)
        } else {
        }
      }
      %scan3A_34 = arith.constant 20 : i32
      "tpu.region"() ({
        %run_scoped3A = tpu.sem_alloc : memref<!tpu.dma_semaphore, #tpu.memory_space<semaphore_mem>>
        %dma_start3A_75 = arith.constant 0 : i32
        %dma_start3A_76 = arith.constant 0 : i32
        %dma_start3A_77 = tpu.memref_slice %arg9[%dma_start3A_75, %dma_start3A_76] : memref<40x128xi32, #tpu.memory_space<vmem>> -> memref<40x128xi32, #tpu.memory_space<vmem>>
        %dma_start3A_78 = arith.constant 40 : i32
        %dma_start3A_79 = arith.constant 0 : i32
        %dma_start3A_80 = tpu.memref_slice %arg3[%arg1, %dma_start3A_78, %dma_start3A_79] : memref<16x118x128xi32, #tpu.memory_space<hbm>> -> memref<1x40x128xi32, #tpu.memory_space<hbm>>
        %dma_start3A_81 = tpu.memref_squeeze %dma_start3A_80 : memref<1x40x128xi32, #tpu.memory_space<hbm>> -> memref<40x128xi32, #tpu.memory_space<hbm>>
        %dma_start3A_82 = arith.constant 0 : i32
        %dma_start3A_83 = arith.constant 0 : i32
        %dma_start3A_84 = tpu.memref_slice %arg9[%dma_start3A_82, %dma_start3A_83] : memref<40x128xi32, #tpu.memory_space<vmem>> -> memref<40x128xi32, #tpu.memory_space<vmem>>
        %dma_start3A_85 = arith.constant 40 : i32
        %dma_start3A_86 = arith.constant 0 : i32
        %dma_start3A_87 = tpu.memref_slice %arg3[%arg1, %dma_start3A_85, %dma_start3A_86] : memref<16x118x128xi32, #tpu.memory_space<hbm>> -> memref<1x40x128xi32, #tpu.memory_space<hbm>>
        %dma_start3A_88 = tpu.memref_squeeze %dma_start3A_87 : memref<1x40x128xi32, #tpu.memory_space<hbm>> -> memref<40x128xi32, #tpu.memory_space<hbm>>
        tpu.enqueue_dma source(%dma_start3A_88 : memref<40x128xi32, #tpu.memory_space<hbm>>) target(%dma_start3A_84 : memref<40x128xi32, #tpu.memory_space<vmem>>) target_semaphore(%run_scoped3A : memref<!tpu.dma_semaphore, #tpu.memory_space<semaphore_mem>>)
        %dma_wait3A = arith.constant 0 : i32
        %dma_wait3A_89 = arith.constant 0 : i32
        %dma_wait3A_90 = tpu.memref_slice %arg9[%dma_wait3A, %dma_wait3A_89] : memref<40x128xi32, #tpu.memory_space<vmem>> -> memref<40x128xi32, #tpu.memory_space<vmem>>
        %dma_wait3A_91 = arith.constant 40 : i32
        %dma_wait3A_92 = arith.constant 0 : i32
        %dma_wait3A_93 = tpu.memref_slice %arg3[%arg1, %dma_wait3A_91, %dma_wait3A_92] : memref<16x118x128xi32, #tpu.memory_space<hbm>> -> memref<1x40x128xi32, #tpu.memory_space<hbm>>
        %dma_wait3A_94 = tpu.memref_squeeze %dma_wait3A_93 : memref<1x40x128xi32, #tpu.memory_space<hbm>> -> memref<40x128xi32, #tpu.memory_space<hbm>>
        %dma_wait3A_95 = arith.constant 0 : i32
        %dma_wait3A_96 = arith.constant 0 : i32
        %dma_wait3A_97 = tpu.memref_slice %arg9[%dma_wait3A_95, %dma_wait3A_96] : memref<40x128xi32, #tpu.memory_space<vmem>> -> memref<40x128xi32, #tpu.memory_space<vmem>>
        %dma_wait3A_98 = arith.constant 40 : i32
        %dma_wait3A_99 = arith.constant 0 : i32
        %dma_wait3A_100 = tpu.memref_slice %arg3[%arg1, %dma_wait3A_98, %dma_wait3A_99] : memref<16x118x128xi32, #tpu.memory_space<hbm>> -> memref<1x40x128xi32, #tpu.memory_space<hbm>>
        %dma_wait3A_101 = tpu.memref_squeeze %dma_wait3A_100 : memref<1x40x128xi32, #tpu.memory_space<hbm>> -> memref<40x128xi32, #tpu.memory_space<hbm>>
        tpu.wait_dma2 semaphore(%run_scoped3A : memref<!tpu.dma_semaphore, #tpu.memory_space<semaphore_mem>>) src(%dma_wait3A_101 : memref<40x128xi32, #tpu.memory_space<hbm>>) dst(%dma_wait3A_97 : memref<40x128xi32, #tpu.memory_space<vmem>>)
        tpu.yield
      }) : () -> ()
      "tpu.region"() ({
        %run_scoped3A = tpu.sem_alloc : memref<!tpu.dma_semaphore, #tpu.memory_space<semaphore_mem>>
        %dma_start3A_75 = arith.constant 0 : i32
        %dma_start3A_76 = arith.constant 0 : i32
        %dma_start3A_77 = tpu.memref_slice %arg10[%dma_start3A_75, %dma_start3A_76] : memref<40x128xi32, #tpu.memory_space<vmem>> -> memref<40x128xi32, #tpu.memory_space<vmem>>
        %dma_start3A_78 = arith.constant 40 : i32
        %dma_start3A_79 = arith.constant 0 : i32
        %dma_start3A_80 = tpu.memref_slice %arg4[%arg1, %dma_start3A_78, %dma_start3A_79] : memref<16x118x128xi32, #tpu.memory_space<hbm>> -> memref<1x40x128xi32, #tpu.memory_space<hbm>>
        %dma_start3A_81 = tpu.memref_squeeze %dma_start3A_80 : memref<1x40x128xi32, #tpu.memory_space<hbm>> -> memref<40x128xi32, #tpu.memory_space<hbm>>
        %dma_start3A_82 = arith.constant 0 : i32
        %dma_start3A_83 = arith.constant 0 : i32
        %dma_start3A_84 = tpu.memref_slice %arg10[%dma_start3A_82, %dma_start3A_83] : memref<40x128xi32, #tpu.memory_space<vmem>> -> memref<40x128xi32, #tpu.memory_space<vmem>>
        %dma_start3A_85 = arith.constant 40 : i32
        %dma_start3A_86 = arith.constant 0 : i32
        %dma_start3A_87 = tpu.memref_slice %arg4[%arg1, %dma_start3A_85, %dma_start3A_86] : memref<16x118x128xi32, #tpu.memory_space<hbm>> -> memref<1x40x128xi32, #tpu.memory_space<hbm>>
        %dma_start3A_88 = tpu.memref_squeeze %dma_start3A_87 : memref<1x40x128xi32, #tpu.memory_space<hbm>> -> memref<40x128xi32, #tpu.memory_space<hbm>>
        tpu.enqueue_dma source(%dma_start3A_88 : memref<40x128xi32, #tpu.memory_space<hbm>>) target(%dma_start3A_84 : memref<40x128xi32, #tpu.memory_space<vmem>>) target_semaphore(%run_scoped3A : memref<!tpu.dma_semaphore, #tpu.memory_space<semaphore_mem>>)
        %dma_wait3A = arith.constant 0 : i32
        %dma_wait3A_89 = arith.constant 0 : i32
        %dma_wait3A_90 = tpu.memref_slice %arg10[%dma_wait3A, %dma_wait3A_89] : memref<40x128xi32, #tpu.memory_space<vmem>> -> memref<40x128xi32, #tpu.memory_space<vmem>>
        %dma_wait3A_91 = arith.constant 40 : i32
        %dma_wait3A_92 = arith.constant 0 : i32
        %dma_wait3A_93 = tpu.memref_slice %arg4[%arg1, %dma_wait3A_91, %dma_wait3A_92] : memref<16x118x128xi32, #tpu.memory_space<hbm>> -> memref<1x40x128xi32, #tpu.memory_space<hbm>>
        %dma_wait3A_94 = tpu.memref_squeeze %dma_wait3A_93 : memref<1x40x128xi32, #tpu.memory_space<hbm>> -> memref<40x128xi32, #tpu.memory_space<hbm>>
        %dma_wait3A_95 = arith.constant 0 : i32
        %dma_wait3A_96 = arith.constant 0 : i32
        %dma_wait3A_97 = tpu.memref_slice %arg10[%dma_wait3A_95, %dma_wait3A_96] : memref<40x128xi32, #tpu.memory_space<vmem>> -> memref<40x128xi32, #tpu.memory_space<vmem>>
        %dma_wait3A_98 = arith.constant 40 : i32
        %dma_wait3A_99 = arith.constant 0 : i32
        %dma_wait3A_100 = tpu.memref_slice %arg4[%arg1, %dma_wait3A_98, %dma_wait3A_99] : memref<16x118x128xi32, #tpu.memory_space<hbm>> -> memref<1x40x128xi32, #tpu.memory_space<hbm>>
        %dma_wait3A_101 = tpu.memref_squeeze %dma_wait3A_100 : memref<1x40x128xi32, #tpu.memory_space<hbm>> -> memref<40x128xi32, #tpu.memory_space<hbm>>
        tpu.wait_dma2 semaphore(%run_scoped3A : memref<!tpu.dma_semaphore, #tpu.memory_space<semaphore_mem>>) src(%dma_wait3A_101 : memref<40x128xi32, #tpu.memory_space<hbm>>) dst(%dma_wait3A_97 : memref<40x128xi32, #tpu.memory_space<vmem>>)
        tpu.yield
      }) : () -> ()
      %dma_start3A_35 = arith.constant 0 : i32
      %dma_start3A_36 = arith.constant 0 : i32
      %dma_start3A_37 = tpu.memref_slice %arg9[%dma_start3A_35, %dma_start3A_36] : memref<40x128xi32, #tpu.memory_space<vmem>> -> memref<1x128xi32, #tpu.memory_space<vmem>>
      %dma_start3A_38 = tpu.memref_squeeze %dma_start3A_37 : memref<1x128xi32, #tpu.memory_space<vmem>> -> memref<128xi32, #tpu.memory_space<vmem>>
      %dma_start3A_39 = arith.constant 0 : i32
      %dma_start3A_40 = arith.constant 0 : i32
      %dma_start3A_41 = tpu.memref_slice %arg2[%dma_start3A_39, %dma_start3A_40] : memref<10240x128xf32, #tpu.memory_space<hbm>> -> memref<10240x128xf32, #tpu.memory_space<hbm>>
      tpu.enqueue_indirect_dma source(%dma_start3A_41 : memref<10240x128xf32, #tpu.memory_space<hbm>>) target(%arg11 : memref<128x128xf32, #tpu.memory_space<vmem>>) offsets(%dma_start3A_38 : memref<128xi32, #tpu.memory_space<vmem>>) semaphore(%arg14 : memref<!tpu.dma_semaphore, #tpu.memory_space<semaphore_mem>>)
      %dma_start3A_42 = arith.constant 1 : i32
      %dma_start3A_43 = arith.constant 0 : i32
      %dma_start3A_44 = tpu.memref_slice %arg9[%dma_start3A_42, %dma_start3A_43] : memref<40x128xi32, #tpu.memory_space<vmem>> -> memref<1x128xi32, #tpu.memory_space<vmem>>
      %dma_start3A_45 = tpu.memref_squeeze %dma_start3A_44 : memref<1x128xi32, #tpu.memory_space<vmem>> -> memref<128xi32, #tpu.memory_space<vmem>>
      %dma_start3A_46 = arith.constant 0 : i32
      %dma_start3A_47 = arith.constant 0 : i32
      %dma_start3A_48 = tpu.memref_slice %arg2[%dma_start3A_46, %dma_start3A_47] : memref<10240x128xf32, #tpu.memory_space<hbm>> -> memref<10240x128xf32, #tpu.memory_space<hbm>>
      tpu.enqueue_indirect_dma source(%dma_start3A_48 : memref<10240x128xf32, #tpu.memory_space<hbm>>) target(%arg12 : memref<128x128xf32, #tpu.memory_space<vmem>>) offsets(%dma_start3A_45 : memref<128xi32, #tpu.memory_space<vmem>>) semaphore(%arg15 : memref<!tpu.dma_semaphore, #tpu.memory_space<semaphore_mem>>)
      %scan3A_49 = arith.constant 0 : i32
      %scan3A_50 = arith.constant 0 : i32
      %scan3A_51 = arith.constant 20 : i32
      %scan3A_52 = arith.addi %scan3A_50, %scan3A_51 : i32
      %scan3A_53 = arith.constant 1 : i32
      scf.for %scan3A_75 = %scan3A_50 to %scan3A_52 step %scan3A_53  : i32 {
        %mul3A_76 = arith.constant 2 : i32
        %mul3A_77 = arith.muli %scan3A_75, %mul3A_76 : i32
        %add3A_78 = arith.constant 0 : i32
        %add3A_79 = arith.addi %mul3A_77, %add3A_78 : i32
        %lt3A = arith.constant 40 : i32
        %lt3A_80 = arith.cmpi slt, %add3A_79, %lt3A : i32
        %convert_element_type3A_81 = arith.extui %lt3A_80 : i1 to i32
        %cond3A_82 = arith.constant 0 : i32
        %cond3A_83 = arith.cmpi ne, %convert_element_type3A_81, %cond3A_82 : i32
        scf.if %cond3A_83 {
          %dma_wait3A = arith.constant 0 : i32
          %dma_wait3A_105 = tpu.memref_slice %arg9[%add3A_79, %dma_wait3A] : memref<40x128xi32, #tpu.memory_space<vmem>> -> memref<1x128xi32, #tpu.memory_space<vmem>>
          %dma_wait3A_106 = tpu.memref_squeeze %dma_wait3A_105 : memref<1x128xi32, #tpu.memory_space<vmem>> -> memref<128xi32, #tpu.memory_space<vmem>>
          %dma_wait3A_107 = arith.constant 0 : i32
          %dma_wait3A_108 = arith.constant 0 : i32
          %dma_wait3A_109 = tpu.memref_slice %arg2[%dma_wait3A_107, %dma_wait3A_108] : memref<10240x128xf32, #tpu.memory_space<hbm>> -> memref<10240x128xf32, #tpu.memory_space<hbm>>
          tpu.wait_indirect_dma semaphore(%arg14 : memref<!tpu.dma_semaphore, #tpu.memory_space<semaphore_mem>>) src(%dma_wait3A_109 : memref<10240x128xf32, #tpu.memory_space<hbm>>) dst(%arg11 : memref<128x128xf32, #tpu.memory_space<vmem>>)
          "tpu.region"() ({
            %run_scoped3A = tpu.sem_alloc : memref<!tpu.dma_semaphore, #tpu.memory_space<semaphore_mem>>
            %dma_start3A_110 = arith.constant 0 : i32
            %dma_start3A_111 = tpu.memref_slice %arg10[%add3A_79, %dma_start3A_110] : memref<40x128xi32, #tpu.memory_space<vmem>> -> memref<1x128xi32, #tpu.memory_space<vmem>>
            %dma_start3A_112 = tpu.memref_squeeze %dma_start3A_111 : memref<1x128xi32, #tpu.memory_space<vmem>> -> memref<128xi32, #tpu.memory_space<vmem>>
            %dma_start3A_113 = arith.constant 0 : i32
            %dma_start3A_114 = arith.constant 0 : i32
            %dma_start3A_115 = tpu.memref_slice %arg13[%dma_start3A_113, %dma_start3A_114] : memref<10240x128xf32, #tpu.memory_space<vmem_shared>> -> memref<10240x128xf32, #tpu.memory_space<vmem_shared>>
            tpu.enqueue_indirect_dma source(%arg11 : memref<128x128xf32, #tpu.memory_space<vmem>>) target(%dma_start3A_115 : memref<10240x128xf32, #tpu.memory_space<vmem_shared>>) offsets(%dma_start3A_112 : memref<128xi32, #tpu.memory_space<vmem>>) semaphore(%run_scoped3A : memref<!tpu.dma_semaphore, #tpu.memory_space<semaphore_mem>>) {add = true}
            %dma_wait3A_116 = arith.constant 0 : i32
            %dma_wait3A_117 = tpu.memref_slice %arg10[%add3A_79, %dma_wait3A_116] : memref<40x128xi32, #tpu.memory_space<vmem>> -> memref<1x128xi32, #tpu.memory_space<vmem>>
            %dma_wait3A_118 = tpu.memref_squeeze %dma_wait3A_117 : memref<1x128xi32, #tpu.memory_space<vmem>> -> memref<128xi32, #tpu.memory_space<vmem>>
            %dma_wait3A_119 = arith.constant 0 : i32
            %dma_wait3A_120 = arith.constant 0 : i32
            %dma_wait3A_121 = tpu.memref_slice %arg13[%dma_wait3A_119, %dma_wait3A_120] : memref<10240x128xf32, #tpu.memory_space<vmem_shared>> -> memref<10240x128xf32, #tpu.memory_space<vmem_shared>>
            tpu.wait_indirect_dma semaphore(%run_scoped3A : memref<!tpu.dma_semaphore, #tpu.memory_space<semaphore_mem>>) src(%arg11 : memref<128x128xf32, #tpu.memory_space<vmem>>) dst(%dma_wait3A_121 : memref<10240x128xf32, #tpu.memory_space<vmem_shared>>)
            tpu.yield
          }) : () -> ()
        } else {
        }
        %add3A_84 = arith.constant 2 : i32
        %add3A_85 = arith.addi %add3A_79, %add3A_84 : i32
        %lt3A_86 = arith.constant 40 : i32
        %lt3A_87 = arith.cmpi slt, %add3A_85, %lt3A_86 : i32
        %convert_element_type3A_88 = arith.extui %lt3A_87 : i1 to i32
        %cond3A_89 = arith.constant 0 : i32
        %cond3A_90 = arith.cmpi ne, %convert_element_type3A_88, %cond3A_89 : i32
        scf.if %cond3A_90 {
          %dma_start3A_105 = arith.constant 0 : i32
          %dma_start3A_106 = tpu.memref_slice %arg9[%add3A_85, %dma_start3A_105] : memref<40x128xi32, #tpu.memory_space<vmem>> -> memref<1x128xi32, #tpu.memory_space<vmem>>
          %dma_start3A_107 = tpu.memref_squeeze %dma_start3A_106 : memref<1x128xi32, #tpu.memory_space<vmem>> -> memref<128xi32, #tpu.memory_space<vmem>>
          %dma_start3A_108 = arith.constant 0 : i32
          %dma_start3A_109 = arith.constant 0 : i32
          %dma_start3A_110 = tpu.memref_slice %arg2[%dma_start3A_108, %dma_start3A_109] : memref<10240x128xf32, #tpu.memory_space<hbm>> -> memref<10240x128xf32, #tpu.memory_space<hbm>>
          tpu.enqueue_indirect_dma source(%dma_start3A_110 : memref<10240x128xf32, #tpu.memory_space<hbm>>) target(%arg11 : memref<128x128xf32, #tpu.memory_space<vmem>>) offsets(%dma_start3A_107 : memref<128xi32, #tpu.memory_space<vmem>>) semaphore(%arg14 : memref<!tpu.dma_semaphore, #tpu.memory_space<semaphore_mem>>)
        } else {
        }
        %add3A_91 = arith.constant 1 : i32
        %add3A_92 = arith.addi %mul3A_77, %add3A_91 : i32
        %lt3A_93 = arith.constant 40 : i32
        %lt3A_94 = arith.cmpi slt, %add3A_92, %lt3A_93 : i32
        %convert_element_type3A_95 = arith.extui %lt3A_94 : i1 to i32
        %cond3A_96 = arith.constant 0 : i32
        %cond3A_97 = arith.cmpi ne, %convert_element_type3A_95, %cond3A_96 : i32
        scf.if %cond3A_97 {
          %dma_wait3A = arith.constant 0 : i32
          %dma_wait3A_105 = tpu.memref_slice %arg9[%add3A_92, %dma_wait3A] : memref<40x128xi32, #tpu.memory_space<vmem>> -> memref<1x128xi32, #tpu.memory_space<vmem>>
          %dma_wait3A_106 = tpu.memref_squeeze %dma_wait3A_105 : memref<1x128xi32, #tpu.memory_space<vmem>> -> memref<128xi32, #tpu.memory_space<vmem>>
          %dma_wait3A_107 = arith.constant 0 : i32
          %dma_wait3A_108 = arith.constant 0 : i32
          %dma_wait3A_109 = tpu.memref_slice %arg2[%dma_wait3A_107, %dma_wait3A_108] : memref<10240x128xf32, #tpu.memory_space<hbm>> -> memref<10240x128xf32, #tpu.memory_space<hbm>>
          tpu.wait_indirect_dma semaphore(%arg15 : memref<!tpu.dma_semaphore, #tpu.memory_space<semaphore_mem>>) src(%dma_wait3A_109 : memref<10240x128xf32, #tpu.memory_space<hbm>>) dst(%arg12 : memref<128x128xf32, #tpu.memory_space<vmem>>)
          "tpu.region"() ({
            %run_scoped3A = tpu.sem_alloc : memref<!tpu.dma_semaphore, #tpu.memory_space<semaphore_mem>>
            %dma_start3A_110 = arith.constant 0 : i32
            %dma_start3A_111 = tpu.memref_slice %arg10[%add3A_92, %dma_start3A_110] : memref<40x128xi32, #tpu.memory_space<vmem>> -> memref<1x128xi32, #tpu.memory_space<vmem>>
            %dma_start3A_112 = tpu.memref_squeeze %dma_start3A_111 : memref<1x128xi32, #tpu.memory_space<vmem>> -> memref<128xi32, #tpu.memory_space<vmem>>
            %dma_start3A_113 = arith.constant 0 : i32
            %dma_start3A_114 = arith.constant 0 : i32
            %dma_start3A_115 = tpu.memref_slice %arg13[%dma_start3A_113, %dma_start3A_114] : memref<10240x128xf32, #tpu.memory_space<vmem_shared>> -> memref<10240x128xf32, #tpu.memory_space<vmem_shared>>
            tpu.enqueue_indirect_dma source(%arg12 : memref<128x128xf32, #tpu.memory_space<vmem>>) target(%dma_start3A_115 : memref<10240x128xf32, #tpu.memory_space<vmem_shared>>) offsets(%dma_start3A_112 : memref<128xi32, #tpu.memory_space<vmem>>) semaphore(%run_scoped3A : memref<!tpu.dma_semaphore, #tpu.memory_space<semaphore_mem>>) {add = true}
            %dma_wait3A_116 = arith.constant 0 : i32
            %dma_wait3A_117 = tpu.memref_slice %arg10[%add3A_92, %dma_wait3A_116] : memref<40x128xi32, #tpu.memory_space<vmem>> -> memref<1x128xi32, #tpu.memory_space<vmem>>
            %dma_wait3A_118 = tpu.memref_squeeze %dma_wait3A_117 : memref<1x128xi32, #tpu.memory_space<vmem>> -> memref<128xi32, #tpu.memory_space<vmem>>
            %dma_wait3A_119 = arith.constant 0 : i32
            %dma_wait3A_120 = arith.constant 0 : i32
            %dma_wait3A_121 = tpu.memref_slice %arg13[%dma_wait3A_119, %dma_wait3A_120] : memref<10240x128xf32, #tpu.memory_space<vmem_shared>> -> memref<10240x128xf32, #tpu.memory_space<vmem_shared>>
            tpu.wait_indirect_dma semaphore(%run_scoped3A : memref<!tpu.dma_semaphore, #tpu.memory_space<semaphore_mem>>) src(%arg12 : memref<128x128xf32, #tpu.memory_space<vmem>>) dst(%dma_wait3A_121 : memref<10240x128xf32, #tpu.memory_space<vmem_shared>>)
            tpu.yield
          }) : () -> ()
        } else {
        }
        %add3A_98 = arith.constant 2 : i32
        %add3A_99 = arith.addi %add3A_92, %add3A_98 : i32
        %lt3A_100 = arith.constant 40 : i32
        %lt3A_101 = arith.cmpi slt, %add3A_99, %lt3A_100 : i32
        %convert_element_type3A_102 = arith.extui %lt3A_101 : i1 to i32
        %cond3A_103 = arith.constant 0 : i32
        %cond3A_104 = arith.cmpi ne, %convert_element_type3A_102, %cond3A_103 : i32
        scf.if %cond3A_104 {
          %dma_start3A_105 = arith.constant 0 : i32
          %dma_start3A_106 = tpu.memref_slice %arg9[%add3A_99, %dma_start3A_105] : memref<40x128xi32, #tpu.memory_space<vmem>> -> memref<1x128xi32, #tpu.memory_space<vmem>>
          %dma_start3A_107 = tpu.memref_squeeze %dma_start3A_106 : memref<1x128xi32, #tpu.memory_space<vmem>> -> memref<128xi32, #tpu.memory_space<vmem>>
          %dma_start3A_108 = arith.constant 0 : i32
          %dma_start3A_109 = arith.constant 0 : i32
          %dma_start3A_110 = tpu.memref_slice %arg2[%dma_start3A_108, %dma_start3A_109] : memref<10240x128xf32, #tpu.memory_space<hbm>> -> memref<10240x128xf32, #tpu.memory_space<hbm>>
          tpu.enqueue_indirect_dma source(%dma_start3A_110 : memref<10240x128xf32, #tpu.memory_space<hbm>>) target(%arg12 : memref<128x128xf32, #tpu.memory_space<vmem>>) offsets(%dma_start3A_107 : memref<128xi32, #tpu.memory_space<vmem>>) semaphore(%arg15 : memref<!tpu.dma_semaphore, #tpu.memory_space<semaphore_mem>>)
        } else {
        }
      }
      %scan3A_54 = arith.constant 20 : i32
      "tpu.region"() ({
        %run_scoped3A = tpu.sem_alloc : memref<!tpu.dma_semaphore, #tpu.memory_space<semaphore_mem>>
        %dma_start3A_75 = arith.constant 0 : i32
        %dma_start3A_76 = arith.constant 0 : i32
        %dma_start3A_77 = tpu.memref_slice %arg9[%dma_start3A_75, %dma_start3A_76] : memref<40x128xi32, #tpu.memory_space<vmem>> -> memref<38x128xi32, #tpu.memory_space<vmem>>
        %dma_start3A_78 = arith.constant 80 : i32
        %dma_start3A_79 = arith.constant 0 : i32
        %dma_start3A_80 = tpu.memref_slice %arg3[%arg1, %dma_start3A_78, %dma_start3A_79] : memref<16x118x128xi32, #tpu.memory_space<hbm>> -> memref<1x38x128xi32, #tpu.memory_space<hbm>>
        %dma_start3A_81 = tpu.memref_squeeze %dma_start3A_80 : memref<1x38x128xi32, #tpu.memory_space<hbm>> -> memref<38x128xi32, #tpu.memory_space<hbm>>
        %dma_start3A_82 = arith.constant 0 : i32
        %dma_start3A_83 = arith.constant 0 : i32
        %dma_start3A_84 = tpu.memref_slice %arg9[%dma_start3A_82, %dma_start3A_83] : memref<40x128xi32, #tpu.memory_space<vmem>> -> memref<38x128xi32, #tpu.memory_space<vmem>>
        %dma_start3A_85 = arith.constant 80 : i32
        %dma_start3A_86 = arith.constant 0 : i32
        %dma_start3A_87 = tpu.memref_slice %arg3[%arg1, %dma_start3A_85, %dma_start3A_86] : memref<16x118x128xi32, #tpu.memory_space<hbm>> -> memref<1x38x128xi32, #tpu.memory_space<hbm>>
        %dma_start3A_88 = tpu.memref_squeeze %dma_start3A_87 : memref<1x38x128xi32, #tpu.memory_space<hbm>> -> memref<38x128xi32, #tpu.memory_space<hbm>>
        tpu.enqueue_dma source(%dma_start3A_88 : memref<38x128xi32, #tpu.memory_space<hbm>>) target(%dma_start3A_84 : memref<38x128xi32, #tpu.memory_space<vmem>>) target_semaphore(%run_scoped3A : memref<!tpu.dma_semaphore, #tpu.memory_space<semaphore_mem>>)
        %dma_wait3A = arith.constant 0 : i32
        %dma_wait3A_89 = arith.constant 0 : i32
        %dma_wait3A_90 = tpu.memref_slice %arg9[%dma_wait3A, %dma_wait3A_89] : memref<40x128xi32, #tpu.memory_space<vmem>> -> memref<38x128xi32, #tpu.memory_space<vmem>>
        %dma_wait3A_91 = arith.constant 80 : i32
        %dma_wait3A_92 = arith.constant 0 : i32
        %dma_wait3A_93 = tpu.memref_slice %arg3[%arg1, %dma_wait3A_91, %dma_wait3A_92] : memref<16x118x128xi32, #tpu.memory_space<hbm>> -> memref<1x38x128xi32, #tpu.memory_space<hbm>>
        %dma_wait3A_94 = tpu.memref_squeeze %dma_wait3A_93 : memref<1x38x128xi32, #tpu.memory_space<hbm>> -> memref<38x128xi32, #tpu.memory_space<hbm>>
        %dma_wait3A_95 = arith.constant 0 : i32
        %dma_wait3A_96 = arith.constant 0 : i32
        %dma_wait3A_97 = tpu.memref_slice %arg9[%dma_wait3A_95, %dma_wait3A_96] : memref<40x128xi32, #tpu.memory_space<vmem>> -> memref<38x128xi32, #tpu.memory_space<vmem>>
        %dma_wait3A_98 = arith.constant 80 : i32
        %dma_wait3A_99 = arith.constant 0 : i32
        %dma_wait3A_100 = tpu.memref_slice %arg3[%arg1, %dma_wait3A_98, %dma_wait3A_99] : memref<16x118x128xi32, #tpu.memory_space<hbm>> -> memref<1x38x128xi32, #tpu.memory_space<hbm>>
        %dma_wait3A_101 = tpu.memref_squeeze %dma_wait3A_100 : memref<1x38x128xi32, #tpu.memory_space<hbm>> -> memref<38x128xi32, #tpu.memory_space<hbm>>
        tpu.wait_dma2 semaphore(%run_scoped3A : memref<!tpu.dma_semaphore, #tpu.memory_space<semaphore_mem>>) src(%dma_wait3A_101 : memref<38x128xi32, #tpu.memory_space<hbm>>) dst(%dma_wait3A_97 : memref<38x128xi32, #tpu.memory_space<vmem>>)
        tpu.yield
      }) : () -> ()
      "tpu.region"() ({
        %run_scoped3A = tpu.sem_alloc : memref<!tpu.dma_semaphore, #tpu.memory_space<semaphore_mem>>
        %dma_start3A_75 = arith.constant 0 : i32
        %dma_start3A_76 = arith.constant 0 : i32
        %dma_start3A_77 = tpu.memref_slice %arg10[%dma_start3A_75, %dma_start3A_76] : memref<40x128xi32, #tpu.memory_space<vmem>> -> memref<38x128xi32, #tpu.memory_space<vmem>>
        %dma_start3A_78 = arith.constant 80 : i32
        %dma_start3A_79 = arith.constant 0 : i32
        %dma_start3A_80 = tpu.memref_slice %arg4[%arg1, %dma_start3A_78, %dma_start3A_79] : memref<16x118x128xi32, #tpu.memory_space<hbm>> -> memref<1x38x128xi32, #tpu.memory_space<hbm>>
        %dma_start3A_81 = tpu.memref_squeeze %dma_start3A_80 : memref<1x38x128xi32, #tpu.memory_space<hbm>> -> memref<38x128xi32, #tpu.memory_space<hbm>>
        %dma_start3A_82 = arith.constant 0 : i32
        %dma_start3A_83 = arith.constant 0 : i32
        %dma_start3A_84 = tpu.memref_slice %arg10[%dma_start3A_82, %dma_start3A_83] : memref<40x128xi32, #tpu.memory_space<vmem>> -> memref<38x128xi32, #tpu.memory_space<vmem>>
        %dma_start3A_85 = arith.constant 80 : i32
        %dma_start3A_86 = arith.constant 0 : i32
        %dma_start3A_87 = tpu.memref_slice %arg4[%arg1, %dma_start3A_85, %dma_start3A_86] : memref<16x118x128xi32, #tpu.memory_space<hbm>> -> memref<1x38x128xi32, #tpu.memory_space<hbm>>
        %dma_start3A_88 = tpu.memref_squeeze %dma_start3A_87 : memref<1x38x128xi32, #tpu.memory_space<hbm>> -> memref<38x128xi32, #tpu.memory_space<hbm>>
        tpu.enqueue_dma source(%dma_start3A_88 : memref<38x128xi32, #tpu.memory_space<hbm>>) target(%dma_start3A_84 : memref<38x128xi32, #tpu.memory_space<vmem>>) target_semaphore(%run_scoped3A : memref<!tpu.dma_semaphore, #tpu.memory_space<semaphore_mem>>)
        %dma_wait3A = arith.constant 0 : i32
        %dma_wait3A_89 = arith.constant 0 : i32
        %dma_wait3A_90 = tpu.memref_slice %arg10[%dma_wait3A, %dma_wait3A_89] : memref<40x128xi32, #tpu.memory_space<vmem>> -> memref<38x128xi32, #tpu.memory_space<vmem>>
        %dma_wait3A_91 = arith.constant 80 : i32
        %dma_wait3A_92 = arith.constant 0 : i32
        %dma_wait3A_93 = tpu.memref_slice %arg4[%arg1, %dma_wait3A_91, %dma_wait3A_92] : memref<16x118x128xi32, #tpu.memory_space<hbm>> -> memref<1x38x128xi32, #tpu.memory_space<hbm>>
        %dma_wait3A_94 = tpu.memref_squeeze %dma_wait3A_93 : memref<1x38x128xi32, #tpu.memory_space<hbm>> -> memref<38x128xi32, #tpu.memory_space<hbm>>
        %dma_wait3A_95 = arith.constant 0 : i32
        %dma_wait3A_96 = arith.constant 0 : i32
        %dma_wait3A_97 = tpu.memref_slice %arg10[%dma_wait3A_95, %dma_wait3A_96] : memref<40x128xi32, #tpu.memory_space<vmem>> -> memref<38x128xi32, #tpu.memory_space<vmem>>
        %dma_wait3A_98 = arith.constant 80 : i32
        %dma_wait3A_99 = arith.constant 0 : i32
        %dma_wait3A_100 = tpu.memref_slice %arg4[%arg1, %dma_wait3A_98, %dma_wait3A_99] : memref<16x118x128xi32, #tpu.memory_space<hbm>> -> memref<1x38x128xi32, #tpu.memory_space<hbm>>
        %dma_wait3A_101 = tpu.memref_squeeze %dma_wait3A_100 : memref<1x38x128xi32, #tpu.memory_space<hbm>> -> memref<38x128xi32, #tpu.memory_space<hbm>>
        tpu.wait_dma2 semaphore(%run_scoped3A : memref<!tpu.dma_semaphore, #tpu.memory_space<semaphore_mem>>) src(%dma_wait3A_101 : memref<38x128xi32, #tpu.memory_space<hbm>>) dst(%dma_wait3A_97 : memref<38x128xi32, #tpu.memory_space<vmem>>)
        tpu.yield
      }) : () -> ()
      %dma_start3A_55 = arith.constant 0 : i32
      %dma_start3A_56 = arith.constant 0 : i32
      %dma_start3A_57 = tpu.memref_slice %arg9[%dma_start3A_55, %dma_start3A_56] : memref<40x128xi32, #tpu.memory_space<vmem>> -> memref<1x128xi32, #tpu.memory_space<vmem>>
      %dma_start3A_58 = tpu.memref_squeeze %dma_start3A_57 : memref<1x128xi32, #tpu.memory_space<vmem>> -> memref<128xi32, #tpu.memory_space<vmem>>
      %dma_start3A_59 = arith.constant 0 : i32
      %dma_start3A_60 = arith.constant 0 : i32
      %dma_start3A_61 = tpu.memref_slice %arg2[%dma_start3A_59, %dma_start3A_60] : memref<10240x128xf32, #tpu.memory_space<hbm>> -> memref<10240x128xf32, #tpu.memory_space<hbm>>
      tpu.enqueue_indirect_dma source(%dma_start3A_61 : memref<10240x128xf32, #tpu.memory_space<hbm>>) target(%arg11 : memref<128x128xf32, #tpu.memory_space<vmem>>) offsets(%dma_start3A_58 : memref<128xi32, #tpu.memory_space<vmem>>) semaphore(%arg14 : memref<!tpu.dma_semaphore, #tpu.memory_space<semaphore_mem>>)
      %dma_start3A_62 = arith.constant 1 : i32
      %dma_start3A_63 = arith.constant 0 : i32
      %dma_start3A_64 = tpu.memref_slice %arg9[%dma_start3A_62, %dma_start3A_63] : memref<40x128xi32, #tpu.memory_space<vmem>> -> memref<1x128xi32, #tpu.memory_space<vmem>>
      %dma_start3A_65 = tpu.memref_squeeze %dma_start3A_64 : memref<1x128xi32, #tpu.memory_space<vmem>> -> memref<128xi32, #tpu.memory_space<vmem>>
      %dma_start3A_66 = arith.constant 0 : i32
      %dma_start3A_67 = arith.constant 0 : i32
      %dma_start3A_68 = tpu.memref_slice %arg2[%dma_start3A_66, %dma_start3A_67] : memref<10240x128xf32, #tpu.memory_space<hbm>> -> memref<10240x128xf32, #tpu.memory_space<hbm>>
      tpu.enqueue_indirect_dma source(%dma_start3A_68 : memref<10240x128xf32, #tpu.memory_space<hbm>>) target(%arg12 : memref<128x128xf32, #tpu.memory_space<vmem>>) offsets(%dma_start3A_65 : memref<128xi32, #tpu.memory_space<vmem>>) semaphore(%arg15 : memref<!tpu.dma_semaphore, #tpu.memory_space<semaphore_mem>>)
      %scan3A_69 = arith.constant 0 : i32
      %scan3A_70 = arith.constant 0 : i32
      %scan3A_71 = arith.constant 19 : i32
      %scan3A_72 = arith.addi %scan3A_70, %scan3A_71 : i32
      %scan3A_73 = arith.constant 1 : i32
      scf.for %scan3A_75 = %scan3A_70 to %scan3A_72 step %scan3A_73  : i32 {
        %mul3A_76 = arith.constant 2 : i32
        %mul3A_77 = arith.muli %scan3A_75, %mul3A_76 : i32
        %add3A_78 = arith.constant 0 : i32
        %add3A_79 = arith.addi %mul3A_77, %add3A_78 : i32
        %lt3A = arith.constant 38 : i32
        %lt3A_80 = arith.cmpi slt, %add3A_79, %lt3A : i32
        %convert_element_type3A_81 = arith.extui %lt3A_80 : i1 to i32
        %cond3A_82 = arith.constant 0 : i32
        %cond3A_83 = arith.cmpi ne, %convert_element_type3A_81, %cond3A_82 : i32
        scf.if %cond3A_83 {
          %dma_wait3A = arith.constant 0 : i32
          %dma_wait3A_105 = tpu.memref_slice %arg9[%add3A_79, %dma_wait3A] : memref<40x128xi32, #tpu.memory_space<vmem>> -> memref<1x128xi32, #tpu.memory_space<vmem>>
          %dma_wait3A_106 = tpu.memref_squeeze %dma_wait3A_105 : memref<1x128xi32, #tpu.memory_space<vmem>> -> memref<128xi32, #tpu.memory_space<vmem>>
          %dma_wait3A_107 = arith.constant 0 : i32
          %dma_wait3A_108 = arith.constant 0 : i32
          %dma_wait3A_109 = tpu.memref_slice %arg2[%dma_wait3A_107, %dma_wait3A_108] : memref<10240x128xf32, #tpu.memory_space<hbm>> -> memref<10240x128xf32, #tpu.memory_space<hbm>>
          tpu.wait_indirect_dma semaphore(%arg14 : memref<!tpu.dma_semaphore, #tpu.memory_space<semaphore_mem>>) src(%dma_wait3A_109 : memref<10240x128xf32, #tpu.memory_space<hbm>>) dst(%arg11 : memref<128x128xf32, #tpu.memory_space<vmem>>)
          "tpu.region"() ({
            %run_scoped3A = tpu.sem_alloc : memref<!tpu.dma_semaphore, #tpu.memory_space<semaphore_mem>>
            %dma_start3A_110 = arith.constant 0 : i32
            %dma_start3A_111 = tpu.memref_slice %arg10[%add3A_79, %dma_start3A_110] : memref<40x128xi32, #tpu.memory_space<vmem>> -> memref<1x128xi32, #tpu.memory_space<vmem>>
            %dma_start3A_112 = tpu.memref_squeeze %dma_start3A_111 : memref<1x128xi32, #tpu.memory_space<vmem>> -> memref<128xi32, #tpu.memory_space<vmem>>
            %dma_start3A_113 = arith.constant 0 : i32
            %dma_start3A_114 = arith.constant 0 : i32
            %dma_start3A_115 = tpu.memref_slice %arg13[%dma_start3A_113, %dma_start3A_114] : memref<10240x128xf32, #tpu.memory_space<vmem_shared>> -> memref<10240x128xf32, #tpu.memory_space<vmem_shared>>
            tpu.enqueue_indirect_dma source(%arg11 : memref<128x128xf32, #tpu.memory_space<vmem>>) target(%dma_start3A_115 : memref<10240x128xf32, #tpu.memory_space<vmem_shared>>) offsets(%dma_start3A_112 : memref<128xi32, #tpu.memory_space<vmem>>) semaphore(%run_scoped3A : memref<!tpu.dma_semaphore, #tpu.memory_space<semaphore_mem>>) {add = true}
            %dma_wait3A_116 = arith.constant 0 : i32
            %dma_wait3A_117 = tpu.memref_slice %arg10[%add3A_79, %dma_wait3A_116] : memref<40x128xi32, #tpu.memory_space<vmem>> -> memref<1x128xi32, #tpu.memory_space<vmem>>
            %dma_wait3A_118 = tpu.memref_squeeze %dma_wait3A_117 : memref<1x128xi32, #tpu.memory_space<vmem>> -> memref<128xi32, #tpu.memory_space<vmem>>
            %dma_wait3A_119 = arith.constant 0 : i32
            %dma_wait3A_120 = arith.constant 0 : i32
            %dma_wait3A_121 = tpu.memref_slice %arg13[%dma_wait3A_119, %dma_wait3A_120] : memref<10240x128xf32, #tpu.memory_space<vmem_shared>> -> memref<10240x128xf32, #tpu.memory_space<vmem_shared>>
            tpu.wait_indirect_dma semaphore(%run_scoped3A : memref<!tpu.dma_semaphore, #tpu.memory_space<semaphore_mem>>) src(%arg11 : memref<128x128xf32, #tpu.memory_space<vmem>>) dst(%dma_wait3A_121 : memref<10240x128xf32, #tpu.memory_space<vmem_shared>>)
            tpu.yield
          }) : () -> ()
        } else {
        }
        %add3A_84 = arith.constant 2 : i32
        %add3A_85 = arith.addi %add3A_79, %add3A_84 : i32
        %lt3A_86 = arith.constant 38 : i32
        %lt3A_87 = arith.cmpi slt, %add3A_85, %lt3A_86 : i32
        %convert_element_type3A_88 = arith.extui %lt3A_87 : i1 to i32
        %cond3A_89 = arith.constant 0 : i32
        %cond3A_90 = arith.cmpi ne, %convert_element_type3A_88, %cond3A_89 : i32
        scf.if %cond3A_90 {
          %dma_start3A_105 = arith.constant 0 : i32
          %dma_start3A_106 = tpu.memref_slice %arg9[%add3A_85, %dma_start3A_105] : memref<40x128xi32, #tpu.memory_space<vmem>> -> memref<1x128xi32, #tpu.memory_space<vmem>>
          %dma_start3A_107 = tpu.memref_squeeze %dma_start3A_106 : memref<1x128xi32, #tpu.memory_space<vmem>> -> memref<128xi32, #tpu.memory_space<vmem>>
          %dma_start3A_108 = arith.constant 0 : i32
          %dma_start3A_109 = arith.constant 0 : i32
          %dma_start3A_110 = tpu.memref_slice %arg2[%dma_start3A_108, %dma_start3A_109] : memref<10240x128xf32, #tpu.memory_space<hbm>> -> memref<10240x128xf32, #tpu.memory_space<hbm>>
          tpu.enqueue_indirect_dma source(%dma_start3A_110 : memref<10240x128xf32, #tpu.memory_space<hbm>>) target(%arg11 : memref<128x128xf32, #tpu.memory_space<vmem>>) offsets(%dma_start3A_107 : memref<128xi32, #tpu.memory_space<vmem>>) semaphore(%arg14 : memref<!tpu.dma_semaphore, #tpu.memory_space<semaphore_mem>>)
        } else {
        }
        %add3A_91 = arith.constant 1 : i32
        %add3A_92 = arith.addi %mul3A_77, %add3A_91 : i32
        %lt3A_93 = arith.constant 38 : i32
        %lt3A_94 = arith.cmpi slt, %add3A_92, %lt3A_93 : i32
        %convert_element_type3A_95 = arith.extui %lt3A_94 : i1 to i32
        %cond3A_96 = arith.constant 0 : i32
        %cond3A_97 = arith.cmpi ne, %convert_element_type3A_95, %cond3A_96 : i32
        scf.if %cond3A_97 {
          %dma_wait3A = arith.constant 0 : i32
          %dma_wait3A_105 = tpu.memref_slice %arg9[%add3A_92, %dma_wait3A] : memref<40x128xi32, #tpu.memory_space<vmem>> -> memref<1x128xi32, #tpu.memory_space<vmem>>
          %dma_wait3A_106 = tpu.memref_squeeze %dma_wait3A_105 : memref<1x128xi32, #tpu.memory_space<vmem>> -> memref<128xi32, #tpu.memory_space<vmem>>
          %dma_wait3A_107 = arith.constant 0 : i32
          %dma_wait3A_108 = arith.constant 0 : i32
          %dma_wait3A_109 = tpu.memref_slice %arg2[%dma_wait3A_107, %dma_wait3A_108] : memref<10240x128xf32, #tpu.memory_space<hbm>> -> memref<10240x128xf32, #tpu.memory_space<hbm>>
          tpu.wait_indirect_dma semaphore(%arg15 : memref<!tpu.dma_semaphore, #tpu.memory_space<semaphore_mem>>) src(%dma_wait3A_109 : memref<10240x128xf32, #tpu.memory_space<hbm>>) dst(%arg12 : memref<128x128xf32, #tpu.memory_space<vmem>>)
          "tpu.region"() ({
            %run_scoped3A = tpu.sem_alloc : memref<!tpu.dma_semaphore, #tpu.memory_space<semaphore_mem>>
            %dma_start3A_110 = arith.constant 0 : i32
            %dma_start3A_111 = tpu.memref_slice %arg10[%add3A_92, %dma_start3A_110] : memref<40x128xi32, #tpu.memory_space<vmem>> -> memref<1x128xi32, #tpu.memory_space<vmem>>
            %dma_start3A_112 = tpu.memref_squeeze %dma_start3A_111 : memref<1x128xi32, #tpu.memory_space<vmem>> -> memref<128xi32, #tpu.memory_space<vmem>>
            %dma_start3A_113 = arith.constant 0 : i32
            %dma_start3A_114 = arith.constant 0 : i32
            %dma_start3A_115 = tpu.memref_slice %arg13[%dma_start3A_113, %dma_start3A_114] : memref<10240x128xf32, #tpu.memory_space<vmem_shared>> -> memref<10240x128xf32, #tpu.memory_space<vmem_shared>>
            tpu.enqueue_indirect_dma source(%arg12 : memref<128x128xf32, #tpu.memory_space<vmem>>) target(%dma_start3A_115 : memref<10240x128xf32, #tpu.memory_space<vmem_shared>>) offsets(%dma_start3A_112 : memref<128xi32, #tpu.memory_space<vmem>>) semaphore(%run_scoped3A : memref<!tpu.dma_semaphore, #tpu.memory_space<semaphore_mem>>) {add = true}
            %dma_wait3A_116 = arith.constant 0 : i32
            %dma_wait3A_117 = tpu.memref_slice %arg10[%add3A_92, %dma_wait3A_116] : memref<40x128xi32, #tpu.memory_space<vmem>> -> memref<1x128xi32, #tpu.memory_space<vmem>>
            %dma_wait3A_118 = tpu.memref_squeeze %dma_wait3A_117 : memref<1x128xi32, #tpu.memory_space<vmem>> -> memref<128xi32, #tpu.memory_space<vmem>>
            %dma_wait3A_119 = arith.constant 0 : i32
            %dma_wait3A_120 = arith.constant 0 : i32
            %dma_wait3A_121 = tpu.memref_slice %arg13[%dma_wait3A_119, %dma_wait3A_120] : memref<10240x128xf32, #tpu.memory_space<vmem_shared>> -> memref<10240x128xf32, #tpu.memory_space<vmem_shared>>
            tpu.wait_indirect_dma semaphore(%run_scoped3A : memref<!tpu.dma_semaphore, #tpu.memory_space<semaphore_mem>>) src(%arg12 : memref<128x128xf32, #tpu.memory_space<vmem>>) dst(%dma_wait3A_121 : memref<10240x128xf32, #tpu.memory_space<vmem_shared>>)
            tpu.yield
          }) : () -> ()
        } else {
        }
        %add3A_98 = arith.constant 2 : i32
        %add3A_99 = arith.addi %add3A_92, %add3A_98 : i32
        %lt3A_100 = arith.constant 38 : i32
        %lt3A_101 = arith.cmpi slt, %add3A_99, %lt3A_100 : i32
        %convert_element_type3A_102 = arith.extui %lt3A_101 : i1 to i32
        %cond3A_103 = arith.constant 0 : i32
        %cond3A_104 = arith.cmpi ne, %convert_element_type3A_102, %cond3A_103 : i32
        scf.if %cond3A_104 {
          %dma_start3A_105 = arith.constant 0 : i32
          %dma_start3A_106 = tpu.memref_slice %arg9[%add3A_99, %dma_start3A_105] : memref<40x128xi32, #tpu.memory_space<vmem>> -> memref<1x128xi32, #tpu.memory_space<vmem>>
          %dma_start3A_107 = tpu.memref_squeeze %dma_start3A_106 : memref<1x128xi32, #tpu.memory_space<vmem>> -> memref<128xi32, #tpu.memory_space<vmem>>
          %dma_start3A_108 = arith.constant 0 : i32
          %dma_start3A_109 = arith.constant 0 : i32
          %dma_start3A_110 = tpu.memref_slice %arg2[%dma_start3A_108, %dma_start3A_109] : memref<10240x128xf32, #tpu.memory_space<hbm>> -> memref<10240x128xf32, #tpu.memory_space<hbm>>
          tpu.enqueue_indirect_dma source(%dma_start3A_110 : memref<10240x128xf32, #tpu.memory_space<hbm>>) target(%arg12 : memref<128x128xf32, #tpu.memory_space<vmem>>) offsets(%dma_start3A_107 : memref<128xi32, #tpu.memory_space<vmem>>) semaphore(%arg15 : memref<!tpu.dma_semaphore, #tpu.memory_space<semaphore_mem>>)
        } else {
        }
      }
      %scan3A_74 = arith.constant 19 : i32
    } else {
    }
    %eq3A_5 = arith.constant 1 : i32
    %eq3A_6 = arith.cmpi eq, %arg0, %eq3A_5 : i32
    %convert_element_type3A_7 = arith.extui %eq3A_6 : i1 to i32
    %cond3A_8 = arith.constant 0 : i32
    %cond3A_9 = arith.cmpi ne, %convert_element_type3A_7, %cond3A_8 : i32
    scf.if %cond3A_9 {
      "tpu.region"() ({
        %run_scoped3A = tpu.sem_alloc : memref<!tpu.dma_semaphore, #tpu.memory_space<semaphore_mem>>
        %dma_start3A_35 = arith.constant 0 : i32
        %dma_start3A_36 = arith.constant 0 : i32
        %dma_start3A_37 = tpu.memref_slice %arg9[%dma_start3A_35, %dma_start3A_36] : memref<40x128xi32, #tpu.memory_space<vmem>> -> memref<40x128xi32, #tpu.memory_space<vmem>>
        %dma_start3A_38 = arith.constant 0 : i32
        %dma_start3A_39 = arith.constant 0 : i32
        %dma_start3A_40 = tpu.memref_slice %arg5[%arg1, %dma_start3A_38, %dma_start3A_39] : memref<16x40x128xi32, #tpu.memory_space<hbm>> -> memref<1x40x128xi32, #tpu.memory_space<hbm>>
        %dma_start3A_41 = tpu.memref_squeeze %dma_start3A_40 : memref<1x40x128xi32, #tpu.memory_space<hbm>> -> memref<40x128xi32, #tpu.memory_space<hbm>>
        %dma_start3A_42 = arith.constant 0 : i32
        %dma_start3A_43 = arith.constant 0 : i32
        %dma_start3A_44 = tpu.memref_slice %arg9[%dma_start3A_42, %dma_start3A_43] : memref<40x128xi32, #tpu.memory_space<vmem>> -> memref<40x128xi32, #tpu.memory_space<vmem>>
        %dma_start3A_45 = arith.constant 0 : i32
        %dma_start3A_46 = arith.constant 0 : i32
        %dma_start3A_47 = tpu.memref_slice %arg5[%arg1, %dma_start3A_45, %dma_start3A_46] : memref<16x40x128xi32, #tpu.memory_space<hbm>> -> memref<1x40x128xi32, #tpu.memory_space<hbm>>
        %dma_start3A_48 = tpu.memref_squeeze %dma_start3A_47 : memref<1x40x128xi32, #tpu.memory_space<hbm>> -> memref<40x128xi32, #tpu.memory_space<hbm>>
        tpu.enqueue_dma source(%dma_start3A_48 : memref<40x128xi32, #tpu.memory_space<hbm>>) target(%dma_start3A_44 : memref<40x128xi32, #tpu.memory_space<vmem>>) target_semaphore(%run_scoped3A : memref<!tpu.dma_semaphore, #tpu.memory_space<semaphore_mem>>)
        %dma_wait3A = arith.constant 0 : i32
        %dma_wait3A_49 = arith.constant 0 : i32
        %dma_wait3A_50 = tpu.memref_slice %arg9[%dma_wait3A, %dma_wait3A_49] : memref<40x128xi32, #tpu.memory_space<vmem>> -> memref<40x128xi32, #tpu.memory_space<vmem>>
        %dma_wait3A_51 = arith.constant 0 : i32
        %dma_wait3A_52 = arith.constant 0 : i32
        %dma_wait3A_53 = tpu.memref_slice %arg5[%arg1, %dma_wait3A_51, %dma_wait3A_52] : memref<16x40x128xi32, #tpu.memory_space<hbm>> -> memref<1x40x128xi32, #tpu.memory_space<hbm>>
        %dma_wait3A_54 = tpu.memref_squeeze %dma_wait3A_53 : memref<1x40x128xi32, #tpu.memory_space<hbm>> -> memref<40x128xi32, #tpu.memory_space<hbm>>
        %dma_wait3A_55 = arith.constant 0 : i32
        %dma_wait3A_56 = arith.constant 0 : i32
        %dma_wait3A_57 = tpu.memref_slice %arg9[%dma_wait3A_55, %dma_wait3A_56] : memref<40x128xi32, #tpu.memory_space<vmem>> -> memref<40x128xi32, #tpu.memory_space<vmem>>
        %dma_wait3A_58 = arith.constant 0 : i32
        %dma_wait3A_59 = arith.constant 0 : i32
        %dma_wait3A_60 = tpu.memref_slice %arg5[%arg1, %dma_wait3A_58, %dma_wait3A_59] : memref<16x40x128xi32, #tpu.memory_space<hbm>> -> memref<1x40x128xi32, #tpu.memory_space<hbm>>
        %dma_wait3A_61 = tpu.memref_squeeze %dma_wait3A_60 : memref<1x40x128xi32, #tpu.memory_space<hbm>> -> memref<40x128xi32, #tpu.memory_space<hbm>>
        tpu.wait_dma2 semaphore(%run_scoped3A : memref<!tpu.dma_semaphore, #tpu.memory_space<semaphore_mem>>) src(%dma_wait3A_61 : memref<40x128xi32, #tpu.memory_space<hbm>>) dst(%dma_wait3A_57 : memref<40x128xi32, #tpu.memory_space<vmem>>)
        tpu.yield
      }) : () -> ()
      "tpu.region"() ({
        %run_scoped3A = tpu.sem_alloc : memref<!tpu.dma_semaphore, #tpu.memory_space<semaphore_mem>>
        %dma_start3A_35 = arith.constant 0 : i32
        %dma_start3A_36 = arith.constant 0 : i32
        %dma_start3A_37 = tpu.memref_slice %arg10[%dma_start3A_35, %dma_start3A_36] : memref<40x128xi32, #tpu.memory_space<vmem>> -> memref<40x128xi32, #tpu.memory_space<vmem>>
        %dma_start3A_38 = arith.constant 0 : i32
        %dma_start3A_39 = arith.constant 0 : i32
        %dma_start3A_40 = tpu.memref_slice %arg6[%arg1, %dma_start3A_38, %dma_start3A_39] : memref<16x40x128xi32, #tpu.memory_space<hbm>> -> memref<1x40x128xi32, #tpu.memory_space<hbm>>
        %dma_start3A_41 = tpu.memref_squeeze %dma_start3A_40 : memref<1x40x128xi32, #tpu.memory_space<hbm>> -> memref<40x128xi32, #tpu.memory_space<hbm>>
        %dma_start3A_42 = arith.constant 0 : i32
        %dma_start3A_43 = arith.constant 0 : i32
        %dma_start3A_44 = tpu.memref_slice %arg10[%dma_start3A_42, %dma_start3A_43] : memref<40x128xi32, #tpu.memory_space<vmem>> -> memref<40x128xi32, #tpu.memory_space<vmem>>
        %dma_start3A_45 = arith.constant 0 : i32
        %dma_start3A_46 = arith.constant 0 : i32
        %dma_start3A_47 = tpu.memref_slice %arg6[%arg1, %dma_start3A_45, %dma_start3A_46] : memref<16x40x128xi32, #tpu.memory_space<hbm>> -> memref<1x40x128xi32, #tpu.memory_space<hbm>>
        %dma_start3A_48 = tpu.memref_squeeze %dma_start3A_47 : memref<1x40x128xi32, #tpu.memory_space<hbm>> -> memref<40x128xi32, #tpu.memory_space<hbm>>
        tpu.enqueue_dma source(%dma_start3A_48 : memref<40x128xi32, #tpu.memory_space<hbm>>) target(%dma_start3A_44 : memref<40x128xi32, #tpu.memory_space<vmem>>) target_semaphore(%run_scoped3A : memref<!tpu.dma_semaphore, #tpu.memory_space<semaphore_mem>>)
        %dma_wait3A = arith.constant 0 : i32
        %dma_wait3A_49 = arith.constant 0 : i32
        %dma_wait3A_50 = tpu.memref_slice %arg10[%dma_wait3A, %dma_wait3A_49] : memref<40x128xi32, #tpu.memory_space<vmem>> -> memref<40x128xi32, #tpu.memory_space<vmem>>
        %dma_wait3A_51 = arith.constant 0 : i32
        %dma_wait3A_52 = arith.constant 0 : i32
        %dma_wait3A_53 = tpu.memref_slice %arg6[%arg1, %dma_wait3A_51, %dma_wait3A_52] : memref<16x40x128xi32, #tpu.memory_space<hbm>> -> memref<1x40x128xi32, #tpu.memory_space<hbm>>
        %dma_wait3A_54 = tpu.memref_squeeze %dma_wait3A_53 : memref<1x40x128xi32, #tpu.memory_space<hbm>> -> memref<40x128xi32, #tpu.memory_space<hbm>>
        %dma_wait3A_55 = arith.constant 0 : i32
        %dma_wait3A_56 = arith.constant 0 : i32
        %dma_wait3A_57 = tpu.memref_slice %arg10[%dma_wait3A_55, %dma_wait3A_56] : memref<40x128xi32, #tpu.memory_space<vmem>> -> memref<40x128xi32, #tpu.memory_space<vmem>>
        %dma_wait3A_58 = arith.constant 0 : i32
        %dma_wait3A_59 = arith.constant 0 : i32
        %dma_wait3A_60 = tpu.memref_slice %arg6[%arg1, %dma_wait3A_58, %dma_wait3A_59] : memref<16x40x128xi32, #tpu.memory_space<hbm>> -> memref<1x40x128xi32, #tpu.memory_space<hbm>>
        %dma_wait3A_61 = tpu.memref_squeeze %dma_wait3A_60 : memref<1x40x128xi32, #tpu.memory_space<hbm>> -> memref<40x128xi32, #tpu.memory_space<hbm>>
        tpu.wait_dma2 semaphore(%run_scoped3A : memref<!tpu.dma_semaphore, #tpu.memory_space<semaphore_mem>>) src(%dma_wait3A_61 : memref<40x128xi32, #tpu.memory_space<hbm>>) dst(%dma_wait3A_57 : memref<40x128xi32, #tpu.memory_space<vmem>>)
        tpu.yield
      }) : () -> ()
      %dma_start3A = arith.constant 0 : i32
      %dma_start3A_17 = arith.constant 0 : i32
      %dma_start3A_18 = tpu.memref_slice %arg9[%dma_start3A, %dma_start3A_17] : memref<40x128xi32, #tpu.memory_space<vmem>> -> memref<1x128xi32, #tpu.memory_space<vmem>>
      %dma_start3A_19 = tpu.memref_squeeze %dma_start3A_18 : memref<1x128xi32, #tpu.memory_space<vmem>> -> memref<128xi32, #tpu.memory_space<vmem>>
      %dma_start3A_20 = arith.constant 0 : i32
      %dma_start3A_21 = arith.constant 0 : i32
      %dma_start3A_22 = tpu.memref_slice %arg2[%dma_start3A_20, %dma_start3A_21] : memref<10240x128xf32, #tpu.memory_space<hbm>> -> memref<10240x128xf32, #tpu.memory_space<hbm>>
      tpu.enqueue_indirect_dma source(%dma_start3A_22 : memref<10240x128xf32, #tpu.memory_space<hbm>>) target(%arg11 : memref<128x128xf32, #tpu.memory_space<vmem>>) offsets(%dma_start3A_19 : memref<128xi32, #tpu.memory_space<vmem>>) semaphore(%arg14 : memref<!tpu.dma_semaphore, #tpu.memory_space<semaphore_mem>>)
      %dma_start3A_23 = arith.constant 1 : i32
      %dma_start3A_24 = arith.constant 0 : i32
      %dma_start3A_25 = tpu.memref_slice %arg9[%dma_start3A_23, %dma_start3A_24] : memref<40x128xi32, #tpu.memory_space<vmem>> -> memref<1x128xi32, #tpu.memory_space<vmem>>
      %dma_start3A_26 = tpu.memref_squeeze %dma_start3A_25 : memref<1x128xi32, #tpu.memory_space<vmem>> -> memref<128xi32, #tpu.memory_space<vmem>>
      %dma_start3A_27 = arith.constant 0 : i32
      %dma_start3A_28 = arith.constant 0 : i32
      %dma_start3A_29 = tpu.memref_slice %arg2[%dma_start3A_27, %dma_start3A_28] : memref<10240x128xf32, #tpu.memory_space<hbm>> -> memref<10240x128xf32, #tpu.memory_space<hbm>>
      tpu.enqueue_indirect_dma source(%dma_start3A_29 : memref<10240x128xf32, #tpu.memory_space<hbm>>) target(%arg12 : memref<128x128xf32, #tpu.memory_space<vmem>>) offsets(%dma_start3A_26 : memref<128xi32, #tpu.memory_space<vmem>>) semaphore(%arg15 : memref<!tpu.dma_semaphore, #tpu.memory_space<semaphore_mem>>)
      %scan3A = arith.constant 0 : i32
      %scan3A_30 = arith.constant 0 : i32
      %scan3A_31 = arith.constant 20 : i32
      %scan3A_32 = arith.addi %scan3A_30, %scan3A_31 : i32
      %scan3A_33 = arith.constant 1 : i32
      scf.for %scan3A_35 = %scan3A_30 to %scan3A_32 step %scan3A_33  : i32 {
        %mul3A_36 = arith.constant 2 : i32
        %mul3A_37 = arith.muli %scan3A_35, %mul3A_36 : i32
        %add3A_38 = arith.constant 0 : i32
        %add3A_39 = arith.addi %mul3A_37, %add3A_38 : i32
        %lt3A = arith.constant 40 : i32
        %lt3A_40 = arith.cmpi slt, %add3A_39, %lt3A : i32
        %convert_element_type3A_41 = arith.extui %lt3A_40 : i1 to i32
        %cond3A_42 = arith.constant 0 : i32
        %cond3A_43 = arith.cmpi ne, %convert_element_type3A_41, %cond3A_42 : i32
        scf.if %cond3A_43 {
          %dma_wait3A = arith.constant 0 : i32
          %dma_wait3A_65 = tpu.memref_slice %arg9[%add3A_39, %dma_wait3A] : memref<40x128xi32, #tpu.memory_space<vmem>> -> memref<1x128xi32, #tpu.memory_space<vmem>>
          %dma_wait3A_66 = tpu.memref_squeeze %dma_wait3A_65 : memref<1x128xi32, #tpu.memory_space<vmem>> -> memref<128xi32, #tpu.memory_space<vmem>>
          %dma_wait3A_67 = arith.constant 0 : i32
          %dma_wait3A_68 = arith.constant 0 : i32
          %dma_wait3A_69 = tpu.memref_slice %arg2[%dma_wait3A_67, %dma_wait3A_68] : memref<10240x128xf32, #tpu.memory_space<hbm>> -> memref<10240x128xf32, #tpu.memory_space<hbm>>
          tpu.wait_indirect_dma semaphore(%arg14 : memref<!tpu.dma_semaphore, #tpu.memory_space<semaphore_mem>>) src(%dma_wait3A_69 : memref<10240x128xf32, #tpu.memory_space<hbm>>) dst(%arg11 : memref<128x128xf32, #tpu.memory_space<vmem>>)
          "tpu.region"() ({
            %run_scoped3A = tpu.sem_alloc : memref<!tpu.dma_semaphore, #tpu.memory_space<semaphore_mem>>
            %dma_start3A_70 = arith.constant 0 : i32
            %dma_start3A_71 = tpu.memref_slice %arg10[%add3A_39, %dma_start3A_70] : memref<40x128xi32, #tpu.memory_space<vmem>> -> memref<1x128xi32, #tpu.memory_space<vmem>>
            %dma_start3A_72 = tpu.memref_squeeze %dma_start3A_71 : memref<1x128xi32, #tpu.memory_space<vmem>> -> memref<128xi32, #tpu.memory_space<vmem>>
            %dma_start3A_73 = arith.constant 0 : i32
            %dma_start3A_74 = arith.constant 0 : i32
            %dma_start3A_75 = tpu.memref_slice %arg13[%dma_start3A_73, %dma_start3A_74] : memref<10240x128xf32, #tpu.memory_space<vmem_shared>> -> memref<10240x128xf32, #tpu.memory_space<vmem_shared>>
            tpu.enqueue_indirect_dma source(%arg11 : memref<128x128xf32, #tpu.memory_space<vmem>>) target(%dma_start3A_75 : memref<10240x128xf32, #tpu.memory_space<vmem_shared>>) offsets(%dma_start3A_72 : memref<128xi32, #tpu.memory_space<vmem>>) semaphore(%run_scoped3A : memref<!tpu.dma_semaphore, #tpu.memory_space<semaphore_mem>>) {add = true}
            %dma_wait3A_76 = arith.constant 0 : i32
            %dma_wait3A_77 = tpu.memref_slice %arg10[%add3A_39, %dma_wait3A_76] : memref<40x128xi32, #tpu.memory_space<vmem>> -> memref<1x128xi32, #tpu.memory_space<vmem>>
            %dma_wait3A_78 = tpu.memref_squeeze %dma_wait3A_77 : memref<1x128xi32, #tpu.memory_space<vmem>> -> memref<128xi32, #tpu.memory_space<vmem>>
            %dma_wait3A_79 = arith.constant 0 : i32
            %dma_wait3A_80 = arith.constant 0 : i32
            %dma_wait3A_81 = tpu.memref_slice %arg13[%dma_wait3A_79, %dma_wait3A_80] : memref<10240x128xf32, #tpu.memory_space<vmem_shared>> -> memref<10240x128xf32, #tpu.memory_space<vmem_shared>>
            tpu.wait_indirect_dma semaphore(%run_scoped3A : memref<!tpu.dma_semaphore, #tpu.memory_space<semaphore_mem>>) src(%arg11 : memref<128x128xf32, #tpu.memory_space<vmem>>) dst(%dma_wait3A_81 : memref<10240x128xf32, #tpu.memory_space<vmem_shared>>)
            tpu.yield
          }) : () -> ()
        } else {
        }
        %add3A_44 = arith.constant 2 : i32
        %add3A_45 = arith.addi %add3A_39, %add3A_44 : i32
        %lt3A_46 = arith.constant 40 : i32
        %lt3A_47 = arith.cmpi slt, %add3A_45, %lt3A_46 : i32
        %convert_element_type3A_48 = arith.extui %lt3A_47 : i1 to i32
        %cond3A_49 = arith.constant 0 : i32
        %cond3A_50 = arith.cmpi ne, %convert_element_type3A_48, %cond3A_49 : i32
        scf.if %cond3A_50 {
          %dma_start3A_65 = arith.constant 0 : i32
          %dma_start3A_66 = tpu.memref_slice %arg9[%add3A_45, %dma_start3A_65] : memref<40x128xi32, #tpu.memory_space<vmem>> -> memref<1x128xi32, #tpu.memory_space<vmem>>
          %dma_start3A_67 = tpu.memref_squeeze %dma_start3A_66 : memref<1x128xi32, #tpu.memory_space<vmem>> -> memref<128xi32, #tpu.memory_space<vmem>>
          %dma_start3A_68 = arith.constant 0 : i32
          %dma_start3A_69 = arith.constant 0 : i32
          %dma_start3A_70 = tpu.memref_slice %arg2[%dma_start3A_68, %dma_start3A_69] : memref<10240x128xf32, #tpu.memory_space<hbm>> -> memref<10240x128xf32, #tpu.memory_space<hbm>>
          tpu.enqueue_indirect_dma source(%dma_start3A_70 : memref<10240x128xf32, #tpu.memory_space<hbm>>) target(%arg11 : memref<128x128xf32, #tpu.memory_space<vmem>>) offsets(%dma_start3A_67 : memref<128xi32, #tpu.memory_space<vmem>>) semaphore(%arg14 : memref<!tpu.dma_semaphore, #tpu.memory_space<semaphore_mem>>)
        } else {
        }
        %add3A_51 = arith.constant 1 : i32
        %add3A_52 = arith.addi %mul3A_37, %add3A_51 : i32
        %lt3A_53 = arith.constant 40 : i32
        %lt3A_54 = arith.cmpi slt, %add3A_52, %lt3A_53 : i32
        %convert_element_type3A_55 = arith.extui %lt3A_54 : i1 to i32
        %cond3A_56 = arith.constant 0 : i32
        %cond3A_57 = arith.cmpi ne, %convert_element_type3A_55, %cond3A_56 : i32
        scf.if %cond3A_57 {
          %dma_wait3A = arith.constant 0 : i32
          %dma_wait3A_65 = tpu.memref_slice %arg9[%add3A_52, %dma_wait3A] : memref<40x128xi32, #tpu.memory_space<vmem>> -> memref<1x128xi32, #tpu.memory_space<vmem>>
          %dma_wait3A_66 = tpu.memref_squeeze %dma_wait3A_65 : memref<1x128xi32, #tpu.memory_space<vmem>> -> memref<128xi32, #tpu.memory_space<vmem>>
          %dma_wait3A_67 = arith.constant 0 : i32
          %dma_wait3A_68 = arith.constant 0 : i32
          %dma_wait3A_69 = tpu.memref_slice %arg2[%dma_wait3A_67, %dma_wait3A_68] : memref<10240x128xf32, #tpu.memory_space<hbm>> -> memref<10240x128xf32, #tpu.memory_space<hbm>>
          tpu.wait_indirect_dma semaphore(%arg15 : memref<!tpu.dma_semaphore, #tpu.memory_space<semaphore_mem>>) src(%dma_wait3A_69 : memref<10240x128xf32, #tpu.memory_space<hbm>>) dst(%arg12 : memref<128x128xf32, #tpu.memory_space<vmem>>)
          "tpu.region"() ({
            %run_scoped3A = tpu.sem_alloc : memref<!tpu.dma_semaphore, #tpu.memory_space<semaphore_mem>>
            %dma_start3A_70 = arith.constant 0 : i32
            %dma_start3A_71 = tpu.memref_slice %arg10[%add3A_52, %dma_start3A_70] : memref<40x128xi32, #tpu.memory_space<vmem>> -> memref<1x128xi32, #tpu.memory_space<vmem>>
            %dma_start3A_72 = tpu.memref_squeeze %dma_start3A_71 : memref<1x128xi32, #tpu.memory_space<vmem>> -> memref<128xi32, #tpu.memory_space<vmem>>
            %dma_start3A_73 = arith.constant 0 : i32
            %dma_start3A_74 = arith.constant 0 : i32
            %dma_start3A_75 = tpu.memref_slice %arg13[%dma_start3A_73, %dma_start3A_74] : memref<10240x128xf32, #tpu.memory_space<vmem_shared>> -> memref<10240x128xf32, #tpu.memory_space<vmem_shared>>
            tpu.enqueue_indirect_dma source(%arg12 : memref<128x128xf32, #tpu.memory_space<vmem>>) target(%dma_start3A_75 : memref<10240x128xf32, #tpu.memory_space<vmem_shared>>) offsets(%dma_start3A_72 : memref<128xi32, #tpu.memory_space<vmem>>) semaphore(%run_scoped3A : memref<!tpu.dma_semaphore, #tpu.memory_space<semaphore_mem>>) {add = true}
            %dma_wait3A_76 = arith.constant 0 : i32
            %dma_wait3A_77 = tpu.memref_slice %arg10[%add3A_52, %dma_wait3A_76] : memref<40x128xi32, #tpu.memory_space<vmem>> -> memref<1x128xi32, #tpu.memory_space<vmem>>
            %dma_wait3A_78 = tpu.memref_squeeze %dma_wait3A_77 : memref<1x128xi32, #tpu.memory_space<vmem>> -> memref<128xi32, #tpu.memory_space<vmem>>
            %dma_wait3A_79 = arith.constant 0 : i32
            %dma_wait3A_80 = arith.constant 0 : i32
            %dma_wait3A_81 = tpu.memref_slice %arg13[%dma_wait3A_79, %dma_wait3A_80] : memref<10240x128xf32, #tpu.memory_space<vmem_shared>> -> memref<10240x128xf32, #tpu.memory_space<vmem_shared>>
            tpu.wait_indirect_dma semaphore(%run_scoped3A : memref<!tpu.dma_semaphore, #tpu.memory_space<semaphore_mem>>) src(%arg12 : memref<128x128xf32, #tpu.memory_space<vmem>>) dst(%dma_wait3A_81 : memref<10240x128xf32, #tpu.memory_space<vmem_shared>>)
            tpu.yield
          }) : () -> ()
        } else {
        }
        %add3A_58 = arith.constant 2 : i32
        %add3A_59 = arith.addi %add3A_52, %add3A_58 : i32
        %lt3A_60 = arith.constant 40 : i32
        %lt3A_61 = arith.cmpi slt, %add3A_59, %lt3A_60 : i32
        %convert_element_type3A_62 = arith.extui %lt3A_61 : i1 to i32
        %cond3A_63 = arith.constant 0 : i32
        %cond3A_64 = arith.cmpi ne, %convert_element_type3A_62, %cond3A_63 : i32
        scf.if %cond3A_64 {
          %dma_start3A_65 = arith.constant 0 : i32
          %dma_start3A_66 = tpu.memref_slice %arg9[%add3A_59, %dma_start3A_65] : memref<40x128xi32, #tpu.memory_space<vmem>> -> memref<1x128xi32, #tpu.memory_space<vmem>>
          %dma_start3A_67 = tpu.memref_squeeze %dma_start3A_66 : memref<1x128xi32, #tpu.memory_space<vmem>> -> memref<128xi32, #tpu.memory_space<vmem>>
          %dma_start3A_68 = arith.constant 0 : i32
          %dma_start3A_69 = arith.constant 0 : i32
          %dma_start3A_70 = tpu.memref_slice %arg2[%dma_start3A_68, %dma_start3A_69] : memref<10240x128xf32, #tpu.memory_space<hbm>> -> memref<10240x128xf32, #tpu.memory_space<hbm>>
          tpu.enqueue_indirect_dma source(%dma_start3A_70 : memref<10240x128xf32, #tpu.memory_space<hbm>>) target(%arg12 : memref<128x128xf32, #tpu.memory_space<vmem>>) offsets(%dma_start3A_67 : memref<128xi32, #tpu.memory_space<vmem>>) semaphore(%arg15 : memref<!tpu.dma_semaphore, #tpu.memory_space<semaphore_mem>>)
        } else {
        }
      }
      %scan3A_34 = arith.constant 20 : i32
    } else {
    }
    %barrier3A_10 = arith.constant 0 : index
    tpu.barrier barrier_id(%barrier3A_10)
    %mul3A_11 = arith.constant 640 : i32
    %mul3A_12 = arith.muli %arg1, %mul3A_11 : i32
    %mul3A_13 = arith.constant 10240 : i32
    %mul3A_14 = arith.muli %arg0, %mul3A_13 : i32
    %mul3A_15 = arith.constant 640 : i32
    %mul3A_16 = arith.muli %arg1, %mul3A_15 : i32
    %add3A = arith.addi %mul3A_14, %mul3A_16 : i32
    "tpu.region"() ({
      %run_scoped3A = tpu.sem_alloc : memref<!tpu.dma_semaphore, #tpu.memory_space<semaphore_mem>>
      %dma_start3A = arith.constant 0 : i32
      %dma_start3A_17 = tpu.memref_slice %arg8[%add3A, %dma_start3A] : memref<20480x128xf32, #tpu.memory_space<hbm>> -> memref<640x128xf32, #tpu.memory_space<hbm>>
      %dma_start3A_18 = arith.constant 0 : i32
      %dma_start3A_19 = tpu.memref_slice %arg13[%mul3A_12, %dma_start3A_18] : memref<10240x128xf32, #tpu.memory_space<vmem_shared>> -> memref<640x128xf32, #tpu.memory_space<vmem_shared>>
      tpu.enqueue_dma source(%dma_start3A_19 : memref<640x128xf32, #tpu.memory_space<vmem_shared>>) target(%dma_start3A_17 : memref<640x128xf32, #tpu.memory_space<hbm>>) target_semaphore(%run_scoped3A : memref<!tpu.dma_semaphore, #tpu.memory_space<semaphore_mem>>)
      %dma_wait3A = arith.constant 0 : i32
      %dma_wait3A_20 = tpu.memref_slice %arg8[%add3A, %dma_wait3A] : memref<20480x128xf32, #tpu.memory_space<hbm>> -> memref<640x128xf32, #tpu.memory_space<hbm>>
      %dma_wait3A_21 = arith.constant 0 : i32
      %dma_wait3A_22 = tpu.memref_slice %arg13[%mul3A_12, %dma_wait3A_21] : memref<10240x128xf32, #tpu.memory_space<vmem_shared>> -> memref<640x128xf32, #tpu.memory_space<vmem_shared>>
      tpu.wait_dma2 semaphore(%run_scoped3A : memref<!tpu.dma_semaphore, #tpu.memory_space<semaphore_mem>>) src(%dma_wait3A_22 : memref<640x128xf32, #tpu.memory_space<vmem_shared>>) dst(%dma_wait3A_20 : memref<640x128xf32, #tpu.memory_space<hbm>>)
      tpu.yield
    }) : () -> ()
    return
  }
}

#map = affine_map<(d0, d1) -> (0, 0)>
#map1 = affine_map<(d0, d1) -> (0, 0, 0)>
module attributes {stable_mosaic.version = 14 : i64} {
  func.func @_sc_scatter(%arg0: i32, %arg1: i32, %arg2: memref<10240x128xf32, #tpu.memory_space<hbm>>, %arg3: memref<16x118x128xi32, #tpu.memory_space<hbm>>, %arg4: memref<16x118x128xi32, #tpu.memory_space<hbm>>, %arg5: memref<16x40x128xi32, #tpu.memory_space<hbm>>, %arg6: memref<16x40x128xi32, #tpu.memory_space<hbm>>, %arg7: memref<10240x128xf32, #tpu.memory_space<hbm>>, %arg8: memref<20480x128xf32, #tpu.memory_space<hbm>>, %arg9: memref<40x128xi32, #tpu.memory_space<vmem>>, %arg10: memref<40x128xi32, #tpu.memory_space<vmem>>, %arg11: memref<128x128xf32, #tpu.memory_space<vmem>>, %arg12: memref<128x128xf32, #tpu.memory_space<vmem>>, %arg13: memref<10240x128xf32, #tpu.memory_space<vmem_shared>>, %arg14: memref<!tpu.dma_semaphore, #tpu.memory_space<semaphore_mem>>, %arg15: memref<!tpu.dma_semaphore, #tpu.memory_space<semaphore_mem>>) attributes {dimension_semantics = [#tpu.dimension_semantics<core_parallel>, #tpu.dimension_semantics<subcore_parallel>], iteration_bounds = array<i64: 2, 16>, scalar_prefetch = 0 : i64, scratch_operands = 7 : i64, tpu.core_type = #tpu.core_type<sc_vector_subcore>, window_params = [{transform_indices = #map}, {transform_indices = #map1}, {transform_indices = #map1}, {transform_indices = #map1}, {transform_indices = #map1}, {transform_indices = #map}, {transform_indices = #map}]} {
    %mul3A = arith.constant 640 : i32
    %mul3A_0 = arith.muli %arg1, %mul3A : i32
    %mul3A_1 = arith.constant 640 : i32
    %mul3A_2 = arith.muli %arg1, %mul3A_1 : i32
    "tpu.region"() ({
      %run_scoped3A = tpu.sem_alloc : memref<!tpu.dma_semaphore, #tpu.memory_space<semaphore_mem>>
      %dma_start3A = arith.constant 0 : i32
      %dma_start3A_17 = tpu.memref_slice %arg13[%mul3A_2, %dma_start3A] : memref<10240x128xf32, #tpu.memory_space<vmem_shared>> -> memref<640x128xf32, #tpu.memory_space<vmem_shared>>
      %dma_start3A_18 = arith.constant 0 : i32
      %dma_start3A_19 = tpu.memref_slice %arg7[%mul3A_0, %dma_start3A_18] : memref<10240x128xf32, #tpu.memory_space<hbm>> -> memref<640x128xf32, #tpu.memory_space<hbm>>
      tpu.enqueue_dma source(%dma_start3A_19 : memref<640x128xf32, #tpu.memory_space<hbm>>) target(%dma_start3A_17 : memref<640x128xf32, #tpu.memory_space<vmem_shared>>) target_semaphore(%run_scoped3A : memref<!tpu.dma_semaphore, #tpu.memory_space<semaphore_mem>>)
      %dma_wait3A = arith.constant 0 : i32
      %dma_wait3A_20 = tpu.memref_slice %arg13[%mul3A_2, %dma_wait3A] : memref<10240x128xf32, #tpu.memory_space<vmem_shared>> -> memref<640x128xf32, #tpu.memory_space<vmem_shared>>
      %dma_wait3A_21 = arith.constant 0 : i32
      %dma_wait3A_22 = tpu.memref_slice %arg7[%mul3A_0, %dma_wait3A_21] : memref<10240x128xf32, #tpu.memory_space<hbm>> -> memref<640x128xf32, #tpu.memory_space<hbm>>
      tpu.wait_dma2 semaphore(%run_scoped3A : memref<!tpu.dma_semaphore, #tpu.memory_space<semaphore_mem>>) src(%dma_wait3A_22 : memref<640x128xf32, #tpu.memory_space<hbm>>) dst(%dma_wait3A_20 : memref<640x128xf32, #tpu.memory_space<vmem_shared>>)
      tpu.yield
    }) : () -> ()
    %barrier3A = arith.constant 0 : index
    tpu.barrier barrier_id(%barrier3A)
    %eq3A = arith.constant 0 : i32
    %eq3A_3 = arith.cmpi eq, %arg0, %eq3A : i32
    %convert_element_type3A = arith.extui %eq3A_3 : i1 to i32
    %cond3A = arith.constant 0 : i32
    %cond3A_4 = arith.cmpi ne, %convert_element_type3A, %cond3A : i32
    scf.if %cond3A_4 {
      "tpu.region"() ({
        %run_scoped3A = tpu.sem_alloc : memref<!tpu.dma_semaphore, #tpu.memory_space<semaphore_mem>>
        %dma_start3A_75 = arith.constant 0 : i32
        %dma_start3A_76 = arith.constant 0 : i32
        %dma_start3A_77 = tpu.memref_slice %arg9[%dma_start3A_75, %dma_start3A_76] : memref<40x128xi32, #tpu.memory_space<vmem>> -> memref<40x128xi32, #tpu.memory_space<vmem>>
        %dma_start3A_78 = arith.constant 0 : i32
        %dma_start3A_79 = arith.constant 0 : i32
        %dma_start3A_80 = tpu.memref_slice %arg3[%arg1, %dma_start3A_78, %dma_start3A_79] : memref<16x118x128xi32, #tpu.memory_space<hbm>> -> memref<1x40x128xi32, #tpu.memory_space<hbm>>
        %dma_start3A_81 = tpu.memref_squeeze %dma_start3A_80 : memref<1x40x128xi32, #tpu.memory_space<hbm>> -> memref<40x128xi32, #tpu.memory_space<hbm>>
        %dma_start3A_82 = arith.constant 0 : i32
        %dma_start3A_83 = arith.constant 0 : i32
        %dma_start3A_84 = tpu.memref_slice %arg9[%dma_start3A_82, %dma_start3A_83] : memref<40x128xi32, #tpu.memory_space<vmem>> -> memref<40x128xi32, #tpu.memory_space<vmem>>
        %dma_start3A_85 = arith.constant 0 : i32
        %dma_start3A_86 = arith.constant 0 : i32
        %dma_start3A_87 = tpu.memref_slice %arg3[%arg1, %dma_start3A_85, %dma_start3A_86] : memref<16x118x128xi32, #tpu.memory_space<hbm>> -> memref<1x40x128xi32, #tpu.memory_space<hbm>>
        %dma_start3A_88 = tpu.memref_squeeze %dma_start3A_87 : memref<1x40x128xi32, #tpu.memory_space<hbm>> -> memref<40x128xi32, #tpu.memory_space<hbm>>
        tpu.enqueue_dma source(%dma_start3A_88 : memref<40x128xi32, #tpu.memory_space<hbm>>) target(%dma_start3A_84 : memref<40x128xi32, #tpu.memory_space<vmem>>) target_semaphore(%run_scoped3A : memref<!tpu.dma_semaphore, #tpu.memory_space<semaphore_mem>>)
        %dma_wait3A = arith.constant 0 : i32
        %dma_wait3A_89 = arith.constant 0 : i32
        %dma_wait3A_90 = tpu.memref_slice %arg9[%dma_wait3A, %dma_wait3A_89] : memref<40x128xi32, #tpu.memory_space<vmem>> -> memref<40x128xi32, #tpu.memory_space<vmem>>
        %dma_wait3A_91 = arith.constant 0 : i32
        %dma_wait3A_92 = arith.constant 0 : i32
        %dma_wait3A_93 = tpu.memref_slice %arg3[%arg1, %dma_wait3A_91, %dma_wait3A_92] : memref<16x118x128xi32, #tpu.memory_space<hbm>> -> memref<1x40x128xi32, #tpu.memory_space<hbm>>
        %dma_wait3A_94 = tpu.memref_squeeze %dma_wait3A_93 : memref<1x40x128xi32, #tpu.memory_space<hbm>> -> memref<40x128xi32, #tpu.memory_space<hbm>>
        %dma_wait3A_95 = arith.constant 0 : i32
        %dma_wait3A_96 = arith.constant 0 : i32
        %dma_wait3A_97 = tpu.memref_slice %arg9[%dma_wait3A_95, %dma_wait3A_96] : memref<40x128xi32, #tpu.memory_space<vmem>> -> memref<40x128xi32, #tpu.memory_space<vmem>>
        %dma_wait3A_98 = arith.constant 0 : i32
        %dma_wait3A_99 = arith.constant 0 : i32
        %dma_wait3A_100 = tpu.memref_slice %arg3[%arg1, %dma_wait3A_98, %dma_wait3A_99] : memref<16x118x128xi32, #tpu.memory_space<hbm>> -> memref<1x40x128xi32, #tpu.memory_space<hbm>>
        %dma_wait3A_101 = tpu.memref_squeeze %dma_wait3A_100 : memref<1x40x128xi32, #tpu.memory_space<hbm>> -> memref<40x128xi32, #tpu.memory_space<hbm>>
        tpu.wait_dma2 semaphore(%run_scoped3A : memref<!tpu.dma_semaphore, #tpu.memory_space<semaphore_mem>>) src(%dma_wait3A_101 : memref<40x128xi32, #tpu.memory_space<hbm>>) dst(%dma_wait3A_97 : memref<40x128xi32, #tpu.memory_space<vmem>>)
        tpu.yield
      }) : () -> ()
      "tpu.region"() ({
        %run_scoped3A = tpu.sem_alloc : memref<!tpu.dma_semaphore, #tpu.memory_space<semaphore_mem>>
        %dma_start3A_75 = arith.constant 0 : i32
        %dma_start3A_76 = arith.constant 0 : i32
        %dma_start3A_77 = tpu.memref_slice %arg10[%dma_start3A_75, %dma_start3A_76] : memref<40x128xi32, #tpu.memory_space<vmem>> -> memref<40x128xi32, #tpu.memory_space<vmem>>
        %dma_start3A_78 = arith.constant 0 : i32
        %dma_start3A_79 = arith.constant 0 : i32
        %dma_start3A_80 = tpu.memref_slice %arg4[%arg1, %dma_start3A_78, %dma_start3A_79] : memref<16x118x128xi32, #tpu.memory_space<hbm>> -> memref<1x40x128xi32, #tpu.memory_space<hbm>>
        %dma_start3A_81 = tpu.memref_squeeze %dma_start3A_80 : memref<1x40x128xi32, #tpu.memory_space<hbm>> -> memref<40x128xi32, #tpu.memory_space<hbm>>
        %dma_start3A_82 = arith.constant 0 : i32
        %dma_start3A_83 = arith.constant 0 : i32
        %dma_start3A_84 = tpu.memref_slice %arg10[%dma_start3A_82, %dma_start3A_83] : memref<40x128xi32, #tpu.memory_space<vmem>> -> memref<40x128xi32, #tpu.memory_space<vmem>>
        %dma_start3A_85 = arith.constant 0 : i32
        %dma_start3A_86 = arith.constant 0 : i32
        %dma_start3A_87 = tpu.memref_slice %arg4[%arg1, %dma_start3A_85, %dma_start3A_86] : memref<16x118x128xi32, #tpu.memory_space<hbm>> -> memref<1x40x128xi32, #tpu.memory_space<hbm>>
        %dma_start3A_88 = tpu.memref_squeeze %dma_start3A_87 : memref<1x40x128xi32, #tpu.memory_space<hbm>> -> memref<40x128xi32, #tpu.memory_space<hbm>>
        tpu.enqueue_dma source(%dma_start3A_88 : memref<40x128xi32, #tpu.memory_space<hbm>>) target(%dma_start3A_84 : memref<40x128xi32, #tpu.memory_space<vmem>>) target_semaphore(%run_scoped3A : memref<!tpu.dma_semaphore, #tpu.memory_space<semaphore_mem>>)
        %dma_wait3A = arith.constant 0 : i32
        %dma_wait3A_89 = arith.constant 0 : i32
        %dma_wait3A_90 = tpu.memref_slice %arg10[%dma_wait3A, %dma_wait3A_89] : memref<40x128xi32, #tpu.memory_space<vmem>> -> memref<40x128xi32, #tpu.memory_space<vmem>>
        %dma_wait3A_91 = arith.constant 0 : i32
        %dma_wait3A_92 = arith.constant 0 : i32
        %dma_wait3A_93 = tpu.memref_slice %arg4[%arg1, %dma_wait3A_91, %dma_wait3A_92] : memref<16x118x128xi32, #tpu.memory_space<hbm>> -> memref<1x40x128xi32, #tpu.memory_space<hbm>>
        %dma_wait3A_94 = tpu.memref_squeeze %dma_wait3A_93 : memref<1x40x128xi32, #tpu.memory_space<hbm>> -> memref<40x128xi32, #tpu.memory_space<hbm>>
        %dma_wait3A_95 = arith.constant 0 : i32
        %dma_wait3A_96 = arith.constant 0 : i32
        %dma_wait3A_97 = tpu.memref_slice %arg10[%dma_wait3A_95, %dma_wait3A_96] : memref<40x128xi32, #tpu.memory_space<vmem>> -> memref<40x128xi32, #tpu.memory_space<vmem>>
        %dma_wait3A_98 = arith.constant 0 : i32
        %dma_wait3A_99 = arith.constant 0 : i32
        %dma_wait3A_100 = tpu.memref_slice %arg4[%arg1, %dma_wait3A_98, %dma_wait3A_99] : memref<16x118x128xi32, #tpu.memory_space<hbm>> -> memref<1x40x128xi32, #tpu.memory_space<hbm>>
        %dma_wait3A_101 = tpu.memref_squeeze %dma_wait3A_100 : memref<1x40x128xi32, #tpu.memory_space<hbm>> -> memref<40x128xi32, #tpu.memory_space<hbm>>
        tpu.wait_dma2 semaphore(%run_scoped3A : memref<!tpu.dma_semaphore, #tpu.memory_space<semaphore_mem>>) src(%dma_wait3A_101 : memref<40x128xi32, #tpu.memory_space<hbm>>) dst(%dma_wait3A_97 : memref<40x128xi32, #tpu.memory_space<vmem>>)
        tpu.yield
      }) : () -> ()
      %dma_start3A = arith.constant 0 : i32
      %dma_start3A_17 = arith.constant 0 : i32
      %dma_start3A_18 = tpu.memref_slice %arg9[%dma_start3A, %dma_start3A_17] : memref<40x128xi32, #tpu.memory_space<vmem>> -> memref<1x128xi32, #tpu.memory_space<vmem>>
      %dma_start3A_19 = tpu.memref_squeeze %dma_start3A_18 : memref<1x128xi32, #tpu.memory_space<vmem>> -> memref<128xi32, #tpu.memory_space<vmem>>
      %dma_start3A_20 = arith.constant 0 : i32
      %dma_start3A_21 = arith.constant 0 : i32
      %dma_start3A_22 = tpu.memref_slice %arg2[%dma_start3A_20, %dma_start3A_21] : memref<10240x128xf32, #tpu.memory_space<hbm>> -> memref<10240x128xf32, #tpu.memory_space<hbm>>
      tpu.enqueue_indirect_dma source(%dma_start3A_22 : memref<10240x128xf32, #tpu.memory_space<hbm>>) target(%arg11 : memref<128x128xf32, #tpu.memory_space<vmem>>) offsets(%dma_start3A_19 : memref<128xi32, #tpu.memory_space<vmem>>) semaphore(%arg14 : memref<!tpu.dma_semaphore, #tpu.memory_space<semaphore_mem>>)
      %dma_start3A_23 = arith.constant 1 : i32
      %dma_start3A_24 = arith.constant 0 : i32
      %dma_start3A_25 = tpu.memref_slice %arg9[%dma_start3A_23, %dma_start3A_24] : memref<40x128xi32, #tpu.memory_space<vmem>> -> memref<1x128xi32, #tpu.memory_space<vmem>>
      %dma_start3A_26 = tpu.memref_squeeze %dma_start3A_25 : memref<1x128xi32, #tpu.memory_space<vmem>> -> memref<128xi32, #tpu.memory_space<vmem>>
      %dma_start3A_27 = arith.constant 0 : i32
      %dma_start3A_28 = arith.constant 0 : i32
      %dma_start3A_29 = tpu.memref_slice %arg2[%dma_start3A_27, %dma_start3A_28] : memref<10240x128xf32, #tpu.memory_space<hbm>> -> memref<10240x128xf32, #tpu.memory_space<hbm>>
      tpu.enqueue_indirect_dma source(%dma_start3A_29 : memref<10240x128xf32, #tpu.memory_space<hbm>>) target(%arg12 : memref<128x128xf32, #tpu.memory_space<vmem>>) offsets(%dma_start3A_26 : memref<128xi32, #tpu.memory_space<vmem>>) semaphore(%arg15 : memref<!tpu.dma_semaphore, #tpu.memory_space<semaphore_mem>>)
      %scan3A = arith.constant 0 : i32
      %scan3A_30 = arith.constant 0 : i32
      %scan3A_31 = arith.constant 20 : i32
      %scan3A_32 = arith.addi %scan3A_30, %scan3A_31 : i32
      %scan3A_33 = arith.constant 1 : i32
      scf.for %scan3A_75 = %scan3A_30 to %scan3A_32 step %scan3A_33  : i32 {
        %mul3A_76 = arith.constant 2 : i32
        %mul3A_77 = arith.muli %scan3A_75, %mul3A_76 : i32
        %add3A_78 = arith.constant 0 : i32
        %add3A_79 = arith.addi %mul3A_77, %add3A_78 : i32
        %lt3A = arith.constant 40 : i32
        %lt3A_80 = arith.cmpi slt, %add3A_79, %lt3A : i32
        %convert_element_type3A_81 = arith.extui %lt3A_80 : i1 to i32
        %cond3A_82 = arith.constant 0 : i32
        %cond3A_83 = arith.cmpi ne, %convert_element_type3A_81, %cond3A_82 : i32
        scf.if %cond3A_83 {
          %dma_wait3A = arith.constant 0 : i32
          %dma_wait3A_105 = tpu.memref_slice %arg9[%add3A_79, %dma_wait3A] : memref<40x128xi32, #tpu.memory_space<vmem>> -> memref<1x128xi32, #tpu.memory_space<vmem>>
          %dma_wait3A_106 = tpu.memref_squeeze %dma_wait3A_105 : memref<1x128xi32, #tpu.memory_space<vmem>> -> memref<128xi32, #tpu.memory_space<vmem>>
          %dma_wait3A_107 = arith.constant 0 : i32
          %dma_wait3A_108 = arith.constant 0 : i32
          %dma_wait3A_109 = tpu.memref_slice %arg2[%dma_wait3A_107, %dma_wait3A_108] : memref<10240x128xf32, #tpu.memory_space<hbm>> -> memref<10240x128xf32, #tpu.memory_space<hbm>>
          tpu.wait_indirect_dma semaphore(%arg14 : memref<!tpu.dma_semaphore, #tpu.memory_space<semaphore_mem>>) src(%dma_wait3A_109 : memref<10240x128xf32, #tpu.memory_space<hbm>>) dst(%arg11 : memref<128x128xf32, #tpu.memory_space<vmem>>)
          "tpu.region"() ({
            %run_scoped3A = tpu.sem_alloc : memref<!tpu.dma_semaphore, #tpu.memory_space<semaphore_mem>>
            %dma_start3A_110 = arith.constant 0 : i32
            %dma_start3A_111 = tpu.memref_slice %arg10[%add3A_79, %dma_start3A_110] : memref<40x128xi32, #tpu.memory_space<vmem>> -> memref<1x128xi32, #tpu.memory_space<vmem>>
            %dma_start3A_112 = tpu.memref_squeeze %dma_start3A_111 : memref<1x128xi32, #tpu.memory_space<vmem>> -> memref<128xi32, #tpu.memory_space<vmem>>
            %dma_start3A_113 = arith.constant 0 : i32
            %dma_start3A_114 = arith.constant 0 : i32
            %dma_start3A_115 = tpu.memref_slice %arg13[%dma_start3A_113, %dma_start3A_114] : memref<10240x128xf32, #tpu.memory_space<vmem_shared>> -> memref<10240x128xf32, #tpu.memory_space<vmem_shared>>
            tpu.enqueue_indirect_dma source(%arg11 : memref<128x128xf32, #tpu.memory_space<vmem>>) target(%dma_start3A_115 : memref<10240x128xf32, #tpu.memory_space<vmem_shared>>) offsets(%dma_start3A_112 : memref<128xi32, #tpu.memory_space<vmem>>) semaphore(%run_scoped3A : memref<!tpu.dma_semaphore, #tpu.memory_space<semaphore_mem>>) {add = true}
            %dma_wait3A_116 = arith.constant 0 : i32
            %dma_wait3A_117 = tpu.memref_slice %arg10[%add3A_79, %dma_wait3A_116] : memref<40x128xi32, #tpu.memory_space<vmem>> -> memref<1x128xi32, #tpu.memory_space<vmem>>
            %dma_wait3A_118 = tpu.memref_squeeze %dma_wait3A_117 : memref<1x128xi32, #tpu.memory_space<vmem>> -> memref<128xi32, #tpu.memory_space<vmem>>
            %dma_wait3A_119 = arith.constant 0 : i32
            %dma_wait3A_120 = arith.constant 0 : i32
            %dma_wait3A_121 = tpu.memref_slice %arg13[%dma_wait3A_119, %dma_wait3A_120] : memref<10240x128xf32, #tpu.memory_space<vmem_shared>> -> memref<10240x128xf32, #tpu.memory_space<vmem_shared>>
            tpu.wait_indirect_dma semaphore(%run_scoped3A : memref<!tpu.dma_semaphore, #tpu.memory_space<semaphore_mem>>) src(%arg11 : memref<128x128xf32, #tpu.memory_space<vmem>>) dst(%dma_wait3A_121 : memref<10240x128xf32, #tpu.memory_space<vmem_shared>>)
            tpu.yield
          }) : () -> ()
        } else {
        }
        %add3A_84 = arith.constant 2 : i32
        %add3A_85 = arith.addi %add3A_79, %add3A_84 : i32
        %lt3A_86 = arith.constant 40 : i32
        %lt3A_87 = arith.cmpi slt, %add3A_85, %lt3A_86 : i32
        %convert_element_type3A_88 = arith.extui %lt3A_87 : i1 to i32
        %cond3A_89 = arith.constant 0 : i32
        %cond3A_90 = arith.cmpi ne, %convert_element_type3A_88, %cond3A_89 : i32
        scf.if %cond3A_90 {
          %dma_start3A_105 = arith.constant 0 : i32
          %dma_start3A_106 = tpu.memref_slice %arg9[%add3A_85, %dma_start3A_105] : memref<40x128xi32, #tpu.memory_space<vmem>> -> memref<1x128xi32, #tpu.memory_space<vmem>>
          %dma_start3A_107 = tpu.memref_squeeze %dma_start3A_106 : memref<1x128xi32, #tpu.memory_space<vmem>> -> memref<128xi32, #tpu.memory_space<vmem>>
          %dma_start3A_108 = arith.constant 0 : i32
          %dma_start3A_109 = arith.constant 0 : i32
          %dma_start3A_110 = tpu.memref_slice %arg2[%dma_start3A_108, %dma_start3A_109] : memref<10240x128xf32, #tpu.memory_space<hbm>> -> memref<10240x128xf32, #tpu.memory_space<hbm>>
          tpu.enqueue_indirect_dma source(%dma_start3A_110 : memref<10240x128xf32, #tpu.memory_space<hbm>>) target(%arg11 : memref<128x128xf32, #tpu.memory_space<vmem>>) offsets(%dma_start3A_107 : memref<128xi32, #tpu.memory_space<vmem>>) semaphore(%arg14 : memref<!tpu.dma_semaphore, #tpu.memory_space<semaphore_mem>>)
        } else {
        }
        %add3A_91 = arith.constant 1 : i32
        %add3A_92 = arith.addi %mul3A_77, %add3A_91 : i32
        %lt3A_93 = arith.constant 40 : i32
        %lt3A_94 = arith.cmpi slt, %add3A_92, %lt3A_93 : i32
        %convert_element_type3A_95 = arith.extui %lt3A_94 : i1 to i32
        %cond3A_96 = arith.constant 0 : i32
        %cond3A_97 = arith.cmpi ne, %convert_element_type3A_95, %cond3A_96 : i32
        scf.if %cond3A_97 {
          %dma_wait3A = arith.constant 0 : i32
          %dma_wait3A_105 = tpu.memref_slice %arg9[%add3A_92, %dma_wait3A] : memref<40x128xi32, #tpu.memory_space<vmem>> -> memref<1x128xi32, #tpu.memory_space<vmem>>
          %dma_wait3A_106 = tpu.memref_squeeze %dma_wait3A_105 : memref<1x128xi32, #tpu.memory_space<vmem>> -> memref<128xi32, #tpu.memory_space<vmem>>
          %dma_wait3A_107 = arith.constant 0 : i32
          %dma_wait3A_108 = arith.constant 0 : i32
          %dma_wait3A_109 = tpu.memref_slice %arg2[%dma_wait3A_107, %dma_wait3A_108] : memref<10240x128xf32, #tpu.memory_space<hbm>> -> memref<10240x128xf32, #tpu.memory_space<hbm>>
          tpu.wait_indirect_dma semaphore(%arg15 : memref<!tpu.dma_semaphore, #tpu.memory_space<semaphore_mem>>) src(%dma_wait3A_109 : memref<10240x128xf32, #tpu.memory_space<hbm>>) dst(%arg12 : memref<128x128xf32, #tpu.memory_space<vmem>>)
          "tpu.region"() ({
            %run_scoped3A = tpu.sem_alloc : memref<!tpu.dma_semaphore, #tpu.memory_space<semaphore_mem>>
            %dma_start3A_110 = arith.constant 0 : i32
            %dma_start3A_111 = tpu.memref_slice %arg10[%add3A_92, %dma_start3A_110] : memref<40x128xi32, #tpu.memory_space<vmem>> -> memref<1x128xi32, #tpu.memory_space<vmem>>
            %dma_start3A_112 = tpu.memref_squeeze %dma_start3A_111 : memref<1x128xi32, #tpu.memory_space<vmem>> -> memref<128xi32, #tpu.memory_space<vmem>>
            %dma_start3A_113 = arith.constant 0 : i32
            %dma_start3A_114 = arith.constant 0 : i32
            %dma_start3A_115 = tpu.memref_slice %arg13[%dma_start3A_113, %dma_start3A_114] : memref<10240x128xf32, #tpu.memory_space<vmem_shared>> -> memref<10240x128xf32, #tpu.memory_space<vmem_shared>>
            tpu.enqueue_indirect_dma source(%arg12 : memref<128x128xf32, #tpu.memory_space<vmem>>) target(%dma_start3A_115 : memref<10240x128xf32, #tpu.memory_space<vmem_shared>>) offsets(%dma_start3A_112 : memref<128xi32, #tpu.memory_space<vmem>>) semaphore(%run_scoped3A : memref<!tpu.dma_semaphore, #tpu.memory_space<semaphore_mem>>) {add = true}
            %dma_wait3A_116 = arith.constant 0 : i32
            %dma_wait3A_117 = tpu.memref_slice %arg10[%add3A_92, %dma_wait3A_116] : memref<40x128xi32, #tpu.memory_space<vmem>> -> memref<1x128xi32, #tpu.memory_space<vmem>>
            %dma_wait3A_118 = tpu.memref_squeeze %dma_wait3A_117 : memref<1x128xi32, #tpu.memory_space<vmem>> -> memref<128xi32, #tpu.memory_space<vmem>>
            %dma_wait3A_119 = arith.constant 0 : i32
            %dma_wait3A_120 = arith.constant 0 : i32
            %dma_wait3A_121 = tpu.memref_slice %arg13[%dma_wait3A_119, %dma_wait3A_120] : memref<10240x128xf32, #tpu.memory_space<vmem_shared>> -> memref<10240x128xf32, #tpu.memory_space<vmem_shared>>
            tpu.wait_indirect_dma semaphore(%run_scoped3A : memref<!tpu.dma_semaphore, #tpu.memory_space<semaphore_mem>>) src(%arg12 : memref<128x128xf32, #tpu.memory_space<vmem>>) dst(%dma_wait3A_121 : memref<10240x128xf32, #tpu.memory_space<vmem_shared>>)
            tpu.yield
          }) : () -> ()
        } else {
        }
        %add3A_98 = arith.constant 2 : i32
        %add3A_99 = arith.addi %add3A_92, %add3A_98 : i32
        %lt3A_100 = arith.constant 40 : i32
        %lt3A_101 = arith.cmpi slt, %add3A_99, %lt3A_100 : i32
        %convert_element_type3A_102 = arith.extui %lt3A_101 : i1 to i32
        %cond3A_103 = arith.constant 0 : i32
        %cond3A_104 = arith.cmpi ne, %convert_element_type3A_102, %cond3A_103 : i32
        scf.if %cond3A_104 {
          %dma_start3A_105 = arith.constant 0 : i32
          %dma_start3A_106 = tpu.memref_slice %arg9[%add3A_99, %dma_start3A_105] : memref<40x128xi32, #tpu.memory_space<vmem>> -> memref<1x128xi32, #tpu.memory_space<vmem>>
          %dma_start3A_107 = tpu.memref_squeeze %dma_start3A_106 : memref<1x128xi32, #tpu.memory_space<vmem>> -> memref<128xi32, #tpu.memory_space<vmem>>
          %dma_start3A_108 = arith.constant 0 : i32
          %dma_start3A_109 = arith.constant 0 : i32
          %dma_start3A_110 = tpu.memref_slice %arg2[%dma_start3A_108, %dma_start3A_109] : memref<10240x128xf32, #tpu.memory_space<hbm>> -> memref<10240x128xf32, #tpu.memory_space<hbm>>
          tpu.enqueue_indirect_dma source(%dma_start3A_110 : memref<10240x128xf32, #tpu.memory_space<hbm>>) target(%arg12 : memref<128x128xf32, #tpu.memory_space<vmem>>) offsets(%dma_start3A_107 : memref<128xi32, #tpu.memory_space<vmem>>) semaphore(%arg15 : memref<!tpu.dma_semaphore, #tpu.memory_space<semaphore_mem>>)
        } else {
        }
      }
      %scan3A_34 = arith.constant 20 : i32
      "tpu.region"() ({
        %run_scoped3A = tpu.sem_alloc : memref<!tpu.dma_semaphore, #tpu.memory_space<semaphore_mem>>
        %dma_start3A_75 = arith.constant 0 : i32
        %dma_start3A_76 = arith.constant 0 : i32
        %dma_start3A_77 = tpu.memref_slice %arg9[%dma_start3A_75, %dma_start3A_76] : memref<40x128xi32, #tpu.memory_space<vmem>> -> memref<40x128xi32, #tpu.memory_space<vmem>>
        %dma_start3A_78 = arith.constant 40 : i32
        %dma_start3A_79 = arith.constant 0 : i32
        %dma_start3A_80 = tpu.memref_slice %arg3[%arg1, %dma_start3A_78, %dma_start3A_79] : memref<16x118x128xi32, #tpu.memory_space<hbm>> -> memref<1x40x128xi32, #tpu.memory_space<hbm>>
        %dma_start3A_81 = tpu.memref_squeeze %dma_start3A_80 : memref<1x40x128xi32, #tpu.memory_space<hbm>> -> memref<40x128xi32, #tpu.memory_space<hbm>>
        %dma_start3A_82 = arith.constant 0 : i32
        %dma_start3A_83 = arith.constant 0 : i32
        %dma_start3A_84 = tpu.memref_slice %arg9[%dma_start3A_82, %dma_start3A_83] : memref<40x128xi32, #tpu.memory_space<vmem>> -> memref<40x128xi32, #tpu.memory_space<vmem>>
        %dma_start3A_85 = arith.constant 40 : i32
        %dma_start3A_86 = arith.constant 0 : i32
        %dma_start3A_87 = tpu.memref_slice %arg3[%arg1, %dma_start3A_85, %dma_start3A_86] : memref<16x118x128xi32, #tpu.memory_space<hbm>> -> memref<1x40x128xi32, #tpu.memory_space<hbm>>
        %dma_start3A_88 = tpu.memref_squeeze %dma_start3A_87 : memref<1x40x128xi32, #tpu.memory_space<hbm>> -> memref<40x128xi32, #tpu.memory_space<hbm>>
        tpu.enqueue_dma source(%dma_start3A_88 : memref<40x128xi32, #tpu.memory_space<hbm>>) target(%dma_start3A_84 : memref<40x128xi32, #tpu.memory_space<vmem>>) target_semaphore(%run_scoped3A : memref<!tpu.dma_semaphore, #tpu.memory_space<semaphore_mem>>)
        %dma_wait3A = arith.constant 0 : i32
        %dma_wait3A_89 = arith.constant 0 : i32
        %dma_wait3A_90 = tpu.memref_slice %arg9[%dma_wait3A, %dma_wait3A_89] : memref<40x128xi32, #tpu.memory_space<vmem>> -> memref<40x128xi32, #tpu.memory_space<vmem>>
        %dma_wait3A_91 = arith.constant 40 : i32
        %dma_wait3A_92 = arith.constant 0 : i32
        %dma_wait3A_93 = tpu.memref_slice %arg3[%arg1, %dma_wait3A_91, %dma_wait3A_92] : memref<16x118x128xi32, #tpu.memory_space<hbm>> -> memref<1x40x128xi32, #tpu.memory_space<hbm>>
        %dma_wait3A_94 = tpu.memref_squeeze %dma_wait3A_93 : memref<1x40x128xi32, #tpu.memory_space<hbm>> -> memref<40x128xi32, #tpu.memory_space<hbm>>
        %dma_wait3A_95 = arith.constant 0 : i32
        %dma_wait3A_96 = arith.constant 0 : i32
        %dma_wait3A_97 = tpu.memref_slice %arg9[%dma_wait3A_95, %dma_wait3A_96] : memref<40x128xi32, #tpu.memory_space<vmem>> -> memref<40x128xi32, #tpu.memory_space<vmem>>
        %dma_wait3A_98 = arith.constant 40 : i32
        %dma_wait3A_99 = arith.constant 0 : i32
        %dma_wait3A_100 = tpu.memref_slice %arg3[%arg1, %dma_wait3A_98, %dma_wait3A_99] : memref<16x118x128xi32, #tpu.memory_space<hbm>> -> memref<1x40x128xi32, #tpu.memory_space<hbm>>
        %dma_wait3A_101 = tpu.memref_squeeze %dma_wait3A_100 : memref<1x40x128xi32, #tpu.memory_space<hbm>> -> memref<40x128xi32, #tpu.memory_space<hbm>>
        tpu.wait_dma2 semaphore(%run_scoped3A : memref<!tpu.dma_semaphore, #tpu.memory_space<semaphore_mem>>) src(%dma_wait3A_101 : memref<40x128xi32, #tpu.memory_space<hbm>>) dst(%dma_wait3A_97 : memref<40x128xi32, #tpu.memory_space<vmem>>)
        tpu.yield
      }) : () -> ()
      "tpu.region"() ({
        %run_scoped3A = tpu.sem_alloc : memref<!tpu.dma_semaphore, #tpu.memory_space<semaphore_mem>>
        %dma_start3A_75 = arith.constant 0 : i32
        %dma_start3A_76 = arith.constant 0 : i32
        %dma_start3A_77 = tpu.memref_slice %arg10[%dma_start3A_75, %dma_start3A_76] : memref<40x128xi32, #tpu.memory_space<vmem>> -> memref<40x128xi32, #tpu.memory_space<vmem>>
        %dma_start3A_78 = arith.constant 40 : i32
        %dma_start3A_79 = arith.constant 0 : i32
        %dma_start3A_80 = tpu.memref_slice %arg4[%arg1, %dma_start3A_78, %dma_start3A_79] : memref<16x118x128xi32, #tpu.memory_space<hbm>> -> memref<1x40x128xi32, #tpu.memory_space<hbm>>
        %dma_start3A_81 = tpu.memref_squeeze %dma_start3A_80 : memref<1x40x128xi32, #tpu.memory_space<hbm>> -> memref<40x128xi32, #tpu.memory_space<hbm>>
        %dma_start3A_82 = arith.constant 0 : i32
        %dma_start3A_83 = arith.constant 0 : i32
        %dma_start3A_84 = tpu.memref_slice %arg10[%dma_start3A_82, %dma_start3A_83] : memref<40x128xi32, #tpu.memory_space<vmem>> -> memref<40x128xi32, #tpu.memory_space<vmem>>
        %dma_start3A_85 = arith.constant 40 : i32
        %dma_start3A_86 = arith.constant 0 : i32
        %dma_start3A_87 = tpu.memref_slice %arg4[%arg1, %dma_start3A_85, %dma_start3A_86] : memref<16x118x128xi32, #tpu.memory_space<hbm>> -> memref<1x40x128xi32, #tpu.memory_space<hbm>>
        %dma_start3A_88 = tpu.memref_squeeze %dma_start3A_87 : memref<1x40x128xi32, #tpu.memory_space<hbm>> -> memref<40x128xi32, #tpu.memory_space<hbm>>
        tpu.enqueue_dma source(%dma_start3A_88 : memref<40x128xi32, #tpu.memory_space<hbm>>) target(%dma_start3A_84 : memref<40x128xi32, #tpu.memory_space<vmem>>) target_semaphore(%run_scoped3A : memref<!tpu.dma_semaphore, #tpu.memory_space<semaphore_mem>>)
        %dma_wait3A = arith.constant 0 : i32
        %dma_wait3A_89 = arith.constant 0 : i32
        %dma_wait3A_90 = tpu.memref_slice %arg10[%dma_wait3A, %dma_wait3A_89] : memref<40x128xi32, #tpu.memory_space<vmem>> -> memref<40x128xi32, #tpu.memory_space<vmem>>
        %dma_wait3A_91 = arith.constant 40 : i32
        %dma_wait3A_92 = arith.constant 0 : i32
        %dma_wait3A_93 = tpu.memref_slice %arg4[%arg1, %dma_wait3A_91, %dma_wait3A_92] : memref<16x118x128xi32, #tpu.memory_space<hbm>> -> memref<1x40x128xi32, #tpu.memory_space<hbm>>
        %dma_wait3A_94 = tpu.memref_squeeze %dma_wait3A_93 : memref<1x40x128xi32, #tpu.memory_space<hbm>> -> memref<40x128xi32, #tpu.memory_space<hbm>>
        %dma_wait3A_95 = arith.constant 0 : i32
        %dma_wait3A_96 = arith.constant 0 : i32
        %dma_wait3A_97 = tpu.memref_slice %arg10[%dma_wait3A_95, %dma_wait3A_96] : memref<40x128xi32, #tpu.memory_space<vmem>> -> memref<40x128xi32, #tpu.memory_space<vmem>>
        %dma_wait3A_98 = arith.constant 40 : i32
        %dma_wait3A_99 = arith.constant 0 : i32
        %dma_wait3A_100 = tpu.memref_slice %arg4[%arg1, %dma_wait3A_98, %dma_wait3A_99] : memref<16x118x128xi32, #tpu.memory_space<hbm>> -> memref<1x40x128xi32, #tpu.memory_space<hbm>>
        %dma_wait3A_101 = tpu.memref_squeeze %dma_wait3A_100 : memref<1x40x128xi32, #tpu.memory_space<hbm>> -> memref<40x128xi32, #tpu.memory_space<hbm>>
        tpu.wait_dma2 semaphore(%run_scoped3A : memref<!tpu.dma_semaphore, #tpu.memory_space<semaphore_mem>>) src(%dma_wait3A_101 : memref<40x128xi32, #tpu.memory_space<hbm>>) dst(%dma_wait3A_97 : memref<40x128xi32, #tpu.memory_space<vmem>>)
        tpu.yield
      }) : () -> ()
      %dma_start3A_35 = arith.constant 0 : i32
      %dma_start3A_36 = arith.constant 0 : i32
      %dma_start3A_37 = tpu.memref_slice %arg9[%dma_start3A_35, %dma_start3A_36] : memref<40x128xi32, #tpu.memory_space<vmem>> -> memref<1x128xi32, #tpu.memory_space<vmem>>
      %dma_start3A_38 = tpu.memref_squeeze %dma_start3A_37 : memref<1x128xi32, #tpu.memory_space<vmem>> -> memref<128xi32, #tpu.memory_space<vmem>>
      %dma_start3A_39 = arith.constant 0 : i32
      %dma_start3A_40 = arith.constant 0 : i32
      %dma_start3A_41 = tpu.memref_slice %arg2[%dma_start3A_39, %dma_start3A_40] : memref<10240x128xf32, #tpu.memory_space<hbm>> -> memref<10240x128xf32, #tpu.memory_space<hbm>>
      tpu.enqueue_indirect_dma source(%dma_start3A_41 : memref<10240x128xf32, #tpu.memory_space<hbm>>) target(%arg11 : memref<128x128xf32, #tpu.memory_space<vmem>>) offsets(%dma_start3A_38 : memref<128xi32, #tpu.memory_space<vmem>>) semaphore(%arg14 : memref<!tpu.dma_semaphore, #tpu.memory_space<semaphore_mem>>)
      %dma_start3A_42 = arith.constant 1 : i32
      %dma_start3A_43 = arith.constant 0 : i32
      %dma_start3A_44 = tpu.memref_slice %arg9[%dma_start3A_42, %dma_start3A_43] : memref<40x128xi32, #tpu.memory_space<vmem>> -> memref<1x128xi32, #tpu.memory_space<vmem>>
      %dma_start3A_45 = tpu.memref_squeeze %dma_start3A_44 : memref<1x128xi32, #tpu.memory_space<vmem>> -> memref<128xi32, #tpu.memory_space<vmem>>
      %dma_start3A_46 = arith.constant 0 : i32
      %dma_start3A_47 = arith.constant 0 : i32
      %dma_start3A_48 = tpu.memref_slice %arg2[%dma_start3A_46, %dma_start3A_47] : memref<10240x128xf32, #tpu.memory_space<hbm>> -> memref<10240x128xf32, #tpu.memory_space<hbm>>
      tpu.enqueue_indirect_dma source(%dma_start3A_48 : memref<10240x128xf32, #tpu.memory_space<hbm>>) target(%arg12 : memref<128x128xf32, #tpu.memory_space<vmem>>) offsets(%dma_start3A_45 : memref<128xi32, #tpu.memory_space<vmem>>) semaphore(%arg15 : memref<!tpu.dma_semaphore, #tpu.memory_space<semaphore_mem>>)
      %scan3A_49 = arith.constant 0 : i32
      %scan3A_50 = arith.constant 0 : i32
      %scan3A_51 = arith.constant 20 : i32
      %scan3A_52 = arith.addi %scan3A_50, %scan3A_51 : i32
      %scan3A_53 = arith.constant 1 : i32
      scf.for %scan3A_75 = %scan3A_50 to %scan3A_52 step %scan3A_53  : i32 {
        %mul3A_76 = arith.constant 2 : i32
        %mul3A_77 = arith.muli %scan3A_75, %mul3A_76 : i32
        %add3A_78 = arith.constant 0 : i32
        %add3A_79 = arith.addi %mul3A_77, %add3A_78 : i32
        %lt3A = arith.constant 40 : i32
        %lt3A_80 = arith.cmpi slt, %add3A_79, %lt3A : i32
        %convert_element_type3A_81 = arith.extui %lt3A_80 : i1 to i32
        %cond3A_82 = arith.constant 0 : i32
        %cond3A_83 = arith.cmpi ne, %convert_element_type3A_81, %cond3A_82 : i32
        scf.if %cond3A_83 {
          %dma_wait3A = arith.constant 0 : i32
          %dma_wait3A_105 = tpu.memref_slice %arg9[%add3A_79, %dma_wait3A] : memref<40x128xi32, #tpu.memory_space<vmem>> -> memref<1x128xi32, #tpu.memory_space<vmem>>
          %dma_wait3A_106 = tpu.memref_squeeze %dma_wait3A_105 : memref<1x128xi32, #tpu.memory_space<vmem>> -> memref<128xi32, #tpu.memory_space<vmem>>
          %dma_wait3A_107 = arith.constant 0 : i32
          %dma_wait3A_108 = arith.constant 0 : i32
          %dma_wait3A_109 = tpu.memref_slice %arg2[%dma_wait3A_107, %dma_wait3A_108] : memref<10240x128xf32, #tpu.memory_space<hbm>> -> memref<10240x128xf32, #tpu.memory_space<hbm>>
          tpu.wait_indirect_dma semaphore(%arg14 : memref<!tpu.dma_semaphore, #tpu.memory_space<semaphore_mem>>) src(%dma_wait3A_109 : memref<10240x128xf32, #tpu.memory_space<hbm>>) dst(%arg11 : memref<128x128xf32, #tpu.memory_space<vmem>>)
          "tpu.region"() ({
            %run_scoped3A = tpu.sem_alloc : memref<!tpu.dma_semaphore, #tpu.memory_space<semaphore_mem>>
            %dma_start3A_110 = arith.constant 0 : i32
            %dma_start3A_111 = tpu.memref_slice %arg10[%add3A_79, %dma_start3A_110] : memref<40x128xi32, #tpu.memory_space<vmem>> -> memref<1x128xi32, #tpu.memory_space<vmem>>
            %dma_start3A_112 = tpu.memref_squeeze %dma_start3A_111 : memref<1x128xi32, #tpu.memory_space<vmem>> -> memref<128xi32, #tpu.memory_space<vmem>>
            %dma_start3A_113 = arith.constant 0 : i32
            %dma_start3A_114 = arith.constant 0 : i32
            %dma_start3A_115 = tpu.memref_slice %arg13[%dma_start3A_113, %dma_start3A_114] : memref<10240x128xf32, #tpu.memory_space<vmem_shared>> -> memref<10240x128xf32, #tpu.memory_space<vmem_shared>>
            tpu.enqueue_indirect_dma source(%arg11 : memref<128x128xf32, #tpu.memory_space<vmem>>) target(%dma_start3A_115 : memref<10240x128xf32, #tpu.memory_space<vmem_shared>>) offsets(%dma_start3A_112 : memref<128xi32, #tpu.memory_space<vmem>>) semaphore(%run_scoped3A : memref<!tpu.dma_semaphore, #tpu.memory_space<semaphore_mem>>) {add = true}
            %dma_wait3A_116 = arith.constant 0 : i32
            %dma_wait3A_117 = tpu.memref_slice %arg10[%add3A_79, %dma_wait3A_116] : memref<40x128xi32, #tpu.memory_space<vmem>> -> memref<1x128xi32, #tpu.memory_space<vmem>>
            %dma_wait3A_118 = tpu.memref_squeeze %dma_wait3A_117 : memref<1x128xi32, #tpu.memory_space<vmem>> -> memref<128xi32, #tpu.memory_space<vmem>>
            %dma_wait3A_119 = arith.constant 0 : i32
            %dma_wait3A_120 = arith.constant 0 : i32
            %dma_wait3A_121 = tpu.memref_slice %arg13[%dma_wait3A_119, %dma_wait3A_120] : memref<10240x128xf32, #tpu.memory_space<vmem_shared>> -> memref<10240x128xf32, #tpu.memory_space<vmem_shared>>
            tpu.wait_indirect_dma semaphore(%run_scoped3A : memref<!tpu.dma_semaphore, #tpu.memory_space<semaphore_mem>>) src(%arg11 : memref<128x128xf32, #tpu.memory_space<vmem>>) dst(%dma_wait3A_121 : memref<10240x128xf32, #tpu.memory_space<vmem_shared>>)
            tpu.yield
          }) : () -> ()
        } else {
        }
        %add3A_84 = arith.constant 2 : i32
        %add3A_85 = arith.addi %add3A_79, %add3A_84 : i32
        %lt3A_86 = arith.constant 40 : i32
        %lt3A_87 = arith.cmpi slt, %add3A_85, %lt3A_86 : i32
        %convert_element_type3A_88 = arith.extui %lt3A_87 : i1 to i32
        %cond3A_89 = arith.constant 0 : i32
        %cond3A_90 = arith.cmpi ne, %convert_element_type3A_88, %cond3A_89 : i32
        scf.if %cond3A_90 {
          %dma_start3A_105 = arith.constant 0 : i32
          %dma_start3A_106 = tpu.memref_slice %arg9[%add3A_85, %dma_start3A_105] : memref<40x128xi32, #tpu.memory_space<vmem>> -> memref<1x128xi32, #tpu.memory_space<vmem>>
          %dma_start3A_107 = tpu.memref_squeeze %dma_start3A_106 : memref<1x128xi32, #tpu.memory_space<vmem>> -> memref<128xi32, #tpu.memory_space<vmem>>
          %dma_start3A_108 = arith.constant 0 : i32
          %dma_start3A_109 = arith.constant 0 : i32
          %dma_start3A_110 = tpu.memref_slice %arg2[%dma_start3A_108, %dma_start3A_109] : memref<10240x128xf32, #tpu.memory_space<hbm>> -> memref<10240x128xf32, #tpu.memory_space<hbm>>
          tpu.enqueue_indirect_dma source(%dma_start3A_110 : memref<10240x128xf32, #tpu.memory_space<hbm>>) target(%arg11 : memref<128x128xf32, #tpu.memory_space<vmem>>) offsets(%dma_start3A_107 : memref<128xi32, #tpu.memory_space<vmem>>) semaphore(%arg14 : memref<!tpu.dma_semaphore, #tpu.memory_space<semaphore_mem>>)
        } else {
        }
        %add3A_91 = arith.constant 1 : i32
        %add3A_92 = arith.addi %mul3A_77, %add3A_91 : i32
        %lt3A_93 = arith.constant 40 : i32
        %lt3A_94 = arith.cmpi slt, %add3A_92, %lt3A_93 : i32
        %convert_element_type3A_95 = arith.extui %lt3A_94 : i1 to i32
        %cond3A_96 = arith.constant 0 : i32
        %cond3A_97 = arith.cmpi ne, %convert_element_type3A_95, %cond3A_96 : i32
        scf.if %cond3A_97 {
          %dma_wait3A = arith.constant 0 : i32
          %dma_wait3A_105 = tpu.memref_slice %arg9[%add3A_92, %dma_wait3A] : memref<40x128xi32, #tpu.memory_space<vmem>> -> memref<1x128xi32, #tpu.memory_space<vmem>>
          %dma_wait3A_106 = tpu.memref_squeeze %dma_wait3A_105 : memref<1x128xi32, #tpu.memory_space<vmem>> -> memref<128xi32, #tpu.memory_space<vmem>>
          %dma_wait3A_107 = arith.constant 0 : i32
          %dma_wait3A_108 = arith.constant 0 : i32
          %dma_wait3A_109 = tpu.memref_slice %arg2[%dma_wait3A_107, %dma_wait3A_108] : memref<10240x128xf32, #tpu.memory_space<hbm>> -> memref<10240x128xf32, #tpu.memory_space<hbm>>
          tpu.wait_indirect_dma semaphore(%arg15 : memref<!tpu.dma_semaphore, #tpu.memory_space<semaphore_mem>>) src(%dma_wait3A_109 : memref<10240x128xf32, #tpu.memory_space<hbm>>) dst(%arg12 : memref<128x128xf32, #tpu.memory_space<vmem>>)
          "tpu.region"() ({
            %run_scoped3A = tpu.sem_alloc : memref<!tpu.dma_semaphore, #tpu.memory_space<semaphore_mem>>
            %dma_start3A_110 = arith.constant 0 : i32
            %dma_start3A_111 = tpu.memref_slice %arg10[%add3A_92, %dma_start3A_110] : memref<40x128xi32, #tpu.memory_space<vmem>> -> memref<1x128xi32, #tpu.memory_space<vmem>>
            %dma_start3A_112 = tpu.memref_squeeze %dma_start3A_111 : memref<1x128xi32, #tpu.memory_space<vmem>> -> memref<128xi32, #tpu.memory_space<vmem>>
            %dma_start3A_113 = arith.constant 0 : i32
            %dma_start3A_114 = arith.constant 0 : i32
            %dma_start3A_115 = tpu.memref_slice %arg13[%dma_start3A_113, %dma_start3A_114] : memref<10240x128xf32, #tpu.memory_space<vmem_shared>> -> memref<10240x128xf32, #tpu.memory_space<vmem_shared>>
            tpu.enqueue_indirect_dma source(%arg12 : memref<128x128xf32, #tpu.memory_space<vmem>>) target(%dma_start3A_115 : memref<10240x128xf32, #tpu.memory_space<vmem_shared>>) offsets(%dma_start3A_112 : memref<128xi32, #tpu.memory_space<vmem>>) semaphore(%run_scoped3A : memref<!tpu.dma_semaphore, #tpu.memory_space<semaphore_mem>>) {add = true}
            %dma_wait3A_116 = arith.constant 0 : i32
            %dma_wait3A_117 = tpu.memref_slice %arg10[%add3A_92, %dma_wait3A_116] : memref<40x128xi32, #tpu.memory_space<vmem>> -> memref<1x128xi32, #tpu.memory_space<vmem>>
            %dma_wait3A_118 = tpu.memref_squeeze %dma_wait3A_117 : memref<1x128xi32, #tpu.memory_space<vmem>> -> memref<128xi32, #tpu.memory_space<vmem>>
            %dma_wait3A_119 = arith.constant 0 : i32
            %dma_wait3A_120 = arith.constant 0 : i32
            %dma_wait3A_121 = tpu.memref_slice %arg13[%dma_wait3A_119, %dma_wait3A_120] : memref<10240x128xf32, #tpu.memory_space<vmem_shared>> -> memref<10240x128xf32, #tpu.memory_space<vmem_shared>>
            tpu.wait_indirect_dma semaphore(%run_scoped3A : memref<!tpu.dma_semaphore, #tpu.memory_space<semaphore_mem>>) src(%arg12 : memref<128x128xf32, #tpu.memory_space<vmem>>) dst(%dma_wait3A_121 : memref<10240x128xf32, #tpu.memory_space<vmem_shared>>)
            tpu.yield
          }) : () -> ()
        } else {
        }
        %add3A_98 = arith.constant 2 : i32
        %add3A_99 = arith.addi %add3A_92, %add3A_98 : i32
        %lt3A_100 = arith.constant 40 : i32
        %lt3A_101 = arith.cmpi slt, %add3A_99, %lt3A_100 : i32
        %convert_element_type3A_102 = arith.extui %lt3A_101 : i1 to i32
        %cond3A_103 = arith.constant 0 : i32
        %cond3A_104 = arith.cmpi ne, %convert_element_type3A_102, %cond3A_103 : i32
        scf.if %cond3A_104 {
          %dma_start3A_105 = arith.constant 0 : i32
          %dma_start3A_106 = tpu.memref_slice %arg9[%add3A_99, %dma_start3A_105] : memref<40x128xi32, #tpu.memory_space<vmem>> -> memref<1x128xi32, #tpu.memory_space<vmem>>
          %dma_start3A_107 = tpu.memref_squeeze %dma_start3A_106 : memref<1x128xi32, #tpu.memory_space<vmem>> -> memref<128xi32, #tpu.memory_space<vmem>>
          %dma_start3A_108 = arith.constant 0 : i32
          %dma_start3A_109 = arith.constant 0 : i32
          %dma_start3A_110 = tpu.memref_slice %arg2[%dma_start3A_108, %dma_start3A_109] : memref<10240x128xf32, #tpu.memory_space<hbm>> -> memref<10240x128xf32, #tpu.memory_space<hbm>>
          tpu.enqueue_indirect_dma source(%dma_start3A_110 : memref<10240x128xf32, #tpu.memory_space<hbm>>) target(%arg12 : memref<128x128xf32, #tpu.memory_space<vmem>>) offsets(%dma_start3A_107 : memref<128xi32, #tpu.memory_space<vmem>>) semaphore(%arg15 : memref<!tpu.dma_semaphore, #tpu.memory_space<semaphore_mem>>)
        } else {
        }
      }
      %scan3A_54 = arith.constant 20 : i32
      "tpu.region"() ({
        %run_scoped3A = tpu.sem_alloc : memref<!tpu.dma_semaphore, #tpu.memory_space<semaphore_mem>>
        %dma_start3A_75 = arith.constant 0 : i32
        %dma_start3A_76 = arith.constant 0 : i32
        %dma_start3A_77 = tpu.memref_slice %arg9[%dma_start3A_75, %dma_start3A_76] : memref<40x128xi32, #tpu.memory_space<vmem>> -> memref<38x128xi32, #tpu.memory_space<vmem>>
        %dma_start3A_78 = arith.constant 80 : i32
        %dma_start3A_79 = arith.constant 0 : i32
        %dma_start3A_80 = tpu.memref_slice %arg3[%arg1, %dma_start3A_78, %dma_start3A_79] : memref<16x118x128xi32, #tpu.memory_space<hbm>> -> memref<1x38x128xi32, #tpu.memory_space<hbm>>
        %dma_start3A_81 = tpu.memref_squeeze %dma_start3A_80 : memref<1x38x128xi32, #tpu.memory_space<hbm>> -> memref<38x128xi32, #tpu.memory_space<hbm>>
        %dma_start3A_82 = arith.constant 0 : i32
        %dma_start3A_83 = arith.constant 0 : i32
        %dma_start3A_84 = tpu.memref_slice %arg9[%dma_start3A_82, %dma_start3A_83] : memref<40x128xi32, #tpu.memory_space<vmem>> -> memref<38x128xi32, #tpu.memory_space<vmem>>
        %dma_start3A_85 = arith.constant 80 : i32
        %dma_start3A_86 = arith.constant 0 : i32
        %dma_start3A_87 = tpu.memref_slice %arg3[%arg1, %dma_start3A_85, %dma_start3A_86] : memref<16x118x128xi32, #tpu.memory_space<hbm>> -> memref<1x38x128xi32, #tpu.memory_space<hbm>>
        %dma_start3A_88 = tpu.memref_squeeze %dma_start3A_87 : memref<1x38x128xi32, #tpu.memory_space<hbm>> -> memref<38x128xi32, #tpu.memory_space<hbm>>
        tpu.enqueue_dma source(%dma_start3A_88 : memref<38x128xi32, #tpu.memory_space<hbm>>) target(%dma_start3A_84 : memref<38x128xi32, #tpu.memory_space<vmem>>) target_semaphore(%run_scoped3A : memref<!tpu.dma_semaphore, #tpu.memory_space<semaphore_mem>>)
        %dma_wait3A = arith.constant 0 : i32
        %dma_wait3A_89 = arith.constant 0 : i32
        %dma_wait3A_90 = tpu.memref_slice %arg9[%dma_wait3A, %dma_wait3A_89] : memref<40x128xi32, #tpu.memory_space<vmem>> -> memref<38x128xi32, #tpu.memory_space<vmem>>
        %dma_wait3A_91 = arith.constant 80 : i32
        %dma_wait3A_92 = arith.constant 0 : i32
        %dma_wait3A_93 = tpu.memref_slice %arg3[%arg1, %dma_wait3A_91, %dma_wait3A_92] : memref<16x118x128xi32, #tpu.memory_space<hbm>> -> memref<1x38x128xi32, #tpu.memory_space<hbm>>
        %dma_wait3A_94 = tpu.memref_squeeze %dma_wait3A_93 : memref<1x38x128xi32, #tpu.memory_space<hbm>> -> memref<38x128xi32, #tpu.memory_space<hbm>>
        %dma_wait3A_95 = arith.constant 0 : i32
        %dma_wait3A_96 = arith.constant 0 : i32
        %dma_wait3A_97 = tpu.memref_slice %arg9[%dma_wait3A_95, %dma_wait3A_96] : memref<40x128xi32, #tpu.memory_space<vmem>> -> memref<38x128xi32, #tpu.memory_space<vmem>>
        %dma_wait3A_98 = arith.constant 80 : i32
        %dma_wait3A_99 = arith.constant 0 : i32
        %dma_wait3A_100 = tpu.memref_slice %arg3[%arg1, %dma_wait3A_98, %dma_wait3A_99] : memref<16x118x128xi32, #tpu.memory_space<hbm>> -> memref<1x38x128xi32, #tpu.memory_space<hbm>>
        %dma_wait3A_101 = tpu.memref_squeeze %dma_wait3A_100 : memref<1x38x128xi32, #tpu.memory_space<hbm>> -> memref<38x128xi32, #tpu.memory_space<hbm>>
        tpu.wait_dma2 semaphore(%run_scoped3A : memref<!tpu.dma_semaphore, #tpu.memory_space<semaphore_mem>>) src(%dma_wait3A_101 : memref<38x128xi32, #tpu.memory_space<hbm>>) dst(%dma_wait3A_97 : memref<38x128xi32, #tpu.memory_space<vmem>>)
        tpu.yield
      }) : () -> ()
      "tpu.region"() ({
        %run_scoped3A = tpu.sem_alloc : memref<!tpu.dma_semaphore, #tpu.memory_space<semaphore_mem>>
        %dma_start3A_75 = arith.constant 0 : i32
        %dma_start3A_76 = arith.constant 0 : i32
        %dma_start3A_77 = tpu.memref_slice %arg10[%dma_start3A_75, %dma_start3A_76] : memref<40x128xi32, #tpu.memory_space<vmem>> -> memref<38x128xi32, #tpu.memory_space<vmem>>
        %dma_start3A_78 = arith.constant 80 : i32
        %dma_start3A_79 = arith.constant 0 : i32
        %dma_start3A_80 = tpu.memref_slice %arg4[%arg1, %dma_start3A_78, %dma_start3A_79] : memref<16x118x128xi32, #tpu.memory_space<hbm>> -> memref<1x38x128xi32, #tpu.memory_space<hbm>>
        %dma_start3A_81 = tpu.memref_squeeze %dma_start3A_80 : memref<1x38x128xi32, #tpu.memory_space<hbm>> -> memref<38x128xi32, #tpu.memory_space<hbm>>
        %dma_start3A_82 = arith.constant 0 : i32
        %dma_start3A_83 = arith.constant 0 : i32
        %dma_start3A_84 = tpu.memref_slice %arg10[%dma_start3A_82, %dma_start3A_83] : memref<40x128xi32, #tpu.memory_space<vmem>> -> memref<38x128xi32, #tpu.memory_space<vmem>>
        %dma_start3A_85 = arith.constant 80 : i32
        %dma_start3A_86 = arith.constant 0 : i32
        %dma_start3A_87 = tpu.memref_slice %arg4[%arg1, %dma_start3A_85, %dma_start3A_86] : memref<16x118x128xi32, #tpu.memory_space<hbm>> -> memref<1x38x128xi32, #tpu.memory_space<hbm>>
        %dma_start3A_88 = tpu.memref_squeeze %dma_start3A_87 : memref<1x38x128xi32, #tpu.memory_space<hbm>> -> memref<38x128xi32, #tpu.memory_space<hbm>>
        tpu.enqueue_dma source(%dma_start3A_88 : memref<38x128xi32, #tpu.memory_space<hbm>>) target(%dma_start3A_84 : memref<38x128xi32, #tpu.memory_space<vmem>>) target_semaphore(%run_scoped3A : memref<!tpu.dma_semaphore, #tpu.memory_space<semaphore_mem>>)
        %dma_wait3A = arith.constant 0 : i32
        %dma_wait3A_89 = arith.constant 0 : i32
        %dma_wait3A_90 = tpu.memref_slice %arg10[%dma_wait3A, %dma_wait3A_89] : memref<40x128xi32, #tpu.memory_space<vmem>> -> memref<38x128xi32, #tpu.memory_space<vmem>>
        %dma_wait3A_91 = arith.constant 80 : i32
        %dma_wait3A_92 = arith.constant 0 : i32
        %dma_wait3A_93 = tpu.memref_slice %arg4[%arg1, %dma_wait3A_91, %dma_wait3A_92] : memref<16x118x128xi32, #tpu.memory_space<hbm>> -> memref<1x38x128xi32, #tpu.memory_space<hbm>>
        %dma_wait3A_94 = tpu.memref_squeeze %dma_wait3A_93 : memref<1x38x128xi32, #tpu.memory_space<hbm>> -> memref<38x128xi32, #tpu.memory_space<hbm>>
        %dma_wait3A_95 = arith.constant 0 : i32
        %dma_wait3A_96 = arith.constant 0 : i32
        %dma_wait3A_97 = tpu.memref_slice %arg10[%dma_wait3A_95, %dma_wait3A_96] : memref<40x128xi32, #tpu.memory_space<vmem>> -> memref<38x128xi32, #tpu.memory_space<vmem>>
        %dma_wait3A_98 = arith.constant 80 : i32
        %dma_wait3A_99 = arith.constant 0 : i32
        %dma_wait3A_100 = tpu.memref_slice %arg4[%arg1, %dma_wait3A_98, %dma_wait3A_99] : memref<16x118x128xi32, #tpu.memory_space<hbm>> -> memref<1x38x128xi32, #tpu.memory_space<hbm>>
        %dma_wait3A_101 = tpu.memref_squeeze %dma_wait3A_100 : memref<1x38x128xi32, #tpu.memory_space<hbm>> -> memref<38x128xi32, #tpu.memory_space<hbm>>
        tpu.wait_dma2 semaphore(%run_scoped3A : memref<!tpu.dma_semaphore, #tpu.memory_space<semaphore_mem>>) src(%dma_wait3A_101 : memref<38x128xi32, #tpu.memory_space<hbm>>) dst(%dma_wait3A_97 : memref<38x128xi32, #tpu.memory_space<vmem>>)
        tpu.yield
      }) : () -> ()
      %dma_start3A_55 = arith.constant 0 : i32
      %dma_start3A_56 = arith.constant 0 : i32
      %dma_start3A_57 = tpu.memref_slice %arg9[%dma_start3A_55, %dma_start3A_56] : memref<40x128xi32, #tpu.memory_space<vmem>> -> memref<1x128xi32, #tpu.memory_space<vmem>>
      %dma_start3A_58 = tpu.memref_squeeze %dma_start3A_57 : memref<1x128xi32, #tpu.memory_space<vmem>> -> memref<128xi32, #tpu.memory_space<vmem>>
      %dma_start3A_59 = arith.constant 0 : i32
      %dma_start3A_60 = arith.constant 0 : i32
      %dma_start3A_61 = tpu.memref_slice %arg2[%dma_start3A_59, %dma_start3A_60] : memref<10240x128xf32, #tpu.memory_space<hbm>> -> memref<10240x128xf32, #tpu.memory_space<hbm>>
      tpu.enqueue_indirect_dma source(%dma_start3A_61 : memref<10240x128xf32, #tpu.memory_space<hbm>>) target(%arg11 : memref<128x128xf32, #tpu.memory_space<vmem>>) offsets(%dma_start3A_58 : memref<128xi32, #tpu.memory_space<vmem>>) semaphore(%arg14 : memref<!tpu.dma_semaphore, #tpu.memory_space<semaphore_mem>>)
      %dma_start3A_62 = arith.constant 1 : i32
      %dma_start3A_63 = arith.constant 0 : i32
      %dma_start3A_64 = tpu.memref_slice %arg9[%dma_start3A_62, %dma_start3A_63] : memref<40x128xi32, #tpu.memory_space<vmem>> -> memref<1x128xi32, #tpu.memory_space<vmem>>
      %dma_start3A_65 = tpu.memref_squeeze %dma_start3A_64 : memref<1x128xi32, #tpu.memory_space<vmem>> -> memref<128xi32, #tpu.memory_space<vmem>>
      %dma_start3A_66 = arith.constant 0 : i32
      %dma_start3A_67 = arith.constant 0 : i32
      %dma_start3A_68 = tpu.memref_slice %arg2[%dma_start3A_66, %dma_start3A_67] : memref<10240x128xf32, #tpu.memory_space<hbm>> -> memref<10240x128xf32, #tpu.memory_space<hbm>>
      tpu.enqueue_indirect_dma source(%dma_start3A_68 : memref<10240x128xf32, #tpu.memory_space<hbm>>) target(%arg12 : memref<128x128xf32, #tpu.memory_space<vmem>>) offsets(%dma_start3A_65 : memref<128xi32, #tpu.memory_space<vmem>>) semaphore(%arg15 : memref<!tpu.dma_semaphore, #tpu.memory_space<semaphore_mem>>)
      %scan3A_69 = arith.constant 0 : i32
      %scan3A_70 = arith.constant 0 : i32
      %scan3A_71 = arith.constant 19 : i32
      %scan3A_72 = arith.addi %scan3A_70, %scan3A_71 : i32
      %scan3A_73 = arith.constant 1 : i32
      scf.for %scan3A_75 = %scan3A_70 to %scan3A_72 step %scan3A_73  : i32 {
        %mul3A_76 = arith.constant 2 : i32
        %mul3A_77 = arith.muli %scan3A_75, %mul3A_76 : i32
        %add3A_78 = arith.constant 0 : i32
        %add3A_79 = arith.addi %mul3A_77, %add3A_78 : i32
        %lt3A = arith.constant 38 : i32
        %lt3A_80 = arith.cmpi slt, %add3A_79, %lt3A : i32
        %convert_element_type3A_81 = arith.extui %lt3A_80 : i1 to i32
        %cond3A_82 = arith.constant 0 : i32
        %cond3A_83 = arith.cmpi ne, %convert_element_type3A_81, %cond3A_82 : i32
        scf.if %cond3A_83 {
          %dma_wait3A = arith.constant 0 : i32
          %dma_wait3A_105 = tpu.memref_slice %arg9[%add3A_79, %dma_wait3A] : memref<40x128xi32, #tpu.memory_space<vmem>> -> memref<1x128xi32, #tpu.memory_space<vmem>>
          %dma_wait3A_106 = tpu.memref_squeeze %dma_wait3A_105 : memref<1x128xi32, #tpu.memory_space<vmem>> -> memref<128xi32, #tpu.memory_space<vmem>>
          %dma_wait3A_107 = arith.constant 0 : i32
          %dma_wait3A_108 = arith.constant 0 : i32
          %dma_wait3A_109 = tpu.memref_slice %arg2[%dma_wait3A_107, %dma_wait3A_108] : memref<10240x128xf32, #tpu.memory_space<hbm>> -> memref<10240x128xf32, #tpu.memory_space<hbm>>
          tpu.wait_indirect_dma semaphore(%arg14 : memref<!tpu.dma_semaphore, #tpu.memory_space<semaphore_mem>>) src(%dma_wait3A_109 : memref<10240x128xf32, #tpu.memory_space<hbm>>) dst(%arg11 : memref<128x128xf32, #tpu.memory_space<vmem>>)
          "tpu.region"() ({
            %run_scoped3A = tpu.sem_alloc : memref<!tpu.dma_semaphore, #tpu.memory_space<semaphore_mem>>
            %dma_start3A_110 = arith.constant 0 : i32
            %dma_start3A_111 = tpu.memref_slice %arg10[%add3A_79, %dma_start3A_110] : memref<40x128xi32, #tpu.memory_space<vmem>> -> memref<1x128xi32, #tpu.memory_space<vmem>>
            %dma_start3A_112 = tpu.memref_squeeze %dma_start3A_111 : memref<1x128xi32, #tpu.memory_space<vmem>> -> memref<128xi32, #tpu.memory_space<vmem>>
            %dma_start3A_113 = arith.constant 0 : i32
            %dma_start3A_114 = arith.constant 0 : i32
            %dma_start3A_115 = tpu.memref_slice %arg13[%dma_start3A_113, %dma_start3A_114] : memref<10240x128xf32, #tpu.memory_space<vmem_shared>> -> memref<10240x128xf32, #tpu.memory_space<vmem_shared>>
            tpu.enqueue_indirect_dma source(%arg11 : memref<128x128xf32, #tpu.memory_space<vmem>>) target(%dma_start3A_115 : memref<10240x128xf32, #tpu.memory_space<vmem_shared>>) offsets(%dma_start3A_112 : memref<128xi32, #tpu.memory_space<vmem>>) semaphore(%run_scoped3A : memref<!tpu.dma_semaphore, #tpu.memory_space<semaphore_mem>>) {add = true}
            %dma_wait3A_116 = arith.constant 0 : i32
            %dma_wait3A_117 = tpu.memref_slice %arg10[%add3A_79, %dma_wait3A_116] : memref<40x128xi32, #tpu.memory_space<vmem>> -> memref<1x128xi32, #tpu.memory_space<vmem>>
            %dma_wait3A_118 = tpu.memref_squeeze %dma_wait3A_117 : memref<1x128xi32, #tpu.memory_space<vmem>> -> memref<128xi32, #tpu.memory_space<vmem>>
            %dma_wait3A_119 = arith.constant 0 : i32
            %dma_wait3A_120 = arith.constant 0 : i32
            %dma_wait3A_121 = tpu.memref_slice %arg13[%dma_wait3A_119, %dma_wait3A_120] : memref<10240x128xf32, #tpu.memory_space<vmem_shared>> -> memref<10240x128xf32, #tpu.memory_space<vmem_shared>>
            tpu.wait_indirect_dma semaphore(%run_scoped3A : memref<!tpu.dma_semaphore, #tpu.memory_space<semaphore_mem>>) src(%arg11 : memref<128x128xf32, #tpu.memory_space<vmem>>) dst(%dma_wait3A_121 : memref<10240x128xf32, #tpu.memory_space<vmem_shared>>)
            tpu.yield
          }) : () -> ()
        } else {
        }
        %add3A_84 = arith.constant 2 : i32
        %add3A_85 = arith.addi %add3A_79, %add3A_84 : i32
        %lt3A_86 = arith.constant 38 : i32
        %lt3A_87 = arith.cmpi slt, %add3A_85, %lt3A_86 : i32
        %convert_element_type3A_88 = arith.extui %lt3A_87 : i1 to i32
        %cond3A_89 = arith.constant 0 : i32
        %cond3A_90 = arith.cmpi ne, %convert_element_type3A_88, %cond3A_89 : i32
        scf.if %cond3A_90 {
          %dma_start3A_105 = arith.constant 0 : i32
          %dma_start3A_106 = tpu.memref_slice %arg9[%add3A_85, %dma_start3A_105] : memref<40x128xi32, #tpu.memory_space<vmem>> -> memref<1x128xi32, #tpu.memory_space<vmem>>
          %dma_start3A_107 = tpu.memref_squeeze %dma_start3A_106 : memref<1x128xi32, #tpu.memory_space<vmem>> -> memref<128xi32, #tpu.memory_space<vmem>>
          %dma_start3A_108 = arith.constant 0 : i32
          %dma_start3A_109 = arith.constant 0 : i32
          %dma_start3A_110 = tpu.memref_slice %arg2[%dma_start3A_108, %dma_start3A_109] : memref<10240x128xf32, #tpu.memory_space<hbm>> -> memref<10240x128xf32, #tpu.memory_space<hbm>>
          tpu.enqueue_indirect_dma source(%dma_start3A_110 : memref<10240x128xf32, #tpu.memory_space<hbm>>) target(%arg11 : memref<128x128xf32, #tpu.memory_space<vmem>>) offsets(%dma_start3A_107 : memref<128xi32, #tpu.memory_space<vmem>>) semaphore(%arg14 : memref<!tpu.dma_semaphore, #tpu.memory_space<semaphore_mem>>)
        } else {
        }
        %add3A_91 = arith.constant 1 : i32
        %add3A_92 = arith.addi %mul3A_77, %add3A_91 : i32
        %lt3A_93 = arith.constant 38 : i32
        %lt3A_94 = arith.cmpi slt, %add3A_92, %lt3A_93 : i32
        %convert_element_type3A_95 = arith.extui %lt3A_94 : i1 to i32
        %cond3A_96 = arith.constant 0 : i32
        %cond3A_97 = arith.cmpi ne, %convert_element_type3A_95, %cond3A_96 : i32
        scf.if %cond3A_97 {
          %dma_wait3A = arith.constant 0 : i32
          %dma_wait3A_105 = tpu.memref_slice %arg9[%add3A_92, %dma_wait3A] : memref<40x128xi32, #tpu.memory_space<vmem>> -> memref<1x128xi32, #tpu.memory_space<vmem>>
          %dma_wait3A_106 = tpu.memref_squeeze %dma_wait3A_105 : memref<1x128xi32, #tpu.memory_space<vmem>> -> memref<128xi32, #tpu.memory_space<vmem>>
          %dma_wait3A_107 = arith.constant 0 : i32
          %dma_wait3A_108 = arith.constant 0 : i32
          %dma_wait3A_109 = tpu.memref_slice %arg2[%dma_wait3A_107, %dma_wait3A_108] : memref<10240x128xf32, #tpu.memory_space<hbm>> -> memref<10240x128xf32, #tpu.memory_space<hbm>>
          tpu.wait_indirect_dma semaphore(%arg15 : memref<!tpu.dma_semaphore, #tpu.memory_space<semaphore_mem>>) src(%dma_wait3A_109 : memref<10240x128xf32, #tpu.memory_space<hbm>>) dst(%arg12 : memref<128x128xf32, #tpu.memory_space<vmem>>)
          "tpu.region"() ({
            %run_scoped3A = tpu.sem_alloc : memref<!tpu.dma_semaphore, #tpu.memory_space<semaphore_mem>>
            %dma_start3A_110 = arith.constant 0 : i32
            %dma_start3A_111 = tpu.memref_slice %arg10[%add3A_92, %dma_start3A_110] : memref<40x128xi32, #tpu.memory_space<vmem>> -> memref<1x128xi32, #tpu.memory_space<vmem>>
            %dma_start3A_112 = tpu.memref_squeeze %dma_start3A_111 : memref<1x128xi32, #tpu.memory_space<vmem>> -> memref<128xi32, #tpu.memory_space<vmem>>
            %dma_start3A_113 = arith.constant 0 : i32
            %dma_start3A_114 = arith.constant 0 : i32
            %dma_start3A_115 = tpu.memref_slice %arg13[%dma_start3A_113, %dma_start3A_114] : memref<10240x128xf32, #tpu.memory_space<vmem_shared>> -> memref<10240x128xf32, #tpu.memory_space<vmem_shared>>
            tpu.enqueue_indirect_dma source(%arg12 : memref<128x128xf32, #tpu.memory_space<vmem>>) target(%dma_start3A_115 : memref<10240x128xf32, #tpu.memory_space<vmem_shared>>) offsets(%dma_start3A_112 : memref<128xi32, #tpu.memory_space<vmem>>) semaphore(%run_scoped3A : memref<!tpu.dma_semaphore, #tpu.memory_space<semaphore_mem>>) {add = true}
            %dma_wait3A_116 = arith.constant 0 : i32
            %dma_wait3A_117 = tpu.memref_slice %arg10[%add3A_92, %dma_wait3A_116] : memref<40x128xi32, #tpu.memory_space<vmem>> -> memref<1x128xi32, #tpu.memory_space<vmem>>
            %dma_wait3A_118 = tpu.memref_squeeze %dma_wait3A_117 : memref<1x128xi32, #tpu.memory_space<vmem>> -> memref<128xi32, #tpu.memory_space<vmem>>
            %dma_wait3A_119 = arith.constant 0 : i32
            %dma_wait3A_120 = arith.constant 0 : i32
            %dma_wait3A_121 = tpu.memref_slice %arg13[%dma_wait3A_119, %dma_wait3A_120] : memref<10240x128xf32, #tpu.memory_space<vmem_shared>> -> memref<10240x128xf32, #tpu.memory_space<vmem_shared>>
            tpu.wait_indirect_dma semaphore(%run_scoped3A : memref<!tpu.dma_semaphore, #tpu.memory_space<semaphore_mem>>) src(%arg12 : memref<128x128xf32, #tpu.memory_space<vmem>>) dst(%dma_wait3A_121 : memref<10240x128xf32, #tpu.memory_space<vmem_shared>>)
            tpu.yield
          }) : () -> ()
        } else {
        }
        %add3A_98 = arith.constant 2 : i32
        %add3A_99 = arith.addi %add3A_92, %add3A_98 : i32
        %lt3A_100 = arith.constant 38 : i32
        %lt3A_101 = arith.cmpi slt, %add3A_99, %lt3A_100 : i32
        %convert_element_type3A_102 = arith.extui %lt3A_101 : i1 to i32
        %cond3A_103 = arith.constant 0 : i32
        %cond3A_104 = arith.cmpi ne, %convert_element_type3A_102, %cond3A_103 : i32
        scf.if %cond3A_104 {
          %dma_start3A_105 = arith.constant 0 : i32
          %dma_start3A_106 = tpu.memref_slice %arg9[%add3A_99, %dma_start3A_105] : memref<40x128xi32, #tpu.memory_space<vmem>> -> memref<1x128xi32, #tpu.memory_space<vmem>>
          %dma_start3A_107 = tpu.memref_squeeze %dma_start3A_106 : memref<1x128xi32, #tpu.memory_space<vmem>> -> memref<128xi32, #tpu.memory_space<vmem>>
          %dma_start3A_108 = arith.constant 0 : i32
          %dma_start3A_109 = arith.constant 0 : i32
          %dma_start3A_110 = tpu.memref_slice %arg2[%dma_start3A_108, %dma_start3A_109] : memref<10240x128xf32, #tpu.memory_space<hbm>> -> memref<10240x128xf32, #tpu.memory_space<hbm>>
          tpu.enqueue_indirect_dma source(%dma_start3A_110 : memref<10240x128xf32, #tpu.memory_space<hbm>>) target(%arg12 : memref<128x128xf32, #tpu.memory_space<vmem>>) offsets(%dma_start3A_107 : memref<128xi32, #tpu.memory_space<vmem>>) semaphore(%arg15 : memref<!tpu.dma_semaphore, #tpu.memory_space<semaphore_mem>>)
        } else {
        }
      }
      %scan3A_74 = arith.constant 19 : i32
    } else {
    }
    %eq3A_5 = arith.constant 1 : i32
    %eq3A_6 = arith.cmpi eq, %arg0, %eq3A_5 : i32
    %convert_element_type3A_7 = arith.extui %eq3A_6 : i1 to i32
    %cond3A_8 = arith.constant 0 : i32
    %cond3A_9 = arith.cmpi ne, %convert_element_type3A_7, %cond3A_8 : i32
    scf.if %cond3A_9 {
      "tpu.region"() ({
        %run_scoped3A = tpu.sem_alloc : memref<!tpu.dma_semaphore, #tpu.memory_space<semaphore_mem>>
        %dma_start3A_35 = arith.constant 0 : i32
        %dma_start3A_36 = arith.constant 0 : i32
        %dma_start3A_37 = tpu.memref_slice %arg9[%dma_start3A_35, %dma_start3A_36] : memref<40x128xi32, #tpu.memory_space<vmem>> -> memref<40x128xi32, #tpu.memory_space<vmem>>
        %dma_start3A_38 = arith.constant 0 : i32
        %dma_start3A_39 = arith.constant 0 : i32
        %dma_start3A_40 = tpu.memref_slice %arg5[%arg1, %dma_start3A_38, %dma_start3A_39] : memref<16x40x128xi32, #tpu.memory_space<hbm>> -> memref<1x40x128xi32, #tpu.memory_space<hbm>>
        %dma_start3A_41 = tpu.memref_squeeze %dma_start3A_40 : memref<1x40x128xi32, #tpu.memory_space<hbm>> -> memref<40x128xi32, #tpu.memory_space<hbm>>
        %dma_start3A_42 = arith.constant 0 : i32
        %dma_start3A_43 = arith.constant 0 : i32
        %dma_start3A_44 = tpu.memref_slice %arg9[%dma_start3A_42, %dma_start3A_43] : memref<40x128xi32, #tpu.memory_space<vmem>> -> memref<40x128xi32, #tpu.memory_space<vmem>>
        %dma_start3A_45 = arith.constant 0 : i32
        %dma_start3A_46 = arith.constant 0 : i32
        %dma_start3A_47 = tpu.memref_slice %arg5[%arg1, %dma_start3A_45, %dma_start3A_46] : memref<16x40x128xi32, #tpu.memory_space<hbm>> -> memref<1x40x128xi32, #tpu.memory_space<hbm>>
        %dma_start3A_48 = tpu.memref_squeeze %dma_start3A_47 : memref<1x40x128xi32, #tpu.memory_space<hbm>> -> memref<40x128xi32, #tpu.memory_space<hbm>>
        tpu.enqueue_dma source(%dma_start3A_48 : memref<40x128xi32, #tpu.memory_space<hbm>>) target(%dma_start3A_44 : memref<40x128xi32, #tpu.memory_space<vmem>>) target_semaphore(%run_scoped3A : memref<!tpu.dma_semaphore, #tpu.memory_space<semaphore_mem>>)
        %dma_wait3A = arith.constant 0 : i32
        %dma_wait3A_49 = arith.constant 0 : i32
        %dma_wait3A_50 = tpu.memref_slice %arg9[%dma_wait3A, %dma_wait3A_49] : memref<40x128xi32, #tpu.memory_space<vmem>> -> memref<40x128xi32, #tpu.memory_space<vmem>>
        %dma_wait3A_51 = arith.constant 0 : i32
        %dma_wait3A_52 = arith.constant 0 : i32
        %dma_wait3A_53 = tpu.memref_slice %arg5[%arg1, %dma_wait3A_51, %dma_wait3A_52] : memref<16x40x128xi32, #tpu.memory_space<hbm>> -> memref<1x40x128xi32, #tpu.memory_space<hbm>>
        %dma_wait3A_54 = tpu.memref_squeeze %dma_wait3A_53 : memref<1x40x128xi32, #tpu.memory_space<hbm>> -> memref<40x128xi32, #tpu.memory_space<hbm>>
        %dma_wait3A_55 = arith.constant 0 : i32
        %dma_wait3A_56 = arith.constant 0 : i32
        %dma_wait3A_57 = tpu.memref_slice %arg9[%dma_wait3A_55, %dma_wait3A_56] : memref<40x128xi32, #tpu.memory_space<vmem>> -> memref<40x128xi32, #tpu.memory_space<vmem>>
        %dma_wait3A_58 = arith.constant 0 : i32
        %dma_wait3A_59 = arith.constant 0 : i32
        %dma_wait3A_60 = tpu.memref_slice %arg5[%arg1, %dma_wait3A_58, %dma_wait3A_59] : memref<16x40x128xi32, #tpu.memory_space<hbm>> -> memref<1x40x128xi32, #tpu.memory_space<hbm>>
        %dma_wait3A_61 = tpu.memref_squeeze %dma_wait3A_60 : memref<1x40x128xi32, #tpu.memory_space<hbm>> -> memref<40x128xi32, #tpu.memory_space<hbm>>
        tpu.wait_dma2 semaphore(%run_scoped3A : memref<!tpu.dma_semaphore, #tpu.memory_space<semaphore_mem>>) src(%dma_wait3A_61 : memref<40x128xi32, #tpu.memory_space<hbm>>) dst(%dma_wait3A_57 : memref<40x128xi32, #tpu.memory_space<vmem>>)
        tpu.yield
      }) : () -> ()
      "tpu.region"() ({
        %run_scoped3A = tpu.sem_alloc : memref<!tpu.dma_semaphore, #tpu.memory_space<semaphore_mem>>
        %dma_start3A_35 = arith.constant 0 : i32
        %dma_start3A_36 = arith.constant 0 : i32
        %dma_start3A_37 = tpu.memref_slice %arg10[%dma_start3A_35, %dma_start3A_36] : memref<40x128xi32, #tpu.memory_space<vmem>> -> memref<40x128xi32, #tpu.memory_space<vmem>>
        %dma_start3A_38 = arith.constant 0 : i32
        %dma_start3A_39 = arith.constant 0 : i32
        %dma_start3A_40 = tpu.memref_slice %arg6[%arg1, %dma_start3A_38, %dma_start3A_39] : memref<16x40x128xi32, #tpu.memory_space<hbm>> -> memref<1x40x128xi32, #tpu.memory_space<hbm>>
        %dma_start3A_41 = tpu.memref_squeeze %dma_start3A_40 : memref<1x40x128xi32, #tpu.memory_space<hbm>> -> memref<40x128xi32, #tpu.memory_space<hbm>>
        %dma_start3A_42 = arith.constant 0 : i32
        %dma_start3A_43 = arith.constant 0 : i32
        %dma_start3A_44 = tpu.memref_slice %arg10[%dma_start3A_42, %dma_start3A_43] : memref<40x128xi32, #tpu.memory_space<vmem>> -> memref<40x128xi32, #tpu.memory_space<vmem>>
        %dma_start3A_45 = arith.constant 0 : i32
        %dma_start3A_46 = arith.constant 0 : i32
        %dma_start3A_47 = tpu.memref_slice %arg6[%arg1, %dma_start3A_45, %dma_start3A_46] : memref<16x40x128xi32, #tpu.memory_space<hbm>> -> memref<1x40x128xi32, #tpu.memory_space<hbm>>
        %dma_start3A_48 = tpu.memref_squeeze %dma_start3A_47 : memref<1x40x128xi32, #tpu.memory_space<hbm>> -> memref<40x128xi32, #tpu.memory_space<hbm>>
        tpu.enqueue_dma source(%dma_start3A_48 : memref<40x128xi32, #tpu.memory_space<hbm>>) target(%dma_start3A_44 : memref<40x128xi32, #tpu.memory_space<vmem>>) target_semaphore(%run_scoped3A : memref<!tpu.dma_semaphore, #tpu.memory_space<semaphore_mem>>)
        %dma_wait3A = arith.constant 0 : i32
        %dma_wait3A_49 = arith.constant 0 : i32
        %dma_wait3A_50 = tpu.memref_slice %arg10[%dma_wait3A, %dma_wait3A_49] : memref<40x128xi32, #tpu.memory_space<vmem>> -> memref<40x128xi32, #tpu.memory_space<vmem>>
        %dma_wait3A_51 = arith.constant 0 : i32
        %dma_wait3A_52 = arith.constant 0 : i32
        %dma_wait3A_53 = tpu.memref_slice %arg6[%arg1, %dma_wait3A_51, %dma_wait3A_52] : memref<16x40x128xi32, #tpu.memory_space<hbm>> -> memref<1x40x128xi32, #tpu.memory_space<hbm>>
        %dma_wait3A_54 = tpu.memref_squeeze %dma_wait3A_53 : memref<1x40x128xi32, #tpu.memory_space<hbm>> -> memref<40x128xi32, #tpu.memory_space<hbm>>
        %dma_wait3A_55 = arith.constant 0 : i32
        %dma_wait3A_56 = arith.constant 0 : i32
        %dma_wait3A_57 = tpu.memref_slice %arg10[%dma_wait3A_55, %dma_wait3A_56] : memref<40x128xi32, #tpu.memory_space<vmem>> -> memref<40x128xi32, #tpu.memory_space<vmem>>
        %dma_wait3A_58 = arith.constant 0 : i32
        %dma_wait3A_59 = arith.constant 0 : i32
        %dma_wait3A_60 = tpu.memref_slice %arg6[%arg1, %dma_wait3A_58, %dma_wait3A_59] : memref<16x40x128xi32, #tpu.memory_space<hbm>> -> memref<1x40x128xi32, #tpu.memory_space<hbm>>
        %dma_wait3A_61 = tpu.memref_squeeze %dma_wait3A_60 : memref<1x40x128xi32, #tpu.memory_space<hbm>> -> memref<40x128xi32, #tpu.memory_space<hbm>>
        tpu.wait_dma2 semaphore(%run_scoped3A : memref<!tpu.dma_semaphore, #tpu.memory_space<semaphore_mem>>) src(%dma_wait3A_61 : memref<40x128xi32, #tpu.memory_space<hbm>>) dst(%dma_wait3A_57 : memref<40x128xi32, #tpu.memory_space<vmem>>)
        tpu.yield
      }) : () -> ()
      %dma_start3A = arith.constant 0 : i32
      %dma_start3A_17 = arith.constant 0 : i32
      %dma_start3A_18 = tpu.memref_slice %arg9[%dma_start3A, %dma_start3A_17] : memref<40x128xi32, #tpu.memory_space<vmem>> -> memref<1x128xi32, #tpu.memory_space<vmem>>
      %dma_start3A_19 = tpu.memref_squeeze %dma_start3A_18 : memref<1x128xi32, #tpu.memory_space<vmem>> -> memref<128xi32, #tpu.memory_space<vmem>>
      %dma_start3A_20 = arith.constant 0 : i32
      %dma_start3A_21 = arith.constant 0 : i32
      %dma_start3A_22 = tpu.memref_slice %arg2[%dma_start3A_20, %dma_start3A_21] : memref<10240x128xf32, #tpu.memory_space<hbm>> -> memref<10240x128xf32, #tpu.memory_space<hbm>>
      tpu.enqueue_indirect_dma source(%dma_start3A_22 : memref<10240x128xf32, #tpu.memory_space<hbm>>) target(%arg11 : memref<128x128xf32, #tpu.memory_space<vmem>>) offsets(%dma_start3A_19 : memref<128xi32, #tpu.memory_space<vmem>>) semaphore(%arg14 : memref<!tpu.dma_semaphore, #tpu.memory_space<semaphore_mem>>)
      %dma_start3A_23 = arith.constant 1 : i32
      %dma_start3A_24 = arith.constant 0 : i32
      %dma_start3A_25 = tpu.memref_slice %arg9[%dma_start3A_23, %dma_start3A_24] : memref<40x128xi32, #tpu.memory_space<vmem>> -> memref<1x128xi32, #tpu.memory_space<vmem>>
      %dma_start3A_26 = tpu.memref_squeeze %dma_start3A_25 : memref<1x128xi32, #tpu.memory_space<vmem>> -> memref<128xi32, #tpu.memory_space<vmem>>
      %dma_start3A_27 = arith.constant 0 : i32
      %dma_start3A_28 = arith.constant 0 : i32
      %dma_start3A_29 = tpu.memref_slice %arg2[%dma_start3A_27, %dma_start3A_28] : memref<10240x128xf32, #tpu.memory_space<hbm>> -> memref<10240x128xf32, #tpu.memory_space<hbm>>
      tpu.enqueue_indirect_dma source(%dma_start3A_29 : memref<10240x128xf32, #tpu.memory_space<hbm>>) target(%arg12 : memref<128x128xf32, #tpu.memory_space<vmem>>) offsets(%dma_start3A_26 : memref<128xi32, #tpu.memory_space<vmem>>) semaphore(%arg15 : memref<!tpu.dma_semaphore, #tpu.memory_space<semaphore_mem>>)
      %scan3A = arith.constant 0 : i32
      %scan3A_30 = arith.constant 0 : i32
      %scan3A_31 = arith.constant 20 : i32
      %scan3A_32 = arith.addi %scan3A_30, %scan3A_31 : i32
      %scan3A_33 = arith.constant 1 : i32
      scf.for %scan3A_35 = %scan3A_30 to %scan3A_32 step %scan3A_33  : i32 {
        %mul3A_36 = arith.constant 2 : i32
        %mul3A_37 = arith.muli %scan3A_35, %mul3A_36 : i32
        %add3A_38 = arith.constant 0 : i32
        %add3A_39 = arith.addi %mul3A_37, %add3A_38 : i32
        %lt3A = arith.constant 40 : i32
        %lt3A_40 = arith.cmpi slt, %add3A_39, %lt3A : i32
        %convert_element_type3A_41 = arith.extui %lt3A_40 : i1 to i32
        %cond3A_42 = arith.constant 0 : i32
        %cond3A_43 = arith.cmpi ne, %convert_element_type3A_41, %cond3A_42 : i32
        scf.if %cond3A_43 {
          %dma_wait3A = arith.constant 0 : i32
          %dma_wait3A_65 = tpu.memref_slice %arg9[%add3A_39, %dma_wait3A] : memref<40x128xi32, #tpu.memory_space<vmem>> -> memref<1x128xi32, #tpu.memory_space<vmem>>
          %dma_wait3A_66 = tpu.memref_squeeze %dma_wait3A_65 : memref<1x128xi32, #tpu.memory_space<vmem>> -> memref<128xi32, #tpu.memory_space<vmem>>
          %dma_wait3A_67 = arith.constant 0 : i32
          %dma_wait3A_68 = arith.constant 0 : i32
          %dma_wait3A_69 = tpu.memref_slice %arg2[%dma_wait3A_67, %dma_wait3A_68] : memref<10240x128xf32, #tpu.memory_space<hbm>> -> memref<10240x128xf32, #tpu.memory_space<hbm>>
          tpu.wait_indirect_dma semaphore(%arg14 : memref<!tpu.dma_semaphore, #tpu.memory_space<semaphore_mem>>) src(%dma_wait3A_69 : memref<10240x128xf32, #tpu.memory_space<hbm>>) dst(%arg11 : memref<128x128xf32, #tpu.memory_space<vmem>>)
          "tpu.region"() ({
            %run_scoped3A = tpu.sem_alloc : memref<!tpu.dma_semaphore, #tpu.memory_space<semaphore_mem>>
            %dma_start3A_70 = arith.constant 0 : i32
            %dma_start3A_71 = tpu.memref_slice %arg10[%add3A_39, %dma_start3A_70] : memref<40x128xi32, #tpu.memory_space<vmem>> -> memref<1x128xi32, #tpu.memory_space<vmem>>
            %dma_start3A_72 = tpu.memref_squeeze %dma_start3A_71 : memref<1x128xi32, #tpu.memory_space<vmem>> -> memref<128xi32, #tpu.memory_space<vmem>>
            %dma_start3A_73 = arith.constant 0 : i32
            %dma_start3A_74 = arith.constant 0 : i32
            %dma_start3A_75 = tpu.memref_slice %arg13[%dma_start3A_73, %dma_start3A_74] : memref<10240x128xf32, #tpu.memory_space<vmem_shared>> -> memref<10240x128xf32, #tpu.memory_space<vmem_shared>>
            tpu.enqueue_indirect_dma source(%arg11 : memref<128x128xf32, #tpu.memory_space<vmem>>) target(%dma_start3A_75 : memref<10240x128xf32, #tpu.memory_space<vmem_shared>>) offsets(%dma_start3A_72 : memref<128xi32, #tpu.memory_space<vmem>>) semaphore(%run_scoped3A : memref<!tpu.dma_semaphore, #tpu.memory_space<semaphore_mem>>) {add = true}
            %dma_wait3A_76 = arith.constant 0 : i32
            %dma_wait3A_77 = tpu.memref_slice %arg10[%add3A_39, %dma_wait3A_76] : memref<40x128xi32, #tpu.memory_space<vmem>> -> memref<1x128xi32, #tpu.memory_space<vmem>>
            %dma_wait3A_78 = tpu.memref_squeeze %dma_wait3A_77 : memref<1x128xi32, #tpu.memory_space<vmem>> -> memref<128xi32, #tpu.memory_space<vmem>>
            %dma_wait3A_79 = arith.constant 0 : i32
            %dma_wait3A_80 = arith.constant 0 : i32
            %dma_wait3A_81 = tpu.memref_slice %arg13[%dma_wait3A_79, %dma_wait3A_80] : memref<10240x128xf32, #tpu.memory_space<vmem_shared>> -> memref<10240x128xf32, #tpu.memory_space<vmem_shared>>
            tpu.wait_indirect_dma semaphore(%run_scoped3A : memref<!tpu.dma_semaphore, #tpu.memory_space<semaphore_mem>>) src(%arg11 : memref<128x128xf32, #tpu.memory_space<vmem>>) dst(%dma_wait3A_81 : memref<10240x128xf32, #tpu.memory_space<vmem_shared>>)
            tpu.yield
          }) : () -> ()
        } else {
        }
        %add3A_44 = arith.constant 2 : i32
        %add3A_45 = arith.addi %add3A_39, %add3A_44 : i32
        %lt3A_46 = arith.constant 40 : i32
        %lt3A_47 = arith.cmpi slt, %add3A_45, %lt3A_46 : i32
        %convert_element_type3A_48 = arith.extui %lt3A_47 : i1 to i32
        %cond3A_49 = arith.constant 0 : i32
        %cond3A_50 = arith.cmpi ne, %convert_element_type3A_48, %cond3A_49 : i32
        scf.if %cond3A_50 {
          %dma_start3A_65 = arith.constant 0 : i32
          %dma_start3A_66 = tpu.memref_slice %arg9[%add3A_45, %dma_start3A_65] : memref<40x128xi32, #tpu.memory_space<vmem>> -> memref<1x128xi32, #tpu.memory_space<vmem>>
          %dma_start3A_67 = tpu.memref_squeeze %dma_start3A_66 : memref<1x128xi32, #tpu.memory_space<vmem>> -> memref<128xi32, #tpu.memory_space<vmem>>
          %dma_start3A_68 = arith.constant 0 : i32
          %dma_start3A_69 = arith.constant 0 : i32
          %dma_start3A_70 = tpu.memref_slice %arg2[%dma_start3A_68, %dma_start3A_69] : memref<10240x128xf32, #tpu.memory_space<hbm>> -> memref<10240x128xf32, #tpu.memory_space<hbm>>
          tpu.enqueue_indirect_dma source(%dma_start3A_70 : memref<10240x128xf32, #tpu.memory_space<hbm>>) target(%arg11 : memref<128x128xf32, #tpu.memory_space<vmem>>) offsets(%dma_start3A_67 : memref<128xi32, #tpu.memory_space<vmem>>) semaphore(%arg14 : memref<!tpu.dma_semaphore, #tpu.memory_space<semaphore_mem>>)
        } else {
        }
        %add3A_51 = arith.constant 1 : i32
        %add3A_52 = arith.addi %mul3A_37, %add3A_51 : i32
        %lt3A_53 = arith.constant 40 : i32
        %lt3A_54 = arith.cmpi slt, %add3A_52, %lt3A_53 : i32
        %convert_element_type3A_55 = arith.extui %lt3A_54 : i1 to i32
        %cond3A_56 = arith.constant 0 : i32
        %cond3A_57 = arith.cmpi ne, %convert_element_type3A_55, %cond3A_56 : i32
        scf.if %cond3A_57 {
          %dma_wait3A = arith.constant 0 : i32
          %dma_wait3A_65 = tpu.memref_slice %arg9[%add3A_52, %dma_wait3A] : memref<40x128xi32, #tpu.memory_space<vmem>> -> memref<1x128xi32, #tpu.memory_space<vmem>>
          %dma_wait3A_66 = tpu.memref_squeeze %dma_wait3A_65 : memref<1x128xi32, #tpu.memory_space<vmem>> -> memref<128xi32, #tpu.memory_space<vmem>>
          %dma_wait3A_67 = arith.constant 0 : i32
          %dma_wait3A_68 = arith.constant 0 : i32
          %dma_wait3A_69 = tpu.memref_slice %arg2[%dma_wait3A_67, %dma_wait3A_68] : memref<10240x128xf32, #tpu.memory_space<hbm>> -> memref<10240x128xf32, #tpu.memory_space<hbm>>
          tpu.wait_indirect_dma semaphore(%arg15 : memref<!tpu.dma_semaphore, #tpu.memory_space<semaphore_mem>>) src(%dma_wait3A_69 : memref<10240x128xf32, #tpu.memory_space<hbm>>) dst(%arg12 : memref<128x128xf32, #tpu.memory_space<vmem>>)
          "tpu.region"() ({
            %run_scoped3A = tpu.sem_alloc : memref<!tpu.dma_semaphore, #tpu.memory_space<semaphore_mem>>
            %dma_start3A_70 = arith.constant 0 : i32
            %dma_start3A_71 = tpu.memref_slice %arg10[%add3A_52, %dma_start3A_70] : memref<40x128xi32, #tpu.memory_space<vmem>> -> memref<1x128xi32, #tpu.memory_space<vmem>>
            %dma_start3A_72 = tpu.memref_squeeze %dma_start3A_71 : memref<1x128xi32, #tpu.memory_space<vmem>> -> memref<128xi32, #tpu.memory_space<vmem>>
            %dma_start3A_73 = arith.constant 0 : i32
            %dma_start3A_74 = arith.constant 0 : i32
            %dma_start3A_75 = tpu.memref_slice %arg13[%dma_start3A_73, %dma_start3A_74] : memref<10240x128xf32, #tpu.memory_space<vmem_shared>> -> memref<10240x128xf32, #tpu.memory_space<vmem_shared>>
            tpu.enqueue_indirect_dma source(%arg12 : memref<128x128xf32, #tpu.memory_space<vmem>>) target(%dma_start3A_75 : memref<10240x128xf32, #tpu.memory_space<vmem_shared>>) offsets(%dma_start3A_72 : memref<128xi32, #tpu.memory_space<vmem>>) semaphore(%run_scoped3A : memref<!tpu.dma_semaphore, #tpu.memory_space<semaphore_mem>>) {add = true}
            %dma_wait3A_76 = arith.constant 0 : i32
            %dma_wait3A_77 = tpu.memref_slice %arg10[%add3A_52, %dma_wait3A_76] : memref<40x128xi32, #tpu.memory_space<vmem>> -> memref<1x128xi32, #tpu.memory_space<vmem>>
            %dma_wait3A_78 = tpu.memref_squeeze %dma_wait3A_77 : memref<1x128xi32, #tpu.memory_space<vmem>> -> memref<128xi32, #tpu.memory_space<vmem>>
            %dma_wait3A_79 = arith.constant 0 : i32
            %dma_wait3A_80 = arith.constant 0 : i32
            %dma_wait3A_81 = tpu.memref_slice %arg13[%dma_wait3A_79, %dma_wait3A_80] : memref<10240x128xf32, #tpu.memory_space<vmem_shared>> -> memref<10240x128xf32, #tpu.memory_space<vmem_shared>>
            tpu.wait_indirect_dma semaphore(%run_scoped3A : memref<!tpu.dma_semaphore, #tpu.memory_space<semaphore_mem>>) src(%arg12 : memref<128x128xf32, #tpu.memory_space<vmem>>) dst(%dma_wait3A_81 : memref<10240x128xf32, #tpu.memory_space<vmem_shared>>)
            tpu.yield
          }) : () -> ()
        } else {
        }
        %add3A_58 = arith.constant 2 : i32
        %add3A_59 = arith.addi %add3A_52, %add3A_58 : i32
        %lt3A_60 = arith.constant 40 : i32
        %lt3A_61 = arith.cmpi slt, %add3A_59, %lt3A_60 : i32
        %convert_element_type3A_62 = arith.extui %lt3A_61 : i1 to i32
        %cond3A_63 = arith.constant 0 : i32
        %cond3A_64 = arith.cmpi ne, %convert_element_type3A_62, %cond3A_63 : i32
        scf.if %cond3A_64 {
          %dma_start3A_65 = arith.constant 0 : i32
          %dma_start3A_66 = tpu.memref_slice %arg9[%add3A_59, %dma_start3A_65] : memref<40x128xi32, #tpu.memory_space<vmem>> -> memref<1x128xi32, #tpu.memory_space<vmem>>
          %dma_start3A_67 = tpu.memref_squeeze %dma_start3A_66 : memref<1x128xi32, #tpu.memory_space<vmem>> -> memref<128xi32, #tpu.memory_space<vmem>>
          %dma_start3A_68 = arith.constant 0 : i32
          %dma_start3A_69 = arith.constant 0 : i32
          %dma_start3A_70 = tpu.memref_slice %arg2[%dma_start3A_68, %dma_start3A_69] : memref<10240x128xf32, #tpu.memory_space<hbm>> -> memref<10240x128xf32, #tpu.memory_space<hbm>>
          tpu.enqueue_indirect_dma source(%dma_start3A_70 : memref<10240x128xf32, #tpu.memory_space<hbm>>) target(%arg12 : memref<128x128xf32, #tpu.memory_space<vmem>>) offsets(%dma_start3A_67 : memref<128xi32, #tpu.memory_space<vmem>>) semaphore(%arg15 : memref<!tpu.dma_semaphore, #tpu.memory_space<semaphore_mem>>)
        } else {
        }
      }
      %scan3A_34 = arith.constant 20 : i32
    } else {
    }
    %barrier3A_10 = arith.constant 0 : index
    tpu.barrier barrier_id(%barrier3A_10)
    %mul3A_11 = arith.constant 640 : i32
    %mul3A_12 = arith.muli %arg1, %mul3A_11 : i32
    %mul3A_13 = arith.constant 10240 : i32
    %mul3A_14 = arith.muli %arg0, %mul3A_13 : i32
    %mul3A_15 = arith.constant 640 : i32
    %mul3A_16 = arith.muli %arg1, %mul3A_15 : i32
    %add3A = arith.addi %mul3A_14, %mul3A_16 : i32
    "tpu.region"() ({
      %run_scoped3A = tpu.sem_alloc : memref<!tpu.dma_semaphore, #tpu.memory_space<semaphore_mem>>
      %dma_start3A = arith.constant 0 : i32
      %dma_start3A_17 = tpu.memref_slice %arg8[%add3A, %dma_start3A] : memref<20480x128xf32, #tpu.memory_space<hbm>> -> memref<640x128xf32, #tpu.memory_space<hbm>>
      %dma_start3A_18 = arith.constant 0 : i32
      %dma_start3A_19 = tpu.memref_slice %arg13[%mul3A_12, %dma_start3A_18] : memref<10240x128xf32, #tpu.memory_space<vmem_shared>> -> memref<640x128xf32, #tpu.memory_space<vmem_shared>>
      tpu.enqueue_dma source(%dma_start3A_19 : memref<640x128xf32, #tpu.memory_space<vmem_shared>>) target(%dma_start3A_17 : memref<640x128xf32, #tpu.memory_space<hbm>>) target_semaphore(%run_scoped3A : memref<!tpu.dma_semaphore, #tpu.memory_space<semaphore_mem>>)
      %dma_wait3A = arith.constant 0 : i32
      %dma_wait3A_20 = tpu.memref_slice %arg8[%add3A, %dma_wait3A] : memref<20480x128xf32, #tpu.memory_space<hbm>> -> memref<640x128xf32, #tpu.memory_space<hbm>>
      %dma_wait3A_21 = arith.constant 0 : i32
      %dma_wait3A_22 = tpu.memref_slice %arg13[%mul3A_12, %dma_wait3A_21] : memref<10240x128xf32, #tpu.memory_space<vmem_shared>> -> memref<640x128xf32, #tpu.memory_space<vmem_shared>>
      tpu.wait_dma2 semaphore(%run_scoped3A : memref<!tpu.dma_semaphore, #tpu.memory_space<semaphore_mem>>) src(%dma_wait3A_22 : memref<640x128xf32, #tpu.memory_space<vmem_shared>>) dst(%dma_wait3A_20 : memref<640x128xf32, #tpu.memory_space<hbm>>)
      tpu.yield
    }) : () -> ()
    return
  }
}

module attributes {stable_mosaic.version = 14 : i64} {
  func.func @body(%arg0: i32, %arg1: memref<2048x32xf32, #tpu.memory_space<vmem>>, %arg2: memref<2048x128xf32, #tpu.memory_space<vmem>>, %arg3: memref<128x128xf32, #tpu.memory_space<vmem>>, %arg4: memref<2048x128xf32, #tpu.memory_space<vmem>>) attributes {dimension_semantics = [#tpu.dimension_semantics<arbitrary>], iteration_bounds = array<i64: 5>, scalar_prefetch = 0 : i64, scratch_operands = 0 : i64, tpu.core_type = #tpu.core_type<tc>, window_params = [{transform_indices = @transform_0, window_bounds = array<i64: 2048, 32>}, {transform_indices = @transform_1, window_bounds = array<i64: 2048, 128>}, {pipeline_mode = #tpu.pipeline_mode<synchronous>, transform_indices = @transform_2, window_bounds = array<i64: 128, 128>}, {transform_indices = @transform_3, window_bounds = array<i64: 2048, 128>}]} {
    %get3A = arith.constant 0 : index
    %get3A_0 = arith.constant 0 : index
    %get3A_1 = vector.load %arg1[%get3A, %get3A_0] : memref<2048x32xf32, #tpu.memory_space<vmem>>, vector<2048x32xf32>
    %reduce_sum3A = arith.constant dense<0.000000e+00> : vector<2048xf32>
    %reduce_sum3A_2 = vector.multi_reduction <add>, %get3A_1, %reduce_sum3A [1] : vector<2048x32xf32> to vector<2048xf32>
    %broadcast_in_dim3A = vector.shape_cast %reduce_sum3A_2 : vector<2048xf32> to vector<2048x1xf32>
    %add3A = arith.constant 1.000000e+00 : f32
    %add3A_3 = vector.broadcast %add3A : f32 to vector<2048x1xf32>
    %add3A_4 = arith.addf %add3A_3, %broadcast_in_dim3A : vector<2048x1xf32>
    %rsqrt3A = math.rsqrt %add3A_4 : vector<2048x1xf32>
    %get3A_5 = arith.constant 0 : index
    %get3A_6 = arith.constant 0 : index
    %get3A_7 = vector.load %arg2[%get3A_5, %get3A_6] : memref<2048x128xf32, #tpu.memory_space<vmem>>, vector<2048x128xf32>
    %get3A_8 = arith.constant 0 : index
    %get3A_9 = arith.constant 0 : index
    %get3A_10 = vector.load %arg3[%get3A_8, %get3A_9] : memref<128x128xf32, #tpu.memory_space<vmem>>, vector<128x128xf32>
    %dot_general3A = arith.constant dense<0.000000e+00> : vector<2048x128xf32>
    %dot_general3A_11 = tpu.matmul %get3A_7, %get3A_10, %dot_general3A {dimension_numbers = #tpu.dot_dimension_numbers<[1], [1], [0], [0], [0, 0, 1, 0], [], []>, transpose_lhs_hint = false} : vector<2048x128xf32>, vector<128x128xf32>, vector<2048x128xf32> -> vector<2048x128xf32>
    %mul3A = vector.broadcast %rsqrt3A : vector<2048x1xf32> to vector<2048x128xf32>
    %mul3A_12 = arith.mulf %dot_general3A_11, %mul3A : vector<2048x128xf32>
    %swap3A = arith.constant 0 : index
    %swap3A_13 = arith.constant 0 : index
    %swap3A_14 = vector.load %arg4[%swap3A, %swap3A_13] : memref<2048x128xf32, #tpu.memory_space<vmem>>, vector<2048x128xf32>
    tpu.vector_store %arg4[%swap3A, %swap3A_13], %mul3A_12 {strides = array<i32>} : memref<2048x128xf32, #tpu.memory_space<vmem>>, vector<2048x128xf32>,
    return
  }
  func.func @transform_0(%arg0: i32) -> (i32, i32) {
    %c0_i32 = arith.constant 0 : i32
    %c0_i32_0 = arith.constant 0 : i32
    return %arg0, %c0_i32 : i32, i32
  }
  func.func @transform_1(%arg0: i32) -> (i32, i32) {
    %c0_i32 = arith.constant 0 : i32
    %c0_i32_0 = arith.constant 0 : i32
    return %arg0, %c0_i32 : i32, i32
  }
  func.func @transform_2(%arg0: i32) -> (i32, i32) {
    %c0_i32 = arith.constant 0 : i32
    %c0_i32_0 = arith.constant 0 : i32
    %c0_i32_1 = arith.constant 0 : i32
    return %c0_i32, %c0_i32_0 : i32, i32
  }
  func.func @transform_3(%arg0: i32) -> (i32, i32) {
    %c0_i32 = arith.constant 0 : i32
    %c0_i32_0 = arith.constant 0 : i32
    return %arg0, %c0_i32 : i32, i32
  }
}

module attributes {stable_mosaic.version = 14 : i64} {
  func.func @body(%arg0: i32, %arg1: memref<2048x32xf32, #tpu.memory_space<vmem>>, %arg2: memref<2048x128xf32, #tpu.memory_space<vmem>>, %arg3: memref<2048x128xf32, #tpu.memory_space<vmem>>, %arg4: memref<2048x128xf32, #tpu.memory_space<vmem>>, %arg5: memref<1x128xf32, #tpu.memory_space<vmem>>, %arg6: memref<128x128xf32, #tpu.memory_space<vmem>>, %arg7: memref<2048x128xf32, #tpu.memory_space<vmem>>) attributes {dimension_semantics = [#tpu.dimension_semantics<arbitrary>], iteration_bounds = array<i64: 5>, scalar_prefetch = 0 : i64, scratch_operands = 0 : i64, tpu.core_type = #tpu.core_type<tc>, window_params = [{transform_indices = @transform_0, window_bounds = array<i64: 2048, 32>}, {transform_indices = @transform_1, window_bounds = array<i64: 2048, 128>}, {transform_indices = @transform_2, window_bounds = array<i64: 2048, 128>}, {transform_indices = @transform_3, window_bounds = array<i64: 2048, 128>}, {pipeline_mode = #tpu.pipeline_mode<synchronous>, transform_indices = @transform_4, window_bounds = array<i64: 1, 128>}, {pipeline_mode = #tpu.pipeline_mode<synchronous>, transform_indices = @transform_5, window_bounds = array<i64: 128, 128>}, {transform_indices = @transform_6, window_bounds = array<i64: 2048, 128>}]} {
    %get3A = arith.constant 0 : index
    %get3A_0 = arith.constant 0 : index
    %get3A_1 = vector.load %arg1[%get3A, %get3A_0] : memref<2048x32xf32, #tpu.memory_space<vmem>>, vector<2048x32xf32>
    %reduce_sum3A = arith.constant dense<0.000000e+00> : vector<2048xf32>
    %reduce_sum3A_2 = vector.multi_reduction <add>, %get3A_1, %reduce_sum3A [1] : vector<2048x32xf32> to vector<2048xf32>
    %broadcast_in_dim3A = vector.shape_cast %reduce_sum3A_2 : vector<2048xf32> to vector<2048x1xf32>
    %add3A = arith.constant 1.000000e+00 : f32
    %add3A_3 = vector.broadcast %add3A : f32 to vector<2048x1xf32>
    %add3A_4 = arith.addf %add3A_3, %broadcast_in_dim3A : vector<2048x1xf32>
    %rsqrt3A = math.rsqrt %add3A_4 : vector<2048x1xf32>
    %get3A_5 = arith.constant 0 : index
    %get3A_6 = arith.constant 0 : index
    %get3A_7 = vector.load %arg2[%get3A_5, %get3A_6] : memref<2048x128xf32, #tpu.memory_space<vmem>>, vector<2048x128xf32>
    %get3A_8 = arith.constant 0 : index
    %get3A_9 = arith.constant 0 : index
    %get3A_10 = vector.load %arg3[%get3A_8, %get3A_9] : memref<2048x128xf32, #tpu.memory_space<vmem>>, vector<2048x128xf32>
    %add3A_11 = arith.addf %get3A_7, %get3A_10 : vector<2048x128xf32>
    %get3A_12 = arith.constant 0 : index
    %get3A_13 = arith.constant 0 : index
    %get3A_14 = vector.load %arg4[%get3A_12, %get3A_13] : memref<2048x128xf32, #tpu.memory_space<vmem>>, vector<2048x128xf32>
    %add3A_15 = arith.addf %add3A_11, %get3A_14 : vector<2048x128xf32>
    %mul3A = vector.broadcast %rsqrt3A : vector<2048x1xf32> to vector<2048x128xf32>
    %mul3A_16 = arith.mulf %mul3A, %add3A_15 : vector<2048x128xf32>
    %get3A_17 = arith.constant 0 : index
    %get3A_18 = arith.constant 0 : index
    %get3A_19 = vector.load %arg5[%get3A_17, %get3A_18] : memref<1x128xf32, #tpu.memory_space<vmem>>, vector<1x128xf32>
    %add3A_20 = vector.broadcast %get3A_19 : vector<1x128xf32> to vector<2048x128xf32>
    %add3A_21 = arith.addf %mul3A_16, %add3A_20 : vector<2048x128xf32>
    %max3A = arith.constant 0.000000e+00 : f32
    %max3A_22 = vector.broadcast %max3A : f32 to vector<2048x128xf32>
    %max3A_23 = arith.maximumf %add3A_21, %max3A_22 : vector<2048x128xf32>
    %get3A_24 = arith.constant 0 : index
    %get3A_25 = arith.constant 0 : index
    %get3A_26 = vector.load %arg6[%get3A_24, %get3A_25] : memref<128x128xf32, #tpu.memory_space<vmem>>, vector<128x128xf32>
    %dot_general3A = arith.constant dense<0.000000e+00> : vector<2048x128xf32>
    %dot_general3A_27 = tpu.matmul %max3A_23, %get3A_26, %dot_general3A {dimension_numbers = #tpu.dot_dimension_numbers<[1], [1], [0], [0], [0, 0, 1, 0], [], []>, transpose_lhs_hint = false} : vector<2048x128xf32>, vector<128x128xf32>, vector<2048x128xf32> -> vector<2048x128xf32>
    %mul3A_28 = vector.broadcast %rsqrt3A : vector<2048x1xf32> to vector<2048x128xf32>
    %mul3A_29 = arith.mulf %dot_general3A_27, %mul3A_28 : vector<2048x128xf32>
    %swap3A = arith.constant 0 : index
    %swap3A_30 = arith.constant 0 : index
    %swap3A_31 = vector.load %arg7[%swap3A, %swap3A_30] : memref<2048x128xf32, #tpu.memory_space<vmem>>, vector<2048x128xf32>
    tpu.vector_store %arg7[%swap3A, %swap3A_30], %mul3A_29 {strides = array<i32>} : memref<2048x128xf32, #tpu.memory_space<vmem>>, vector<2048x128xf32>,
    return
  }
  func.func @transform_0(%arg0: i32) -> (i32, i32) {
    %c0_i32 = arith.constant 0 : i32
    %c0_i32_0 = arith.constant 0 : i32
    return %arg0, %c0_i32 : i32, i32
  }
  func.func @transform_1(%arg0: i32) -> (i32, i32) {
    %c0_i32 = arith.constant 0 : i32
    %c0_i32_0 = arith.constant 0 : i32
    return %arg0, %c0_i32 : i32, i32
  }
  func.func @transform_2(%arg0: i32) -> (i32, i32) {
    %c0_i32 = arith.constant 0 : i32
    %c0_i32_0 = arith.constant 0 : i32
    return %arg0, %c0_i32 : i32, i32
  }
  func.func @transform_3(%arg0: i32) -> (i32, i32) {
    %c0_i32 = arith.constant 0 : i32
    %c0_i32_0 = arith.constant 0 : i32
    return %arg0, %c0_i32 : i32, i32
  }
  func.func @transform_4(%arg0: i32) -> (i32, i32) {
    %c0_i32 = arith.constant 0 : i32
    %c0_i32_0 = arith.constant 0 : i32
    %c0_i32_1 = arith.constant 0 : i32
    return %c0_i32, %c0_i32_0 : i32, i32
  }
  func.func @transform_5(%arg0: i32) -> (i32, i32) {
    %c0_i32 = arith.constant 0 : i32
    %c0_i32_0 = arith.constant 0 : i32
    %c0_i32_1 = arith.constant 0 : i32
    return %c0_i32, %c0_i32_0 : i32, i32
  }
  func.func @transform_6(%arg0: i32) -> (i32, i32) {
    %c0_i32 = arith.constant 0 : i32
    %c0_i32_0 = arith.constant 0 : i32
    return %arg0, %c0_i32 : i32, i32
  }
}

module attributes {stable_mosaic.version = 14 : i64} {
  func.func @body(%arg0: i32, %arg1: memref<2048x32xf32, #tpu.memory_space<vmem>>, %arg2: memref<2048x128xf32, #tpu.memory_space<vmem>>, %arg3: memref<2048x128xf32, #tpu.memory_space<vmem>>, %arg4: memref<2048x128xf32, #tpu.memory_space<vmem>>, %arg5: memref<1x128xf32, #tpu.memory_space<vmem>>, %arg6: memref<2048x64xf32, #tpu.memory_space<vmem>>, %arg7: memref<2048x64xf32, #tpu.memory_space<vmem>>, %arg8: memref<2048x64xf32, #tpu.memory_space<vmem>>, %arg9: memref<2048x64xf32, #tpu.memory_space<vmem>>) attributes {dimension_semantics = [#tpu.dimension_semantics<arbitrary>], iteration_bounds = array<i64: 5>, scalar_prefetch = 0 : i64, scratch_operands = 0 : i64, tpu.core_type = #tpu.core_type<tc>, window_params = [{transform_indices = @transform_0, window_bounds = array<i64: 2048, 32>}, {transform_indices = @transform_1, window_bounds = array<i64: 2048, 128>}, {transform_indices = @transform_2, window_bounds = array<i64: 2048, 128>}, {transform_indices = @transform_3, window_bounds = array<i64: 2048, 128>}, {pipeline_mode = #tpu.pipeline_mode<synchronous>, transform_indices = @transform_4, window_bounds = array<i64: 1, 128>}, {transform_indices = @transform_5, window_bounds = array<i64: 2048, 64>}, {transform_indices = @transform_6, window_bounds = array<i64: 2048, 64>}, {transform_indices = @transform_7, window_bounds = array<i64: 2048, 64>}, {transform_indices = @transform_8, window_bounds = array<i64: 2048, 64>}]} {
    %get3A = arith.constant 0 : index
    %get3A_0 = arith.constant 0 : index
    %get3A_1 = vector.load %arg1[%get3A, %get3A_0] : memref<2048x32xf32, #tpu.memory_space<vmem>>, vector<2048x32xf32>
    %reduce_sum3A = arith.constant dense<0.000000e+00> : vector<2048xf32>
    %reduce_sum3A_2 = vector.multi_reduction <add>, %get3A_1, %reduce_sum3A [1] : vector<2048x32xf32> to vector<2048xf32>
    %broadcast_in_dim3A = vector.shape_cast %reduce_sum3A_2 : vector<2048xf32> to vector<2048x1xf32>
    %add3A = arith.constant 1.000000e+00 : f32
    %add3A_3 = vector.broadcast %add3A : f32 to vector<2048x1xf32>
    %add3A_4 = arith.addf %add3A_3, %broadcast_in_dim3A : vector<2048x1xf32>
    %rsqrt3A = math.rsqrt %add3A_4 : vector<2048x1xf32>
    %get3A_5 = arith.constant 0 : index
    %get3A_6 = arith.constant 0 : index
    %get3A_7 = vector.load %arg2[%get3A_5, %get3A_6] : memref<2048x128xf32, #tpu.memory_space<vmem>>, vector<2048x128xf32>
    %get3A_8 = arith.constant 0 : index
    %get3A_9 = arith.constant 0 : index
    %get3A_10 = vector.load %arg3[%get3A_8, %get3A_9] : memref<2048x128xf32, #tpu.memory_space<vmem>>, vector<2048x128xf32>
    %add3A_11 = arith.addf %get3A_7, %get3A_10 : vector<2048x128xf32>
    %get3A_12 = arith.constant 0 : index
    %get3A_13 = arith.constant 0 : index
    %get3A_14 = vector.load %arg4[%get3A_12, %get3A_13] : memref<2048x128xf32, #tpu.memory_space<vmem>>, vector<2048x128xf32>
    %add3A_15 = arith.addf %add3A_11, %get3A_14 : vector<2048x128xf32>
    %mul3A = vector.broadcast %rsqrt3A : vector<2048x1xf32> to vector<2048x128xf32>
    %mul3A_16 = arith.mulf %mul3A, %add3A_15 : vector<2048x128xf32>
    %get3A_17 = arith.constant 0 : index
    %get3A_18 = arith.constant 0 : index
    %get3A_19 = vector.load %arg5[%get3A_17, %get3A_18] : memref<1x128xf32, #tpu.memory_space<vmem>>, vector<1x128xf32>
    %add3A_20 = vector.broadcast %get3A_19 : vector<1x128xf32> to vector<2048x128xf32>
    %add3A_21 = arith.addf %mul3A_16, %add3A_20 : vector<2048x128xf32>
    %slice3A = vector.extract_strided_slice %add3A_21 {offsets = [0, 0], sizes = [2048, 64], strides = [1, 1]} : vector<2048x128xf32> to vector<2048x64xf32>
    %slice3A_22 = vector.extract_strided_slice %add3A_21 {offsets = [0, 64], sizes = [2048, 64], strides = [1, 1]} : vector<2048x128xf32> to vector<2048x64xf32>
    %swap3A = arith.constant 0 : index
    %swap3A_23 = arith.constant 0 : index
    %swap3A_24 = vector.load %arg7[%swap3A, %swap3A_23] : memref<2048x64xf32, #tpu.memory_space<vmem>>, vector<2048x64xf32>
    tpu.vector_store %arg7[%swap3A, %swap3A_23], %slice3A {strides = array<i32>} : memref<2048x64xf32, #tpu.memory_space<vmem>>, vector<2048x64xf32>,
    %swap3A_25 = arith.constant 0 : index
    %swap3A_26 = arith.constant 0 : index
    %swap3A_27 = vector.load %arg8[%swap3A_25, %swap3A_26] : memref<2048x64xf32, #tpu.memory_space<vmem>>, vector<2048x64xf32>
    tpu.vector_store %arg8[%swap3A_25, %swap3A_26], %slice3A_22 {strides = array<i32>} : memref<2048x64xf32, #tpu.memory_space<vmem>>, vector<2048x64xf32>,
    %get3A_28 = arith.constant 0 : index
    %get3A_29 = arith.constant 0 : index
    %get3A_30 = vector.load %arg6[%get3A_28, %get3A_29] : memref<2048x64xf32, #tpu.memory_space<vmem>>, vector<2048x64xf32>
    %mul3A_31 = arith.constant 5.000000e-01 : f32
    %mul3A_32 = vector.broadcast %mul3A_31 : f32 to vector<2048x64xf32>
    %mul3A_33 = arith.mulf %mul3A_32, %slice3A_22 : vector<2048x64xf32>
    %exp3A = math.exp %mul3A_33 : vector<2048x64xf32>
    %mul3A_34 = arith.mulf %get3A_30, %exp3A : vector<2048x64xf32>
    %add3A_35 = arith.addf %slice3A, %mul3A_34 : vector<2048x64xf32>
    %swap3A_36 = arith.constant 0 : index
    %swap3A_37 = arith.constant 0 : index
    %swap3A_38 = vector.load %arg9[%swap3A_36, %swap3A_37] : memref<2048x64xf32, #tpu.memory_space<vmem>>, vector<2048x64xf32>
    tpu.vector_store %arg9[%swap3A_36, %swap3A_37], %add3A_35 {strides = array<i32>} : memref<2048x64xf32, #tpu.memory_space<vmem>>, vector<2048x64xf32>,
    return
  }
  func.func @transform_0(%arg0: i32) -> (i32, i32) {
    %c0_i32 = arith.constant 0 : i32
    %c0_i32_0 = arith.constant 0 : i32
    return %arg0, %c0_i32 : i32, i32
  }
  func.func @transform_1(%arg0: i32) -> (i32, i32) {
    %c0_i32 = arith.constant 0 : i32
    %c0_i32_0 = arith.constant 0 : i32
    return %arg0, %c0_i32 : i32, i32
  }
  func.func @transform_2(%arg0: i32) -> (i32, i32) {
    %c0_i32 = arith.constant 0 : i32
    %c0_i32_0 = arith.constant 0 : i32
    return %arg0, %c0_i32 : i32, i32
  }
  func.func @transform_3(%arg0: i32) -> (i32, i32) {
    %c0_i32 = arith.constant 0 : i32
    %c0_i32_0 = arith.constant 0 : i32
    return %arg0, %c0_i32 : i32, i32
  }
  func.func @transform_4(%arg0: i32) -> (i32, i32) {
    %c0_i32 = arith.constant 0 : i32
    %c0_i32_0 = arith.constant 0 : i32
    %c0_i32_1 = arith.constant 0 : i32
    return %c0_i32, %c0_i32_0 : i32, i32
  }
  func.func @transform_5(%arg0: i32) -> (i32, i32) {
    %c0_i32 = arith.constant 0 : i32
    %c0_i32_0 = arith.constant 0 : i32
    return %arg0, %c0_i32 : i32, i32
  }
  func.func @transform_6(%arg0: i32) -> (i32, i32) {
    %c0_i32 = arith.constant 0 : i32
    %c0_i32_0 = arith.constant 0 : i32
    return %arg0, %c0_i32 : i32, i32
  }
  func.func @transform_7(%arg0: i32) -> (i32, i32) {
    %c0_i32 = arith.constant 0 : i32
    %c0_i32_0 = arith.constant 0 : i32
    return %arg0, %c0_i32 : i32, i32
  }
  func.func @transform_8(%arg0: i32) -> (i32, i32) {
    %c0_i32 = arith.constant 0 : i32
    %c0_i32_0 = arith.constant 0 : i32
    return %arg0, %c0_i32 : i32, i32
  }
}

module attributes {stable_mosaic.version = 14 : i64} {
  func.func @body(%arg0: i32, %arg1: memref<4096x128xf32, #tpu.memory_space<vmem>>, %arg2: memref<128x128xf32, #tpu.memory_space<vmem>>, %arg3: memref<1x128xf32, #tpu.memory_space<vmem>>, %arg4: memref<1x128xf32, #tpu.memory_space<vmem>>, %arg5: memref<1x1xf32, #tpu.memory_space<vmem>>, %arg6: memref<4096x1xf32, #tpu.memory_space<vmem>>) attributes {dimension_semantics = [#tpu.dimension_semantics<arbitrary>], iteration_bounds = array<i64: 79>, scalar_prefetch = 0 : i64, scratch_operands = 0 : i64, tpu.core_type = #tpu.core_type<tc>, window_params = [{transform_indices = @transform_0, window_bounds = array<i64: 4096, 128>}, {pipeline_mode = #tpu.pipeline_mode<synchronous>, transform_indices = @transform_1, window_bounds = array<i64: 128, 128>}, {pipeline_mode = #tpu.pipeline_mode<synchronous>, transform_indices = @transform_2, window_bounds = array<i64: 1, 128>}, {pipeline_mode = #tpu.pipeline_mode<synchronous>, transform_indices = @transform_3, window_bounds = array<i64: 1, 128>}, {pipeline_mode = #tpu.pipeline_mode<synchronous>, transform_indices = @transform_4, window_bounds = array<i64: 1, 1>}, {transform_indices = @transform_5, window_bounds = array<i64: 4096, 1>}]} {
    %get3A = arith.constant 0 : index
    %get3A_0 = arith.constant 0 : index
    %get3A_1 = vector.load %arg1[%get3A, %get3A_0] : memref<4096x128xf32, #tpu.memory_space<vmem>>, vector<4096x128xf32>
    %get3A_2 = arith.constant 0 : index
    %get3A_3 = arith.constant 0 : index
    %get3A_4 = vector.load %arg2[%get3A_2, %get3A_3] : memref<128x128xf32, #tpu.memory_space<vmem>>, vector<128x128xf32>
    %dot_general3A = arith.constant dense<0.000000e+00> : vector<4096x128xf32>
    %dot_general3A_5 = tpu.matmul %get3A_1, %get3A_4, %dot_general3A {dimension_numbers = #tpu.dot_dimension_numbers<[1], [1], [0], [0], [0, 0, 1, 0], [], []>, transpose_lhs_hint = false} : vector<4096x128xf32>, vector<128x128xf32>, vector<4096x128xf32> -> vector<4096x128xf32>
    %get3A_6 = arith.constant 0 : index
    %get3A_7 = arith.constant 0 : index
    %get3A_8 = vector.load %arg3[%get3A_6, %get3A_7] : memref<1x128xf32, #tpu.memory_space<vmem>>, vector<1x128xf32>
    %add3A = vector.broadcast %get3A_8 : vector<1x128xf32> to vector<4096x128xf32>
    %add3A_9 = arith.addf %dot_general3A_5, %add3A : vector<4096x128xf32>
    %max3A = arith.constant 0.000000e+00 : f32
    %max3A_10 = vector.broadcast %max3A : f32 to vector<4096x128xf32>
    %max3A_11 = arith.maximumf %add3A_9, %max3A_10 : vector<4096x128xf32>
    %get3A_12 = arith.constant 0 : index
    %get3A_13 = arith.constant 0 : index
    %get3A_14 = vector.load %arg4[%get3A_12, %get3A_13] : memref<1x128xf32, #tpu.memory_space<vmem>>, vector<1x128xf32>
    %mul3A = vector.broadcast %get3A_14 : vector<1x128xf32> to vector<4096x128xf32>
    %mul3A_15 = arith.mulf %max3A_11, %mul3A : vector<4096x128xf32>
    %reduce_sum3A = arith.constant dense<0.000000e+00> : vector<4096xf32>
    %reduce_sum3A_16 = vector.multi_reduction <add>, %mul3A_15, %reduce_sum3A [1] : vector<4096x128xf32> to vector<4096xf32>
    %broadcast_in_dim3A = vector.shape_cast %reduce_sum3A_16 : vector<4096xf32> to vector<4096x1xf32>
    %get3A_17 = arith.constant 0 : index
    %get3A_18 = arith.constant 0 : index
    %get3A_19 = vector.load %arg5[%get3A_17, %get3A_18] : memref<1x1xf32, #tpu.memory_space<vmem>>, vector<1x1xf32>
    %get3A_20 = vector.extract %get3A_19[0, 0] : f32 from vector<1x1xf32>
    %add3A_21 = vector.broadcast %get3A_20 : f32 to vector<4096x1xf32>
    %add3A_22 = arith.addf %broadcast_in_dim3A, %add3A_21 : vector<4096x1xf32>
    %logistic3A = arith.negf %add3A_22 : vector<4096x1xf32>
    %logistic3A_23 = math.exp %logistic3A : vector<4096x1xf32>
    %logistic3A_24 = arith.constant 1.000000e+00 : f32
    %logistic3A_25 = vector.broadcast %logistic3A_24 : f32 to vector<4096x1xf32>
    %logistic3A_26 = arith.addf %logistic3A_25, %logistic3A_23 : vector<4096x1xf32>
    %logistic3A_27 = arith.divf %logistic3A_25, %logistic3A_26 : vector<4096x1xf32>
    %swap3A = arith.constant 0 : index
    %swap3A_28 = arith.constant 0 : index
    %swap3A_29 = vector.load %arg6[%swap3A, %swap3A_28] : memref<4096x1xf32, #tpu.memory_space<vmem>>, vector<4096x1xf32>
    tpu.vector_store %arg6[%swap3A, %swap3A_28], %logistic3A_27 {strides = array<i32>} : memref<4096x1xf32, #tpu.memory_space<vmem>>, vector<4096x1xf32>,
    return
  }
  func.func @transform_0(%arg0: i32) -> (i32, i32) {
    %c0_i32 = arith.constant 0 : i32
    %c0_i32_0 = arith.constant 0 : i32
    return %arg0, %c0_i32 : i32, i32
  }
  func.func @transform_1(%arg0: i32) -> (i32, i32) {
    %c0_i32 = arith.constant 0 : i32
    %c0_i32_0 = arith.constant 0 : i32
    %c0_i32_1 = arith.constant 0 : i32
    return %c0_i32, %c0_i32_0 : i32, i32
  }
  func.func @transform_2(%arg0: i32) -> (i32, i32) {
    %c0_i32 = arith.constant 0 : i32
    %c0_i32_0 = arith.constant 0 : i32
    %c0_i32_1 = arith.constant 0 : i32
    return %c0_i32, %c0_i32_0 : i32, i32
  }
  func.func @transform_3(%arg0: i32) -> (i32, i32) {
    %c0_i32 = arith.constant 0 : i32
    %c0_i32_0 = arith.constant 0 : i32
    %c0_i32_1 = arith.constant 0 : i32
    return %c0_i32, %c0_i32_0 : i32, i32
  }
  func.func @transform_4(%arg0: i32) -> (i32, i32) {
    %c0_i32 = arith.constant 0 : i32
    %c0_i32_0 = arith.constant 0 : i32
    %c0_i32_1 = arith.constant 0 : i32
    return %c0_i32, %c0_i32_0 : i32, i32
  }
  func.func @transform_5(%arg0: i32) -> (i32, i32) {
    %c0_i32 = arith.constant 0 : i32
    %c0_i32_0 = arith.constant 0 : i32
    return %arg0, %c0_i32 : i32, i32
  }
}

</mosaic_0001>

<sc_bundles>
// kernel: kernel.10.cloned.1.call-start
scs
__scs_entry_jumppad:
0x0: {  	(pc) =	sbr.rel $0x88, $3  }
0x1: {  	(tag) =	ssettag $0x0;
	lr =	simm.s32 $0x1  }
0x2: {  	[smem:$0x3F94] =	sst lr;
	_ =	strace $0xD0000000  }
0x3: {  	_ = 	snop  }
0x4: {  	_ = 	snop  }
0x5: {  	_ = 	snop  }
0x6: {  	_ = 	snop  }
0x7: {  	_ = 	snop  }
__scs_overlays_trampoline_lowered:
0x8: {  	[smem:$0x3FA3] =	sst s0  }
0x9: {  	[smem:$0x3FA4] =	sst s1  }
0xa: {  	[smem:$0x3FA5] =	sst s2  }
0xb: {  	[smem:$0x3FA6] =	sst s3  }
0xc: {  	[smem:$0x3FA7] =	sst s4  }
0xd: {  	[smem:$0x3FA8] =	sst s5  }
0xe: {  	[smem:$0x3FA9] =	sst s6  }
0xf: {  	[smem:$0x3FAA] =	sst s7  }
0x10: {  	[smem:$0x3FAB] =	sst s8  }
0x11: {  	[smem:$0x3FAC] =	sst s9;
	s0 =	simm.s32 @!p0 $0x0  }
0x12: {  	s1 =	sld [smem:$0x3F92];
	s0 =	simm.s32 @p0 $0x1  }
0x13: {  	[smem:$0x3FAD] =	sst s0;
	s0 =	simm.s32 @!p1 $0x0  }
0x14: {  	s2 =	sld [smem:$0x3F91];
	s0 =	simm.s32 @p1 $0x1  }
0x15: {  	[smem:$0x3FAE] =	sst s0;
	s0 =	simm.s32 @!p2 $0x0  }
0x16: {  	s3 =	sld [smem:$0x3FDB];
	s0 =	simm.s32 @p2 $0x1  }
0x17: {  	s4 =	simm.s32 $0x1BF5;
	[smem:$0x3FB0] =	sst s0  }
0x18: {  	s0 =	sld [smem:$0x3F93];
	_ =	swait.ge [sflag:s4], $0x0  }
0x19: {  	s7 =	sld [smem:$0x3F94]  }
0x1a: {  	s8 =	sadd.s32 $0xFFFFE003, lr  }
0x1b: {  	s9 =	sadd.s32 $0xFFFFFEF7, lr;
	s5 =	simm.s32 $0xFFFFFFFF;
	p2 =	slt.u32 s8, $0xFFFFF086  }
0x1c: {  	p1 =	slt.u32 s9, $0xF7A;
	s5 =	simm.s32 @!p2 $0x0  }
0x1d: {  	s5 =	simm.s32 @p1 $0x1;
	p0 =	seq.s32 s7, s2  }
0x1e: {  	s7 =	smul.u32 @!p0 $0xF7A, s2;
	p2 =	seq.s32 @!p0 s5, $0x0  }
0x1f: {  	s9 =	smul.u32 $0xF7A, s1;
	s8 =	simm.s32 @!p0 $0x1BF5;
	p2 =	por !p2, p0  }
0x20: {  	[sflag:s8] =	ssyncset.s32 @!p0 $0xFFFFF086;
	s6 =	sadd.s32 @!p0 s3, s7;
	s7 =	simm.s32 @!p0 $0x108  }
0x21: {  	s3 =	sadd.s32 s3, s9;
	s6 =	sadd.s32 @!p0 $0x88, s6;
	s7 =	simm.s32 @p2 $0x1082  }
0x22: {  	[simem:s7], [sflag:s8] =	dma.local @!p0 [hbm:s6], $0xF7A  }
0x23: {  	s9 =	sor.u32 $0xD0000000, s2;
	s6 =	simm.s32 $0x108;
	_ =	swait.ge @!p0 [sflag:s8], $0x0  }
0x24: {  	s3 =	sadd.s32 $0x88, s3;
	s6 =	simm.s32 @!p1 $0x1082;
	[sflag:s4] =	ssyncset.s32 $0xFFFFF086  }
0x25: {  	[simem:s6], [sflag:s4] =	dma.local [hbm:s3], $0xF7A  }
0x26: {  	[smem:$0x3F94] =	sst s1;
	(tag) =	ssettag s2;
	_ =	strace s9  }
0x27: {  	s1 =	sld [smem:$0x3FA4]  }
0x28: {  	s2 =	sld [smem:$0x3FA5]  }
0x29: {  	s4 =	sld [smem:$0x3FA7]  }
0x2a: {  	p0 =	seq.s32 s5, $0x0;
	s5 =	sld [smem:$0x3FA8]  }
0x2b: {  	s6 =	sld [smem:$0x3FA9]  }
0x2c: {  	s7 =	sld [smem:$0x3FAA]  }
0x2d: {  	s3 =	simm.s32 $0x108;
	s8 =	sld [smem:$0x3FAB]  }
0x2e: {  	s3 =	simm.s32 @!p0 $0x1082;
	s9 =	sld [smem:$0x3FAC]  }
0x2f: {  	lr =	sadd.s32 s0, s3;
	s0 =	sld [smem:$0x3FA3]  }
0x30: {  	s3 =	sld [smem:$0x3FA6]  }
0x31: {  	[smem:$0x3FAF] =	sst s10  }
0x32: {  	s10 =	sld [smem:$0x3FAD];
	_ =	sdelay $0x3  }
0x33: {  	p0 =	seq.s32 s10, $0x1;
	s10 =	sld [smem:$0x3FAF];
	_ =	sdelay $0x3  }
0x34: {  	[smem:$0x3FAF] =	sst s10  }
0x35: {  	s10 =	sld [smem:$0x3FAE];
	_ =	sdelay $0x3  }
0x36: {  	p1 =	seq.s32 s10, $0x1;
	s10 =	sld [smem:$0x3FAF];
	_ =	sdelay $0x3  }
0x37: {  	[smem:$0x3FAF] =	sst s10  }
0x38: {  	s10 =	sld [smem:$0x3FB0]  }
0x39: {  	_ = 	snop;
	(pc) =	sbr.ind lr, $3  }
0x3a: {  	_ = 	snop  }
0x3b: {  	_ = 	snop  }
0x3c: {  	p2 =	seq.s32 s10, $0x1;
	s10 =	sld [smem:$0x3FAF]  }
0x3d: {  	_ =	shalt  }
0x3e: {  	_ =	shalt  }
0x3f: {  	_ =	shalt  }
0x40: {  	_ =	shalt  }
0x41: {  	_ =	shalt  }
0x42: {  	_ =	shalt  }
0x43: {  	_ =	shalt  }
0x44: {  	_ =	shalt  }
0x45: {  	_ =	shalt  }
0x46: {  	_ =	shalt  }
0x47: {  	_ =	shalt  }
0x48: {  	_ =	shalt  }
0x49: {  	_ =	shalt  }
0x4a: {  	_ =	shalt  }
0x4b: {  	_ =	shalt  }
0x4c: {  	_ =	shalt  }
0x4d: {  	_ =	shalt  }
0x4e: {  	_ =	shalt  }
0x4f: {  	_ =	shalt  }
0x50: {  	_ =	shalt  }
0x51: {  	_ =	shalt  }
0x52: {  	_ =	shalt  }
0x53: {  	_ =	shalt  }
0x54: {  	_ =	shalt  }
0x55: {  	_ =	shalt  }
0x56: {  	_ =	shalt  }
0x57: {  	_ =	shalt  }
0x58: {  	_ =	shalt  }
0x59: {  	_ =	shalt  }
0x5a: {  	_ =	shalt  }
0x5b: {  	_ =	shalt  }
0x5c: {  	_ =	shalt  }
0x5d: {  	_ =	shalt  }
0x5e: {  	_ =	shalt  }
0x5f: {  	_ =	shalt  }
0x60: {  	_ =	shalt  }
0x61: {  	_ =	shalt  }
0x62: {  	_ =	shalt  }
0x63: {  	_ =	shalt  }
0x64: {  	_ =	shalt  }
0x65: {  	_ =	shalt  }
0x66: {  	_ =	shalt  }
0x67: {  	_ =	shalt  }
0x68: {  	_ =	shalt  }
0x69: {  	_ =	shalt  }
0x6a: {  	_ =	shalt  }
0x6b: {  	_ =	shalt  }
0x6c: {  	_ =	shalt  }
0x6d: {  	_ =	shalt  }
0x6e: {  	_ =	shalt  }
0x6f: {  	_ =	shalt  }
0x70: {  	_ =	shalt  }
0x71: {  	_ =	shalt  }
0x72: {  	_ =	shalt  }
0x73: {  	_ =	shalt  }
0x74: {  	_ =	shalt  }
0x75: {  	_ =	shalt  }
0x76: {  	_ =	shalt  }
0x77: {  	_ =	shalt  }
0x78: {  	_ =	shalt  }
0x79: {  	_ =	shalt  }
0x7a: {  	_ =	shalt  }
0x7b: {  	_ =	shalt  }
0x7c: {  	_ =	shalt  }
0x7d: {  	_ =	shalt  }
0x7e: {  	_ =	shalt  }
0x7f: {  	_ =	shalt  }
0x80: {  	_ =	shalt  }
0x81: {  	_ =	shalt  }
0x82: {  	_ =	shalt  }
0x83: {  	_ =	shalt  }
0x84: {  	_ =	shalt  }
0x85: {  	_ =	shalt  }
0x86: {  	_ =	shalt  }
0x87: {  	_ =	shalt  }
.Lfunc_end0:
.L_simem_size_0:
called_computation_lowered:
.L_overlay_start_0:
0x88: {  	s2 =	sld [smem:$0x3FD9]  }
0x89: {  	s3 =	sld [smem:$0x3FFE];
	_ =	sdelay $0x1  }
0x8a: {  	s1 =	srdreg.scid  }
0x8b: {  	s0 =	sand.u32 $0x1, s1  }
0x8c: {  	s15 =	sshll.u32 s0, $0xA;
	s2 =	sadd.s32 s3, s2  }
0x8d: {  	s2 =	sadd.s32 s2, s15  }
0x8e: {  	[smem:$0x3FBB] =	sst s2  }
0x8f: {  	_ = 	snop  }
0x90: {  	s2 =	sld [smem:$0x3FD0];
	_ =	sdelay $0x2  }
0x91: {  	s16 =	simm.s32 $0xA;
	s4 =	simm.s32 $0x10  }
0x92: {  	[smem:s4], [sflag:s16] =	dma.local [hbm:s2], $0x1  }
0x93: {  	_ =	swait.eq [sflag:s16], $0x1  }
0x94: {  	[sflag:s16] =	ssyncset.done $0x0  }
0x95: {  	s17 =	sld [smem:$0x11];
	[sflag:s16] =	ssyncadd.s32 $0xFFFFFFFF  }
0x96: {  	s18 =	sld [smem:$0x12];
	(tm) =	ssettm $0x1  }
0x97: {  	s19 =	sld [smem:$0x3FFB];
	_ =	sdelay $0x3  }
0x98: {  	_ =	strace s19  }
0x99: {  	s4 =	sld [smem:$0x3FFC];
	_ =	sdelay $0x3  }
0x9a: {  	_ =	strace s4  }
0x9b: {  	s4 =	sld [smem:$0x3FFD];
	_ =	sdelay $0x3  }
0x9c: {  	_ =	strace s4  }
0x9d: {  	_ =	strace $0x8FFFFFFF  }
0x9e: {  	s20 =	sld [smem:$0x3FDB];
	_ =	sdelay $0x1  }
0x9f: {  	s5 =	simm.s32 $_scs_section_size  }
0xa0: {  	s6 =	simm.s32 $_size__tile_overlayer_lowered;
	s7 =	simm.s32 $_tile_overlayer_lowered  }
0xa1: {  	s23 =	simm.s32 $0x1BFF;
	s22 =	sshll.u32 s7, $0x1;
	s4 =	sadd.s32 s5, s20  }
0xa2: {  	s8 =	simm.s32 $0x0;
	s21 =	sshll.u32 s6, $0x1;
	s6 =	sadd.s32 s22, s4  }
0xa3: {  	[timem:s8], [sflag:s23] =	dma.local [hbm:s6], s21  }
0xa4: {  	_ =	swait.ge [sflag:s23], s21  }
0xa5: {  	s5 =	ssub.s32 $0x0, s21;
	[sflag:s23] =	ssyncset.done $0x0  }
0xa6: {  	[sflag:s23] =	ssyncadd.s32 s5;
	_ =	sdelay $0x1  }
0xa7: {  	s24 =	simm.s32 $0x1B8B  }
0xa8: {  	_ =	swait.ge [sflag:s24], $0x1  }
0xa9: {  	[sflag:s24] =	ssyncset.done $0x0  }
0xaa: {  	s25 =	simm.s32 $0x1B8E;
	[sflag:s24] =	ssyncadd.s32 $0xFFFFFFFF  }
0xab: {  	s26 =	simm.s32 $execute0_lowered;
	[smem:$0x3FD2] =	sst s25  }
0xac: {  	s5 =	sshll.u32 s26, $0x1;
	_ =	strace $0x80000046;
	[dreg:$0x1] =	wrdreg $0xFFFFFFFF  }
0xad: {  	s28 =	simm.s32 $_size_execute0_lowered;
	s4 =	sadd.s32 s4, s5;
	[dreg:$0x0] =	wrdreg $0x0  }
0xae: {  	s5 =	sshll.u32 s28, $0x1;
	[dreg:$0x2] =	wrdreg s4  }
0xaf: {  	[dreg:$0x3] =	wrdreg s5  }
0xb0: {  	[dreg:$0x4] =	wrdreg $0xC0  }
0xb1: {  	_ =	task [dreg:s8], $0x5FFFF  }
0xb2: {  	[dreg:$0x1] =	wrdreg $0xFFFFFFFF  }
0xb3: {  	[dreg:$0x0] =	wrdreg $0x60  }
0xb4: {  	[dreg:$0x2] =	wrdreg s17  }
0xb5: {  	[dreg:$0x3] =	wrdreg s18  }
0xb6: {  	[dreg:$0x4] =	wrdreg $0x9  }
0xb7: {  	_ =	task.clear_ibuf [dreg:s8], $0x5FFFF;
	_ =	strace $0x90000046  }
0xb8: {  	s29 =	simm.s32 $0x9;
	_ =	strace $0x80000048  }
0xb9: {  	_ =	swait.ge [sflag:s29], $0x1  }
0xba: {  	[sflag:s29] =	ssyncadd.s32 $0xFFFFFFFF  }
0xbb: {  	_ =	strace $0x90000048  }
0xbc: {  	_ =	sfence  }
0xbd: {  	s30 =	sld [smem:$0x0];
	_ =	sdelay $0x2  }
0xbe: {  	s31 =	sshll.u32 s1, $0xD;
	s1 =	sshrl.u32 s1, $0x2  }
0xbf: {  	s3 =	sand.u32 $0x4000, s31;
	s1 =	sadd.s32 s1, s30  }
0xc0: {  	s0 =	sor.u32 s3, s0;
	s1 =	sshll.u32 s1, $0x11  }
0xc1: {  	s0 =	sor.u32 s1, s0  }
0xc2: {  	s0 =	sadd.s32 $0x8F2B, s0  }
0xc3: {  	[sflag:s0] =	ssyncadd.remote.s32 $0x1  }
0xc4: {  	_ =	sfence.sel $0xFFFF  }
0xc5: {  	[dreg:$0x0] =	wrdreg $0xFFFFFFFF;
	(pc) =	sbr.abs _section_cstart, $3  }
0xc6: {  	[dreg:$0x1] =	wrdreg $0xFFFFFFFF  }
0xc7: {  	_ =	task.clear_ibuf [dreg:s8], $0x2FFFF;
	_ =	strace $0x9FFFFFFF  }
0xc8: {  	(tm) =	ssettm $0x7FFFFFFF  }
0xc9: {  	_ =	shalt  }
tec
execute0_lowered:
.L_overlay_start_1:
0x0: {  	(tag) =	ssettag $0x1  }
0x1: {  	s0 =	srdreg.scid  }
0x2: {  	s3 =	sand.u32 $0x1, s0  }
0x3: {  	s4 =	rddreg [dreg:$0x0];
	s0 =	stileid.u32;
	s1 =	sshll.u32 s3, $0x4  }
0x4: {  	s5 =	rddreg [dreg:$0x1];
	s1 =	sor.u32 s0, s1  }
0x5: {  	s2 =	simm.s32 $0x0;
	s9 =	simm.s32 $0x2780;
	s6 =	sshrl.u32 s1, $0x3  }
0x6: {  	s10 =	simm.s32 $0x0;
	[smem:$0x7FF] =	sst s2;
	s7 =	smul.u32 $0x13C00, s6  }
0x7: {  	s8 =	sshll.u32 s0, $0x7;
	s3 =	ssub.s32 $0x2, s3;
	s6 =	smul.u32 $0x14000, s6  }
0x8: {  	s8 =	sand.u32 $0x380, s8;
	s31 =	sshrl.u32 s3, $0x1;
	s1 =	rddreg [dreg:$0x2]  }
0x9: {  	_ =	strace $0x80000047;
	s7 =	sor.u32 s8, s7;
	s6 =	sor.u32 s8, s6  }
0xa: {  	s8 =	ssub.s32 s3, s31;
	s7 =	sshrl.u32 s7, $0x3;
	s6 =	sshrl.u32 s6, $0x3  }
0xb: {  	s3 =	sadd.s32 s4, s7;
	s4 =	sadd.s32 s5, s6;
	s5 =	smax.u32 s8, $0x1  }
0xc: {  	v0 =	vimm.f32 $0.0e+00;
	v1 =	vimm.f32 $1.000000000e+00;
	s6 =	simm.s32 $0x80;
	s7 =	simm.s32 $0x400;
	s8 =	simm.s32 $0x1  }
.LBB2_1:
0xd: {  	[tilespmem:s2], [sflag:$0x1] =	stream.strided.gather [hbm4b:s3+s6], $0x2780, s7, s6, $0x38;
	[tilespmem:$0x4F80] =	vst v63  }
0xe: {  	_ =	swait.ge [sflag:s8], $0x2780  }
0xf: {  	[sflag:s8] =	ssyncset.done $0x0  }
0x10: {  	s11 =	simm.s32 $0x0;
	[sflag:s8] =	ssyncadd.s32 $0xFFFFD880  }
.LBB2_2:
0x11: {  	p0 =	sne.s32 s11, $0x9FC0  }
.Ltmp0:
0x12: {  	_ = 	snop;
	(pc) =	sbr.rel @p0 .LBB2_2-.Ltmp0, $3  }
0x13: {  	_ =	sdelay $0x1  }
0x14: {  	s12 =	sshra.s32 s11, $0x2  }
0x15: {  	s11 =	sadd.s32 $0x40, s11;
	[tilespmem:s12+$0x2780] =	vst v0  }
0x16: {  	s12 =	simm.s32 $0x0;
	s11 =	simm.s32 $0x40  }
.LBB2_4:
0x17: {  	p0 =	sne.s32 s11, $0x9DC0;
	v2 =	vld [tilespmem:s12+$0x0];
	_ =	sdelay $0x3  }
.Ltmp1:
0x18: {  	(pc) =	sbr.rel @p0 .LBB2_4-.Ltmp1, $2  }
0x19: {  	_ =	sdelay $0x2  }
0x1a: {  	s12 =	sshra.s32 s11, $0x2;
	s11 =	sadd.s32 $0x40, s11;
	[tilespmem:v2+s9+$0x0] =	vst.idx.add.f32.msk $0xffff, v1  }
0x1b: {  	v2 =	vld [tilespmem:s12+$0x0];
	_ =	sdelay $0x5  }
0x1c: {  	s10 =	sadd.s32 $0x1, s10  }
0x1d: {  	p0 =	sne.s32 s10, s5  }
.Ltmp2:
0x1e: {  	[tilespmem:v2+s9+$0x0] =	vst.idx.add.f32.msk $0xffff, v1;
	(pc) =	sbr.rel @p0 .LBB2_1-.Ltmp2, $4  }
0x1f: {  	[hbm4b:s4+s6] =	stream.strided.scatter [tilespmem:s9], [sflag:$0x1], $0x2800, s7, s6, $0x38;
	[tilespmem:$0x4F80] =	vst v63  }
0x20: {  	_ =	swait.ge [sflag:s8], $0x2800  }
0x21: {  	[sflag:s8] =	ssyncset.done $0x0  }
0x22: {  	[sflag:s8] =	ssyncadd.s32 $0xFFFFD800  }
0x23: {  	_ =	sfence.sel $0x180000  }
0x24: {  	[bflag:$0x0] =	sbarrier.arrive $0xFFFF  }
0x25: {  	p0 =	sne.s32 s0, $0x0;
	_ =	strace $0x90000047  }
0x26: {  	s0 =	sadd.s32 @!p0 $0x100000, s1;
	[bflag:$0x2] =	sbarrier.arrive $0xFFFF  }
0x27: {  	[sflag:s0] =	ssyncadd.tile.s32 @!p0 $0x1;
	_ =	shalt  }
.Lfunc_end2:
_tile_overlayer_lowered:
.L_overlay_start_2:
0x28: {  	(tag) =	ssettag $0x2  }
0x29: {  	s0 =	rddreg [dreg:$0x0];
	s2 =	stileid.u32  }
0x2a: {  	s1 =	rddreg [dreg:$0x1];
	p0 =	sne.s32 s2, $0x0  }
0x2b: {  	s3 =	rddreg [dreg:$0x2];
	[bflag:$0x3] =	sbarrier.arrive $0xFFFF;
	s2 =	simm.s32 @!p0 $0x1C01  }
0x2c: {  	[timem:s3], [sflag:s2] =	dma.local @!p0 [hbm:s0], s1  }
0x2d: {  	s0 =	simm.s32 @!p0 $0x1  }
0x2e: {  	_ =	swait.ge @!p0 [sflag:s0], s1  }
0x2f: {  	s1 =	ssub.s32 @!p0 $0x0, s1;
	[sflag:s0] =	ssyncset.done @!p0 $0x0  }
0x30: {  	[sflag:s0] =	ssyncadd.s32 @!p0 s1  }
0x31: {  	[bflag:$0x3] =	sbarrier.arrive $0xFFFF  }
0x32: {  	_ =	shalt  }

// kernel: kernel.13.cloned.1.call-start
scs
__scs_entry_jumppad:
0x0: {  	(pc) =	sbr.rel $0x88, $3  }
0x1: {  	(tag) =	ssettag $0x0;
	lr =	simm.s32 $0x1  }
0x2: {  	[smem:$0x3F94] =	sst lr;
	_ =	strace $0xD0000000  }
0x3: {  	_ = 	snop  }
0x4: {  	_ = 	snop  }
0x5: {  	_ = 	snop  }
0x6: {  	_ = 	snop  }
0x7: {  	_ = 	snop  }
__scs_overlays_trampoline_lowered:
0x8: {  	[smem:$0x3FA3] =	sst s0  }
0x9: {  	[smem:$0x3FA4] =	sst s1  }
0xa: {  	[smem:$0x3FA5] =	sst s2  }
0xb: {  	[smem:$0x3FA6] =	sst s3  }
0xc: {  	[smem:$0x3FA7] =	sst s4  }
0xd: {  	[smem:$0x3FA8] =	sst s5  }
0xe: {  	[smem:$0x3FA9] =	sst s6  }
0xf: {  	[smem:$0x3FAA] =	sst s7  }
0x10: {  	[smem:$0x3FAB] =	sst s8  }
0x11: {  	[smem:$0x3FAC] =	sst s9;
	s0 =	simm.s32 @!p0 $0x0  }
0x12: {  	s1 =	sld [smem:$0x3F92];
	s0 =	simm.s32 @p0 $0x1  }
0x13: {  	[smem:$0x3FAD] =	sst s0;
	s0 =	simm.s32 @!p1 $0x0  }
0x14: {  	s2 =	sld [smem:$0x3F91];
	s0 =	simm.s32 @p1 $0x1  }
0x15: {  	[smem:$0x3FAE] =	sst s0;
	s0 =	simm.s32 @!p2 $0x0  }
0x16: {  	s3 =	sld [smem:$0x3FDB];
	s0 =	simm.s32 @p2 $0x1  }
0x17: {  	s4 =	simm.s32 $0x1BF5;
	[smem:$0x3FB0] =	sst s0  }
0x18: {  	s0 =	sld [smem:$0x3F93];
	_ =	swait.ge [sflag:s4], $0x0  }
0x19: {  	s7 =	sld [smem:$0x3F94]  }
0x1a: {  	s8 =	sadd.s32 $0xFFFFE003, lr  }
0x1b: {  	s9 =	sadd.s32 $0xFFFFFEF7, lr;
	s5 =	simm.s32 $0xFFFFFFFF;
	p2 =	slt.u32 s8, $0xFFFFF086  }
0x1c: {  	p1 =	slt.u32 s9, $0xF7A;
	s5 =	simm.s32 @!p2 $0x0  }
0x1d: {  	s5 =	simm.s32 @p1 $0x1;
	p0 =	seq.s32 s7, s2  }
0x1e: {  	s7 =	smul.u32 @!p0 $0xF7A, s2;
	p2 =	seq.s32 @!p0 s5, $0x0  }
0x1f: {  	s9 =	smul.u32 $0xF7A, s1;
	s8 =	simm.s32 @!p0 $0x1BF5;
	p2 =	por !p2, p0  }
0x20: {  	[sflag:s8] =	ssyncset.s32 @!p0 $0xFFFFF086;
	s6 =	sadd.s32 @!p0 s3, s7;
	s7 =	simm.s32 @!p0 $0x108  }
0x21: {  	s3 =	sadd.s32 s3, s9;
	s6 =	sadd.s32 @!p0 $0x88, s6;
	s7 =	simm.s32 @p2 $0x1082  }
0x22: {  	[simem:s7], [sflag:s8] =	dma.local @!p0 [hbm:s6], $0xF7A  }
0x23: {  	s9 =	sor.u32 $0xD0000000, s2;
	s6 =	simm.s32 $0x108;
	_ =	swait.ge @!p0 [sflag:s8], $0x0  }
0x24: {  	s3 =	sadd.s32 $0x88, s3;
	s6 =	simm.s32 @!p1 $0x1082;
	[sflag:s4] =	ssyncset.s32 $0xFFFFF086  }
0x25: {  	[simem:s6], [sflag:s4] =	dma.local [hbm:s3], $0xF7A  }
0x26: {  	[smem:$0x3F94] =	sst s1;
	(tag) =	ssettag s2;
	_ =	strace s9  }
0x27: {  	s1 =	sld [smem:$0x3FA4]  }
0x28: {  	s2 =	sld [smem:$0x3FA5]  }
0x29: {  	s4 =	sld [smem:$0x3FA7]  }
0x2a: {  	p0 =	seq.s32 s5, $0x0;
	s5 =	sld [smem:$0x3FA8]  }
0x2b: {  	s6 =	sld [smem:$0x3FA9]  }
0x2c: {  	s7 =	sld [smem:$0x3FAA]  }
0x2d: {  	s3 =	simm.s32 $0x108;
	s8 =	sld [smem:$0x3FAB]  }
0x2e: {  	s3 =	simm.s32 @!p0 $0x1082;
	s9 =	sld [smem:$0x3FAC]  }
0x2f: {  	lr =	sadd.s32 s0, s3;
	s0 =	sld [smem:$0x3FA3]  }
0x30: {  	s3 =	sld [smem:$0x3FA6]  }
0x31: {  	[smem:$0x3FAF] =	sst s10  }
0x32: {  	s10 =	sld [smem:$0x3FAD];
	_ =	sdelay $0x3  }
0x33: {  	p0 =	seq.s32 s10, $0x1;
	s10 =	sld [smem:$0x3FAF];
	_ =	sdelay $0x3  }
0x34: {  	[smem:$0x3FAF] =	sst s10  }
0x35: {  	s10 =	sld [smem:$0x3FAE];
	_ =	sdelay $0x3  }
0x36: {  	p1 =	seq.s32 s10, $0x1;
	s10 =	sld [smem:$0x3FAF];
	_ =	sdelay $0x3  }
0x37: {  	[smem:$0x3FAF] =	sst s10  }
0x38: {  	s10 =	sld [smem:$0x3FB0]  }
0x39: {  	_ = 	snop;
	(pc) =	sbr.ind lr, $3  }
0x3a: {  	_ = 	snop  }
0x3b: {  	_ = 	snop  }
0x3c: {  	p2 =	seq.s32 s10, $0x1;
	s10 =	sld [smem:$0x3FAF]  }
0x3d: {  	_ =	shalt  }
0x3e: {  	_ =	shalt  }
0x3f: {  	_ =	shalt  }
0x40: {  	_ =	shalt  }
0x41: {  	_ =	shalt  }
0x42: {  	_ =	shalt  }
0x43: {  	_ =	shalt  }
0x44: {  	_ =	shalt  }
0x45: {  	_ =	shalt  }
0x46: {  	_ =	shalt  }
0x47: {  	_ =	shalt  }
0x48: {  	_ =	shalt  }
0x49: {  	_ =	shalt  }
0x4a: {  	_ =	shalt  }
0x4b: {  	_ =	shalt  }
0x4c: {  	_ =	shalt  }
0x4d: {  	_ =	shalt  }
0x4e: {  	_ =	shalt  }
0x4f: {  	_ =	shalt  }
0x50: {  	_ =	shalt  }
0x51: {  	_ =	shalt  }
0x52: {  	_ =	shalt  }
0x53: {  	_ =	shalt  }
0x54: {  	_ =	shalt  }
0x55: {  	_ =	shalt  }
0x56: {  	_ =	shalt  }
0x57: {  	_ =	shalt  }
0x58: {  	_ =	shalt  }
0x59: {  	_ =	shalt  }
0x5a: {  	_ =	shalt  }
0x5b: {  	_ =	shalt  }
0x5c: {  	_ =	shalt  }
0x5d: {  	_ =	shalt  }
0x5e: {  	_ =	shalt  }
0x5f: {  	_ =	shalt  }
0x60: {  	_ =	shalt  }
0x61: {  	_ =	shalt  }
0x62: {  	_ =	shalt  }
0x63: {  	_ =	shalt  }
0x64: {  	_ =	shalt  }
0x65: {  	_ =	shalt  }
0x66: {  	_ =	shalt  }
0x67: {  	_ =	shalt  }
0x68: {  	_ =	shalt  }
0x69: {  	_ =	shalt  }
0x6a: {  	_ =	shalt  }
0x6b: {  	_ =	shalt  }
0x6c: {  	_ =	shalt  }
0x6d: {  	_ =	shalt  }
0x6e: {  	_ =	shalt  }
0x6f: {  	_ =	shalt  }
0x70: {  	_ =	shalt  }
0x71: {  	_ =	shalt  }
0x72: {  	_ =	shalt  }
0x73: {  	_ =	shalt  }
0x74: {  	_ =	shalt  }
0x75: {  	_ =	shalt  }
0x76: {  	_ =	shalt  }
0x77: {  	_ =	shalt  }
0x78: {  	_ =	shalt  }
0x79: {  	_ =	shalt  }
0x7a: {  	_ =	shalt  }
0x7b: {  	_ =	shalt  }
0x7c: {  	_ =	shalt  }
0x7d: {  	_ =	shalt  }
0x7e: {  	_ =	shalt  }
0x7f: {  	_ =	shalt  }
0x80: {  	_ =	shalt  }
0x81: {  	_ =	shalt  }
0x82: {  	_ =	shalt  }
0x83: {  	_ =	shalt  }
0x84: {  	_ =	shalt  }
0x85: {  	_ =	shalt  }
0x86: {  	_ =	shalt  }
0x87: {  	_ =	shalt  }
.Lfunc_end0:
.L_simem_size_0:
called_computation.1_lowered:
.L_overlay_start_0:
0x88: {  	s2 =	sld [smem:$0x3FD9]  }
0x89: {  	s3 =	sld [smem:$0x3FFE];
	_ =	sdelay $0x1  }
0x8a: {  	s1 =	srdreg.scid  }
0x8b: {  	s0 =	sand.u32 $0x1, s1  }
0x8c: {  	s14 =	sshll.u32 s0, $0xA;
	s2 =	sadd.s32 s3, s2  }
0x8d: {  	s2 =	sadd.s32 s2, s14  }
0x8e: {  	[smem:$0x3FBB] =	sst s2  }
0x8f: {  	_ = 	snop  }
0x90: {  	s2 =	sld [smem:$0x3FD0];
	_ =	sdelay $0x2  }
0x91: {  	s15 =	simm.s32 $0xA;
	s4 =	simm.s32 $0x10  }
0x92: {  	[smem:s4], [sflag:s15] =	dma.local [hbm:s2], $0x1  }
0x93: {  	_ =	swait.eq [sflag:s15], $0x1  }
0x94: {  	[sflag:s15] =	ssyncset.done $0x0  }
0x95: {  	s16 =	sld [smem:$0x10];
	[sflag:s15] =	ssyncadd.s32 $0xFFFFFFFF  }
0x96: {  	s17 =	sld [smem:$0x13];
	(tm) =	ssettm $0x1  }
0x97: {  	s18 =	sld [smem:$0x3FFB];
	_ =	sdelay $0x3  }
0x98: {  	_ =	strace s18  }
0x99: {  	s4 =	sld [smem:$0x3FFC];
	_ =	sdelay $0x3  }
0x9a: {  	_ =	strace s4  }
0x9b: {  	s4 =	sld [smem:$0x3FFD];
	_ =	sdelay $0x3  }
0x9c: {  	_ =	strace s4  }
0x9d: {  	_ =	strace $0x8FFFFFFF  }
0x9e: {  	s19 =	sld [smem:$0x3FDB];
	_ =	sdelay $0x1  }
0x9f: {  	s5 =	simm.s32 $_scs_section_size  }
0xa0: {  	s6 =	simm.s32 $_size__tile_overlayer_lowered;
	s7 =	simm.s32 $_tile_overlayer_lowered  }
0xa1: {  	s22 =	simm.s32 $0x1BFF;
	s21 =	sshll.u32 s7, $0x1;
	s4 =	sadd.s32 s5, s19  }
0xa2: {  	s8 =	simm.s32 $0x0;
	s20 =	sshll.u32 s6, $0x1;
	s6 =	sadd.s32 s21, s4  }
0xa3: {  	[timem:s8], [sflag:s22] =	dma.local [hbm:s6], s20  }
0xa4: {  	_ =	swait.ge [sflag:s22], s20  }
0xa5: {  	s5 =	ssub.s32 $0x0, s20;
	[sflag:s22] =	ssyncset.done $0x0  }
0xa6: {  	[sflag:s22] =	ssyncadd.s32 s5;
	_ =	sdelay $0x1  }
0xa7: {  	s23 =	simm.s32 $0x1B8B  }
0xa8: {  	_ =	swait.ge [sflag:s23], $0x1  }
0xa9: {  	[sflag:s23] =	ssyncset.done $0x0  }
0xaa: {  	s25 =	simm.s32 $0x1B8E;
	s24 =	sld [smem:$0x3FFE];
	[sflag:s23] =	ssyncadd.s32 $0xFFFFFFFF  }
0xab: {  	s26 =	simm.s32 $execute0_lowered;
	[smem:$0x3FD2] =	sst s25  }
0xac: {  	s6 =	sshll.u32 s26, $0x1;
	_ =	strace $0x80000049;
	[dreg:$0x1] =	wrdreg $0xFFFFFFFF  }
0xad: {  	s28 =	simm.s32 $_size_execute0_lowered;
	s4 =	sadd.s32 s4, s6;
	[dreg:$0x0] =	wrdreg $0x0  }
0xae: {  	s6 =	sshll.u32 s28, $0x1;
	[dreg:$0x2] =	wrdreg s4  }
0xaf: {  	[dreg:$0x3] =	wrdreg s6  }
0xb0: {  	[dreg:$0x4] =	wrdreg $0xC0  }
0xb1: {  	_ =	task [dreg:s8], $0x5FFFF  }
0xb2: {  	[dreg:$0x1] =	wrdreg $0xFFFFFFFF  }
0xb3: {  	[dreg:$0x0] =	wrdreg $0x60  }
0xb4: {  	[dreg:$0x2] =	wrdreg s24  }
0xb5: {  	[dreg:$0x3] =	wrdreg s17  }
0xb6: {  	[dreg:$0x4] =	wrdreg s16  }
0xb7: {  	[dreg:$0x5] =	wrdreg $0xA8000  }
0xb8: {  	[dreg:$0x6] =	wrdreg $0x9  }
0xb9: {  	_ =	task.clear_ibuf [dreg:s8], $0x7FFFF;
	_ =	strace $0x90000049  }
0xba: {  	s29 =	simm.s32 $0x9;
	_ =	strace $0x8000004B  }
0xbb: {  	_ =	swait.ge [sflag:s29], $0x1  }
0xbc: {  	[sflag:s29] =	ssyncadd.s32 $0xFFFFFFFF  }
0xbd: {  	_ =	strace $0x9000004B  }
0xbe: {  	_ =	sfence  }
0xbf: {  	s30 =	sld [smem:$0x0];
	_ =	sdelay $0x2  }
0xc0: {  	s31 =	sshll.u32 s1, $0xD;
	s1 =	sshrl.u32 s1, $0x2  }
0xc1: {  	s3 =	sand.u32 $0x4000, s31;
	s1 =	sadd.s32 s1, s30  }
0xc2: {  	s0 =	sor.u32 s3, s0;
	s1 =	sshll.u32 s1, $0x11  }
0xc3: {  	s0 =	sor.u32 s1, s0  }
0xc4: {  	s0 =	sadd.s32 $0x8F2B, s0  }
0xc5: {  	[sflag:s0] =	ssyncadd.remote.s32 $0x1  }
0xc6: {  	_ =	sfence.sel $0xFFFF  }
0xc7: {  	[dreg:$0x0] =	wrdreg $0xFFFFFFFF;
	(pc) =	sbr.abs _section_cstart, $3  }
0xc8: {  	[dreg:$0x1] =	wrdreg $0xFFFFFFFF  }
0xc9: {  	_ =	task.clear_ibuf [dreg:s8], $0x2FFFF;
	_ =	strace $0x9FFFFFFF  }
0xca: {  	(tm) =	ssettm $0x7FFFFFFF  }
0xcb: {  	_ =	shalt  }
tec
execute0_lowered:
.L_overlay_start_1:
0x0: {  	(tag) =	ssettag $0x1  }
0x1: {  	s5 =	rddreg [dreg:$0x0]  }
0x2: {  	s11 =	rddreg [dreg:$0x1]  }
0x3: {  	s12 =	rddreg [dreg:$0x2]  }
0x4: {  	s2 =	rddreg [dreg:$0x3]  }
0x5: {  	s0 =	rddreg [dreg:$0x4]  }
0x6: {  	s1 =	stileid.u32;
	s4 =	srdreg.scid  }
0x7: {  	s3 =	simm.s32 $0x0;
	s19 =	simm.s32 $0x1400;
	s20 =	simm.s32 $0x80  }
0x8: {  	s21 =	simm.s32 $0x2800;
	s22 =	simm.s32 $0x6800;
	s6 =	smul.u32 $0x280, s1  }
0x9: {  	s23 =	simm.s32 $0x1;
	s24 =	simm.s32 $0x2;
	s9 =	smul.u32 $0x2800, s1  }
0xa: {  	s25 =	simm.s32 $0x2700;
	s7 =	sand.u32 $0x1, s4;
	s26 =	smul.u32 $0x50000, s1  }
0xb: {  	[smem:$0x7FF] =	sst s3;
	s4 =	sadd.s32 $0x7E00, s5;
	s15 =	smul.u32 $0x3C00, s1  }
0xc: {  	s28 =	sshll.u32 s1, $0x6;
	s8 =	smul.u32 $0x2800, s7;
	_ =	strace $0x8000004A  }
0xd: {  	s10 =	ssub.s32 $0x2, s7;
	p0 =	seq.s32 s7, $0x1;
	s14 =	sadd.s32 s6, s5  }
0xe: {  	s9 =	sadd.s32 s9, s5;
	s13 =	sshrl.u32 s10, $0x1;
	s29 =	sshrl.u32 s15, $0x3  }
0xf: {  	s6 =	sadd.s32 s6, s8;
	s8 =	sshrl.u32 s26, $0x2;
	s17 =	ssub.s32 s10, s13  }
0x10: {  	s7 =	sadd.s32 s11, s29;
	s30 =	sadd.s32 $0x280, s29;
	s31 =	sadd.s32 $0x500, s29  }
0x11: {  	s13 =	sadd.s32 $0x2E00, s14;
	s14 =	sadd.s32 $0x5600, s14;
	s26 =	simm.s32 $0x2780  }
.Ltmp0:
0x12: {  	s6 =	sshll.u32 s6, $0x4;
	s18 =	sadd.s32 s8, s2;
	(pc) =	sbr.rel .LBB2_1-.Ltmp0, $4  }
0x13: {  	s8 =	sadd.s32 s12, s29;
	s10 =	sadd.s32 s12, s30;
	s12 =	sadd.s32 s12, s31  }
0x14: {  	s16 =	sadd.s32 s6, s5;
	s5 =	sadd.s32 $0x2FE00, s9;
	s6 =	sor.u32 $0x1C03, s28  }
0x15: {  	s9 =	sadd.s32 s11, s30;
	s11 =	sadd.s32 s11, s31;
	s15 =	sadd.s32 $0x57E00, s16  }
0x16: {  	s16 =	smax.u32 s17, $0x1;
	s17 =	sshrl.u32 s18, $0x3;
	s18 =	simm.s32 $0x3  }
.LBB2_8:
0x17: {  	[tilespmem:s22], [sflag:$0x2] =	stream.indirect.gather [hbm4b:s4+s20], $0x80, s29, s20, $0xb8;
	[tilespmem:$0x1E800] =	vst v63  }
0x18: {  	s28 =	simm.s32 $0x2680;
	s29 =	simm.s32 $0x2600  }
.LBB2_12:
0x19: {  	_ =	swait.ge [sflag:s23], $0x4000  }
0x1a: {  	[sflag:s23] =	ssyncset.done $0x0  }
0x1b: {  	[sflag:s23] =	ssyncadd.s32 $0xFFFFC000  }
0x1c: {  	[spmem:s2] =	stream.indirect.scatter.add.f32 [tilespmem:s21], [sflag:$0x3], $0x80, s29, s20, $0xb8;
	[tilespmem:$0x1E800] =	vst v63  }
0x1d: {  	_ =	swait.ge [sflag:s18], $0x4000  }
0x1e: {  	[sflag:s18] =	ssyncset.done $0x0  }
0x1f: {  	[sflag:s18] =	ssyncadd.s32 $0xFFFFC000  }
0x20: {  	_ =	swait.ge [sflag:s24], $0x4000  }
0x21: {  	[sflag:s24] =	ssyncset.done $0x0  }
0x22: {  	[sflag:s24] =	ssyncadd.s32 $0xFFFFC000  }
0x23: {  	[spmem:s2] =	stream.indirect.scatter.add.f32 [tilespmem:s22], [sflag:$0x3], $0x80, s28, s20, $0xb8;
	[tilespmem:$0x1E800] =	vst v63  }
0x24: {  	_ =	swait.ge [sflag:s18], $0x4000  }
0x25: {  	s3 =	sadd.s32 $0x1, s3;
	[sflag:s18] =	ssyncset.done $0x0  }
0x26: {  	p1 =	sne.s32 s3, s16;
	[sflag:s18] =	ssyncadd.s32 $0xFFFFC000  }
.Ltmp1:
0x27: {  	[bflag:$0x0] =	sbarrier.arrive $0xFFFF;
	(pc) =	sbr.rel @!p1 .LBB2_13-.Ltmp1, $4  }
0x28: {  	[hbm:s15], [sflag:s6] =	dma.local [spmem:s17], $0x2800  }
0x29: {  	_ =	swait.ge [sflag:s18], $0x2800  }
0x2a: {  	[sflag:s18] =	ssyncset.done $0x0  }
0x2b: {  	[sflag:s18] =	ssyncadd.s32 $0xFFFFD800  }
.LBB2_1:
0x2c: {  	[spmem:s17], [sflag:s6] =	dma.local [hbm:s5], $0x2800  }
.Ltmp2:
0x2d: {  	_ =	swait.ge [sflag:s18], $0x2800;
	(pc) =	sbr.rel @!p0 .LBB2_2-.Ltmp2, $4  }
0x2e: {  	[sflag:s18] =	ssyncset.done $0x0  }
0x2f: {  	[sflag:s18] =	ssyncadd.s32 $0xFFFFD800  }
0x30: {  	[bflag:$0x0] =	sbarrier.arrive $0xFFFF  }
0x31: {  	s28 =	simm.s32 $0x0  }
0x32: {  	[tilespmem:s28], [sflag:$0x3] =	stream.linear.gather [hbm4b:s13+s28], $0x1400, $0x38;
	[tilespmem:$0x1E800] =	vst v63  }
0x33: {  	_ =	swait.ge [sflag:s18], $0x1400  }
0x34: {  	[sflag:s18] =	ssyncset.done $0x0  }
0x35: {  	[sflag:s18] =	ssyncadd.s32 $0xFFFFEC00  }
0x36: {  	[tilespmem:s19], [sflag:$0x3] =	stream.linear.gather [hbm4b:s14+s28], $0x1400, $0x38;
	[tilespmem:$0x1E800] =	vst v63  }
0x37: {  	_ =	swait.ge [sflag:s18], $0x1400  }
0x38: {  	[sflag:s18] =	ssyncset.done $0x0  }
0x39: {  	[sflag:s18] =	ssyncadd.s32 $0xFFFFEC00  }
0x3a: {  	[tilespmem:s21], [sflag:$0x1] =	stream.indirect.gather [hbm4b:s4+s20], $0x80, s28, s20, $0xb8;
	[tilespmem:$0x1E800] =	vst v63  }
0x3b: {  	_ = 	snop  }
0x3c: {  	[tilespmem:s22], [sflag:$0x2] =	stream.indirect.gather [hbm4b:s4+s20], $0x80, s20, s20, $0xb8;
	[tilespmem:$0x1E800] =	vst v63  }
0x3d: {  	_ =	swait.ge [sflag:s23], $0x4000  }
0x3e: {  	[sflag:s23] =	ssyncset.done $0x0  }
0x3f: {  	s28 =	simm.s32 $0x1400;
	[sflag:s23] =	ssyncadd.s32 $0xFFFFC000  }
0x40: {  	[spmem:s2] =	stream.indirect.scatter.add.f32 [tilespmem:s21], [sflag:$0x3], $0x80, s28, s20, $0xb8;
	[tilespmem:$0x1E800] =	vst v63  }
0x41: {  	_ =	swait.ge [sflag:s18], $0x4000  }
0x42: {  	[sflag:s18] =	ssyncset.done $0x0  }
0x43: {  	s28 =	simm.s32 $0x100;
	[sflag:s18] =	ssyncadd.s32 $0xFFFFC000  }
0x44: {  	[tilespmem:s21], [sflag:$0x1] =	stream.indirect.gather [hbm4b:s4+s20], $0x80, s28, s20, $0xb8;
	[tilespmem:$0x1E800] =	vst v63  }
0x45: {  	_ =	swait.ge [sflag:s24], $0x4000  }
0x46: {  	[sflag:s24] =	ssyncset.done $0x0  }
0x47: {  	s28 =	simm.s32 $0x1480;
	[sflag:s24] =	ssyncadd.s32 $0xFFFFC000  }
0x48: {  	[spmem:s2] =	stream.indirect.scatter.add.f32 [tilespmem:s22], [sflag:$0x3], $0x80, s28, s20, $0xb8;
	[tilespmem:$0x1E800] =	vst v63  }
0x49: {  	_ =	swait.ge [sflag:s18], $0x4000  }
0x4a: {  	[sflag:s18] =	ssyncset.done $0x0  }
0x4b: {  	s29 =	simm.s32 $0x180;
	s28 =	simm.s32 $0x400;
	[sflag:s18] =	ssyncadd.s32 $0xFFFFC000  }
.LBB2_10:
0x4c: {  	[tilespmem:s22], [sflag:$0x2] =	stream.indirect.gather [hbm4b:s4+s20], $0x80, s29, s20, $0xb8;
	[tilespmem:$0x1E800] =	vst v63  }
0x4d: {  	s29 =	smov.u32 s28  }
0x4e: {  	p1 =	sne.s32 s28, $0x4800;
	s28 =	sadd.s32 $0x400, s28;
	_ =	swait.ge [sflag:s23], $0x4000  }
0x4f: {  	s29 =	sshra.s32 s29, $0x2;
	[sflag:s23] =	ssyncset.done $0x0  }
0x50: {  	s30 =	sadd.s32 $0x1400, s29;
	[sflag:s23] =	ssyncadd.s32 $0xFFFFC000  }
0x51: {  	[spmem:s2] =	stream.indirect.scatter.add.f32 [tilespmem:s21], [sflag:$0x3], $0x80, s30, s20, $0xb8;
	[tilespmem:$0x1E800] =	vst v63  }
0x52: {  	_ =	swait.ge [sflag:s18], $0x4000  }
0x53: {  	[sflag:s18] =	ssyncset.done $0x0  }
0x54: {  	s30 =	sadd.s32 $0x100, s29;
	[sflag:s18] =	ssyncadd.s32 $0xFFFFC000  }
0x55: {  	[tilespmem:s21], [sflag:$0x1] =	stream.indirect.gather [hbm4b:s4+s20], $0x80, s30, s20, $0xb8;
	[tilespmem:$0x1E800] =	vst v63  }
0x56: {  	_ =	swait.ge [sflag:s24], $0x4000  }
0x57: {  	[sflag:s24] =	ssyncset.done $0x0  }
.Ltmp3:
0x58: {  	s30 =	sadd.s32 $0x1480, s29;
	[sflag:s24] =	ssyncadd.s32 $0xFFFFC000;
	(pc) =	sbr.rel @p1 .LBB2_10-.Ltmp3, $4  }
0x59: {  	[spmem:s2] =	stream.indirect.scatter.add.f32 [tilespmem:s22], [sflag:$0x3], $0x80, s30, s20, $0xb8;
	[tilespmem:$0x1E800] =	vst v63  }
0x5a: {  	_ =	swait.ge [sflag:s18], $0x4000  }
0x5b: {  	[sflag:s18] =	ssyncset.done $0x0  }
0x5c: {  	s29 =	sadd.s32 $0x180, s29;
	[sflag:s18] =	ssyncadd.s32 $0xFFFFC000  }
.Ltmp4:
0x5d: {  	(pc) =	sbr.rel .LBB2_12-.Ltmp4, $3  }
0x5e: {  	_ =	sdelay $0x1  }
0x5f: {  	[tilespmem:s22], [sflag:$0x2] =	stream.indirect.gather [hbm4b:s4+s20], $0x80, s29, s20, $0xb8;
	[tilespmem:$0x1E800] =	vst v63  }
0x60: {  	s28 =	simm.s32 $0x2780;
	s29 =	simm.s32 $0x2700  }
.LBB2_2:
0x61: {  	[tilespmem:s28], [sflag:$0x3] =	stream.linear.gather [hbm4b:s7+s28], $0x1400, $0x38;
	[tilespmem:$0x1E800] =	vst v63  }
0x62: {  	_ =	swait.ge [sflag:s18], $0x1400  }
0x63: {  	[sflag:s18] =	ssyncset.done $0x0  }
0x64: {  	[sflag:s18] =	ssyncadd.s32 $0xFFFFEC00  }
0x65: {  	[tilespmem:s19], [sflag:$0x3] =	stream.linear.gather [hbm4b:s8+s28], $0x1400, $0x38;
	[tilespmem:$0x1E800] =	vst v63  }
0x66: {  	_ =	swait.ge [sflag:s18], $0x1400  }
0x67: {  	[sflag:s18] =	ssyncset.done $0x0  }
0x68: {  	[sflag:s18] =	ssyncadd.s32 $0xFFFFEC00  }
0x69: {  	[tilespmem:s21], [sflag:$0x1] =	stream.indirect.gather [hbm4b:s4+s20], $0x80, s28, s20, $0xb8;
	[tilespmem:$0x1E800] =	vst v63  }
0x6a: {  	_ = 	snop  }
0x6b: {  	[tilespmem:s22], [sflag:$0x2] =	stream.indirect.gather [hbm4b:s4+s20], $0x80, s20, s20, $0xb8;
	[tilespmem:$0x1E800] =	vst v63  }
0x6c: {  	_ =	swait.ge [sflag:s23], $0x4000  }
0x6d: {  	[sflag:s23] =	ssyncset.done $0x0  }
0x6e: {  	s28 =	simm.s32 $0x1400;
	[sflag:s23] =	ssyncadd.s32 $0xFFFFC000  }
0x6f: {  	[spmem:s2] =	stream.indirect.scatter.add.f32 [tilespmem:s21], [sflag:$0x3], $0x80, s28, s20, $0xb8;
	[tilespmem:$0x1E800] =	vst v63  }
0x70: {  	_ =	swait.ge [sflag:s18], $0x4000  }
0x71: {  	[sflag:s18] =	ssyncset.done $0x0  }
0x72: {  	s28 =	simm.s32 $0x100;
	[sflag:s18] =	ssyncadd.s32 $0xFFFFC000  }
0x73: {  	[tilespmem:s21], [sflag:$0x1] =	stream.indirect.gather [hbm4b:s4+s20], $0x80, s28, s20, $0xb8;
	[tilespmem:$0x1E800] =	vst v63  }
0x74: {  	_ =	swait.ge [sflag:s24], $0x4000  }
0x75: {  	[sflag:s24] =	ssyncset.done $0x0  }
0x76: {  	s28 =	simm.s32 $0x1480;
	[sflag:s24] =	ssyncadd.s32 $0xFFFFC000  }
0x77: {  	[spmem:s2] =	stream.indirect.scatter.add.f32 [tilespmem:s22], [sflag:$0x3], $0x80, s28, s20, $0xb8;
	[tilespmem:$0x1E800] =	vst v63  }
0x78: {  	_ =	swait.ge [sflag:s18], $0x4000  }
0x79: {  	[sflag:s18] =	ssyncset.done $0x0  }
0x7a: {  	s29 =	simm.s32 $0x180;
	s28 =	simm.s32 $0x400;
	[sflag:s18] =	ssyncadd.s32 $0xFFFFC000  }
.LBB2_3:
0x7b: {  	[tilespmem:s22], [sflag:$0x2] =	stream.indirect.gather [hbm4b:s4+s20], $0x80, s29, s20, $0xb8;
	[tilespmem:$0x1E800] =	vst v63  }
0x7c: {  	s29 =	smov.u32 s28  }
0x7d: {  	p1 =	sne.s32 s28, $0x4800;
	s28 =	sadd.s32 $0x400, s28;
	_ =	swait.ge [sflag:s23], $0x4000  }
0x7e: {  	s29 =	sshra.s32 s29, $0x2;
	[sflag:s23] =	ssyncset.done $0x0  }
0x7f: {  	s30 =	sadd.s32 $0x1400, s29;
	[sflag:s23] =	ssyncadd.s32 $0xFFFFC000  }
0x80: {  	[spmem:s2] =	stream.indirect.scatter.add.f32 [tilespmem:s21], [sflag:$0x3], $0x80, s30, s20, $0xb8;
	[tilespmem:$0x1E800] =	vst v63  }
0x81: {  	_ =	swait.ge [sflag:s18], $0x4000  }
0x82: {  	[sflag:s18] =	ssyncset.done $0x0  }
0x83: {  	s30 =	sadd.s32 $0x100, s29;
	[sflag:s18] =	ssyncadd.s32 $0xFFFFC000  }
0x84: {  	[tilespmem:s21], [sflag:$0x1] =	stream.indirect.gather [hbm4b:s4+s20], $0x80, s30, s20, $0xb8;
	[tilespmem:$0x1E800] =	vst v63  }
0x85: {  	_ =	swait.ge [sflag:s24], $0x4000  }
0x86: {  	[sflag:s24] =	ssyncset.done $0x0  }
.Ltmp5:
0x87: {  	s30 =	sadd.s32 $0x1480, s29;
	[sflag:s24] =	ssyncadd.s32 $0xFFFFC000;
	(pc) =	sbr.rel @p1 .LBB2_3-.Ltmp5, $4  }
0x88: {  	[spmem:s2] =	stream.indirect.scatter.add.f32 [tilespmem:s22], [sflag:$0x3], $0x80, s30, s20, $0xb8;
	[tilespmem:$0x1E800] =	vst v63  }
0x89: {  	_ =	swait.ge [sflag:s18], $0x4000  }
0x8a: {  	[sflag:s18] =	ssyncset.done $0x0  }
0x8b: {  	s29 =	sadd.s32 $0x180, s29;
	[sflag:s18] =	ssyncadd.s32 $0xFFFFC000  }
0x8c: {  	[tilespmem:s22], [sflag:$0x2] =	stream.indirect.gather [hbm4b:s4+s20], $0x80, s29, s20, $0xb8;
	[tilespmem:$0x1E800] =	vst v63  }
0x8d: {  	_ =	swait.ge [sflag:s23], $0x4000  }
0x8e: {  	[sflag:s23] =	ssyncset.done $0x0  }
0x8f: {  	[sflag:s23] =	ssyncadd.s32 $0xFFFFC000  }
0x90: {  	[spmem:s2] =	stream.indirect.scatter.add.f32 [tilespmem:s21], [sflag:$0x3], $0x80, s25, s20, $0xb8;
	[tilespmem:$0x1E800] =	vst v63  }
0x91: {  	_ =	swait.ge [sflag:s18], $0x4000  }
0x92: {  	[sflag:s18] =	ssyncset.done $0x0  }
0x93: {  	[sflag:s18] =	ssyncadd.s32 $0xFFFFC000  }
0x94: {  	_ =	swait.ge [sflag:s24], $0x4000  }
0x95: {  	[sflag:s24] =	ssyncset.done $0x0  }
0x96: {  	[sflag:s24] =	ssyncadd.s32 $0xFFFFC000  }
0x97: {  	[spmem:s2] =	stream.indirect.scatter.add.f32 [tilespmem:s22], [sflag:$0x3], $0x80, s26, s20, $0xb8;
	[tilespmem:$0x1E800] =	vst v63  }
0x98: {  	_ =	swait.ge [sflag:s18], $0x4000  }
0x99: {  	[sflag:s18] =	ssyncset.done $0x0  }
0x9a: {  	s28 =	simm.s32 $0x0;
	[sflag:s18] =	ssyncadd.s32 $0xFFFFC000  }
0x9b: {  	[tilespmem:s28], [sflag:$0x3] =	stream.linear.gather [hbm4b:s9+s28], $0x1400, $0x38;
	[tilespmem:$0x1E800] =	vst v63  }
0x9c: {  	_ =	swait.ge [sflag:s18], $0x1400  }
0x9d: {  	[sflag:s18] =	ssyncset.done $0x0  }
0x9e: {  	[sflag:s18] =	ssyncadd.s32 $0xFFFFEC00  }
0x9f: {  	[tilespmem:s19], [sflag:$0x3] =	stream.linear.gather [hbm4b:s10+s28], $0x1400, $0x38;
	[tilespmem:$0x1E800] =	vst v63  }
0xa0: {  	_ =	swait.ge [sflag:s18], $0x1400  }
0xa1: {  	[sflag:s18] =	ssyncset.done $0x0  }
0xa2: {  	[sflag:s18] =	ssyncadd.s32 $0xFFFFEC00  }
0xa3: {  	[tilespmem:s21], [sflag:$0x1] =	stream.indirect.gather [hbm4b:s4+s20], $0x80, s28, s20, $0xb8;
	[tilespmem:$0x1E800] =	vst v63  }
0xa4: {  	_ = 	snop  }
0xa5: {  	[tilespmem:s22], [sflag:$0x2] =	stream.indirect.gather [hbm4b:s4+s20], $0x80, s20, s20, $0xb8;
	[tilespmem:$0x1E800] =	vst v63  }
0xa6: {  	_ =	swait.ge [sflag:s23], $0x4000  }
0xa7: {  	[sflag:s23] =	ssyncset.done $0x0  }
0xa8: {  	s28 =	simm.s32 $0x1400;
	[sflag:s23] =	ssyncadd.s32 $0xFFFFC000  }
0xa9: {  	[spmem:s2] =	stream.indirect.scatter.add.f32 [tilespmem:s21], [sflag:$0x3], $0x80, s28, s20, $0xb8;
	[tilespmem:$0x1E800] =	vst v63  }
0xaa: {  	_ =	swait.ge [sflag:s18], $0x4000  }
0xab: {  	[sflag:s18] =	ssyncset.done $0x0  }
0xac: {  	s28 =	simm.s32 $0x100;
	[sflag:s18] =	ssyncadd.s32 $0xFFFFC000  }
0xad: {  	[tilespmem:s21], [sflag:$0x1] =	stream.indirect.gather [hbm4b:s4+s20], $0x80, s28, s20, $0xb8;
	[tilespmem:$0x1E800] =	vst v63  }
0xae: {  	_ =	swait.ge [sflag:s24], $0x4000  }
0xaf: {  	[sflag:s24] =	ssyncset.done $0x0  }
0xb0: {  	s28 =	simm.s32 $0x1480;
	[sflag:s24] =	ssyncadd.s32 $0xFFFFC000  }
0xb1: {  	[spmem:s2] =	stream.indirect.scatter.add.f32 [tilespmem:s22], [sflag:$0x3], $0x80, s28, s20, $0xb8;
	[tilespmem:$0x1E800] =	vst v63  }
0xb2: {  	_ =	swait.ge [sflag:s18], $0x4000  }
0xb3: {  	[sflag:s18] =	ssyncset.done $0x0  }
0xb4: {  	s29 =	simm.s32 $0x180;
	s28 =	simm.s32 $0x400;
	[sflag:s18] =	ssyncadd.s32 $0xFFFFC000  }
.LBB2_5:
0xb5: {  	[tilespmem:s22], [sflag:$0x2] =	stream.indirect.gather [hbm4b:s4+s20], $0x80, s29, s20, $0xb8;
	[tilespmem:$0x1E800] =	vst v63  }
0xb6: {  	s29 =	smov.u32 s28  }
0xb7: {  	p1 =	sne.s32 s28, $0x4800;
	s28 =	sadd.s32 $0x400, s28;
	_ =	swait.ge [sflag:s23], $0x4000  }
0xb8: {  	s29 =	sshra.s32 s29, $0x2;
	[sflag:s23] =	ssyncset.done $0x0  }
0xb9: {  	s30 =	sadd.s32 $0x1400, s29;
	[sflag:s23] =	ssyncadd.s32 $0xFFFFC000  }
0xba: {  	[spmem:s2] =	stream.indirect.scatter.add.f32 [tilespmem:s21], [sflag:$0x3], $0x80, s30, s20, $0xb8;
	[tilespmem:$0x1E800] =	vst v63  }
0xbb: {  	_ =	swait.ge [sflag:s18], $0x4000  }
0xbc: {  	[sflag:s18] =	ssyncset.done $0x0  }
0xbd: {  	s30 =	sadd.s32 $0x100, s29;
	[sflag:s18] =	ssyncadd.s32 $0xFFFFC000  }
0xbe: {  	[tilespmem:s21], [sflag:$0x1] =	stream.indirect.gather [hbm4b:s4+s20], $0x80, s30, s20, $0xb8;
	[tilespmem:$0x1E800] =	vst v63  }
0xbf: {  	_ =	swait.ge [sflag:s24], $0x4000  }
0xc0: {  	[sflag:s24] =	ssyncset.done $0x0  }
.Ltmp6:
0xc1: {  	s30 =	sadd.s32 $0x1480, s29;
	[sflag:s24] =	ssyncadd.s32 $0xFFFFC000;
	(pc) =	sbr.rel @p1 .LBB2_5-.Ltmp6, $4  }
0xc2: {  	[spmem:s2] =	stream.indirect.scatter.add.f32 [tilespmem:s22], [sflag:$0x3], $0x80, s30, s20, $0xb8;
	[tilespmem:$0x1E800] =	vst v63  }
0xc3: {  	_ =	swait.ge [sflag:s18], $0x4000  }
0xc4: {  	[sflag:s18] =	ssyncset.done $0x0  }
0xc5: {  	s29 =	sadd.s32 $0x180, s29;
	[sflag:s18] =	ssyncadd.s32 $0xFFFFC000  }
0xc6: {  	[tilespmem:s22], [sflag:$0x2] =	stream.indirect.gather [hbm4b:s4+s20], $0x80, s29, s20, $0xb8;
	[tilespmem:$0x1E800] =	vst v63  }
0xc7: {  	_ =	swait.ge [sflag:s23], $0x4000  }
0xc8: {  	[sflag:s23] =	ssyncset.done $0x0  }
0xc9: {  	[sflag:s23] =	ssyncadd.s32 $0xFFFFC000  }
0xca: {  	[spmem:s2] =	stream.indirect.scatter.add.f32 [tilespmem:s21], [sflag:$0x3], $0x80, s25, s20, $0xb8;
	[tilespmem:$0x1E800] =	vst v63  }
0xcb: {  	_ =	swait.ge [sflag:s18], $0x4000  }
0xcc: {  	[sflag:s18] =	ssyncset.done $0x0  }
0xcd: {  	[sflag:s18] =	ssyncadd.s32 $0xFFFFC000  }
0xce: {  	_ =	swait.ge [sflag:s24], $0x4000  }
0xcf: {  	[sflag:s24] =	ssyncset.done $0x0  }
0xd0: {  	[sflag:s24] =	ssyncadd.s32 $0xFFFFC000  }
0xd1: {  	[spmem:s2] =	stream.indirect.scatter.add.f32 [tilespmem:s22], [sflag:$0x3], $0x80, s26, s20, $0xb8;
	[tilespmem:$0x1E800] =	vst v63  }
0xd2: {  	_ =	swait.ge [sflag:s18], $0x4000  }
0xd3: {  	[sflag:s18] =	ssyncset.done $0x0  }
0xd4: {  	s28 =	simm.s32 $0x0;
	[sflag:s18] =	ssyncadd.s32 $0xFFFFC000  }
0xd5: {  	[tilespmem:s28], [sflag:$0x3] =	stream.linear.gather [hbm4b:s11+s28], $0x1300, $0x38;
	[tilespmem:$0x1E800] =	vst v63  }
0xd6: {  	_ =	swait.ge [sflag:s18], $0x1300  }
0xd7: {  	[sflag:s18] =	ssyncset.done $0x0  }
0xd8: {  	[sflag:s18] =	ssyncadd.s32 $0xFFFFED00  }
0xd9: {  	[tilespmem:s19], [sflag:$0x3] =	stream.linear.gather [hbm4b:s12+s28], $0x1300, $0x38;
	[tilespmem:$0x1E800] =	vst v63  }
0xda: {  	_ =	swait.ge [sflag:s18], $0x1300  }
0xdb: {  	[sflag:s18] =	ssyncset.done $0x0  }
0xdc: {  	[sflag:s18] =	ssyncadd.s32 $0xFFFFED00  }
0xdd: {  	[tilespmem:s21], [sflag:$0x1] =	stream.indirect.gather [hbm4b:s4+s20], $0x80, s28, s20, $0xb8;
	[tilespmem:$0x1E800] =	vst v63  }
0xde: {  	_ = 	snop  }
0xdf: {  	[tilespmem:s22], [sflag:$0x2] =	stream.indirect.gather [hbm4b:s4+s20], $0x80, s20, s20, $0xb8;
	[tilespmem:$0x1E800] =	vst v63  }
0xe0: {  	_ =	swait.ge [sflag:s23], $0x4000  }
0xe1: {  	[sflag:s23] =	ssyncset.done $0x0  }
0xe2: {  	s28 =	simm.s32 $0x1400;
	[sflag:s23] =	ssyncadd.s32 $0xFFFFC000  }
0xe3: {  	[spmem:s2] =	stream.indirect.scatter.add.f32 [tilespmem:s21], [sflag:$0x3], $0x80, s28, s20, $0xb8;
	[tilespmem:$0x1E800] =	vst v63  }
0xe4: {  	_ =	swait.ge [sflag:s18], $0x4000  }
0xe5: {  	[sflag:s18] =	ssyncset.done $0x0  }
0xe6: {  	s28 =	simm.s32 $0x100;
	[sflag:s18] =	ssyncadd.s32 $0xFFFFC000  }
0xe7: {  	[tilespmem:s21], [sflag:$0x1] =	stream.indirect.gather [hbm4b:s4+s20], $0x80, s28, s20, $0xb8;
	[tilespmem:$0x1E800] =	vst v63  }
0xe8: {  	_ =	swait.ge [sflag:s24], $0x4000  }
0xe9: {  	p1 =	por $0x0, $0x0;
	[sflag:s24] =	ssyncset.done $0x0  }
.Ltmp7:
0xea: {  	s28 =	simm.s32 $0x1480;
	[sflag:s24] =	ssyncadd.s32 $0xFFFFC000;
	(pc) =	sbr.rel @p1 .LBB2_8-.Ltmp7, $4  }
0xeb: {  	[spmem:s2] =	stream.indirect.scatter.add.f32 [tilespmem:s22], [sflag:$0x3], $0x80, s28, s20, $0xb8;
	[tilespmem:$0x1E800] =	vst v63  }
0xec: {  	_ =	swait.ge [sflag:s18], $0x4000  }
0xed: {  	[sflag:s18] =	ssyncset.done $0x0  }
0xee: {  	s29 =	simm.s32 $0x180;
	s28 =	simm.s32 $0x400;
	[sflag:s18] =	ssyncadd.s32 $0xFFFFC000  }
.LBB2_7:
0xef: {  	[tilespmem:s22], [sflag:$0x2] =	stream.indirect.gather [hbm4b:s4+s20], $0x80, s29, s20, $0xb8;
	[tilespmem:$0x1E800] =	vst v63  }
0xf0: {  	s29 =	smov.u32 s28  }
0xf1: {  	p1 =	seq.s32 s28, $0x4400;
	s28 =	sadd.s32 $0x400, s28;
	_ =	swait.ge [sflag:s23], $0x4000  }
0xf2: {  	s29 =	sshra.s32 s29, $0x2;
	[sflag:s23] =	ssyncset.done $0x0  }
0xf3: {  	s30 =	sadd.s32 $0x1400, s29;
	[sflag:s23] =	ssyncadd.s32 $0xFFFFC000  }
0xf4: {  	[spmem:s2] =	stream.indirect.scatter.add.f32 [tilespmem:s21], [sflag:$0x3], $0x80, s30, s20, $0xb8;
	[tilespmem:$0x1E800] =	vst v63  }
0xf5: {  	_ =	swait.ge [sflag:s18], $0x4000  }
0xf6: {  	[sflag:s18] =	ssyncset.done $0x0  }
0xf7: {  	s30 =	sadd.s32 $0x100, s29;
	[sflag:s18] =	ssyncadd.s32 $0xFFFFC000  }
0xf8: {  	[tilespmem:s21], [sflag:$0x1] =	stream.indirect.gather [hbm4b:s4+s20], $0x80, s30, s20, $0xb8;
	[tilespmem:$0x1E800] =	vst v63  }
0xf9: {  	_ =	swait.ge [sflag:s24], $0x4000  }
0xfa: {  	[sflag:s24] =	ssyncset.done $0x0  }
.Ltmp8:
0xfb: {  	s30 =	sadd.s32 $0x1480, s29;
	[sflag:s24] =	ssyncadd.s32 $0xFFFFC000;
	(pc) =	sbr.rel @!p1 .LBB2_7-.Ltmp8, $4  }
0xfc: {  	[spmem:s2] =	stream.indirect.scatter.add.f32 [tilespmem:s22], [sflag:$0x3], $0x80, s30, s20, $0xb8;
	[tilespmem:$0x1E800] =	vst v63  }
0xfd: {  	_ =	swait.ge [sflag:s18], $0x4000  }
0xfe: {  	[sflag:s18] =	ssyncset.done $0x0  }
0xff: {  	s29 =	sadd.s32 $0x180, s29;
	[sflag:s18] =	ssyncadd.s32 $0xFFFFC000  }
.Ltmp9:
0x100: {  	_ = 	snop;
	(pc) =	sbr.rel .LBB2_8-.Ltmp9, $1  }
0x101: {  	_ =	sdelay $0x3  }
.LBB2_13:
0x102: {  	_ =	sfence.sel $0x180000  }
0x103: {  	[bflag:$0x0] =	sbarrier.arrive $0xFFFF  }
0x104: {  	p0 =	sne.s32 s1, $0x0;
	_ =	strace $0x9000004A  }
0x105: {  	s0 =	sadd.s32 @!p0 $0x100000, s0;
	[bflag:$0x2] =	sbarrier.arrive $0xFFFF  }
0x106: {  	[sflag:s0] =	ssyncadd.tile.s32 @!p0 $0x1;
	_ =	shalt  }
.Lfunc_end2:
_tile_overlayer_lowered:
.L_overlay_start_2:
0x107: {  	(tag) =	ssettag $0x2  }
0x108: {  	s0 =	rddreg [dreg:$0x0];
	s2 =	stileid.u32  }
0x109: {  	s1 =	rddreg [dreg:$0x1];
	p0 =	sne.s32 s2, $0x0  }
0x10a: {  	s3 =	rddreg [dreg:$0x2];
	[bflag:$0x3] =	sbarrier.arrive $0xFFFF;
	s2 =	simm.s32 @!p0 $0x1C03  }
0x10b: {  	[timem:s3], [sflag:s2] =	dma.local @!p0 [hbm:s0], s1  }
0x10c: {  	s0 =	simm.s32 @!p0 $0x3  }
0x10d: {  	_ =	swait.ge @!p0 [sflag:s0], s1  }
0x10e: {  	s1 =	ssub.s32 @!p0 $0x0, s1;
	[sflag:s0] =	ssyncset.done @!p0 $0x0  }
0x10f: {  	[sflag:s0] =	ssyncadd.s32 @!p0 s1  }
0x110: {  	[bflag:$0x3] =	sbarrier.arrive $0xFFFF  }
0x111: {  	_ =	shalt  }

// kernel: kernel.16.cloned.1.call-start
scs
__scs_entry_jumppad:
0x0: {  	(pc) =	sbr.rel $0x88, $3  }
0x1: {  	(tag) =	ssettag $0x0;
	lr =	simm.s32 $0x1  }
0x2: {  	[smem:$0x3F94] =	sst lr;
	_ =	strace $0xD0000000  }
0x3: {  	_ = 	snop  }
0x4: {  	_ = 	snop  }
0x5: {  	_ = 	snop  }
0x6: {  	_ = 	snop  }
0x7: {  	_ = 	snop  }
__scs_overlays_trampoline_lowered:
0x8: {  	[smem:$0x3FA3] =	sst s0  }
0x9: {  	[smem:$0x3FA4] =	sst s1  }
0xa: {  	[smem:$0x3FA5] =	sst s2  }
0xb: {  	[smem:$0x3FA6] =	sst s3  }
0xc: {  	[smem:$0x3FA7] =	sst s4  }
0xd: {  	[smem:$0x3FA8] =	sst s5  }
0xe: {  	[smem:$0x3FA9] =	sst s6  }
0xf: {  	[smem:$0x3FAA] =	sst s7  }
0x10: {  	[smem:$0x3FAB] =	sst s8  }
0x11: {  	[smem:$0x3FAC] =	sst s9;
	s0 =	simm.s32 @!p0 $0x0  }
0x12: {  	s1 =	sld [smem:$0x3F92];
	s0 =	simm.s32 @p0 $0x1  }
0x13: {  	[smem:$0x3FAD] =	sst s0;
	s0 =	simm.s32 @!p1 $0x0  }
0x14: {  	s2 =	sld [smem:$0x3F91];
	s0 =	simm.s32 @p1 $0x1  }
0x15: {  	[smem:$0x3FAE] =	sst s0;
	s0 =	simm.s32 @!p2 $0x0  }
0x16: {  	s3 =	sld [smem:$0x3FDB];
	s0 =	simm.s32 @p2 $0x1  }
0x17: {  	s4 =	simm.s32 $0x1BF5;
	[smem:$0x3FB0] =	sst s0  }
0x18: {  	s0 =	sld [smem:$0x3F93];
	_ =	swait.ge [sflag:s4], $0x0  }
0x19: {  	s7 =	sld [smem:$0x3F94]  }
0x1a: {  	s8 =	sadd.s32 $0xFFFFE003, lr  }
0x1b: {  	s9 =	sadd.s32 $0xFFFFFEF7, lr;
	s5 =	simm.s32 $0xFFFFFFFF;
	p2 =	slt.u32 s8, $0xFFFFF086  }
0x1c: {  	p1 =	slt.u32 s9, $0xF7A;
	s5 =	simm.s32 @!p2 $0x0  }
0x1d: {  	s5 =	simm.s32 @p1 $0x1;
	p0 =	seq.s32 s7, s2  }
0x1e: {  	s7 =	smul.u32 @!p0 $0xF7A, s2;
	p2 =	seq.s32 @!p0 s5, $0x0  }
0x1f: {  	s9 =	smul.u32 $0xF7A, s1;
	s8 =	simm.s32 @!p0 $0x1BF5;
	p2 =	por !p2, p0  }
0x20: {  	[sflag:s8] =	ssyncset.s32 @!p0 $0xFFFFF086;
	s6 =	sadd.s32 @!p0 s3, s7;
	s7 =	simm.s32 @!p0 $0x108  }
0x21: {  	s3 =	sadd.s32 s3, s9;
	s6 =	sadd.s32 @!p0 $0x88, s6;
	s7 =	simm.s32 @p2 $0x1082  }
0x22: {  	[simem:s7], [sflag:s8] =	dma.local @!p0 [hbm:s6], $0xF7A  }
0x23: {  	s9 =	sor.u32 $0xD0000000, s2;
	s6 =	simm.s32 $0x108;
	_ =	swait.ge @!p0 [sflag:s8], $0x0  }
0x24: {  	s3 =	sadd.s32 $0x88, s3;
	s6 =	simm.s32 @!p1 $0x1082;
	[sflag:s4] =	ssyncset.s32 $0xFFFFF086  }
0x25: {  	[simem:s6], [sflag:s4] =	dma.local [hbm:s3], $0xF7A  }
0x26: {  	[smem:$0x3F94] =	sst s1;
	(tag) =	ssettag s2;
	_ =	strace s9  }
0x27: {  	s1 =	sld [smem:$0x3FA4]  }
0x28: {  	s2 =	sld [smem:$0x3FA5]  }
0x29: {  	s4 =	sld [smem:$0x3FA7]  }
0x2a: {  	p0 =	seq.s32 s5, $0x0;
	s5 =	sld [smem:$0x3FA8]  }
0x2b: {  	s6 =	sld [smem:$0x3FA9]  }
0x2c: {  	s7 =	sld [smem:$0x3FAA]  }
0x2d: {  	s3 =	simm.s32 $0x108;
	s8 =	sld [smem:$0x3FAB]  }
0x2e: {  	s3 =	simm.s32 @!p0 $0x1082;
	s9 =	sld [smem:$0x3FAC]  }
0x2f: {  	lr =	sadd.s32 s0, s3;
	s0 =	sld [smem:$0x3FA3]  }
0x30: {  	s3 =	sld [smem:$0x3FA6]  }
0x31: {  	[smem:$0x3FAF] =	sst s10  }
0x32: {  	s10 =	sld [smem:$0x3FAD];
	_ =	sdelay $0x3  }
0x33: {  	p0 =	seq.s32 s10, $0x1;
	s10 =	sld [smem:$0x3FAF];
	_ =	sdelay $0x3  }
0x34: {  	[smem:$0x3FAF] =	sst s10  }
0x35: {  	s10 =	sld [smem:$0x3FAE];
	_ =	sdelay $0x3  }
0x36: {  	p1 =	seq.s32 s10, $0x1;
	s10 =	sld [smem:$0x3FAF];
	_ =	sdelay $0x3  }
0x37: {  	[smem:$0x3FAF] =	sst s10  }
0x38: {  	s10 =	sld [smem:$0x3FB0]  }
0x39: {  	_ = 	snop;
	(pc) =	sbr.ind lr, $3  }
0x3a: {  	_ = 	snop  }
0x3b: {  	_ = 	snop  }
0x3c: {  	p2 =	seq.s32 s10, $0x1;
	s10 =	sld [smem:$0x3FAF]  }
0x3d: {  	_ =	shalt  }
0x3e: {  	_ =	shalt  }
0x3f: {  	_ =	shalt  }
0x40: {  	_ =	shalt  }
0x41: {  	_ =	shalt  }
0x42: {  	_ =	shalt  }
0x43: {  	_ =	shalt  }
0x44: {  	_ =	shalt  }
0x45: {  	_ =	shalt  }
0x46: {  	_ =	shalt  }
0x47: {  	_ =	shalt  }
0x48: {  	_ =	shalt  }
0x49: {  	_ =	shalt  }
0x4a: {  	_ =	shalt  }
0x4b: {  	_ =	shalt  }
0x4c: {  	_ =	shalt  }
0x4d: {  	_ =	shalt  }
0x4e: {  	_ =	shalt  }
0x4f: {  	_ =	shalt  }
0x50: {  	_ =	shalt  }
0x51: {  	_ =	shalt  }
0x52: {  	_ =	shalt  }
0x53: {  	_ =	shalt  }
0x54: {  	_ =	shalt  }
0x55: {  	_ =	shalt  }
0x56: {  	_ =	shalt  }
0x57: {  	_ =	shalt  }
0x58: {  	_ =	shalt  }
0x59: {  	_ =	shalt  }
0x5a: {  	_ =	shalt  }
0x5b: {  	_ =	shalt  }
0x5c: {  	_ =	shalt  }
0x5d: {  	_ =	shalt  }
0x5e: {  	_ =	shalt  }
0x5f: {  	_ =	shalt  }
0x60: {  	_ =	shalt  }
0x61: {  	_ =	shalt  }
0x62: {  	_ =	shalt  }
0x63: {  	_ =	shalt  }
0x64: {  	_ =	shalt  }
0x65: {  	_ =	shalt  }
0x66: {  	_ =	shalt  }
0x67: {  	_ =	shalt  }
0x68: {  	_ =	shalt  }
0x69: {  	_ =	shalt  }
0x6a: {  	_ =	shalt  }
0x6b: {  	_ =	shalt  }
0x6c: {  	_ =	shalt  }
0x6d: {  	_ =	shalt  }
0x6e: {  	_ =	shalt  }
0x6f: {  	_ =	shalt  }
0x70: {  	_ =	shalt  }
0x71: {  	_ =	shalt  }
0x72: {  	_ =	shalt  }
0x73: {  	_ =	shalt  }
0x74: {  	_ =	shalt  }
0x75: {  	_ =	shalt  }
0x76: {  	_ =	shalt  }
0x77: {  	_ =	shalt  }
0x78: {  	_ =	shalt  }
0x79: {  	_ =	shalt  }
0x7a: {  	_ =	shalt  }
0x7b: {  	_ =	shalt  }
0x7c: {  	_ =	shalt  }
0x7d: {  	_ =	shalt  }
0x7e: {  	_ =	shalt  }
0x7f: {  	_ =	shalt  }
0x80: {  	_ =	shalt  }
0x81: {  	_ =	shalt  }
0x82: {  	_ =	shalt  }
0x83: {  	_ =	shalt  }
0x84: {  	_ =	shalt  }
0x85: {  	_ =	shalt  }
0x86: {  	_ =	shalt  }
0x87: {  	_ =	shalt  }
.Lfunc_end0:
.L_simem_size_0:
called_computation.2_lowered:
.L_overlay_start_0:
0x88: {  	s2 =	sld [smem:$0x3FD9]  }
0x89: {  	s3 =	sld [smem:$0x3FFE];
	_ =	sdelay $0x1  }
0x8a: {  	s1 =	srdreg.scid  }
0x8b: {  	s0 =	sand.u32 $0x1, s1  }
0x8c: {  	s14 =	sshll.u32 s0, $0xA;
	s2 =	sadd.s32 s3, s2  }
0x8d: {  	s2 =	sadd.s32 s2, s14  }
0x8e: {  	[smem:$0x3FBB] =	sst s2  }
0x8f: {  	_ = 	snop  }
0x90: {  	s2 =	sld [smem:$0x3FD0];
	_ =	sdelay $0x2  }
0x91: {  	s15 =	simm.s32 $0xA;
	s4 =	simm.s32 $0x10  }
0x92: {  	[smem:s4], [sflag:s15] =	dma.local [hbm:s2], $0x1  }
0x93: {  	_ =	swait.eq [sflag:s15], $0x1  }
0x94: {  	[sflag:s15] =	ssyncset.done $0x0  }
0x95: {  	s16 =	sld [smem:$0x10];
	[sflag:s15] =	ssyncadd.s32 $0xFFFFFFFF  }
0x96: {  	s17 =	sld [smem:$0x13];
	(tm) =	ssettm $0x1  }
0x97: {  	s18 =	sld [smem:$0x3FFB];
	_ =	sdelay $0x3  }
0x98: {  	_ =	strace s18  }
0x99: {  	s4 =	sld [smem:$0x3FFC];
	_ =	sdelay $0x3  }
0x9a: {  	_ =	strace s4  }
0x9b: {  	s4 =	sld [smem:$0x3FFD];
	_ =	sdelay $0x3  }
0x9c: {  	_ =	strace s4  }
0x9d: {  	_ =	strace $0x8FFFFFFF  }
0x9e: {  	s19 =	sld [smem:$0x3FDB];
	_ =	sdelay $0x1  }
0x9f: {  	s5 =	simm.s32 $_scs_section_size  }
0xa0: {  	s6 =	simm.s32 $_size__tile_overlayer_lowered;
	s7 =	simm.s32 $_tile_overlayer_lowered  }
0xa1: {  	s22 =	simm.s32 $0x1BFF;
	s21 =	sshll.u32 s7, $0x1;
	s4 =	sadd.s32 s5, s19  }
0xa2: {  	s8 =	simm.s32 $0x0;
	s20 =	sshll.u32 s6, $0x1;
	s6 =	sadd.s32 s21, s4  }
0xa3: {  	[timem:s8], [sflag:s22] =	dma.local [hbm:s6], s20  }
0xa4: {  	_ =	swait.ge [sflag:s22], s20  }
0xa5: {  	s5 =	ssub.s32 $0x0, s20;
	[sflag:s22] =	ssyncset.done $0x0  }
0xa6: {  	[sflag:s22] =	ssyncadd.s32 s5;
	_ =	sdelay $0x1  }
0xa7: {  	s23 =	simm.s32 $0x1B8B  }
0xa8: {  	_ =	swait.ge [sflag:s23], $0x1  }
0xa9: {  	[sflag:s23] =	ssyncset.done $0x0  }
0xaa: {  	s25 =	simm.s32 $0x1B8E;
	s24 =	sld [smem:$0x3FFE];
	[sflag:s23] =	ssyncadd.s32 $0xFFFFFFFF  }
0xab: {  	s26 =	simm.s32 $execute0_lowered;
	[smem:$0x3FD2] =	sst s25  }
0xac: {  	s6 =	sshll.u32 s26, $0x1;
	_ =	strace $0x8000004C;
	[dreg:$0x1] =	wrdreg $0xFFFFFFFF  }
0xad: {  	s28 =	simm.s32 $_size_execute0_lowered;
	s4 =	sadd.s32 s4, s6;
	[dreg:$0x0] =	wrdreg $0x0  }
0xae: {  	s6 =	sshll.u32 s28, $0x1;
	[dreg:$0x2] =	wrdreg s4  }
0xaf: {  	[dreg:$0x3] =	wrdreg s6  }
0xb0: {  	[dreg:$0x4] =	wrdreg $0xC0  }
0xb1: {  	_ =	task [dreg:s8], $0x5FFFF  }
0xb2: {  	[dreg:$0x1] =	wrdreg $0xFFFFFFFF  }
0xb3: {  	[dreg:$0x0] =	wrdreg $0x60  }
0xb4: {  	[dreg:$0x2] =	wrdreg s24  }
0xb5: {  	[dreg:$0x3] =	wrdreg s17  }
0xb6: {  	[dreg:$0x4] =	wrdreg s16  }
0xb7: {  	[dreg:$0x5] =	wrdreg $0xA8000  }
0xb8: {  	[dreg:$0x6] =	wrdreg $0x9  }
0xb9: {  	_ =	task.clear_ibuf [dreg:s8], $0x7FFFF;
	_ =	strace $0x9000004C  }
0xba: {  	s29 =	simm.s32 $0x9;
	_ =	strace $0x8000004E  }
0xbb: {  	_ =	swait.ge [sflag:s29], $0x1  }
0xbc: {  	[sflag:s29] =	ssyncadd.s32 $0xFFFFFFFF  }
0xbd: {  	_ =	strace $0x9000004E  }
0xbe: {  	_ =	sfence  }
0xbf: {  	s30 =	sld [smem:$0x0];
	_ =	sdelay $0x2  }
0xc0: {  	s31 =	sshll.u32 s1, $0xD;
	s1 =	sshrl.u32 s1, $0x2  }
0xc1: {  	s3 =	sand.u32 $0x4000, s31;
	s1 =	sadd.s32 s1, s30  }
0xc2: {  	s0 =	sor.u32 s3, s0;
	s1 =	sshll.u32 s1, $0x11  }
0xc3: {  	s0 =	sor.u32 s1, s0  }
0xc4: {  	s0 =	sadd.s32 $0x8F2B, s0  }
0xc5: {  	[sflag:s0] =	ssyncadd.remote.s32 $0x1  }
0xc6: {  	_ =	sfence.sel $0xFFFF  }
0xc7: {  	[dreg:$0x0] =	wrdreg $0xFFFFFFFF;
	(pc) =	sbr.abs _section_cstart, $3  }
0xc8: {  	[dreg:$0x1] =	wrdreg $0xFFFFFFFF  }
0xc9: {  	_ =	task.clear_ibuf [dreg:s8], $0x2FFFF;
	_ =	strace $0x9FFFFFFF  }
0xca: {  	(tm) =	ssettm $0x7FFFFFFF  }
0xcb: {  	_ =	shalt  }
tec
execute0_lowered:
.L_overlay_start_1:
0x0: {  	(tag) =	ssettag $0x1  }
0x1: {  	s5 =	rddreg [dreg:$0x0]  }
0x2: {  	s11 =	rddreg [dreg:$0x1]  }
0x3: {  	s12 =	rddreg [dreg:$0x2]  }
0x4: {  	s2 =	rddreg [dreg:$0x3]  }
0x5: {  	s0 =	rddreg [dreg:$0x4]  }
0x6: {  	s1 =	stileid.u32;
	s4 =	srdreg.scid  }
0x7: {  	s3 =	simm.s32 $0x0;
	s19 =	simm.s32 $0x1400;
	s20 =	simm.s32 $0x80  }
0x8: {  	s21 =	simm.s32 $0x2800;
	s22 =	simm.s32 $0x6800;
	s6 =	smul.u32 $0x280, s1  }
0x9: {  	s23 =	simm.s32 $0x1;
	s24 =	simm.s32 $0x2;
	s9 =	smul.u32 $0x2800, s1  }
0xa: {  	s25 =	simm.s32 $0x2700;
	s7 =	sand.u32 $0x1, s4;
	s26 =	smul.u32 $0x50000, s1  }
0xb: {  	[smem:$0x7FF] =	sst s3;
	s4 =	sadd.s32 $0x7E00, s5;
	s15 =	smul.u32 $0x3C00, s1  }
0xc: {  	s28 =	sshll.u32 s1, $0x6;
	s8 =	smul.u32 $0x2800, s7;
	_ =	strace $0x8000004D  }
0xd: {  	s10 =	ssub.s32 $0x2, s7;
	p0 =	seq.s32 s7, $0x1;
	s14 =	sadd.s32 s6, s5  }
0xe: {  	s9 =	sadd.s32 s9, s5;
	s13 =	sshrl.u32 s10, $0x1;
	s29 =	sshrl.u32 s15, $0x3  }
0xf: {  	s6 =	sadd.s32 s6, s8;
	s8 =	sshrl.u32 s26, $0x2;
	s17 =	ssub.s32 s10, s13  }
0x10: {  	s7 =	sadd.s32 s11, s29;
	s30 =	sadd.s32 $0x280, s29;
	s31 =	sadd.s32 $0x500, s29  }
0x11: {  	s13 =	sadd.s32 $0x2E00, s14;
	s14 =	sadd.s32 $0x5600, s14;
	s26 =	simm.s32 $0x2780  }
.Ltmp0:
0x12: {  	s6 =	sshll.u32 s6, $0x4;
	s18 =	sadd.s32 s8, s2;
	(pc) =	sbr.rel .LBB2_1-.Ltmp0, $4  }
0x13: {  	s8 =	sadd.s32 s12, s29;
	s10 =	sadd.s32 s12, s30;
	s12 =	sadd.s32 s12, s31  }
0x14: {  	s16 =	sadd.s32 s6, s5;
	s5 =	sadd.s32 $0x2FE00, s9;
	s6 =	sor.u32 $0x1C03, s28  }
0x15: {  	s9 =	sadd.s32 s11, s30;
	s11 =	sadd.s32 s11, s31;
	s15 =	sadd.s32 $0x57E00, s16  }
0x16: {  	s16 =	smax.u32 s17, $0x1;
	s17 =	sshrl.u32 s18, $0x3;
	s18 =	simm.s32 $0x3  }
.LBB2_8:
0x17: {  	[tilespmem:s22], [sflag:$0x2] =	stream.indirect.gather [hbm4b:s4+s20], $0x80, s29, s20, $0xb8;
	[tilespmem:$0x1E800] =	vst v63  }
0x18: {  	s28 =	simm.s32 $0x2680;
	s29 =	simm.s32 $0x2600  }
.LBB2_12:
0x19: {  	_ =	swait.ge [sflag:s23], $0x4000  }
0x1a: {  	[sflag:s23] =	ssyncset.done $0x0  }
0x1b: {  	[sflag:s23] =	ssyncadd.s32 $0xFFFFC000  }
0x1c: {  	[spmem:s2] =	stream.indirect.scatter.add.f32 [tilespmem:s21], [sflag:$0x3], $0x80, s29, s20, $0xb8;
	[tilespmem:$0x1E800] =	vst v63  }
0x1d: {  	_ =	swait.ge [sflag:s18], $0x4000  }
0x1e: {  	[sflag:s18] =	ssyncset.done $0x0  }
0x1f: {  	[sflag:s18] =	ssyncadd.s32 $0xFFFFC000  }
0x20: {  	_ =	swait.ge [sflag:s24], $0x4000  }
0x21: {  	[sflag:s24] =	ssyncset.done $0x0  }
0x22: {  	[sflag:s24] =	ssyncadd.s32 $0xFFFFC000  }
0x23: {  	[spmem:s2] =	stream.indirect.scatter.add.f32 [tilespmem:s22], [sflag:$0x3], $0x80, s28, s20, $0xb8;
	[tilespmem:$0x1E800] =	vst v63  }
0x24: {  	_ =	swait.ge [sflag:s18], $0x4000  }
0x25: {  	s3 =	sadd.s32 $0x1, s3;
	[sflag:s18] =	ssyncset.done $0x0  }
0x26: {  	p1 =	sne.s32 s3, s16;
	[sflag:s18] =	ssyncadd.s32 $0xFFFFC000  }
.Ltmp1:
0x27: {  	[bflag:$0x0] =	sbarrier.arrive $0xFFFF;
	(pc) =	sbr.rel @!p1 .LBB2_13-.Ltmp1, $4  }
0x28: {  	[hbm:s15], [sflag:s6] =	dma.local [spmem:s17], $0x2800  }
0x29: {  	_ =	swait.ge [sflag:s18], $0x2800  }
0x2a: {  	[sflag:s18] =	ssyncset.done $0x0  }
0x2b: {  	[sflag:s18] =	ssyncadd.s32 $0xFFFFD800  }
.LBB2_1:
0x2c: {  	[spmem:s17], [sflag:s6] =	dma.local [hbm:s5], $0x2800  }
.Ltmp2:
0x2d: {  	_ =	swait.ge [sflag:s18], $0x2800;
	(pc) =	sbr.rel @!p0 .LBB2_2-.Ltmp2, $4  }
0x2e: {  	[sflag:s18] =	ssyncset.done $0x0  }
0x2f: {  	[sflag:s18] =	ssyncadd.s32 $0xFFFFD800  }
0x30: {  	[bflag:$0x0] =	sbarrier.arrive $0xFFFF  }
0x31: {  	s28 =	simm.s32 $0x0  }
0x32: {  	[tilespmem:s28], [sflag:$0x3] =	stream.linear.gather [hbm4b:s13+s28], $0x1400, $0x38;
	[tilespmem:$0x1E800] =	vst v63  }
0x33: {  	_ =	swait.ge [sflag:s18], $0x1400  }
0x34: {  	[sflag:s18] =	ssyncset.done $0x0  }
0x35: {  	[sflag:s18] =	ssyncadd.s32 $0xFFFFEC00  }
0x36: {  	[tilespmem:s19], [sflag:$0x3] =	stream.linear.gather [hbm4b:s14+s28], $0x1400, $0x38;
	[tilespmem:$0x1E800] =	vst v63  }
0x37: {  	_ =	swait.ge [sflag:s18], $0x1400  }
0x38: {  	[sflag:s18] =	ssyncset.done $0x0  }
0x39: {  	[sflag:s18] =	ssyncadd.s32 $0xFFFFEC00  }
0x3a: {  	[tilespmem:s21], [sflag:$0x1] =	stream.indirect.gather [hbm4b:s4+s20], $0x80, s28, s20, $0xb8;
	[tilespmem:$0x1E800] =	vst v63  }
0x3b: {  	_ = 	snop  }
0x3c: {  	[tilespmem:s22], [sflag:$0x2] =	stream.indirect.gather [hbm4b:s4+s20], $0x80, s20, s20, $0xb8;
	[tilespmem:$0x1E800] =	vst v63  }
0x3d: {  	_ =	swait.ge [sflag:s23], $0x4000  }
0x3e: {  	[sflag:s23] =	ssyncset.done $0x0  }
0x3f: {  	s28 =	simm.s32 $0x1400;
	[sflag:s23] =	ssyncadd.s32 $0xFFFFC000  }
0x40: {  	[spmem:s2] =	stream.indirect.scatter.add.f32 [tilespmem:s21], [sflag:$0x3], $0x80, s28, s20, $0xb8;
	[tilespmem:$0x1E800] =	vst v63  }
0x41: {  	_ =	swait.ge [sflag:s18], $0x4000  }
0x42: {  	[sflag:s18] =	ssyncset.done $0x0  }
0x43: {  	s28 =	simm.s32 $0x100;
	[sflag:s18] =	ssyncadd.s32 $0xFFFFC000  }
0x44: {  	[tilespmem:s21], [sflag:$0x1] =	stream.indirect.gather [hbm4b:s4+s20], $0x80, s28, s20, $0xb8;
	[tilespmem:$0x1E800] =	vst v63  }
0x45: {  	_ =	swait.ge [sflag:s24], $0x4000  }
0x46: {  	[sflag:s24] =	ssyncset.done $0x0  }
0x47: {  	s28 =	simm.s32 $0x1480;
	[sflag:s24] =	ssyncadd.s32 $0xFFFFC000  }
0x48: {  	[spmem:s2] =	stream.indirect.scatter.add.f32 [tilespmem:s22], [sflag:$0x3], $0x80, s28, s20, $0xb8;
	[tilespmem:$0x1E800] =	vst v63  }
0x49: {  	_ =	swait.ge [sflag:s18], $0x4000  }
0x4a: {  	[sflag:s18] =	ssyncset.done $0x0  }
0x4b: {  	s29 =	simm.s32 $0x180;
	s28 =	simm.s32 $0x400;
	[sflag:s18] =	ssyncadd.s32 $0xFFFFC000  }
.LBB2_10:
0x4c: {  	[tilespmem:s22], [sflag:$0x2] =	stream.indirect.gather [hbm4b:s4+s20], $0x80, s29, s20, $0xb8;
	[tilespmem:$0x1E800] =	vst v63  }
0x4d: {  	s29 =	smov.u32 s28  }
0x4e: {  	p1 =	sne.s32 s28, $0x4800;
	s28 =	sadd.s32 $0x400, s28;
	_ =	swait.ge [sflag:s23], $0x4000  }
0x4f: {  	s29 =	sshra.s32 s29, $0x2;
	[sflag:s23] =	ssyncset.done $0x0  }
0x50: {  	s30 =	sadd.s32 $0x1400, s29;
	[sflag:s23] =	ssyncadd.s32 $0xFFFFC000  }
0x51: {  	[spmem:s2] =	stream.indirect.scatter.add.f32 [tilespmem:s21], [sflag:$0x3], $0x80, s30, s20, $0xb8;
	[tilespmem:$0x1E800] =	vst v63  }
0x52: {  	_ =	swait.ge [sflag:s18], $0x4000  }
0x53: {  	[sflag:s18] =	ssyncset.done $0x0  }
0x54: {  	s30 =	sadd.s32 $0x100, s29;
	[sflag:s18] =	ssyncadd.s32 $0xFFFFC000  }
0x55: {  	[tilespmem:s21], [sflag:$0x1] =	stream.indirect.gather [hbm4b:s4+s20], $0x80, s30, s20, $0xb8;
	[tilespmem:$0x1E800] =	vst v63  }
0x56: {  	_ =	swait.ge [sflag:s24], $0x4000  }
0x57: {  	[sflag:s24] =	ssyncset.done $0x0  }
.Ltmp3:
0x58: {  	s30 =	sadd.s32 $0x1480, s29;
	[sflag:s24] =	ssyncadd.s32 $0xFFFFC000;
	(pc) =	sbr.rel @p1 .LBB2_10-.Ltmp3, $4  }
0x59: {  	[spmem:s2] =	stream.indirect.scatter.add.f32 [tilespmem:s22], [sflag:$0x3], $0x80, s30, s20, $0xb8;
	[tilespmem:$0x1E800] =	vst v63  }
0x5a: {  	_ =	swait.ge [sflag:s18], $0x4000  }
0x5b: {  	[sflag:s18] =	ssyncset.done $0x0  }
0x5c: {  	s29 =	sadd.s32 $0x180, s29;
	[sflag:s18] =	ssyncadd.s32 $0xFFFFC000  }
.Ltmp4:
0x5d: {  	(pc) =	sbr.rel .LBB2_12-.Ltmp4, $3  }
0x5e: {  	_ =	sdelay $0x1  }
0x5f: {  	[tilespmem:s22], [sflag:$0x2] =	stream.indirect.gather [hbm4b:s4+s20], $0x80, s29, s20, $0xb8;
	[tilespmem:$0x1E800] =	vst v63  }
0x60: {  	s28 =	simm.s32 $0x2780;
	s29 =	simm.s32 $0x2700  }
.LBB2_2:
0x61: {  	[tilespmem:s28], [sflag:$0x3] =	stream.linear.gather [hbm4b:s7+s28], $0x1400, $0x38;
	[tilespmem:$0x1E800] =	vst v63  }
0x62: {  	_ =	swait.ge [sflag:s18], $0x1400  }
0x63: {  	[sflag:s18] =	ssyncset.done $0x0  }
0x64: {  	[sflag:s18] =	ssyncadd.s32 $0xFFFFEC00  }
0x65: {  	[tilespmem:s19], [sflag:$0x3] =	stream.linear.gather [hbm4b:s8+s28], $0x1400, $0x38;
	[tilespmem:$0x1E800] =	vst v63  }
0x66: {  	_ =	swait.ge [sflag:s18], $0x1400  }
0x67: {  	[sflag:s18] =	ssyncset.done $0x0  }
0x68: {  	[sflag:s18] =	ssyncadd.s32 $0xFFFFEC00  }
0x69: {  	[tilespmem:s21], [sflag:$0x1] =	stream.indirect.gather [hbm4b:s4+s20], $0x80, s28, s20, $0xb8;
	[tilespmem:$0x1E800] =	vst v63  }
0x6a: {  	_ = 	snop  }
0x6b: {  	[tilespmem:s22], [sflag:$0x2] =	stream.indirect.gather [hbm4b:s4+s20], $0x80, s20, s20, $0xb8;
	[tilespmem:$0x1E800] =	vst v63  }
0x6c: {  	_ =	swait.ge [sflag:s23], $0x4000  }
0x6d: {  	[sflag:s23] =	ssyncset.done $0x0  }
0x6e: {  	s28 =	simm.s32 $0x1400;
	[sflag:s23] =	ssyncadd.s32 $0xFFFFC000  }
0x6f: {  	[spmem:s2] =	stream.indirect.scatter.add.f32 [tilespmem:s21], [sflag:$0x3], $0x80, s28, s20, $0xb8;
	[tilespmem:$0x1E800] =	vst v63  }
0x70: {  	_ =	swait.ge [sflag:s18], $0x4000  }
0x71: {  	[sflag:s18] =	ssyncset.done $0x0  }
0x72: {  	s28 =	simm.s32 $0x100;
	[sflag:s18] =	ssyncadd.s32 $0xFFFFC000  }
0x73: {  	[tilespmem:s21], [sflag:$0x1] =	stream.indirect.gather [hbm4b:s4+s20], $0x80, s28, s20, $0xb8;
	[tilespmem:$0x1E800] =	vst v63  }
0x74: {  	_ =	swait.ge [sflag:s24], $0x4000  }
0x75: {  	[sflag:s24] =	ssyncset.done $0x0  }
0x76: {  	s28 =	simm.s32 $0x1480;
	[sflag:s24] =	ssyncadd.s32 $0xFFFFC000  }
0x77: {  	[spmem:s2] =	stream.indirect.scatter.add.f32 [tilespmem:s22], [sflag:$0x3], $0x80, s28, s20, $0xb8;
	[tilespmem:$0x1E800] =	vst v63  }
0x78: {  	_ =	swait.ge [sflag:s18], $0x4000  }
0x79: {  	[sflag:s18] =	ssyncset.done $0x0  }
0x7a: {  	s29 =	simm.s32 $0x180;
	s28 =	simm.s32 $0x400;
	[sflag:s18] =	ssyncadd.s32 $0xFFFFC000  }
.LBB2_3:
0x7b: {  	[tilespmem:s22], [sflag:$0x2] =	stream.indirect.gather [hbm4b:s4+s20], $0x80, s29, s20, $0xb8;
	[tilespmem:$0x1E800] =	vst v63  }
0x7c: {  	s29 =	smov.u32 s28  }
0x7d: {  	p1 =	sne.s32 s28, $0x4800;
	s28 =	sadd.s32 $0x400, s28;
	_ =	swait.ge [sflag:s23], $0x4000  }
0x7e: {  	s29 =	sshra.s32 s29, $0x2;
	[sflag:s23] =	ssyncset.done $0x0  }
0x7f: {  	s30 =	sadd.s32 $0x1400, s29;
	[sflag:s23] =	ssyncadd.s32 $0xFFFFC000  }
0x80: {  	[spmem:s2] =	stream.indirect.scatter.add.f32 [tilespmem:s21], [sflag:$0x3], $0x80, s30, s20, $0xb8;
	[tilespmem:$0x1E800] =	vst v63  }
0x81: {  	_ =	swait.ge [sflag:s18], $0x4000  }
0x82: {  	[sflag:s18] =	ssyncset.done $0x0  }
0x83: {  	s30 =	sadd.s32 $0x100, s29;
	[sflag:s18] =	ssyncadd.s32 $0xFFFFC000  }
0x84: {  	[tilespmem:s21], [sflag:$0x1] =	stream.indirect.gather [hbm4b:s4+s20], $0x80, s30, s20, $0xb8;
	[tilespmem:$0x1E800] =	vst v63  }
0x85: {  	_ =	swait.ge [sflag:s24], $0x4000  }
0x86: {  	[sflag:s24] =	ssyncset.done $0x0  }
.Ltmp5:
0x87: {  	s30 =	sadd.s32 $0x1480, s29;
	[sflag:s24] =	ssyncadd.s32 $0xFFFFC000;
	(pc) =	sbr.rel @p1 .LBB2_3-.Ltmp5, $4  }
0x88: {  	[spmem:s2] =	stream.indirect.scatter.add.f32 [tilespmem:s22], [sflag:$0x3], $0x80, s30, s20, $0xb8;
	[tilespmem:$0x1E800] =	vst v63  }
0x89: {  	_ =	swait.ge [sflag:s18], $0x4000  }
0x8a: {  	[sflag:s18] =	ssyncset.done $0x0  }
0x8b: {  	s29 =	sadd.s32 $0x180, s29;
	[sflag:s18] =	ssyncadd.s32 $0xFFFFC000  }
0x8c: {  	[tilespmem:s22], [sflag:$0x2] =	stream.indirect.gather [hbm4b:s4+s20], $0x80, s29, s20, $0xb8;
	[tilespmem:$0x1E800] =	vst v63  }
0x8d: {  	_ =	swait.ge [sflag:s23], $0x4000  }
0x8e: {  	[sflag:s23] =	ssyncset.done $0x0  }
0x8f: {  	[sflag:s23] =	ssyncadd.s32 $0xFFFFC000  }
0x90: {  	[spmem:s2] =	stream.indirect.scatter.add.f32 [tilespmem:s21], [sflag:$0x3], $0x80, s25, s20, $0xb8;
	[tilespmem:$0x1E800] =	vst v63  }
0x91: {  	_ =	swait.ge [sflag:s18], $0x4000  }
0x92: {  	[sflag:s18] =	ssyncset.done $0x0  }
0x93: {  	[sflag:s18] =	ssyncadd.s32 $0xFFFFC000  }
0x94: {  	_ =	swait.ge [sflag:s24], $0x4000  }
0x95: {  	[sflag:s24] =	ssyncset.done $0x0  }
0x96: {  	[sflag:s24] =	ssyncadd.s32 $0xFFFFC000  }
0x97: {  	[spmem:s2] =	stream.indirect.scatter.add.f32 [tilespmem:s22], [sflag:$0x3], $0x80, s26, s20, $0xb8;
	[tilespmem:$0x1E800] =	vst v63  }
0x98: {  	_ =	swait.ge [sflag:s18], $0x4000  }
0x99: {  	[sflag:s18] =	ssyncset.done $0x0  }
0x9a: {  	s28 =	simm.s32 $0x0;
	[sflag:s18] =	ssyncadd.s32 $0xFFFFC000  }
0x9b: {  	[tilespmem:s28], [sflag:$0x3] =	stream.linear.gather [hbm4b:s9+s28], $0x1400, $0x38;
	[tilespmem:$0x1E800] =	vst v63  }
0x9c: {  	_ =	swait.ge [sflag:s18], $0x1400  }
0x9d: {  	[sflag:s18] =	ssyncset.done $0x0  }
0x9e: {  	[sflag:s18] =	ssyncadd.s32 $0xFFFFEC00  }
0x9f: {  	[tilespmem:s19], [sflag:$0x3] =	stream.linear.gather [hbm4b:s10+s28], $0x1400, $0x38;
	[tilespmem:$0x1E800] =	vst v63  }
0xa0: {  	_ =	swait.ge [sflag:s18], $0x1400  }
0xa1: {  	[sflag:s18] =	ssyncset.done $0x0  }
0xa2: {  	[sflag:s18] =	ssyncadd.s32 $0xFFFFEC00  }
0xa3: {  	[tilespmem:s21], [sflag:$0x1] =	stream.indirect.gather [hbm4b:s4+s20], $0x80, s28, s20, $0xb8;
	[tilespmem:$0x1E800] =	vst v63  }
0xa4: {  	_ = 	snop  }
0xa5: {  	[tilespmem:s22], [sflag:$0x2] =	stream.indirect.gather [hbm4b:s4+s20], $0x80, s20, s20, $0xb8;
	[tilespmem:$0x1E800] =	vst v63  }
0xa6: {  	_ =	swait.ge [sflag:s23], $0x4000  }
0xa7: {  	[sflag:s23] =	ssyncset.done $0x0  }
0xa8: {  	s28 =	simm.s32 $0x1400;
	[sflag:s23] =	ssyncadd.s32 $0xFFFFC000  }
0xa9: {  	[spmem:s2] =	stream.indirect.scatter.add.f32 [tilespmem:s21], [sflag:$0x3], $0x80, s28, s20, $0xb8;
	[tilespmem:$0x1E800] =	vst v63  }
0xaa: {  	_ =	swait.ge [sflag:s18], $0x4000  }
0xab: {  	[sflag:s18] =	ssyncset.done $0x0  }
0xac: {  	s28 =	simm.s32 $0x100;
	[sflag:s18] =	ssyncadd.s32 $0xFFFFC000  }
0xad: {  	[tilespmem:s21], [sflag:$0x1] =	stream.indirect.gather [hbm4b:s4+s20], $0x80, s28, s20, $0xb8;
	[tilespmem:$0x1E800] =	vst v63  }
0xae: {  	_ =	swait.ge [sflag:s24], $0x4000  }
0xaf: {  	[sflag:s24] =	ssyncset.done $0x0  }
0xb0: {  	s28 =	simm.s32 $0x1480;
	[sflag:s24] =	ssyncadd.s32 $0xFFFFC000  }
0xb1: {  	[spmem:s2] =	stream.indirect.scatter.add.f32 [tilespmem:s22], [sflag:$0x3], $0x80, s28, s20, $0xb8;
	[tilespmem:$0x1E800] =	vst v63  }
0xb2: {  	_ =	swait.ge [sflag:s18], $0x4000  }
0xb3: {  	[sflag:s18] =	ssyncset.done $0x0  }
0xb4: {  	s29 =	simm.s32 $0x180;
	s28 =	simm.s32 $0x400;
	[sflag:s18] =	ssyncadd.s32 $0xFFFFC000  }
.LBB2_5:
0xb5: {  	[tilespmem:s22], [sflag:$0x2] =	stream.indirect.gather [hbm4b:s4+s20], $0x80, s29, s20, $0xb8;
	[tilespmem:$0x1E800] =	vst v63  }
0xb6: {  	s29 =	smov.u32 s28  }
0xb7: {  	p1 =	sne.s32 s28, $0x4800;
	s28 =	sadd.s32 $0x400, s28;
	_ =	swait.ge [sflag:s23], $0x4000  }
0xb8: {  	s29 =	sshra.s32 s29, $0x2;
	[sflag:s23] =	ssyncset.done $0x0  }
0xb9: {  	s30 =	sadd.s32 $0x1400, s29;
	[sflag:s23] =	ssyncadd.s32 $0xFFFFC000  }
0xba: {  	[spmem:s2] =	stream.indirect.scatter.add.f32 [tilespmem:s21], [sflag:$0x3], $0x80, s30, s20, $0xb8;
	[tilespmem:$0x1E800] =	vst v63  }
0xbb: {  	_ =	swait.ge [sflag:s18], $0x4000  }
0xbc: {  	[sflag:s18] =	ssyncset.done $0x0  }
0xbd: {  	s30 =	sadd.s32 $0x100, s29;
	[sflag:s18] =	ssyncadd.s32 $0xFFFFC000  }
0xbe: {  	[tilespmem:s21], [sflag:$0x1] =	stream.indirect.gather [hbm4b:s4+s20], $0x80, s30, s20, $0xb8;
	[tilespmem:$0x1E800] =	vst v63  }
0xbf: {  	_ =	swait.ge [sflag:s24], $0x4000  }
0xc0: {  	[sflag:s24] =	ssyncset.done $0x0  }
.Ltmp6:
0xc1: {  	s30 =	sadd.s32 $0x1480, s29;
	[sflag:s24] =	ssyncadd.s32 $0xFFFFC000;
	(pc) =	sbr.rel @p1 .LBB2_5-.Ltmp6, $4  }
0xc2: {  	[spmem:s2] =	stream.indirect.scatter.add.f32 [tilespmem:s22], [sflag:$0x3], $0x80, s30, s20, $0xb8;
	[tilespmem:$0x1E800] =	vst v63  }
0xc3: {  	_ =	swait.ge [sflag:s18], $0x4000  }
0xc4: {  	[sflag:s18] =	ssyncset.done $0x0  }
0xc5: {  	s29 =	sadd.s32 $0x180, s29;
	[sflag:s18] =	ssyncadd.s32 $0xFFFFC000  }
0xc6: {  	[tilespmem:s22], [sflag:$0x2] =	stream.indirect.gather [hbm4b:s4+s20], $0x80, s29, s20, $0xb8;
	[tilespmem:$0x1E800] =	vst v63  }
0xc7: {  	_ =	swait.ge [sflag:s23], $0x4000  }
0xc8: {  	[sflag:s23] =	ssyncset.done $0x0  }
0xc9: {  	[sflag:s23] =	ssyncadd.s32 $0xFFFFC000  }
0xca: {  	[spmem:s2] =	stream.indirect.scatter.add.f32 [tilespmem:s21], [sflag:$0x3], $0x80, s25, s20, $0xb8;
	[tilespmem:$0x1E800] =	vst v63  }
0xcb: {  	_ =	swait.ge [sflag:s18], $0x4000  }
0xcc: {  	[sflag:s18] =	ssyncset.done $0x0  }
0xcd: {  	[sflag:s18] =	ssyncadd.s32 $0xFFFFC000  }
0xce: {  	_ =	swait.ge [sflag:s24], $0x4000  }
0xcf: {  	[sflag:s24] =	ssyncset.done $0x0  }
0xd0: {  	[sflag:s24] =	ssyncadd.s32 $0xFFFFC000  }
0xd1: {  	[spmem:s2] =	stream.indirect.scatter.add.f32 [tilespmem:s22], [sflag:$0x3], $0x80, s26, s20, $0xb8;
	[tilespmem:$0x1E800] =	vst v63  }
0xd2: {  	_ =	swait.ge [sflag:s18], $0x4000  }
0xd3: {  	[sflag:s18] =	ssyncset.done $0x0  }
0xd4: {  	s28 =	simm.s32 $0x0;
	[sflag:s18] =	ssyncadd.s32 $0xFFFFC000  }
0xd5: {  	[tilespmem:s28], [sflag:$0x3] =	stream.linear.gather [hbm4b:s11+s28], $0x1300, $0x38;
	[tilespmem:$0x1E800] =	vst v63  }
0xd6: {  	_ =	swait.ge [sflag:s18], $0x1300  }
0xd7: {  	[sflag:s18] =	ssyncset.done $0x0  }
0xd8: {  	[sflag:s18] =	ssyncadd.s32 $0xFFFFED00  }
0xd9: {  	[tilespmem:s19], [sflag:$0x3] =	stream.linear.gather [hbm4b:s12+s28], $0x1300, $0x38;
	[tilespmem:$0x1E800] =	vst v63  }
0xda: {  	_ =	swait.ge [sflag:s18], $0x1300  }
0xdb: {  	[sflag:s18] =	ssyncset.done $0x0  }
0xdc: {  	[sflag:s18] =	ssyncadd.s32 $0xFFFFED00  }
0xdd: {  	[tilespmem:s21], [sflag:$0x1] =	stream.indirect.gather [hbm4b:s4+s20], $0x80, s28, s20, $0xb8;
	[tilespmem:$0x1E800] =	vst v63  }
0xde: {  	_ = 	snop  }
0xdf: {  	[tilespmem:s22], [sflag:$0x2] =	stream.indirect.gather [hbm4b:s4+s20], $0x80, s20, s20, $0xb8;
	[tilespmem:$0x1E800] =	vst v63  }
0xe0: {  	_ =	swait.ge [sflag:s23], $0x4000  }
0xe1: {  	[sflag:s23] =	ssyncset.done $0x0  }
0xe2: {  	s28 =	simm.s32 $0x1400;
	[sflag:s23] =	ssyncadd.s32 $0xFFFFC000  }
0xe3: {  	[spmem:s2] =	stream.indirect.scatter.add.f32 [tilespmem:s21], [sflag:$0x3], $0x80, s28, s20, $0xb8;
	[tilespmem:$0x1E800] =	vst v63  }
0xe4: {  	_ =	swait.ge [sflag:s18], $0x4000  }
0xe5: {  	[sflag:s18] =	ssyncset.done $0x0  }
0xe6: {  	s28 =	simm.s32 $0x100;
	[sflag:s18] =	ssyncadd.s32 $0xFFFFC000  }
0xe7: {  	[tilespmem:s21], [sflag:$0x1] =	stream.indirect.gather [hbm4b:s4+s20], $0x80, s28, s20, $0xb8;
	[tilespmem:$0x1E800] =	vst v63  }
0xe8: {  	_ =	swait.ge [sflag:s24], $0x4000  }
0xe9: {  	p1 =	por $0x0, $0x0;
	[sflag:s24] =	ssyncset.done $0x0  }
.Ltmp7:
0xea: {  	s28 =	simm.s32 $0x1480;
	[sflag:s24] =	ssyncadd.s32 $0xFFFFC000;
	(pc) =	sbr.rel @p1 .LBB2_8-.Ltmp7, $4  }
0xeb: {  	[spmem:s2] =	stream.indirect.scatter.add.f32 [tilespmem:s22], [sflag:$0x3], $0x80, s28, s20, $0xb8;
	[tilespmem:$0x1E800] =	vst v63  }
0xec: {  	_ =	swait.ge [sflag:s18], $0x4000  }
0xed: {  	[sflag:s18] =	ssyncset.done $0x0  }
0xee: {  	s29 =	simm.s32 $0x180;
	s28 =	simm.s32 $0x400;
	[sflag:s18] =	ssyncadd.s32 $0xFFFFC000  }
.LBB2_7:
0xef: {  	[tilespmem:s22], [sflag:$0x2] =	stream.indirect.gather [hbm4b:s4+s20], $0x80, s29, s20, $0xb8;
	[tilespmem:$0x1E800] =	vst v63  }
0xf0: {  	s29 =	smov.u32 s28  }
0xf1: {  	p1 =	seq.s32 s28, $0x4400;
	s28 =	sadd.s32 $0x400, s28;
	_ =	swait.ge [sflag:s23], $0x4000  }
0xf2: {  	s29 =	sshra.s32 s29, $0x2;
	[sflag:s23] =	ssyncset.done $0x0  }
0xf3: {  	s30 =	sadd.s32 $0x1400, s29;
	[sflag:s23] =	ssyncadd.s32 $0xFFFFC000  }
0xf4: {  	[spmem:s2] =	stream.indirect.scatter.add.f32 [tilespmem:s21], [sflag:$0x3], $0x80, s30, s20, $0xb8;
	[tilespmem:$0x1E800] =	vst v63  }
0xf5: {  	_ =	swait.ge [sflag:s18], $0x4000  }
0xf6: {  	[sflag:s18] =	ssyncset.done $0x0  }
0xf7: {  	s30 =	sadd.s32 $0x100, s29;
	[sflag:s18] =	ssyncadd.s32 $0xFFFFC000  }
0xf8: {  	[tilespmem:s21], [sflag:$0x1] =	stream.indirect.gather [hbm4b:s4+s20], $0x80, s30, s20, $0xb8;
	[tilespmem:$0x1E800] =	vst v63  }
0xf9: {  	_ =	swait.ge [sflag:s24], $0x4000  }
0xfa: {  	[sflag:s24] =	ssyncset.done $0x0  }
.Ltmp8:
0xfb: {  	s30 =	sadd.s32 $0x1480, s29;
	[sflag:s24] =	ssyncadd.s32 $0xFFFFC000;
	(pc) =	sbr.rel @!p1 .LBB2_7-.Ltmp8, $4  }
0xfc: {  	[spmem:s2] =	stream.indirect.scatter.add.f32 [tilespmem:s22], [sflag:$0x3], $0x80, s30, s20, $0xb8;
	[tilespmem:$0x1E800] =	vst v63  }
0xfd: {  	_ =	swait.ge [sflag:s18], $0x4000  }
0xfe: {  	[sflag:s18] =	ssyncset.done $0x0  }
0xff: {  	s29 =	sadd.s32 $0x180, s29;
	[sflag:s18] =	ssyncadd.s32 $0xFFFFC000  }
.Ltmp9:
0x100: {  	_ = 	snop;
	(pc) =	sbr.rel .LBB2_8-.Ltmp9, $1  }
0x101: {  	_ =	sdelay $0x3  }
.LBB2_13:
0x102: {  	_ =	sfence.sel $0x180000  }
0x103: {  	[bflag:$0x0] =	sbarrier.arrive $0xFFFF  }
0x104: {  	p0 =	sne.s32 s1, $0x0;
	_ =	strace $0x9000004D  }
0x105: {  	s0 =	sadd.s32 @!p0 $0x100000, s0;
	[bflag:$0x2] =	sbarrier.arrive $0xFFFF  }
0x106: {  	[sflag:s0] =	ssyncadd.tile.s32 @!p0 $0x1;
	_ =	shalt  }
.Lfunc_end2:
_tile_overlayer_lowered:
.L_overlay_start_2:
0x107: {  	(tag) =	ssettag $0x2  }
0x108: {  	s0 =	rddreg [dreg:$0x0];
	s2 =	stileid.u32  }
0x109: {  	s1 =	rddreg [dreg:$0x1];
	p0 =	sne.s32 s2, $0x0  }
0x10a: {  	s3 =	rddreg [dreg:$0x2];
	[bflag:$0x3] =	sbarrier.arrive $0xFFFF;
	s2 =	simm.s32 @!p0 $0x1C03  }
0x10b: {  	[timem:s3], [sflag:s2] =	dma.local @!p0 [hbm:s0], s1  }
0x10c: {  	s0 =	simm.s32 @!p0 $0x3  }
0x10d: {  	_ =	swait.ge @!p0 [sflag:s0], s1  }
0x10e: {  	s1 =	ssub.s32 @!p0 $0x0, s1;
	[sflag:s0] =	ssyncset.done @!p0 $0x0  }
0x10f: {  	[sflag:s0] =	ssyncadd.s32 @!p0 s1  }
0x110: {  	[bflag:$0x3] =	sbarrier.arrive $0xFFFF  }
0x111: {  	_ =	shalt  }

// kernel: kernel.19.cloned.1.call-start
scs
__scs_entry_jumppad:
0x0: {  	(pc) =	sbr.rel $0x88, $3  }
0x1: {  	(tag) =	ssettag $0x0;
	lr =	simm.s32 $0x1  }
0x2: {  	[smem:$0x3F94] =	sst lr;
	_ =	strace $0xD0000000  }
0x3: {  	_ = 	snop  }
0x4: {  	_ = 	snop  }
0x5: {  	_ = 	snop  }
0x6: {  	_ = 	snop  }
0x7: {  	_ = 	snop  }
__scs_overlays_trampoline_lowered:
0x8: {  	[smem:$0x3FA3] =	sst s0  }
0x9: {  	[smem:$0x3FA4] =	sst s1  }
0xa: {  	[smem:$0x3FA5] =	sst s2  }
0xb: {  	[smem:$0x3FA6] =	sst s3  }
0xc: {  	[smem:$0x3FA7] =	sst s4  }
0xd: {  	[smem:$0x3FA8] =	sst s5  }
0xe: {  	[smem:$0x3FA9] =	sst s6  }
0xf: {  	[smem:$0x3FAA] =	sst s7  }
0x10: {  	[smem:$0x3FAB] =	sst s8  }
0x11: {  	[smem:$0x3FAC] =	sst s9;
	s0 =	simm.s32 @!p0 $0x0  }
0x12: {  	s1 =	sld [smem:$0x3F92];
	s0 =	simm.s32 @p0 $0x1  }
0x13: {  	[smem:$0x3FAD] =	sst s0;
	s0 =	simm.s32 @!p1 $0x0  }
0x14: {  	s2 =	sld [smem:$0x3F91];
	s0 =	simm.s32 @p1 $0x1  }
0x15: {  	[smem:$0x3FAE] =	sst s0;
	s0 =	simm.s32 @!p2 $0x0  }
0x16: {  	s3 =	sld [smem:$0x3FDB];
	s0 =	simm.s32 @p2 $0x1  }
0x17: {  	s4 =	simm.s32 $0x1BF5;
	[smem:$0x3FB0] =	sst s0  }
0x18: {  	s0 =	sld [smem:$0x3F93];
	_ =	swait.ge [sflag:s4], $0x0  }
0x19: {  	s7 =	sld [smem:$0x3F94]  }
0x1a: {  	s8 =	sadd.s32 $0xFFFFE003, lr  }
0x1b: {  	s9 =	sadd.s32 $0xFFFFFEF7, lr;
	s5 =	simm.s32 $0xFFFFFFFF;
	p2 =	slt.u32 s8, $0xFFFFF086  }
0x1c: {  	p1 =	slt.u32 s9, $0xF7A;
	s5 =	simm.s32 @!p2 $0x0  }
0x1d: {  	s5 =	simm.s32 @p1 $0x1;
	p0 =	seq.s32 s7, s2  }
0x1e: {  	s7 =	smul.u32 @!p0 $0xF7A, s2;
	p2 =	seq.s32 @!p0 s5, $0x0  }
0x1f: {  	s9 =	smul.u32 $0xF7A, s1;
	s8 =	simm.s32 @!p0 $0x1BF5;
	p2 =	por !p2, p0  }
0x20: {  	[sflag:s8] =	ssyncset.s32 @!p0 $0xFFFFF086;
	s6 =	sadd.s32 @!p0 s3, s7;
	s7 =	simm.s32 @!p0 $0x108  }
0x21: {  	s3 =	sadd.s32 s3, s9;
	s6 =	sadd.s32 @!p0 $0x88, s6;
	s7 =	simm.s32 @p2 $0x1082  }
0x22: {  	[simem:s7], [sflag:s8] =	dma.local @!p0 [hbm:s6], $0xF7A  }
0x23: {  	s9 =	sor.u32 $0xD0000000, s2;
	s6 =	simm.s32 $0x108;
	_ =	swait.ge @!p0 [sflag:s8], $0x0  }
0x24: {  	s3 =	sadd.s32 $0x88, s3;
	s6 =	simm.s32 @!p1 $0x1082;
	[sflag:s4] =	ssyncset.s32 $0xFFFFF086  }
0x25: {  	[simem:s6], [sflag:s4] =	dma.local [hbm:s3], $0xF7A  }
0x26: {  	[smem:$0x3F94] =	sst s1;
	(tag) =	ssettag s2;
	_ =	strace s9  }
0x27: {  	s1 =	sld [smem:$0x3FA4]  }
0x28: {  	s2 =	sld [smem:$0x3FA5]  }
0x29: {  	s4 =	sld [smem:$0x3FA7]  }
0x2a: {  	p0 =	seq.s32 s5, $0x0;
	s5 =	sld [smem:$0x3FA8]  }
0x2b: {  	s6 =	sld [smem:$0x3FA9]  }
0x2c: {  	s7 =	sld [smem:$0x3FAA]  }
0x2d: {  	s3 =	simm.s32 $0x108;
	s8 =	sld [smem:$0x3FAB]  }
0x2e: {  	s3 =	simm.s32 @!p0 $0x1082;
	s9 =	sld [smem:$0x3FAC]  }
0x2f: {  	lr =	sadd.s32 s0, s3;
	s0 =	sld [smem:$0x3FA3]  }
0x30: {  	s3 =	sld [smem:$0x3FA6]  }
0x31: {  	[smem:$0x3FAF] =	sst s10  }
0x32: {  	s10 =	sld [smem:$0x3FAD];
	_ =	sdelay $0x3  }
0x33: {  	p0 =	seq.s32 s10, $0x1;
	s10 =	sld [smem:$0x3FAF];
	_ =	sdelay $0x3  }
0x34: {  	[smem:$0x3FAF] =	sst s10  }
0x35: {  	s10 =	sld [smem:$0x3FAE];
	_ =	sdelay $0x3  }
0x36: {  	p1 =	seq.s32 s10, $0x1;
	s10 =	sld [smem:$0x3FAF];
	_ =	sdelay $0x3  }
0x37: {  	[smem:$0x3FAF] =	sst s10  }
0x38: {  	s10 =	sld [smem:$0x3FB0]  }
0x39: {  	_ = 	snop;
	(pc) =	sbr.ind lr, $3  }
0x3a: {  	_ = 	snop  }
0x3b: {  	_ = 	snop  }
0x3c: {  	p2 =	seq.s32 s10, $0x1;
	s10 =	sld [smem:$0x3FAF]  }
0x3d: {  	_ =	shalt  }
0x3e: {  	_ =	shalt  }
0x3f: {  	_ =	shalt  }
0x40: {  	_ =	shalt  }
0x41: {  	_ =	shalt  }
0x42: {  	_ =	shalt  }
0x43: {  	_ =	shalt  }
0x44: {  	_ =	shalt  }
0x45: {  	_ =	shalt  }
0x46: {  	_ =	shalt  }
0x47: {  	_ =	shalt  }
0x48: {  	_ =	shalt  }
0x49: {  	_ =	shalt  }
0x4a: {  	_ =	shalt  }
0x4b: {  	_ =	shalt  }
0x4c: {  	_ =	shalt  }
0x4d: {  	_ =	shalt  }
0x4e: {  	_ =	shalt  }
0x4f: {  	_ =	shalt  }
0x50: {  	_ =	shalt  }
0x51: {  	_ =	shalt  }
0x52: {  	_ =	shalt  }
0x53: {  	_ =	shalt  }
0x54: {  	_ =	shalt  }
0x55: {  	_ =	shalt  }
0x56: {  	_ =	shalt  }
0x57: {  	_ =	shalt  }
0x58: {  	_ =	shalt  }
0x59: {  	_ =	shalt  }
0x5a: {  	_ =	shalt  }
0x5b: {  	_ =	shalt  }
0x5c: {  	_ =	shalt  }
0x5d: {  	_ =	shalt  }
0x5e: {  	_ =	shalt  }
0x5f: {  	_ =	shalt  }
0x60: {  	_ =	shalt  }
0x61: {  	_ =	shalt  }
0x62: {  	_ =	shalt  }
0x63: {  	_ =	shalt  }
0x64: {  	_ =	shalt  }
0x65: {  	_ =	shalt  }
0x66: {  	_ =	shalt  }
0x67: {  	_ =	shalt  }
0x68: {  	_ =	shalt  }
0x69: {  	_ =	shalt  }
0x6a: {  	_ =	shalt  }
0x6b: {  	_ =	shalt  }
0x6c: {  	_ =	shalt  }
0x6d: {  	_ =	shalt  }
0x6e: {  	_ =	shalt  }
0x6f: {  	_ =	shalt  }
0x70: {  	_ =	shalt  }
0x71: {  	_ =	shalt  }
0x72: {  	_ =	shalt  }
0x73: {  	_ =	shalt  }
0x74: {  	_ =	shalt  }
0x75: {  	_ =	shalt  }
0x76: {  	_ =	shalt  }
0x77: {  	_ =	shalt  }
0x78: {  	_ =	shalt  }
0x79: {  	_ =	shalt  }
0x7a: {  	_ =	shalt  }
0x7b: {  	_ =	shalt  }
0x7c: {  	_ =	shalt  }
0x7d: {  	_ =	shalt  }
0x7e: {  	_ =	shalt  }
0x7f: {  	_ =	shalt  }
0x80: {  	_ =	shalt  }
0x81: {  	_ =	shalt  }
0x82: {  	_ =	shalt  }
0x83: {  	_ =	shalt  }
0x84: {  	_ =	shalt  }
0x85: {  	_ =	shalt  }
0x86: {  	_ =	shalt  }
0x87: {  	_ =	shalt  }
.Lfunc_end0:
.L_simem_size_0:
called_computation.3_lowered:
.L_overlay_start_0:
0x88: {  	s2 =	sld [smem:$0x3FD9]  }
0x89: {  	s3 =	sld [smem:$0x3FFE];
	_ =	sdelay $0x1  }
0x8a: {  	s1 =	srdreg.scid  }
0x8b: {  	s0 =	sand.u32 $0x1, s1  }
0x8c: {  	s16 =	sshll.u32 s0, $0xA;
	s2 =	sadd.s32 s3, s2  }
0x8d: {  	s2 =	sadd.s32 s2, s16  }
0x8e: {  	[smem:$0x3FBB] =	sst s2  }
0x8f: {  	_ = 	snop  }
0x90: {  	(tm) =	ssettm $0x1  }
0x91: {  	s17 =	sld [smem:$0x3FFB];
	_ =	sdelay $0x3  }
0x92: {  	_ =	strace s17  }
0x93: {  	s2 =	sld [smem:$0x3FFC];
	_ =	sdelay $0x3  }
0x94: {  	_ =	strace s2  }
0x95: {  	s2 =	sld [smem:$0x3FFD];
	_ =	sdelay $0x3  }
0x96: {  	_ =	strace s2  }
0x97: {  	_ =	strace $0x8FFFFFFF  }
0x98: {  	s18 =	sld [smem:$0x3FDB];
	_ =	sdelay $0x1  }
0x99: {  	s19 =	simm.s32 $_scs_section_size  }
0x9a: {  	s4 =	simm.s32 $_size__tile_overlayer_lowered;
	s5 =	simm.s32 $_tile_overlayer_lowered  }
0x9b: {  	s22 =	simm.s32 $0x1BFF;
	s21 =	sshll.u32 s5, $0x1;
	s2 =	sadd.s32 s19, s18  }
0x9c: {  	s6 =	simm.s32 $0x0;
	s20 =	sshll.u32 s4, $0x1;
	s4 =	sadd.s32 s21, s2  }
0x9d: {  	[timem:s6], [sflag:s22] =	dma.local [hbm:s4], s20  }
0x9e: {  	_ =	swait.ge [sflag:s22], s20  }
0x9f: {  	s3 =	ssub.s32 $0x0, s20;
	[sflag:s22] =	ssyncset.done $0x0  }
0xa0: {  	[sflag:s22] =	ssyncadd.s32 s3;
	_ =	sdelay $0x1  }
0xa1: {  	s23 =	simm.s32 $0x1B8B  }
0xa2: {  	_ =	swait.ge [sflag:s23], $0x1  }
0xa3: {  	[sflag:s23] =	ssyncset.done $0x0  }
0xa4: {  	s25 =	simm.s32 $0x1B8E;
	s24 =	sld [smem:$0x3FFE];
	[sflag:s23] =	ssyncadd.s32 $0xFFFFFFFF  }
0xa5: {  	s26 =	simm.s32 $execute0_lowered;
	[smem:$0x3FD2] =	sst s25  }
0xa6: {  	s4 =	sshll.u32 s26, $0x1;
	_ =	strace $0x8000004F;
	[dreg:$0x1] =	wrdreg $0xFFFFFFFF  }
0xa7: {  	s28 =	simm.s32 $_size_execute0_lowered;
	s2 =	sadd.s32 s2, s4;
	[dreg:$0x0] =	wrdreg $0x0  }
0xa8: {  	s4 =	sshll.u32 s28, $0x1;
	[dreg:$0x2] =	wrdreg s2  }
0xa9: {  	[dreg:$0x3] =	wrdreg s4  }
0xaa: {  	[dreg:$0x4] =	wrdreg $0xC0  }
0xab: {  	_ =	task [dreg:s6], $0x5FFFF  }
0xac: {  	[dreg:$0x1] =	wrdreg $0xFFFFFFFF  }
0xad: {  	[dreg:$0x0] =	wrdreg $0x60  }
0xae: {  	[dreg:$0x2] =	wrdreg s24  }
0xaf: {  	[dreg:$0x3] =	wrdreg $0x9  }
0xb0: {  	_ =	task.clear_ibuf [dreg:s6], $0x4FFFF;
	_ =	strace $0x9000004F  }
0xb1: {  	s29 =	simm.s32 $0x9;
	_ =	strace $0x80000051  }
0xb2: {  	_ =	swait.ge [sflag:s29], $0x1  }
0xb3: {  	[sflag:s29] =	ssyncadd.s32 $0xFFFFFFFF  }
0xb4: {  	_ =	strace $0x90000051  }
0xb5: {  	_ =	sfence  }
0xb6: {  	s30 =	sld [smem:$0x0];
	_ =	sdelay $0x2  }
0xb7: {  	s31 =	sshll.u32 s1, $0xD;
	s1 =	sshrl.u32 s1, $0x2  }
0xb8: {  	s3 =	sand.u32 $0x4000, s31;
	s1 =	sadd.s32 s1, s30  }
0xb9: {  	s0 =	sor.u32 s3, s0;
	s1 =	sshll.u32 s1, $0x11  }
0xba: {  	s0 =	sor.u32 s1, s0  }
0xbb: {  	s0 =	sadd.s32 $0x8F2B, s0  }
0xbc: {  	[sflag:s0] =	ssyncadd.remote.s32 $0x1  }
0xbd: {  	_ =	sfence.sel $0xFFFF  }
0xbe: {  	[dreg:$0x0] =	wrdreg $0xFFFFFFFF;
	(pc) =	sbr.abs _section_cstart, $3  }
0xbf: {  	[dreg:$0x1] =	wrdreg $0xFFFFFFFF  }
0xc0: {  	_ =	task.clear_ibuf [dreg:s6], $0x2FFFF;
	_ =	strace $0x9FFFFFFF  }
0xc1: {  	(tm) =	ssettm $0x7FFFFFFF  }
tec
execute0_lowered:
.L_overlay_start_1:
0x0: {  	(tag) =	ssettag $0x1  }
0x1: {  	s0 =	rddreg [dreg:$0x0];
	s2 =	simm.s32 $0x0  }
0x2: {  	s8 =	stileid.u32;
	s1 =	srdreg.scid;
	s11 =	simm.s32 $0x9  }
0x3: {  	s13 =	simm.s32 $0x80;
	s14 =	simm.s32 $0x6400;
	s15 =	simm.s32 $0xE400  }
0x4: {  	s16 =	simm.s32 $0x8400;
	s18 =	simm.s32 $0x10400;
	s20 =	simm.s32 $0xA400  }
0x5: {  	s28 =	simm.s32 $0x1;
	s29 =	simm.s32 $0x5;
	s4 =	smul.u32 $0x640, s8  }
0x6: {  	s30 =	simm.s32 $0x40;
	s31 =	simm.s32 $0x2;
	s5 =	smul.u32 $0x3A0, s8  }
0x7: {  	[smem:$0x7FF] =	sst s2;
	s1 =	sand.u32 $0x1, s1;
	s22 =	smul.u32 $0x1D000, s8  }
0x8: {  	s3 =	sadd.s32 $0x7AE00, s0;
	s24 =	smul.u32 $0x32000, s8;
	_ =	strace $0x80000050  }
0x9: {  	s6 =	ssub.s32 $0x2, s1;
	p0 =	seq.s32 s1, $0x1;
	s4 =	sadd.s32 s4, s0  }
0xa: {  	s7 =	sshrl.u32 s6, $0x1;
	s5 =	sadd.s32 s5, s0;
	s0 =	sadd.s32 $0xE3A00, s0  }
0xb: {  	s6 =	ssub.s32 s6, s7;
	s21 =	sadd.s32 $0xDD600, s4;
	s4 =	sadd.s32 $0xD7200, s4  }
0xc: {  	s23 =	sadd.s32 $0xD3800, s5;
	s5 =	sadd.s32 $0xCFE00, s5;
	[dreg:$0x2] =	wrdreg s21  }
0xd: {  	s1 =	sadd.s32 s22, s0;
	s9 =	sadd.s32 s24, s0;
	[dreg:$0x3] =	wrdreg s4  }
.Ltmp0:
0xe: {  	s22 =	simm.s32 $0x12400;
	[dreg:$0x4] =	wrdreg s23;
	(pc) =	sbr.rel .LBB2_1-.Ltmp0, $4  }
0xf: {  	s24 =	simm.s32 $0xC400;
	s0 =	simm.s32 $0x6;
	[dreg:$0x5] =	wrdreg s5  }
0x10: {  	s25 =	smax.u32 s6, $0x1;
	s26 =	sadd.s32 $0x320000, s1;
	s1 =	simm.s32 $0x3  }
0x11: {  	s4 =	simm.s32 $0x7;
	s5 =	simm.s32 $0x4;
	[dreg:$0x6] =	wrdreg s25  }
0x12: {  	s6 =	simm.s32 $0x8;
	[dreg:$0x7] =	wrdreg s26;
	s26 =	simm.s32 $0x14400  }
.LBB2_7:
0x13: {  	s2 =	sadd.s32 $0x1, s2;
	s7 =	rddreg [dreg:$0x6]  }
0x14: {  	p1 =	sne.s32 s2, s7  }
.Ltmp1:
0x15: {  	_ = 	snop;
	(pc) =	sbr.rel @!p1 .LBB2_8-.Ltmp1, $1  }
0x16: {  	_ =	sdelay $0x3  }
.LBB2_1:
.Ltmp2:
0x17: {  	(pc) =	sbr.rel @!p0 .LBB2_2-.Ltmp2, $2  }
0x18: {  	_ =	sdelay $0x2  }
0x19: {  	s7 =	simm.s32 $0x0  }
0x1a: {  	s8 =	rddreg [dreg:$0x4]  }
0x1b: {  	[tilespmem:s7], [sflag:$0x9] =	stream.linear.gather [hbm4b:s8+s7], $0x1D00, $0x38;
	[tilespmem:$0x16400] =	vst v63  }
0x1c: {  	_ =	swait.ge [sflag:s11], $0x1D00  }
0x1d: {  	[sflag:s11] =	ssyncset.done $0x0  }
0x1e: {  	s10 =	simm.s32 $0x3200;
	s12 =	rddreg [dreg:$0x5];
	[sflag:s11] =	ssyncadd.s32 $0xFFFFE300  }
0x1f: {  	[tilespmem:s10], [sflag:$0x9] =	stream.linear.gather [hbm4b:s12+s7], $0x1D00, $0x38;
	[tilespmem:$0x16400] =	vst v63  }
0x20: {  	_ =	swait.ge [sflag:s11], $0x1D00  }
0x21: {  	[sflag:s11] =	ssyncset.done $0x0  }
0x22: {  	[sflag:s11] =	ssyncadd.s32 $0xFFFFE300  }
0x23: {  	[tilespmem:s14], [sflag:$0x1] =	stream.indirect.gather [hbm4b:s3+s13], $0x40, s7, s13, $0xb8;
	[tilespmem:$0x16400] =	vst v63  }
0x24: {  	_ = 	snop  }
0x25: {  	[tilespmem:s15], [sflag:$0x5] =	stream.indirect.gather [hbm4b:s3+s13], $0x40, s10, s13, $0xb8;
	[tilespmem:$0x16400] =	vst v63  }
0x26: {  	_ = 	snop  }
0x27: {  	[tilespmem:s16], [sflag:$0x2] =	stream.indirect.gather [hbm4b:s3+s13], $0x40, s13, s13, $0xb8;
	[tilespmem:$0x16400] =	vst v63  }
0x28: {  	s17 =	simm.s32 $0x3280  }
0x29: {  	[tilespmem:s18], [sflag:$0x6] =	stream.indirect.gather [hbm4b:s3+s13], $0x40, s17, s13, $0xb8;
	[tilespmem:$0x16400] =	vst v63  }
0x2a: {  	s19 =	simm.s32 $0x100  }
0x2b: {  	[tilespmem:s20], [sflag:$0x3] =	stream.indirect.gather [hbm4b:s3+s13], $0x40, s19, s13, $0xb8;
	[tilespmem:$0x16400] =	vst v63  }
0x2c: {  	s21 =	simm.s32 $0x3300  }
0x2d: {  	[tilespmem:s22], [sflag:$0x7] =	stream.indirect.gather [hbm4b:s3+s13], $0x40, s21, s13, $0xb8;
	[tilespmem:$0x16400] =	vst v63  }
0x2e: {  	s23 =	simm.s32 $0x180;
	s25 =	simm.s32 $0x3380  }
0x2f: {  	[tilespmem:s24], [sflag:$0x4] =	stream.indirect.gather [hbm4b:s3+s13], $0x40, s23, s13, $0xb8;
	[tilespmem:$0x16400] =	vst v63  }
0x30: {  	s10 =	rddreg [dreg:$0x7];
	s17 =	simm.s32 $0x3;
	s21 =	simm.s32 $0x0  }
0x31: {  	[tilespmem:s26], [sflag:$0x8] =	stream.indirect.gather [hbm4b:s3+s13], $0x40, s25, s13, $0xb8;
	[tilespmem:$0x16400] =	vst v63  }
.LBB2_6:
0x32: {  	_ =	swait.ge [sflag:s28], $0x2000  }
0x33: {  	[sflag:s28] =	ssyncset.done $0x0  }
0x34: {  	[sflag:s28] =	ssyncadd.s32 $0xFFFFE000  }
0x35: {  	_ =	swait.ge [sflag:s29], $0x2000  }
0x36: {  	[sflag:s29] =	ssyncset.done $0x0  }
0x37: {  	[sflag:s29] =	ssyncadd.s32 $0xFFFFE000  }
0x38: {  	[hbm4b:s10+s30] =	stream.strided.scatter [tilespmem:s14], [sflag:$0x9], $0x2000, s13, s30, $0x38;
	[tilespmem:$0x16400] =	vst v63  }
0x39: {  	_ =	swait.ge [sflag:s11], $0x2000  }
0x3a: {  	[sflag:s11] =	ssyncset.done $0x0  }
0x3b: {  	s19 =	sadd.s32 $0x8, s10;
	[sflag:s11] =	ssyncadd.s32 $0xFFFFE000  }
0x3c: {  	[hbm4b:s19+s30] =	stream.strided.scatter [tilespmem:s15], [sflag:$0x9], $0x2000, s13, s30, $0x38;
	[tilespmem:$0x16400] =	vst v63  }
0x3d: {  	p1 =	seq.s32 s7, $0x7000;
	_ =	swait.ge [sflag:s11], $0x2000  }
0x3e: {  	s25 =	simm.s32 @!p1 $0x80;
	s19 =	sshra.s32 @!p1 s7, $0x2;
	[sflag:s11] =	ssyncset.done $0x0  }
0x3f: {  	s8 =	simm.s32 @!p1 $0x6400;
	s23 =	sadd.s32 @!p1 $0x200, s19;
	[sflag:s11] =	ssyncadd.s32 $0xFFFFE000  }
0x40: {  	[tilespmem:s8], [sflag:$0x1] =	stream.indirect.gather @!p1 [hbm4b:s3+s25], $0x40, s23, s25, $0xb8;
	[tilespmem:$0x16400] =	vst v63  }
0x41: {  	s8 =	sadd.s32 @!p1 $0x3400, s19;
	s23 =	simm.s32 @!p1 $0xE400  }
0x42: {  	[tilespmem:s23], [sflag:$0x5] =	stream.indirect.gather @!p1 [hbm4b:s3+s25], $0x40, s8, s25, $0xb8;
	[tilespmem:$0x16400] =	vst v63  }
0x43: {  	_ =	swait.ge [sflag:s31], $0x2000  }
0x44: {  	[sflag:s31] =	ssyncset.done $0x0  }
0x45: {  	[sflag:s31] =	ssyncadd.s32 $0xFFFFE000  }
0x46: {  	_ =	swait.ge [sflag:s0], $0x2000  }
0x47: {  	[sflag:s0] =	ssyncset.done $0x0  }
0x48: {  	s12 =	sadd.s32 $0x800, s10;
	[sflag:s0] =	ssyncadd.s32 $0xFFFFE000  }
0x49: {  	[hbm4b:s12+s30] =	stream.strided.scatter [tilespmem:s16], [sflag:$0x9], $0x2000, s13, s30, $0x38;
	[tilespmem:$0x16400] =	vst v63  }
0x4a: {  	_ =	swait.ge [sflag:s11], $0x2000  }
0x4b: {  	[sflag:s11] =	ssyncset.done $0x0  }
0x4c: {  	s23 =	sadd.s32 $0x808, s10;
	[sflag:s11] =	ssyncadd.s32 $0xFFFFE000  }
0x4d: {  	[hbm4b:s23+s30] =	stream.strided.scatter [tilespmem:s18], [sflag:$0x9], $0x2000, s13, s30, $0x38;
	[tilespmem:$0x16400] =	vst v63  }
0x4e: {  	_ =	swait.ge [sflag:s11], $0x2000  }
0x4f: {  	[sflag:s11] =	ssyncset.done $0x0  }
0x50: {  	s8 =	sadd.s32 @!p1 $0x280, s19;
	s23 =	simm.s32 @!p1 $0x8400;
	[sflag:s11] =	ssyncadd.s32 $0xFFFFE000  }
0x51: {  	[tilespmem:s23], [sflag:$0x2] =	stream.indirect.gather @!p1 [hbm4b:s3+s25], $0x40, s8, s25, $0xb8;
	[tilespmem:$0x16400] =	vst v63  }
0x52: {  	s8 =	sadd.s32 @!p1 $0x3480, s19;
	s19 =	simm.s32 @!p1 $0x10400  }
0x53: {  	[tilespmem:s19], [sflag:$0x6] =	stream.indirect.gather @!p1 [hbm4b:s3+s25], $0x40, s8, s25, $0xb8;
	[tilespmem:$0x16400] =	vst v63  }
0x54: {  	s8 =	sadd.s32 @!p1 $0xFFFFFFFF, s17  }
0x55: {  	p2 =	sgt.u32 @!p1 s8, $0x39  }
0x56: {  	p2 =	por p2, p1  }
0x57: {  	s8 =	simm.s32 @!p2 $0x3  }
0x58: {  	_ =	swait.ge @!p2 [sflag:s8], $0x2000  }
0x59: {  	[sflag:s8] =	ssyncset.done @!p2 $0x0  }
0x5a: {  	[sflag:s8] =	ssyncadd.s32 @!p2 $0xFFFFE000;
	s8 =	simm.s32 @!p2 $0x7  }
0x5b: {  	_ =	swait.ge @!p2 [sflag:s8], $0x2000  }
0x5c: {  	s19 =	simm.s32 @!p2 $0x40;
	s23 =	simm.s32 @!p2 $0x80;
	[sflag:s8] =	ssyncset.done @!p2 $0x0  }
0x5d: {  	s25 =	simm.s32 @!p2 $0xA400;
	[sflag:s8] =	ssyncadd.s32 @!p2 $0xFFFFE000;
	s8 =	sadd.s32 @!p2 $0x1000, s10  }
0x5e: {  	[hbm4b:s8+s19] =	stream.strided.scatter @!p2 [tilespmem:s25], [sflag:$0x9], $0x2000, s23, s19, $0x38;
	[tilespmem:$0x16400] =	vst v63  }
0x5f: {  	s8 =	simm.s32 @!p2 $0x9  }
0x60: {  	_ =	swait.ge @!p2 [sflag:s8], $0x2000  }
0x61: {  	[sflag:s8] =	ssyncset.done @!p2 $0x0  }
0x62: {  	s12 =	simm.s32 @!p2 $0x12400;
	s25 =	sadd.s32 @!p2 $0x1008, s10;
	[sflag:s8] =	ssyncadd.s32 @!p2 $0xFFFFE000  }
0x63: {  	[hbm4b:s25+s19] =	stream.strided.scatter @!p2 [tilespmem:s12], [sflag:$0x9], $0x2000, s23, s19, $0x38;
	[tilespmem:$0x16400] =	vst v63  }
0x64: {  	p3 =	sgt.u32 @!p1 s21, $0xC;
	_ =	swait.ge @!p2 [sflag:s8], $0x2000  }
0x65: {  	p3 =	por p3, p1;
	[sflag:s8] =	ssyncset.done @!p2 $0x0  }
0x66: {  	[sflag:s8] =	ssyncadd.s32 @!p2 $0xFFFFE000;
	s8 =	sshra.s32 @!p3 s7, $0x2  }
0x67: {  	s19 =	simm.s32 @!p3 $0x80;
	s23 =	simm.s32 @!p3 $0xA400;
	s12 =	sadd.s32 @!p3 $0x300, s8  }
0x68: {  	[tilespmem:s23], [sflag:$0x3] =	stream.indirect.gather @!p3 [hbm4b:s3+s19], $0x40, s12, s19, $0xb8;
	[tilespmem:$0x16400] =	vst v63  }
0x69: {  	s8 =	sadd.s32 @!p3 $0x3500, s8;
	s12 =	simm.s32 @!p3 $0x12400  }
0x6a: {  	[tilespmem:s12], [sflag:$0x7] =	stream.indirect.gather @!p3 [hbm4b:s3+s19], $0x40, s8, s19, $0xb8;
	[tilespmem:$0x16400] =	vst v63  }
0x6b: {  	p3 =	sgt.u32 @!p1 s17, $0x39  }
0x6c: {  	p2 =	por p3, p1  }
0x6d: {  	s8 =	simm.s32 @!p2 $0x4  }
0x6e: {  	_ =	swait.ge @!p2 [sflag:s8], $0x2000  }
0x6f: {  	[sflag:s8] =	ssyncset.done @!p2 $0x0  }
0x70: {  	[sflag:s8] =	ssyncadd.s32 @!p2 $0xFFFFE000;
	s8 =	simm.s32 @!p2 $0x8  }
0x71: {  	_ =	swait.ge @!p2 [sflag:s8], $0x2000  }
0x72: {  	s12 =	simm.s32 @!p2 $0x40;
	s19 =	simm.s32 @!p2 $0x80;
	[sflag:s8] =	ssyncset.done @!p2 $0x0  }
0x73: {  	s23 =	simm.s32 @!p2 $0xC400;
	[sflag:s8] =	ssyncadd.s32 @!p2 $0xFFFFE000;
	s8 =	sadd.s32 @!p2 $0x1800, s10  }
0x74: {  	[hbm4b:s8+s12] =	stream.strided.scatter @!p2 [tilespmem:s23], [sflag:$0x9], $0x2000, s19, s12, $0x38;
	[tilespmem:$0x16400] =	vst v63  }
0x75: {  	s8 =	simm.s32 @!p2 $0x9  }
0x76: {  	_ =	swait.ge @!p2 [sflag:s8], $0x2000  }
0x77: {  	p4 =	sgt.u32 @!p2 s21, $0xC;
	[sflag:s8] =	ssyncset.done @!p2 $0x0  }
0x78: {  	s25 =	simm.s32 @!p2 $0x14400;
	s23 =	sadd.s32 @!p2 $0x1808, s10;
	[sflag:s8] =	ssyncadd.s32 @!p2 $0xFFFFE000  }
0x79: {  	[hbm4b:s23+s12] =	stream.strided.scatter @!p2 [tilespmem:s25], [sflag:$0x9], $0x2000, s19, s12, $0x38;
	[tilespmem:$0x16400] =	vst v63  }
0x7a: {  	p3 =	por @!p1 p4, p3;
	_ =	swait.ge @!p2 [sflag:s8], $0x2000  }
0x7b: {  	p3 =	por p3, p1;
	[sflag:s8] =	ssyncset.done @!p2 $0x0  }
0x7c: {  	[sflag:s8] =	ssyncadd.s32 @!p2 $0xFFFFE000;
	s8 =	sshra.s32 @!p3 s7, $0x2;
	s7 =	sadd.s32 @!p1 $0x800, s7  }
0x7d: {  	p2 =	sne.s32 @!p1 s7, $0x7800  }
0x7e: {  	p2 =	por p1, !p2  }
.Ltmp3:
0x7f: {  	s17 =	sadd.s32 @!p1 $0x4, s17;
	s21 =	sadd.s32 @!p1 $0x1, s21;
	(pc) =	sbr.rel @!p2 .LBB2_6-.Ltmp3, $4  }
0x80: {  	s19 =	simm.s32 @!p3 $0x80;
	s23 =	simm.s32 @!p3 $0xC400;
	s12 =	sadd.s32 @!p3 $0x380, s8  }
0x81: {  	[tilespmem:s23], [sflag:$0x4] =	stream.indirect.gather @!p3 [hbm4b:s3+s19], $0x40, s12, s19, $0xb8;
	[tilespmem:$0x16400] =	vst v63  }
0x82: {  	s10 =	sadd.s32 @!p1 $0x2000, s10;
	s8 =	sadd.s32 @!p3 $0x3580, s8;
	s12 =	simm.s32 @!p3 $0x14400  }
0x83: {  	[tilespmem:s12], [sflag:$0x8] =	stream.indirect.gather @!p3 [hbm4b:s3+s19], $0x40, s8, s19, $0xb8;
	[tilespmem:$0x16400] =	vst v63  }
.Ltmp4:
0x84: {  	_ = 	snop;
	(pc) =	sbr.rel .LBB2_7-.Ltmp4, $1  }
0x85: {  	_ =	sdelay $0x3  }
.LBB2_2:
0x86: {  	s8 =	rddreg [dreg:$0x2]  }
0x87: {  	[tilespmem:s7], [sflag:$0x9] =	stream.linear.gather [hbm4b:s8+s7], $0x3200, $0x38;
	[tilespmem:$0x16400] =	vst v63  }
0x88: {  	_ =	swait.ge [sflag:s11], $0x3200  }
0x89: {  	[sflag:s11] =	ssyncset.done $0x0  }
0x8a: {  	s10 =	simm.s32 $0x3200;
	s12 =	rddreg [dreg:$0x3];
	[sflag:s11] =	ssyncadd.s32 $0xFFFFCE00  }
0x8b: {  	[tilespmem:s10], [sflag:$0x9] =	stream.linear.gather [hbm4b:s12+s7], $0x3200, $0x38;
	[tilespmem:$0x16400] =	vst v63  }
0x8c: {  	_ =	swait.ge [sflag:s11], $0x3200  }
0x8d: {  	[sflag:s11] =	ssyncset.done $0x0  }
0x8e: {  	[sflag:s11] =	ssyncadd.s32 $0xFFFFCE00  }
0x8f: {  	[tilespmem:s14], [sflag:$0x1] =	stream.indirect.gather [hbm4b:s3+s13], $0x40, s7, s13, $0xb8;
	[tilespmem:$0x16400] =	vst v63  }
0x90: {  	_ = 	snop  }
0x91: {  	[tilespmem:s15], [sflag:$0x5] =	stream.indirect.gather [hbm4b:s3+s13], $0x40, s10, s13, $0xb8;
	[tilespmem:$0x16400] =	vst v63  }
0x92: {  	_ = 	snop  }
0x93: {  	[tilespmem:s16], [sflag:$0x2] =	stream.indirect.gather [hbm4b:s3+s13], $0x40, s13, s13, $0xb8;
	[tilespmem:$0x16400] =	vst v63  }
0x94: {  	s17 =	simm.s32 $0x3280  }
0x95: {  	[tilespmem:s18], [sflag:$0x6] =	stream.indirect.gather [hbm4b:s3+s13], $0x40, s17, s13, $0xb8;
	[tilespmem:$0x16400] =	vst v63  }
0x96: {  	s19 =	simm.s32 $0x100  }
0x97: {  	[tilespmem:s20], [sflag:$0x3] =	stream.indirect.gather [hbm4b:s3+s13], $0x40, s19, s13, $0xb8;
	[tilespmem:$0x16400] =	vst v63  }
0x98: {  	s21 =	simm.s32 $0x3300  }
0x99: {  	[tilespmem:s22], [sflag:$0x7] =	stream.indirect.gather [hbm4b:s3+s13], $0x40, s21, s13, $0xb8;
	[tilespmem:$0x16400] =	vst v63  }
0x9a: {  	s23 =	simm.s32 $0x180  }
0x9b: {  	[tilespmem:s24], [sflag:$0x4] =	stream.indirect.gather [hbm4b:s3+s13], $0x40, s23, s13, $0xb8;
	[tilespmem:$0x16400] =	vst v63  }
0x9c: {  	s25 =	simm.s32 $0x3380;
	s10 =	simm.s32 $0x0  }
0x9d: {  	[tilespmem:s26], [sflag:$0x8] =	stream.indirect.gather [hbm4b:s3+s13], $0x40, s25, s13, $0xb8;
	[tilespmem:$0x16400] =	vst v63  }
.LBB2_3:
0x9e: {  	_ =	swait.ge [sflag:s28], $0x2000  }
0x9f: {  	[sflag:s28] =	ssyncset.done $0x0  }
0xa0: {  	[sflag:s28] =	ssyncadd.s32 $0xFFFFE000  }
0xa1: {  	_ =	swait.ge [sflag:s29], $0x2000  }
0xa2: {  	[sflag:s29] =	ssyncset.done $0x0  }
0xa3: {  	s17 =	sadd.s32 s10, s9;
	[sflag:s29] =	ssyncadd.s32 $0xFFFFE000  }
0xa4: {  	[hbm4b:s17+s30] =	stream.strided.scatter [tilespmem:s14], [sflag:$0x9], $0x2000, s13, s30, $0x38;
	[tilespmem:$0x16400] =	vst v63  }
0xa5: {  	_ =	swait.ge [sflag:s11], $0x2000  }
0xa6: {  	[sflag:s11] =	ssyncset.done $0x0  }
0xa7: {  	s21 =	sadd.s32 $0x8, s17;
	[sflag:s11] =	ssyncadd.s32 $0xFFFFE000  }
0xa8: {  	[hbm4b:s21+s30] =	stream.strided.scatter [tilespmem:s15], [sflag:$0x9], $0x2000, s13, s30, $0x38;
	[tilespmem:$0x16400] =	vst v63  }
0xa9: {  	p1 =	seq.s32 s10, $0x30000;
	_ =	swait.ge [sflag:s11], $0x2000  }
0xaa: {  	s23 =	simm.s32 @!p1 $0x80;
	s21 =	sshra.s32 @!p1 s7, $0x2;
	[sflag:s11] =	ssyncset.done $0x0  }
0xab: {  	s25 =	simm.s32 @!p1 $0x6400;
	s19 =	sadd.s32 @!p1 $0x200, s21;
	[sflag:s11] =	ssyncadd.s32 $0xFFFFE000  }
0xac: {  	[tilespmem:s25], [sflag:$0x1] =	stream.indirect.gather @!p1 [hbm4b:s3+s23], $0x40, s19, s23, $0xb8;
	[tilespmem:$0x16400] =	vst v63  }
0xad: {  	s19 =	sadd.s32 @!p1 $0x3400, s21;
	s25 =	simm.s32 @!p1 $0xE400  }
0xae: {  	[tilespmem:s25], [sflag:$0x5] =	stream.indirect.gather @!p1 [hbm4b:s3+s23], $0x40, s19, s23, $0xb8;
	[tilespmem:$0x16400] =	vst v63  }
0xaf: {  	_ =	swait.ge [sflag:s31], $0x2000  }
0xb0: {  	[sflag:s31] =	ssyncset.done $0x0  }
0xb1: {  	[sflag:s31] =	ssyncadd.s32 $0xFFFFE000  }
0xb2: {  	_ =	swait.ge [sflag:s0], $0x2000  }
0xb3: {  	[sflag:s0] =	ssyncset.done $0x0  }
0xb4: {  	s12 =	sadd.s32 $0x800, s17;
	[sflag:s0] =	ssyncadd.s32 $0xFFFFE000  }
0xb5: {  	[hbm4b:s12+s30] =	stream.strided.scatter [tilespmem:s16], [sflag:$0x9], $0x2000, s13, s30, $0x38;
	[tilespmem:$0x16400] =	vst v63  }
0xb6: {  	_ =	swait.ge [sflag:s11], $0x2000  }
0xb7: {  	[sflag:s11] =	ssyncset.done $0x0  }
0xb8: {  	s25 =	sadd.s32 $0x808, s17;
	[sflag:s11] =	ssyncadd.s32 $0xFFFFE000  }
0xb9: {  	[hbm4b:s25+s30] =	stream.strided.scatter [tilespmem:s18], [sflag:$0x9], $0x2000, s13, s30, $0x38;
	[tilespmem:$0x16400] =	vst v63  }
0xba: {  	_ =	swait.ge [sflag:s11], $0x2000  }
0xbb: {  	[sflag:s11] =	ssyncset.done $0x0  }
0xbc: {  	s19 =	sadd.s32 @!p1 $0x280, s21;
	s25 =	simm.s32 @!p1 $0x8400;
	[sflag:s11] =	ssyncadd.s32 $0xFFFFE000  }
0xbd: {  	[tilespmem:s25], [sflag:$0x2] =	stream.indirect.gather @!p1 [hbm4b:s3+s23], $0x40, s19, s23, $0xb8;
	[tilespmem:$0x16400] =	vst v63  }
0xbe: {  	s19 =	sadd.s32 @!p1 $0x3480, s21;
	s25 =	simm.s32 @!p1 $0x10400  }
0xbf: {  	[tilespmem:s25], [sflag:$0x6] =	stream.indirect.gather @!p1 [hbm4b:s3+s23], $0x40, s19, s23, $0xb8;
	[tilespmem:$0x16400] =	vst v63  }
0xc0: {  	_ =	swait.ge [sflag:s1], $0x2000  }
0xc1: {  	[sflag:s1] =	ssyncset.done $0x0  }
0xc2: {  	[sflag:s1] =	ssyncadd.s32 $0xFFFFE000  }
0xc3: {  	_ =	swait.ge [sflag:s4], $0x2000  }
0xc4: {  	[sflag:s4] =	ssyncset.done $0x0  }
0xc5: {  	s8 =	sadd.s32 $0x1000, s17;
	[sflag:s4] =	ssyncadd.s32 $0xFFFFE000  }
0xc6: {  	[hbm4b:s8+s30] =	stream.strided.scatter [tilespmem:s20], [sflag:$0x9], $0x2000, s13, s30, $0x38;
	[tilespmem:$0x16400] =	vst v63  }
0xc7: {  	_ =	swait.ge [sflag:s11], $0x2000  }
0xc8: {  	[sflag:s11] =	ssyncset.done $0x0  }
0xc9: {  	s12 =	sadd.s32 $0x1008, s17;
	[sflag:s11] =	ssyncadd.s32 $0xFFFFE000  }
0xca: {  	[hbm4b:s12+s30] =	stream.strided.scatter [tilespmem:s22], [sflag:$0x9], $0x2000, s13, s30, $0x38;
	[tilespmem:$0x16400] =	vst v63  }
0xcb: {  	_ =	swait.ge [sflag:s11], $0x2000  }
0xcc: {  	[sflag:s11] =	ssyncset.done $0x0  }
0xcd: {  	s19 =	sadd.s32 @!p1 $0x300, s21;
	s25 =	simm.s32 @!p1 $0xA400;
	[sflag:s11] =	ssyncadd.s32 $0xFFFFE000  }
0xce: {  	[tilespmem:s25], [sflag:$0x3] =	stream.indirect.gather @!p1 [hbm4b:s3+s23], $0x40, s19, s23, $0xb8;
	[tilespmem:$0x16400] =	vst v63  }
0xcf: {  	s19 =	sadd.s32 @!p1 $0x3500, s21;
	s21 =	simm.s32 @!p1 $0x12400  }
0xd0: {  	[tilespmem:s21], [sflag:$0x7] =	stream.indirect.gather @!p1 [hbm4b:s3+s23], $0x40, s19, s23, $0xb8;
	[tilespmem:$0x16400] =	vst v63  }
0xd1: {  	_ =	swait.ge [sflag:s5], $0x2000  }
0xd2: {  	[sflag:s5] =	ssyncset.done $0x0  }
0xd3: {  	[sflag:s5] =	ssyncadd.s32 $0xFFFFE000  }
0xd4: {  	_ =	swait.ge [sflag:s6], $0x2000  }
0xd5: {  	[sflag:s6] =	ssyncset.done $0x0  }
0xd6: {  	s25 =	sadd.s32 $0x1800, s17;
	[sflag:s6] =	ssyncadd.s32 $0xFFFFE000  }
0xd7: {  	[hbm4b:s25+s30] =	stream.strided.scatter [tilespmem:s24], [sflag:$0x9], $0x2000, s13, s30, $0x38;
	[tilespmem:$0x16400] =	vst v63  }
0xd8: {  	_ =	swait.ge [sflag:s11], $0x2000  }
0xd9: {  	[sflag:s11] =	ssyncset.done $0x0  }
.Ltmp5:
0xda: {  	s17 =	sadd.s32 $0x1808, s17;
	[sflag:s11] =	ssyncadd.s32 $0xFFFFE000;
	(pc) =	sbr.rel @p1 .LBB2_7-.Ltmp5, $4  }
0xdb: {  	[hbm4b:s17+s30] =	stream.strided.scatter [tilespmem:s26], [sflag:$0x9], $0x2000, s13, s30, $0x38;
	[tilespmem:$0x16400] =	vst v63  }
0xdc: {  	_ =	swait.ge [sflag:s11], $0x2000  }
0xdd: {  	[sflag:s11] =	ssyncset.done $0x0  }
0xde: {  	[sflag:s11] =	ssyncadd.s32 $0xFFFFE000  }
.Ltmp6:
0xdf: {  	s17 =	sshra.s32 s7, $0x2;
	(pc) =	sbr.rel .LBB2_3-.Ltmp6, $4  }
0xe0: {  	s19 =	sadd.s32 $0x380, s17  }
0xe1: {  	[tilespmem:s24], [sflag:$0x4] =	stream.indirect.gather [hbm4b:s3+s13], $0x40, s19, s13, $0xb8;
	[tilespmem:$0x16400] =	vst v63  }
0xe2: {  	s10 =	sadd.s32 $0x2000, s10;
	s7 =	sadd.s32 $0x800, s7;
	s17 =	sadd.s32 $0x3580, s17  }
0xe3: {  	[tilespmem:s26], [sflag:$0x8] =	stream.indirect.gather [hbm4b:s3+s13], $0x40, s17, s13, $0xb8;
	[tilespmem:$0x16400] =	vst v63  }
.LBB2_8:
0xe4: {  	_ =	sfence.sel $0x180000  }
0xe5: {  	[bflag:$0x0] =	sbarrier.arrive $0xFFFF  }
0xe6: {  	_ =	strace $0x90000050  }
0xe7: {  	s0 =	stileid.u32;
	[bflag:$0x2] =	sbarrier.arrive $0xFFFF  }
0xe8: {  	p0 =	sne.s32 s0, $0x0;
	s0 =	rddreg [dreg:$0x1]  }
0xe9: {  	s0 =	sadd.s32 @!p0 $0x100000, s0  }
0xea: {  	[sflag:s0] =	ssyncadd.tile.s32 @!p0 $0x1;
	_ =	shalt  }
.Lfunc_end2:
_tile_overlayer_lowered:
.L_overlay_start_2:
0xeb: {  	(tag) =	ssettag $0x2  }
0xec: {  	s0 =	rddreg [dreg:$0x0];
	s2 =	stileid.u32  }
0xed: {  	s1 =	rddreg [dreg:$0x1];
	p0 =	sne.s32 s2, $0x0  }
0xee: {  	s3 =	rddreg [dreg:$0x2];
	[bflag:$0x3] =	sbarrier.arrive $0xFFFF;
	s2 =	simm.s32 @!p0 $0x1C09  }
0xef: {  	[timem:s3], [sflag:s2] =	dma.local @!p0 [hbm:s0], s1  }
0xf0: {  	s0 =	simm.s32 @!p0 $0x9  }
0xf1: {  	_ =	swait.ge @!p0 [sflag:s0], s1  }
0xf2: {  	s1 =	ssub.s32 @!p0 $0x0, s1;
	[sflag:s0] =	ssyncset.done @!p0 $0x0  }
0xf3: {  	[sflag:s0] =	ssyncadd.s32 @!p0 s1  }
0xf4: {  	[bflag:$0x3] =	sbarrier.arrive $0xFFFF  }
0xf5: {  	_ =	shalt  }

</sc_bundles>
